<compile_context>
chip_gen: v7x
topology: tpu7x:2x2x1
jax: 0.10.2.dev20260603
libtpu: 0.0.44.dev20260713+nightly
codegen_flags: <defaults>
</compile_context>

<pallas_src>
import functools

import jax
import jax.numpy as jnp
from jax import lax
from jax.experimental import pallas as pl
from jax.experimental.pallas import tpu as pltpu
from jax.experimental.pallas import tpu_sc as plsc

N = 10000
R = 4000
G = 64
EL = 320000
EC = 160000
ECP = 163840
D = 128
NR = 32
CUT = 5.0
GAMMA = 10.0

NC = 2
NS = 16
BL = 80

Q = 32768
DMAX = 8.0
SCALE = Q / DMAX
HI = float(Q - 1) - 1e-3
QV = 8192
SCALEV = QV / DMAX
HIV = float(QV - 1) - 1e-3

_HIGH = jax.lax.Precision.HIGHEST


def _dot(a, b):
    return jnp.dot(a, b, precision=_HIGH, preferred_element_type=jnp.float32)




def _embed_body(z_ref, emb_ref, o_ref, *, k):
    z = z_ref[...]
    ks = lax.broadcasted_iota(jnp.int32, (z.shape[0], k), 1)
    onehot = (ks == z).astype(jnp.float32)
    o_ref[...] = _dot(onehot, emb_ref[...])


def _tc_embed(z, emb, n, k, blk):
    grid = n // blk
    return pl.pallas_call(
        functools.partial(_embed_body, k=k),
        grid=(grid,),
        in_specs=[
            pl.BlockSpec((blk, 1), lambda i: (i, 0)),
            pl.BlockSpec((k, D), lambda i: (0, 0)),
        ],
        out_specs=pl.BlockSpec((blk, D), lambda i: (i, 0)),
        out_shape=jax.ShapeDtypeStruct((n, D), jnp.float32),
    )(z.reshape(n, 1), emb)


def _h_body(rt_ref, emb_ref, pn_ref, pca_ref, pc_ref, wg_ref, bg_ref, o_ref):
    rt = rt_ref[...]
    ks = lax.broadcasted_iota(jnp.int32, (R, 26), 1)
    he = _dot((ks == rt).astype(jnp.float32), emb_ref[...])
    v1 = pn_ref[...] - pca_ref[...]
    v2 = pc_ref[...] - pca_ref[...]
    n1 = jnp.sqrt(jnp.sum(v1 * v1, axis=1, keepdims=True) + 1e-6)
    n2 = jnp.sqrt(jnp.sum(v2 * v2, axis=1, keepdims=True) + 1e-6)
    d12 = jnp.sum(v1 * v2, axis=1, keepdims=True)
    geom = jnp.concatenate([n1, n2, d12], axis=1)
    o_ref[...] = he + jnp.tanh(_dot(geom, wg_ref[...]) + bg_ref[...])


def _tc_h(rt, emb_res, pn, pca, pc, wg, bg):
    return pl.pallas_call(
        _h_body,
        out_shape=jax.ShapeDtypeStruct((R, D), jnp.float32),
    )(rt.reshape(R, 1), emb_res, pn, pca, pc, wg, bg.reshape(1, D))


def _rbf_rows(rows, centers, scale):
    d = rows * jnp.float32(1.0 / scale)
    return jnp.exp(-GAMMA * (d[:, None] - centers) ** 2)


def _tab1_body(cen_ref, w0_ref, w1_ref, t0_ref, t1_ref, *, blk):
    pid = pl.program_id(0)
    rows = (lax.broadcasted_iota(jnp.int32, (blk,), 0)
            + pid * blk).astype(jnp.float32)
    r = _rbf_rows(rows, cen_ref[...], SCALE)
    t0_ref[...] = _dot(r, w0_ref[...])
    t1_ref[...] = _dot(r, w1_ref[...])


def _tc_tab1(centers, w0, w1, blk=4096):
    return pl.pallas_call(
        functools.partial(_tab1_body, blk=blk),
        grid=(Q // blk,),
        in_specs=[
            pl.BlockSpec((1, NR), lambda i: (0, 0)),
            pl.BlockSpec((NR, D), lambda i: (0, 0)),
            pl.BlockSpec((NR, D), lambda i: (0, 0)),
        ],
        out_specs=[
            pl.BlockSpec((blk, D), lambda i: (i, 0)),
            pl.BlockSpec((blk, D), lambda i: (i, 0)),
        ],
        out_shape=[
            jax.ShapeDtypeStruct((Q, D), jnp.float32),
            jax.ShapeDtypeStruct((Q, D), jnp.float32),
        ],
    )(centers, w0, w1)


def _tab2_body(cen_ref, w0_ref, w1_ref, tc_ref, *, blk, half):
    pid = pl.program_id(0)
    rows = (lax.broadcasted_iota(jnp.int32, (blk,), 0)
            + (pid % half) * blk).astype(jnp.float32)
    r = _rbf_rows(rows, cen_ref[...], SCALE)
    w = jnp.where(pid < half, w0_ref[...], w1_ref[...])
    tc_ref[...] = _dot(r, w)


def _tc_tab2(centers, w0, w1, blk=4096):
    half = Q // blk
    return pl.pallas_call(
        functools.partial(_tab2_body, blk=blk, half=half),
        grid=(2 * half,),
        in_specs=[
            pl.BlockSpec((1, NR), lambda i: (0, 0)),
            pl.BlockSpec((NR, D), lambda i: (0, 0)),
            pl.BlockSpec((NR, D), lambda i: (0, 0)),
        ],
        out_specs=pl.BlockSpec((blk, D), lambda i: (i, 0)),
        out_shape=jax.ShapeDtypeStruct((2 * Q, D), jnp.float32),
    )(centers, w0, w1)


def _vtab_body(cen_ref, wv_ref, vt_ref, *, blk):
    pid = pl.program_id(0)
    rows = (lax.broadcasted_iota(jnp.int32, (blk,), 0)
            + pid * blk).astype(jnp.float32)
    r = _rbf_rows(rows, cen_ref[...], SCALEV)
    vt_ref[...] = _dot(r, wv_ref[...])


def _tc_vtab(centers, wv, blk=4096):
    return pl.pallas_call(
        functools.partial(_vtab_body, blk=blk),
        grid=(QV // blk,),
        in_specs=[
            pl.BlockSpec((1, NR), lambda i: (0, 0)),
            pl.BlockSpec((NR, 1), lambda i: (0, 0)),
        ],
        out_specs=pl.BlockSpec((blk, 1), lambda i: (i, 0)),
        out_shape=jax.ShapeDtypeStruct((QV, 1), jnp.float32),
    )(centers, wv)


def _upd_body(x_ref, a0_ref, a1_ref, w_ref, b_ref, o_ref):
    agg = a0_ref[...] + a1_ref[...]
    o_ref[...] = x_ref[...] + jnp.tanh(_dot(agg, w_ref[...]) + b_ref[...])


def _tc_upd(x, a0, a1, w, b, blk=1000):
    return pl.pallas_call(
        _upd_body,
        grid=(N // blk,),
        in_specs=[
            pl.BlockSpec((blk, D), lambda i: (i, 0)),
            pl.BlockSpec((blk, D), lambda i: (i, 0)),
            pl.BlockSpec((blk, D), lambda i: (i, 0)),
            pl.BlockSpec((D, D), lambda i: (0, 0)),
            pl.BlockSpec((1, D), lambda i: (0, 0)),
        ],
        out_specs=pl.BlockSpec((blk, D), lambda i: (i, 0)),
        out_shape=jax.ShapeDtypeStruct((N, D), jnp.float32),
    )(x, a0, a1, w, b.reshape(1, D))


def _final_body(x_ref, c0_ref, c1_ref, va_ref, vb_ref, w0_ref, b0_ref,
                w1_ref, b1_ref, o_ref):
    v = va_ref[...] + vb_ref[...]
    wx = v[:, 0:1]
    wy = v[:, 1:2]
    wz = v[:, 2:3]
    vn = jnp.sqrt(wx * wx + wy * wy + wz * wz + 1e-6)
    m = 1.0 + vn
    x = x_ref[...] + jnp.tanh(_dot(c0_ref[...] * m, w0_ref[...]) + b0_ref[...])
    o_ref[...] = x + jnp.tanh(_dot(c1_ref[...] * m, w1_ref[...]) + b1_ref[...])


def _tc_final(x, c0, c1, va, vb, w0, b0, w1, b1, blk=1000):
    bspec = pl.BlockSpec((blk, D), lambda i: (i, 0))
    return pl.pallas_call(
        _final_body,
        grid=(N // blk,),
        in_specs=[
            bspec, bspec, bspec, bspec, bspec,
            pl.BlockSpec((D, D), lambda i: (0, 0)),
            pl.BlockSpec((1, D), lambda i: (0, 0)),
            pl.BlockSpec((D, D), lambda i: (0, 0)),
            pl.BlockSpec((1, D), lambda i: (0, 0)),
        ],
        out_specs=bspec,
        out_shape=jax.ShapeDtypeStruct((N, D), jnp.float32),
    )(x, c0, c1, va, vb, w0, b0.reshape(1, D), w1, b1.reshape(1, D))



_MESH = dict(core_axis_name="c", subcore_axis_name="s")
_NOLAYOUT = pltpu.CompilerParams(needs_layout_passes=False)


def _rsqrt16(s):
    bits = plsc.bitcast(s, jnp.int32)
    y = plsc.bitcast(jnp.int32(0x5F3759DF) - lax.shift_right_logical(bits, 1),
                     jnp.float32)
    for _ in range(3):
        y = y * (1.5 - 0.5 * s * y * y)
    return y


def _sc_geo():
    pwl = EL // (NC * NS)
    nbl = pwl // BL
    pwc = ECP // (NC * NS)
    nbc = pwc // BL

    def body(pxl, pyl, pzl, pcx, pcy, pcz, vt_hbm, srcl, dstl, lip, rip,
             ql, tl, vmx, vmy, vmz, qc, tc,
             pxv, pyv, pzv, cxv, cyv, czv, vtv,
             a_v, b_v, q_v, t_v, mx_v, my_v, mz_v, sem):
        c = lax.axis_index("c")
        s = lax.axis_index("s")
        pltpu.sync_copy(pxl, pxv)
        pltpu.sync_copy(pyl, pyv)
        pltpu.sync_copy(pzl, pzv)
        pltpu.sync_copy(pcx, cxv)
        pltpu.sync_copy(pcy, cyv)
        pltpu.sync_copy(pcz, czv)
        pltpu.sync_copy(vt_hbm, vtv)
        wid = c * NS + s

        def lblock(b, _):
            base = wid * pwl + b * BL
            pltpu.sync_copy(srcl.at[pl.ds(base, BL)], a_v)
            pltpu.sync_copy(dstl.at[pl.ds(base, BL)], b_v)
            for g in range(BL // 16):
                sl = pl.ds(g * 16, 16)
                sv = a_v[sl]
                dv = b_v[sl]
                dx = plsc.load_gather(pxv, [sv]) - plsc.load_gather(pxv, [dv])
                dy = plsc.load_gather(pyv, [sv]) - plsc.load_gather(pyv, [dv])
                dz = plsc.load_gather(pzv, [sv]) - plsc.load_gather(pzv, [dv])
                ss = dx * dx + dy * dy + dz * dz + 1e-6
                yv = _rsqrt16(ss)
                d = ss * yv
                f = jnp.minimum(d * jnp.float32(SCALE), HI)
                q = f.astype(jnp.int32)
                q_v[sl] = q
                t_v[sl] = f - q.astype(jnp.float32)
                fv = jnp.minimum(d * jnp.float32(SCALEV), HIV)
                qv = fv.astype(jnp.int32)
                tv = fv - qv.astype(jnp.float32)
                v0 = plsc.load_gather(vtv, [qv])
                v1 = plsc.load_gather(vtv, [qv + 1])
                vv = (v0 + (v1 - v0) * tv) * yv
                mx_v[sl] = dx * vv
                my_v[sl] = dy * vv
                mz_v[sl] = dz * vv
            osl = pl.ds(base, BL)
            pltpu.sync_copy(q_v, ql.at[osl])
            pltpu.sync_copy(t_v, tl.at[osl])
            pltpu.sync_copy(mx_v, vmx.at[osl])
            pltpu.sync_copy(my_v, vmy.at[osl])
            pltpu.sync_copy(mz_v, vmz.at[osl])
            return 0

        lax.fori_loop(0, nbl, lblock, 0)

        def cblock(b, _):
            base = wid * pwc + b * BL
            pltpu.sync_copy(lip.at[pl.ds(base, BL)], a_v)
            pltpu.sync_copy(rip.at[pl.ds(base, BL)], b_v)
            for g in range(BL // 16):
                sl = pl.ds(g * 16, 16)
                lv = a_v[sl]
                rv = b_v[sl]
                dx = plsc.load_gather(pxv, [lv]) - plsc.load_gather(cxv, [rv])
                dy = plsc.load_gather(pyv, [lv]) - plsc.load_gather(cyv, [rv])
                dz = plsc.load_gather(pzv, [lv]) - plsc.load_gather(czv, [rv])
                ss = dx * dx + dy * dy + dz * dz + 1e-6
                yv = _rsqrt16(ss)
                f = jnp.minimum(ss * yv * jnp.float32(SCALE), HI)
                q = f.astype(jnp.int32)
                q_v[sl] = q
                t_v[sl] = f - q.astype(jnp.float32)
            osl = pl.ds(base, BL)
            pltpu.sync_copy(q_v, qc.at[osl])
            pltpu.sync_copy(t_v, tc.at[osl])
            return 0

        lax.fori_loop(0, nbc, cblock, 0)

    out_type = (
        jax.ShapeDtypeStruct((EL,), jnp.int32),
        jax.ShapeDtypeStruct((EL,), jnp.float32),
        jax.ShapeDtypeStruct((EL,), jnp.float32),
        jax.ShapeDtypeStruct((EL,), jnp.float32),
        jax.ShapeDtypeStruct((EL,), jnp.float32),
        jax.ShapeDtypeStruct((ECP,), jnp.int32),
        jax.ShapeDtypeStruct((ECP,), jnp.float32),
    )
    scratch = [
        pltpu.VMEM((N,), jnp.float32),
        pltpu.VMEM((N,), jnp.float32),
        pltpu.VMEM((N,), jnp.float32),
        pltpu.VMEM((R,), jnp.float32),
        pltpu.VMEM((R,), jnp.float32),
        pltpu.VMEM((R,), jnp.float32),
        pltpu.VMEM((QV,), jnp.float32),
        pltpu.VMEM((BL,), jnp.int32),
        pltpu.VMEM((BL,), jnp.int32),
        pltpu.VMEM((BL,), jnp.int32),
        pltpu.VMEM((BL,), jnp.float32),
        pltpu.VMEM((BL,), jnp.float32),
        pltpu.VMEM((BL,), jnp.float32),
        pltpu.VMEM((BL,), jnp.float32),
        pltpu.SemaphoreType.DMA,
    ]
    return pl.kernel(body, out_type=out_type,
                     mesh=plsc.VectorSubcoreMesh(**_MESH),
                     scratch_types=scratch, compiler_params=_NOLAYOUT)


def _lerp_mult_loop(xbuf, t0buf, t1buf, tt):
    def body(i, _):
        tv = plsc.load_gather(tt, [jnp.broadcast_to(i, (16,))])
        for j in range(D // 16):
            sl = pl.ds(j * 16, 16)
            u0 = t0buf[i, sl]
            u1 = t1buf[i, sl]
            xbuf[i, sl] = xbuf[i, sl] * (u0 + (u1 - u0) * tv)
        return 0
    lax.fori_loop(0, BL, body, 0)


def _sc_feat(cross):
    per_w = (EC // NS) if cross else (EL // (NC * NS))
    nblk = per_w // BL

    def body(feat_hbm, ta_hbm, tas_hbm, tb_hbm, tbs_hbm, gi, si, ql, tl,
             z128,
             agg_out,
             agg_sh, g_v, s_v, q0_v, tt_v, xbuf, t0buf, t1buf, sem):
        c = lax.axis_index("c")
        s = lax.axis_index("s")

        @pl.when(s < 10)
        def _init():
            isl = pl.ds(s * 1000, 1000)
            pltpu.sync_copy(z128.at[isl], agg_sh.at[isl])
        plsc.subcore_barrier()

        if cross:
            base0 = s * per_w
        else:
            base0 = (c * NS + s) * per_w

        def block(b, _):
            base = base0 + b * BL
            pltpu.sync_copy(gi.at[pl.ds(base, BL)], g_v)
            pltpu.sync_copy(si.at[pl.ds(base, BL)], s_v)
            pltpu.sync_copy(ql.at[pl.ds(base, BL)], q0_v)
            pltpu.sync_copy(tl.at[pl.ds(base, BL)], tt_v)
            cpx = pltpu.async_copy(feat_hbm.at[g_v], xbuf, sem)

            @pl.when(c == 0)
            def _ga():
                c2 = pltpu.async_copy(ta_hbm.at[q0_v], t0buf, sem)
                c3 = pltpu.async_copy(tas_hbm.at[q0_v], t1buf, sem)
                c2.wait()
                c3.wait()

            @pl.when(c == 1)
            def _gb():
                c2 = pltpu.async_copy(tb_hbm.at[q0_v], t0buf, sem)
                c3 = pltpu.async_copy(tbs_hbm.at[q0_v], t1buf, sem)
                c2.wait()
                c3.wait()
            cpx.wait()
            _lerp_mult_loop(xbuf, t0buf, t1buf, tt_v)
            pltpu.sync_copy(xbuf, agg_sh.at[s_v], add=True)
            return 0

        lax.fori_loop(0, nblk, block, 0)
        plsc.subcore_barrier()

        @pl.when(s < 10)
        def _dump():
            rsl = pl.ds(s * 1000, 1000)
            pltpu.sync_copy(agg_sh.at[rsl], agg_out.at[c, rsl])

    scratch = [
        pltpu.VMEM_SHARED((N, D), jnp.float32),
        pltpu.VMEM((BL,), jnp.int32),
        pltpu.VMEM((BL,), jnp.int32),
        pltpu.VMEM((BL,), jnp.int32),
        pltpu.VMEM((BL,), jnp.float32),
        pltpu.VMEM((BL, D), jnp.float32),
        pltpu.VMEM((BL, D), jnp.float32),
        pltpu.VMEM((BL, D), jnp.float32),
        pltpu.SemaphoreType.DMA,
    ]
    return pl.kernel(body,
                     out_type=jax.ShapeDtypeStruct((NC, N, D), jnp.float32),
                     mesh=plsc.VectorSubcoreMesh(**_MESH),
                     scratch_types=scratch, compiler_params=_NOLAYOUT)


def _sc_vec():
    per_w = EL // (NC * NS)
    nblk = per_w // BL

    def body(vmx, vmy, vmz, si, z128,
             agg_out,
             agg_sh, s_v, mx_v, my_v, mz_v, vbuf, sem):
        c = lax.axis_index("c")
        s = lax.axis_index("s")

        @pl.when(s < 10)
        def _init():
            isl = pl.ds(s * 1000, 1000)
            pltpu.sync_copy(z128.at[isl], agg_sh.at[isl])

        def zb(i, _):
            for j in range(D // 16):
                vbuf[i, pl.ds(j * 16, 16)] = jnp.zeros((16,), jnp.float32)
            return 0
        lax.fori_loop(0, BL, zb, 0)
        plsc.subcore_barrier()

        base0 = (c * NS + s) * per_w
        lane = lax.broadcasted_iota(jnp.int32, (16,), 0)

        def block(b, _):
            base = base0 + b * BL
            pltpu.sync_copy(si.at[pl.ds(base, BL)], s_v)
            pltpu.sync_copy(vmx.at[pl.ds(base, BL)], mx_v)
            pltpu.sync_copy(vmy.at[pl.ds(base, BL)], my_v)
            pltpu.sync_copy(vmz.at[pl.ds(base, BL)], mz_v)
            zc = jnp.zeros((16,), jnp.int32)
            for g in range(BL // 16):
                sl = pl.ds(g * 16, 16)
                row = lane + g * 16
                plsc.store_scatter(vbuf, [row, zc], mx_v[sl])
                plsc.store_scatter(vbuf, [row, zc + 1], my_v[sl])
                plsc.store_scatter(vbuf, [row, zc + 2], mz_v[sl])
            pltpu.sync_copy(vbuf, agg_sh.at[s_v], add=True)
            return 0

        lax.fori_loop(0, nblk, block, 0)
        plsc.subcore_barrier()

        @pl.when(s < 10)
        def _dump():
            rsl = pl.ds(s * 1000, 1000)
            pltpu.sync_copy(agg_sh.at[rsl], agg_out.at[c, rsl])

    scratch = [
        pltpu.VMEM_SHARED((N, D), jnp.float32),
        pltpu.VMEM((BL,), jnp.int32),
        pltpu.VMEM((BL,), jnp.float32),
        pltpu.VMEM((BL,), jnp.float32),
        pltpu.VMEM((BL,), jnp.float32),
        pltpu.VMEM((BL, D), jnp.float32),
        pltpu.SemaphoreType.DMA,
    ]
    return pl.kernel(body,
                     out_type=jax.ShapeDtypeStruct((NC, N, D), jnp.float32),
                     mesh=plsc.VectorSubcoreMesh(**_MESH),
                     scratch_types=scratch, compiler_params=_NOLAYOUT)




def kernel(ligand_positions, cond_z, cond_batch, cond_mass, cond_pos_N, cond_pos_Ca, cond_pos_C, cond_residue_type, cond_batch_res, edge_index_lig, edge_index_cross_l, edge_index_cross_r, emb_atom, emb_res, W_rbf0, W_rbf1, W_upd0, W_upd1, b_upd0, b_upd1, W_vec, W_geom, b_geom, W_crbf0, W_crbf1, W_cupd0, W_cupd1, b_cupd0, b_cupd1, W_out, b_out):
    centers = jnp.linspace(0.0, CUT, NR).reshape(1, NR)
    px = ligand_positions[:, 0]
    py = ligand_positions[:, 1]
    pz = ligand_positions[:, 2]
    pcx = cond_pos_Ca[:, 0]
    pcy = cond_pos_Ca[:, 1]
    pcz = cond_pos_Ca[:, 2]
    src_l = edge_index_lig[0]
    dst_l = edge_index_lig[1]
    pad = jnp.zeros((ECP - EC,), jnp.int32)
    lip = jnp.concatenate([edge_index_cross_l, pad])
    rip = jnp.concatenate([edge_index_cross_r, pad])
    z128 = jnp.zeros((N, D), jnp.float32)

    x0 = _tc_embed(cond_z, emb_atom, N, 119, 1000)
    h = _tc_h(cond_residue_type, emb_res, cond_pos_N, cond_pos_Ca,
              cond_pos_C, W_geom, b_geom)
    t0, t1 = _tc_tab1(centers, W_rbf0, W_rbf1)
    tc0, tc1 = _tc_tab1(centers, W_crbf0, W_crbf1)
    t0s = jnp.concatenate([t0[1:], t0[-1:]])
    t1s = jnp.concatenate([t1[1:], t1[-1:]])
    tc0s = jnp.concatenate([tc0[1:], tc0[-1:]])
    tc1s = jnp.concatenate([tc1[1:], tc1[-1:]])
    vt = _tc_vtab(centers, W_vec).reshape(QV)

    ql, tl, vmx, vmy, vmz, qc, tcf = _sc_geo()(
        px, py, pz, pcx, pcy, pcz, vt, src_l, dst_l, lip, rip)

    lig = _sc_feat(False)
    agg0 = lig(x0, t0, t0s, t0, t0s, src_l, dst_l, ql, tl, z128)
    x1 = _tc_upd(x0, agg0[0], agg0[1], W_upd0, b_upd0)
    agg1 = lig(x1, t1, t1s, t1, t1s, src_l, dst_l, ql, tl, z128)
    x2 = _tc_upd(x1, agg1[0], agg1[1], W_upd1, b_upd1)

    aggc = _sc_feat(True)(h, tc0, tc0s, tc1, tc1s, edge_index_cross_r,
                          edge_index_cross_l, qc, tcf, z128)

    vec = _sc_vec()(vmx, vmy, vmz, dst_l, z128)

    x4 = _tc_final(x2, aggc[0], aggc[1], vec[0], vec[1],
                   W_cupd0, b_cupd0, W_cupd1, b_cupd1)

    g = jax.ops.segment_sum(x4, cond_batch, num_segments=G)
    energy = g.mean(axis=0) @ W_out + b_out
    return energy

# --- scband reference (transcript-rebuilt; emitter-appended) ---
"""Pipeline reference for scband-verlet-md-44117904065144 (READ-ONLY COPY).

The authoritative reference and input builder live on the scoring server;
editing this copy changes nothing except your own understanding.
"""

import jax, jax.numpy as jnp
import numpy as np

N = 10000
R = 4000
G = 64
EL = 320000
EC = 160000
D = 128
NR = 32
CUT = 5.0
GAMMA = 10.0


def _rbf(d):
    centers = jnp.linspace(0.0, CUT, NR)
    return jnp.exp(-GAMMA * (d[:, None] - centers[None, :]) ** 2)


def _safe_norm(v, axis=1):
    return jnp.sqrt(jnp.sum(v * v, axis=axis) + 1e-6)


def setup_inputs(seed: int = 0):
    key = jax.random.key(seed)
    ks = jax.random.split(key, 40)
    s = 0.05
    inp = {}
    inp["ligand_positions"] = jax.random.normal(ks[0], (N, 3), dtype=jnp.float32) * 3.0
    inp["cond_z"] = jax.random.randint(ks[1], (N,), 0, 119)
    inp["cond_batch"] = jnp.sort(jax.random.randint(ks[2], (N,), 0, G))
    inp["cond_mass"] = jax.random.uniform(ks[3], (N,), dtype=jnp.float32, minval=1.0, maxval=12.0)
    inp["cond_pos_N"] = jax.random.normal(ks[4], (R, 3), dtype=jnp.float32) * 3.0
    inp["cond_pos_Ca"] = jax.random.normal(ks[5], (R, 3), dtype=jnp.float32) * 3.0
    inp["cond_pos_C"] = jax.random.normal(ks[6], (R, 3), dtype=jnp.float32) * 3.0
    inp["cond_residue_type"] = jax.random.randint(ks[7], (R,), 0, 26)
    inp["cond_batch_res"] = jnp.sort(jax.random.randint(ks[8], (R,), 0, G))
    inp["edge_index_lig"] = jax.random.randint(ks[9], (2, EL), 0, N)
    inp["edge_index_cross_l"] = jax.random.randint(ks[10], (EC,), 0, N)
    inp["edge_index_cross_r"] = jax.random.randint(ks[11], (EC,), 0, R)
    inp["emb_atom"] = jax.random.normal(ks[12], (119, D), dtype=jnp.float32) * s
    inp["emb_res"] = jax.random.normal(ks[13], (26, D), dtype=jnp.float32) * s
    inp["W_rbf0"] = jax.random.normal(ks[14], (NR, D), dtype=jnp.float32) * s
    inp["W_rbf1"] = jax.random.normal(ks[15], (NR, D), dtype=jnp.float32) * s
    inp["W_upd0"] = jax.random.normal(ks[16], (D, D), dtype=jnp.float32) * s
    inp["W_upd1"] = jax.random.normal(ks[17], (D, D), dtype=jnp.float32) * s
    inp["b_upd0"] = jnp.zeros((D,), dtype=jnp.float32)
    inp["b_upd1"] = jnp.zeros((D,), dtype=jnp.float32)
    inp["W_vec"] = jax.random.normal(ks[18], (NR, 1), dtype=jnp.float32) * s
    inp["W_geom"] = jax.random.normal(ks[19], (3, D), dtype=jnp.float32) * s
    inp["b_geom"] = jnp.zeros((D,), dtype=jnp.float32)
    inp["W_crbf0"] = jax.random.normal(ks[20], (NR, D), dtype=jnp.float32) * s
    inp["W_crbf1"] = jax.random.normal(ks[21], (NR, D), dtype=jnp.float32) * s
    inp["W_cupd0"] = jax.random.normal(ks[22], (D, D), dtype=jnp.float32) * s
    inp["W_cupd1"] = jax.random.normal(ks[23], (D, D), dtype=jnp.float32) * s
    inp["b_cupd0"] = jnp.zeros((D,), dtype=jnp.float32)
    inp["b_cupd1"] = jnp.zeros((D,), dtype=jnp.float32)
    inp["W_out"] = jax.random.normal(ks[24], (D, 1), dtype=jnp.float32) * s
    inp["b_out"] = jnp.zeros((1,), dtype=jnp.float32)
    return inp


def reference(ligand_positions, cond_z, cond_batch, cond_mass, cond_pos_N, cond_pos_Ca, cond_pos_C, cond_residue_type, cond_batch_res, edge_index_lig, edge_index_cross_l, edge_index_cross_r, emb_atom, emb_res, W_rbf0, W_rbf1, W_upd0, W_upd1, b_upd0, b_upd1, W_vec, W_geom, b_geom, W_crbf0, W_crbf1, W_cupd0, W_cupd1, b_cupd0, b_cupd1, W_out, b_out):
    # Ligand model (FrameNetLigand01 surrogate): atom embedding + RBF message passing
    x = emb_atom[cond_z]
    src = edge_index_lig[0]
    dst = edge_index_lig[1]
    dvec = ligand_positions[src] - ligand_positions[dst]
    dist = _safe_norm(dvec)
    r = _rbf(dist)
    for W_r, W_u, b_u in ((W_rbf0, W_upd0, b_upd0), (W_rbf1, W_upd1, b_upd1)):
        m = x[src] * (r @ W_r)
        agg = jax.ops.segment_sum(m, dst, num_segments=N)
        x = x + jnp.tanh(agg @ W_u + b_u)
    # equivariant vector channel (ligand_vec)
    vec = jax.ops.segment_sum((dvec / dist[:, None]) * (r @ W_vec), dst, num_segments=N)
    vnorm = jnp.sqrt(jnp.sum(vec * vec, axis=1, keepdims=True) + 1e-6)
    # Protein model (FrameNetProtein01 surrogate): residue frames from N/Ca/C backbone
    v1 = cond_pos_N - cond_pos_Ca
    v2 = cond_pos_C - cond_pos_Ca
    geom = jnp.stack([_safe_norm(v1), _safe_norm(v2), jnp.sum(v1 * v2, axis=1)], axis=1)
    h = emb_res[cond_residue_type] + jnp.tanh(geom @ W_geom + b_geom)
    # Complex model (FrameNetComplexEnergy01 surrogate): cross message passing residue->atom
    li = edge_index_cross_l
    ri = edge_index_cross_r
    cd = _safe_norm(ligand_positions[li] - cond_pos_Ca[ri])
    cr = _rbf(cd)
    for W_r, W_u, b_u in ((W_crbf0, W_cupd0, b_cupd0), (W_crbf1, W_cupd1, b_cupd1)):
        m = h[ri] * (cr @ W_r)
        agg = jax.ops.segment_sum(m, li, num_segments=N)
        x = x + jnp.tanh((agg * (1.0 + vnorm)) @ W_u + b_u)
    # scatter readout per complex, then energy head
    g = jax.ops.segment_sum(x, cond_batch, num_segments=G)
    energy = g.mean(axis=0) @ W_out + b_out
    return energy

if __name__ == "__main__":
    import jax
    _d = setup_inputs()
    print(jax.jit(kernel)(*tuple(_d.values())))

</pallas_src>

<mosaic_0001>
#map = affine_map<(d0, d1) -> (0, 0)>
#map1 = affine_map<(d0, d1) -> (0)>
#map2 = affine_map<(d0, d1) -> (0, 0, 0)>
module attributes {stable_mosaic.version = 14 : i64} {
  func.func @body(%arg0: i32, %arg1: i32, %arg2: memref<4000x128xf32, #tpu.memory_space<hbm>>, %arg3: memref<32768x128xf32, #tpu.memory_space<hbm>>, %arg4: memref<32768x128xf32, #tpu.memory_space<hbm>>, %arg5: memref<32768x128xf32, #tpu.memory_space<hbm>>, %arg6: memref<32768x128xf32, #tpu.memory_space<hbm>>, %arg7: memref<160000xi32, #tpu.memory_space<hbm>>, %arg8: memref<160000xi32, #tpu.memory_space<hbm>>, %arg9: memref<163840xi32, #tpu.memory_space<hbm>>, %arg10: memref<163840xf32, #tpu.memory_space<hbm>>, %arg11: memref<10000x128xf32, #tpu.memory_space<hbm>>, %arg12: memref<2x10000x128xf32, #tpu.memory_space<hbm>>, %arg13: memref<10000x128xf32, #tpu.memory_space<vmem_shared>>, %arg14: memref<80xi32, #tpu.memory_space<vmem>>, %arg15: memref<80xi32, #tpu.memory_space<vmem>>, %arg16: memref<80xi32, #tpu.memory_space<vmem>>, %arg17: memref<80xf32, #tpu.memory_space<vmem>>, %arg18: memref<80x128xf32, #tpu.memory_space<vmem>>, %arg19: memref<80x128xf32, #tpu.memory_space<vmem>>, %arg20: memref<80x128xf32, #tpu.memory_space<vmem>>, %arg21: memref<!tpu.dma_semaphore, #tpu.memory_space<semaphore_mem>>) attributes {dimension_semantics = [#tpu.dimension_semantics<core_parallel>, #tpu.dimension_semantics<subcore_parallel>], iteration_bounds = array<i64: 2, 16>, scalar_prefetch = 0 : i64, scratch_operands = 9 : i64, tpu.core_type = #tpu.core_type<sc_vector_subcore>, window_params = [{transform_indices = #map}, {transform_indices = #map}, {transform_indices = #map}, {transform_indices = #map}, {transform_indices = #map}, {transform_indices = #map1}, {transform_indices = #map1}, {transform_indices = #map1}, {transform_indices = #map1}, {transform_indices = #map}, {transform_indices = #map2}]} {
    %lt3A = arith.constant 10 : i32
    %lt3A_0 = arith.cmpi slt, %arg1, %lt3A : i32
    %convert_element_type3A = arith.extui %lt3A_0 : i1 to i32
    %cond3A = arith.constant 0 : i32
    %cond3A_1 = arith.cmpi ne, %convert_element_type3A, %cond3A : i32
    scf.if %cond3A_1 {
      %mul3A_15 = arith.constant 1000 : i32
      %mul3A_16 = arith.muli %arg1, %mul3A_15 : i32
      "tpu.region"() ({
        %run_scoped3A = tpu.sem_alloc : memref<!tpu.dma_semaphore, #tpu.memory_space<semaphore_mem>>
        %dma_start3A = arith.constant 0 : i32
        %dma_start3A_17 = tpu.memref_slice %arg13[%mul3A_16, %dma_start3A] : memref<10000x128xf32, #tpu.memory_space<vmem_shared>> -> memref<1000x128xf32, #tpu.memory_space<vmem_shared>>
        %dma_start3A_18 = arith.constant 0 : i32
        %dma_start3A_19 = tpu.memref_slice %arg11[%mul3A_16, %dma_start3A_18] : memref<10000x128xf32, #tpu.memory_space<hbm>> -> memref<1000x128xf32, #tpu.memory_space<hbm>>
        tpu.enqueue_dma source(%dma_start3A_19 : memref<1000x128xf32, #tpu.memory_space<hbm>>) target(%dma_start3A_17 : memref<1000x128xf32, #tpu.memory_space<vmem_shared>>) target_semaphore(%run_scoped3A : memref<!tpu.dma_semaphore, #tpu.memory_space<semaphore_mem>>)
        %dma_wait3A = arith.constant 0 : i32
        %dma_wait3A_20 = tpu.memref_slice %arg13[%mul3A_16, %dma_wait3A] : memref<10000x128xf32, #tpu.memory_space<vmem_shared>> -> memref<1000x128xf32, #tpu.memory_space<vmem_shared>>
        %dma_wait3A_21 = arith.constant 0 : i32
        %dma_wait3A_22 = tpu.memref_slice %arg11[%mul3A_16, %dma_wait3A_21] : memref<10000x128xf32, #tpu.memory_space<hbm>> -> memref<1000x128xf32, #tpu.memory_space<hbm>>
        tpu.wait_dma2 semaphore(%run_scoped3A : memref<!tpu.dma_semaphore, #tpu.memory_space<semaphore_mem>>) src(%dma_wait3A_22 : memref<1000x128xf32, #tpu.memory_space<hbm>>) dst(%dma_wait3A_20 : memref<1000x128xf32, #tpu.memory_space<vmem_shared>>)
        tpu.yield
      }) : () -> ()
    } else {
    }
    %barrier3A = arith.constant 0 : index
    tpu.barrier barrier_id(%barrier3A)
    %mul3A = arith.constant 10000 : i32
    %mul3A_2 = arith.muli %arg1, %mul3A : i32
    %scan3A = arith.constant 0 : i32
    %scan3A_3 = arith.constant 0 : i32
    %scan3A_4 = arith.constant 125 : i32
    %scan3A_5 = arith.addi %scan3A_3, %scan3A_4 : i32
    %scan3A_6 = arith.constant 1 : i32
    %scan3A_7 = scf.for %scan3A_15 = %scan3A_3 to %scan3A_5 step %scan3A_6 iter_args(%scan3A_16 = %scan3A) -> (i32)  : i32 {
      %mul3A_17 = arith.constant 80 : i32
      %mul3A_18 = arith.muli %scan3A_15, %mul3A_17 : i32
      %add3A = arith.addi %mul3A_2, %mul3A_18 : i32
      "tpu.region"() ({
        %run_scoped3A = tpu.sem_alloc : memref<!tpu.dma_semaphore, #tpu.memory_space<semaphore_mem>>
        %dma_start3A_40 = tpu.memref_slice %arg7[%add3A] : memref<160000xi32, #tpu.memory_space<hbm>> -> memref<80xi32, #tpu.memory_space<hbm>>
        %dma_start3A_41 = tpu.memref_slice %arg7[%add3A] : memref<160000xi32, #tpu.memory_space<hbm>> -> memref<80xi32, #tpu.memory_space<hbm>>
        tpu.enqueue_dma source(%dma_start3A_41 : memref<80xi32, #tpu.memory_space<hbm>>) target(%arg14 : memref<80xi32, #tpu.memory_space<vmem>>) target_semaphore(%run_scoped3A : memref<!tpu.dma_semaphore, #tpu.memory_space<semaphore_mem>>)
        %dma_wait3A_42 = tpu.memref_slice %arg7[%add3A] : memref<160000xi32, #tpu.memory_space<hbm>> -> memref<80xi32, #tpu.memory_space<hbm>>
        %dma_wait3A_43 = tpu.memref_slice %arg7[%add3A] : memref<160000xi32, #tpu.memory_space<hbm>> -> memref<80xi32, #tpu.memory_space<hbm>>
        tpu.wait_dma2 semaphore(%run_scoped3A : memref<!tpu.dma_semaphore, #tpu.memory_space<semaphore_mem>>) src(%dma_wait3A_43 : memref<80xi32, #tpu.memory_space<hbm>>) dst(%arg14 : memref<80xi32, #tpu.memory_space<vmem>>)
        tpu.yield
      }) : () -> ()
      "tpu.region"() ({
        %run_scoped3A = tpu.sem_alloc : memref<!tpu.dma_semaphore, #tpu.memory_space<semaphore_mem>>
        %dma_start3A_40 = tpu.memref_slice %arg8[%add3A] : memref<160000xi32, #tpu.memory_space<hbm>> -> memref<80xi32, #tpu.memory_space<hbm>>
        %dma_start3A_41 = tpu.memref_slice %arg8[%add3A] : memref<160000xi32, #tpu.memory_space<hbm>> -> memref<80xi32, #tpu.memory_space<hbm>>
        tpu.enqueue_dma source(%dma_start3A_41 : memref<80xi32, #tpu.memory_space<hbm>>) target(%arg15 : memref<80xi32, #tpu.memory_space<vmem>>) target_semaphore(%run_scoped3A : memref<!tpu.dma_semaphore, #tpu.memory_space<semaphore_mem>>)
        %dma_wait3A_42 = tpu.memref_slice %arg8[%add3A] : memref<160000xi32, #tpu.memory_space<hbm>> -> memref<80xi32, #tpu.memory_space<hbm>>
        %dma_wait3A_43 = tpu.memref_slice %arg8[%add3A] : memref<160000xi32, #tpu.memory_space<hbm>> -> memref<80xi32, #tpu.memory_space<hbm>>
        tpu.wait_dma2 semaphore(%run_scoped3A : memref<!tpu.dma_semaphore, #tpu.memory_space<semaphore_mem>>) src(%dma_wait3A_43 : memref<80xi32, #tpu.memory_space<hbm>>) dst(%arg15 : memref<80xi32, #tpu.memory_space<vmem>>)
        tpu.yield
      }) : () -> ()
      "tpu.region"() ({
        %run_scoped3A = tpu.sem_alloc : memref<!tpu.dma_semaphore, #tpu.memory_space<semaphore_mem>>
        %dma_start3A_40 = tpu.memref_slice %arg9[%add3A] : memref<163840xi32, #tpu.memory_space<hbm>> -> memref<80xi32, #tpu.memory_space<hbm>>
        %dma_start3A_41 = tpu.memref_slice %arg9[%add3A] : memref<163840xi32, #tpu.memory_space<hbm>> -> memref<80xi32, #tpu.memory_space<hbm>>
        tpu.enqueue_dma source(%dma_start3A_41 : memref<80xi32, #tpu.memory_space<hbm>>) target(%arg16 : memref<80xi32, #tpu.memory_space<vmem>>) target_semaphore(%run_scoped3A : memref<!tpu.dma_semaphore, #tpu.memory_space<semaphore_mem>>)
        %dma_wait3A_42 = tpu.memref_slice %arg9[%add3A] : memref<163840xi32, #tpu.memory_space<hbm>> -> memref<80xi32, #tpu.memory_space<hbm>>
        %dma_wait3A_43 = tpu.memref_slice %arg9[%add3A] : memref<163840xi32, #tpu.memory_space<hbm>> -> memref<80xi32, #tpu.memory_space<hbm>>
        tpu.wait_dma2 semaphore(%run_scoped3A : memref<!tpu.dma_semaphore, #tpu.memory_space<semaphore_mem>>) src(%dma_wait3A_43 : memref<80xi32, #tpu.memory_space<hbm>>) dst(%arg16 : memref<80xi32, #tpu.memory_space<vmem>>)
        tpu.yield
      }) : () -> ()
      "tpu.region"() ({
        %run_scoped3A = tpu.sem_alloc : memref<!tpu.dma_semaphore, #tpu.memory_space<semaphore_mem>>
        %dma_start3A_40 = tpu.memref_slice %arg10[%add3A] : memref<163840xf32, #tpu.memory_space<hbm>> -> memref<80xf32, #tpu.memory_space<hbm>>
        %dma_start3A_41 = tpu.memref_slice %arg10[%add3A] : memref<163840xf32, #tpu.memory_space<hbm>> -> memref<80xf32, #tpu.memory_space<hbm>>
        tpu.enqueue_dma source(%dma_start3A_41 : memref<80xf32, #tpu.memory_space<hbm>>) target(%arg17 : memref<80xf32, #tpu.memory_space<vmem>>) target_semaphore(%run_scoped3A : memref<!tpu.dma_semaphore, #tpu.memory_space<semaphore_mem>>)
        %dma_wait3A_42 = tpu.memref_slice %arg10[%add3A] : memref<163840xf32, #tpu.memory_space<hbm>> -> memref<80xf32, #tpu.memory_space<hbm>>
        %dma_wait3A_43 = tpu.memref_slice %arg10[%add3A] : memref<163840xf32, #tpu.memory_space<hbm>> -> memref<80xf32, #tpu.memory_space<hbm>>
        tpu.wait_dma2 semaphore(%run_scoped3A : memref<!tpu.dma_semaphore, #tpu.memory_space<semaphore_mem>>) src(%dma_wait3A_43 : memref<80xf32, #tpu.memory_space<hbm>>) dst(%arg17 : memref<80xf32, #tpu.memory_space<vmem>>)
        tpu.yield
      }) : () -> ()
      %dma_start3A = arith.constant 0 : i32
      %dma_start3A_19 = arith.constant 0 : i32
      %dma_start3A_20 = tpu.memref_slice %arg2[%dma_start3A, %dma_start3A_19] : memref<4000x128xf32, #tpu.memory_space<hbm>> -> memref<4000x128xf32, #tpu.memory_space<hbm>>
      tpu.enqueue_indirect_dma source(%dma_start3A_20 : memref<4000x128xf32, #tpu.memory_space<hbm>>) target(%arg18 : memref<80x128xf32, #tpu.memory_space<vmem>>) offsets(%arg14 : memref<80xi32, #tpu.memory_space<vmem>>) semaphore(%arg21 : memref<!tpu.dma_semaphore, #tpu.memory_space<semaphore_mem>>)
      %eq3A = arith.constant 0 : i32
      %eq3A_21 = arith.cmpi eq, %arg0, %eq3A : i32
      %convert_element_type3A_22 = arith.extui %eq3A_21 : i1 to i32
      %cond3A_23 = arith.constant 0 : i32
      %cond3A_24 = arith.cmpi ne, %convert_element_type3A_22, %cond3A_23 : i32
      scf.if %cond3A_24 {
        %dma_start3A_40 = arith.constant 0 : i32
        %dma_start3A_41 = arith.constant 0 : i32
        %dma_start3A_42 = tpu.memref_slice %arg3[%dma_start3A_40, %dma_start3A_41] : memref<32768x128xf32, #tpu.memory_space<hbm>> -> memref<32768x128xf32, #tpu.memory_space<hbm>>
        tpu.enqueue_indirect_dma source(%dma_start3A_42 : memref<32768x128xf32, #tpu.memory_space<hbm>>) target(%arg19 : memref<80x128xf32, #tpu.memory_space<vmem>>) offsets(%arg16 : memref<80xi32, #tpu.memory_space<vmem>>) semaphore(%arg21 : memref<!tpu.dma_semaphore, #tpu.memory_space<semaphore_mem>>)
        %dma_start3A_43 = arith.constant 0 : i32
        %dma_start3A_44 = arith.constant 0 : i32
        %dma_start3A_45 = tpu.memref_slice %arg4[%dma_start3A_43, %dma_start3A_44] : memref<32768x128xf32, #tpu.memory_space<hbm>> -> memref<32768x128xf32, #tpu.memory_space<hbm>>
        tpu.enqueue_indirect_dma source(%dma_start3A_45 : memref<32768x128xf32, #tpu.memory_space<hbm>>) target(%arg20 : memref<80x128xf32, #tpu.memory_space<vmem>>) offsets(%arg16 : memref<80xi32, #tpu.memory_space<vmem>>) semaphore(%arg21 : memref<!tpu.dma_semaphore, #tpu.memory_space<semaphore_mem>>)
        %dma_wait3A_46 = arith.constant 0 : i32
        %dma_wait3A_47 = arith.constant 0 : i32
        %dma_wait3A_48 = tpu.memref_slice %arg3[%dma_wait3A_46, %dma_wait3A_47] : memref<32768x128xf32, #tpu.memory_space<hbm>> -> memref<32768x128xf32, #tpu.memory_space<hbm>>
        tpu.wait_indirect_dma semaphore(%arg21 : memref<!tpu.dma_semaphore, #tpu.memory_space<semaphore_mem>>) src(%dma_wait3A_48 : memref<32768x128xf32, #tpu.memory_space<hbm>>) dst(%arg19 : memref<80x128xf32, #tpu.memory_space<vmem>>)
        %dma_wait3A_49 = arith.constant 0 : i32
        %dma_wait3A_50 = arith.constant 0 : i32
        %dma_wait3A_51 = tpu.memref_slice %arg4[%dma_wait3A_49, %dma_wait3A_50] : memref<32768x128xf32, #tpu.memory_space<hbm>> -> memref<32768x128xf32, #tpu.memory_space<hbm>>
        tpu.wait_indirect_dma semaphore(%arg21 : memref<!tpu.dma_semaphore, #tpu.memory_space<semaphore_mem>>) src(%dma_wait3A_51 : memref<32768x128xf32, #tpu.memory_space<hbm>>) dst(%arg20 : memref<80x128xf32, #tpu.memory_space<vmem>>)
      } else {
      }
      %eq3A_25 = arith.constant 1 : i32
      %eq3A_26 = arith.cmpi eq, %arg0, %eq3A_25 : i32
      %convert_element_type3A_27 = arith.extui %eq3A_26 : i1 to i32
      %cond3A_28 = arith.constant 0 : i32
      %cond3A_29 = arith.cmpi ne, %convert_element_type3A_27, %cond3A_28 : i32
      scf.if %cond3A_29 {
        %dma_start3A_40 = arith.constant 0 : i32
        %dma_start3A_41 = arith.constant 0 : i32
        %dma_start3A_42 = tpu.memref_slice %arg5[%dma_start3A_40, %dma_start3A_41] : memref<32768x128xf32, #tpu.memory_space<hbm>> -> memref<32768x128xf32, #tpu.memory_space<hbm>>
        tpu.enqueue_indirect_dma source(%dma_start3A_42 : memref<32768x128xf32, #tpu.memory_space<hbm>>) target(%arg19 : memref<80x128xf32, #tpu.memory_space<vmem>>) offsets(%arg16 : memref<80xi32, #tpu.memory_space<vmem>>) semaphore(%arg21 : memref<!tpu.dma_semaphore, #tpu.memory_space<semaphore_mem>>)
        %dma_start3A_43 = arith.constant 0 : i32
        %dma_start3A_44 = arith.constant 0 : i32
        %dma_start3A_45 = tpu.memref_slice %arg6[%dma_start3A_43, %dma_start3A_44] : memref<32768x128xf32, #tpu.memory_space<hbm>> -> memref<32768x128xf32, #tpu.memory_space<hbm>>
        tpu.enqueue_indirect_dma source(%dma_start3A_45 : memref<32768x128xf32, #tpu.memory_space<hbm>>) target(%arg20 : memref<80x128xf32, #tpu.memory_space<vmem>>) offsets(%arg16 : memref<80xi32, #tpu.memory_space<vmem>>) semaphore(%arg21 : memref<!tpu.dma_semaphore, #tpu.memory_space<semaphore_mem>>)
        %dma_wait3A_46 = arith.constant 0 : i32
        %dma_wait3A_47 = arith.constant 0 : i32
        %dma_wait3A_48 = tpu.memref_slice %arg5[%dma_wait3A_46, %dma_wait3A_47] : memref<32768x128xf32, #tpu.memory_space<hbm>> -> memref<32768x128xf32, #tpu.memory_space<hbm>>
        tpu.wait_indirect_dma semaphore(%arg21 : memref<!tpu.dma_semaphore, #tpu.memory_space<semaphore_mem>>) src(%dma_wait3A_48 : memref<32768x128xf32, #tpu.memory_space<hbm>>) dst(%arg19 : memref<80x128xf32, #tpu.memory_space<vmem>>)
        %dma_wait3A_49 = arith.constant 0 : i32
        %dma_wait3A_50 = arith.constant 0 : i32
        %dma_wait3A_51 = tpu.memref_slice %arg6[%dma_wait3A_49, %dma_wait3A_50] : memref<32768x128xf32, #tpu.memory_space<hbm>> -> memref<32768x128xf32, #tpu.memory_space<hbm>>
        tpu.wait_indirect_dma semaphore(%arg21 : memref<!tpu.dma_semaphore, #tpu.memory_space<semaphore_mem>>) src(%dma_wait3A_51 : memref<32768x128xf32, #tpu.memory_space<hbm>>) dst(%arg20 : memref<80x128xf32, #tpu.memory_space<vmem>>)
      } else {
      }
      %dma_wait3A = arith.constant 0 : i32
      %dma_wait3A_30 = arith.constant 0 : i32
      %dma_wait3A_31 = tpu.memref_slice %arg2[%dma_wait3A, %dma_wait3A_30] : memref<4000x128xf32, #tpu.memory_space<hbm>> -> memref<4000x128xf32, #tpu.memory_space<hbm>>
      tpu.wait_indirect_dma semaphore(%arg21 : memref<!tpu.dma_semaphore, #tpu.memory_space<semaphore_mem>>) src(%dma_wait3A_31 : memref<4000x128xf32, #tpu.memory_space<hbm>>) dst(%arg18 : memref<80x128xf32, #tpu.memory_space<vmem>>)
      %scan3A_32 = arith.constant 0 : i32
      %scan3A_33 = arith.constant 0 : i32
      %scan3A_34 = arith.constant 80 : i32
      %scan3A_35 = arith.addi %scan3A_33, %scan3A_34 : i32
      %scan3A_36 = arith.constant 1 : i32
      %scan3A_37 = scf.for %scan3A_40 = %scan3A_33 to %scan3A_35 step %scan3A_36 iter_args(%scan3A_41 = %scan3A_32) -> (i32)  : i32 {
        %broadcast_in_dim3A = vector.broadcast %scan3A_40 : i32 to vector<16xi32>
        %gather3A = tpu.vector_load_idx %arg17[%broadcast_in_dim3A] : memref<80xf32, #tpu.memory_space<vmem>>[vector<16xi32>], vector<16xf32>,
        %get3A = arith.index_cast %scan3A_40 : i32 to index
        %get3A_42 = arith.constant 0 : index
        %get3A_43 = tpu.vector_load %arg19[%get3A, %get3A_42] {strides = array<i32>} : memref<80x128xf32, #tpu.memory_space<vmem>>, vector<16xf32>,
        %get3A_44 = arith.index_cast %scan3A_40 : i32 to index
        %get3A_45 = arith.constant 0 : index
        %get3A_46 = tpu.vector_load %arg20[%get3A_44, %get3A_45] {strides = array<i32>} : memref<80x128xf32, #tpu.memory_space<vmem>>, vector<16xf32>,
        %get3A_47 = arith.index_cast %scan3A_40 : i32 to index
        %get3A_48 = arith.constant 0 : index
        %get3A_49 = tpu.vector_load %arg18[%get3A_47, %get3A_48] {strides = array<i32>} : memref<80x128xf32, #tpu.memory_space<vmem>>, vector<16xf32>,
        %sub3A = arith.subf %get3A_46, %get3A_43 : vector<16xf32>
        %mul3A_50 = arith.mulf %sub3A, %gather3A : vector<16xf32>
        %add3A_51 = arith.addf %get3A_43, %mul3A_50 : vector<16xf32>
        %mul3A_52 = arith.mulf %get3A_49, %add3A_51 : vector<16xf32>
        %swap3A = arith.index_cast %scan3A_40 : i32 to index
        %swap3A_53 = arith.constant 0 : index
        %swap3A_54 = tpu.vector_load %arg18[%swap3A, %swap3A_53] {strides = array<i32>} : memref<80x128xf32, #tpu.memory_space<vmem>>, vector<16xf32>,
        tpu.vector_store %arg18[%swap3A, %swap3A_53], %mul3A_52 {strides = array<i32>} : memref<80x128xf32, #tpu.memory_space<vmem>>, vector<16xf32>,
        %get3A_55 = arith.index_cast %scan3A_40 : i32 to index
        %get3A_56 = arith.constant 16 : index
        %get3A_57 = tpu.vector_load %arg19[%get3A_55, %get3A_56] {strides = array<i32>} : memref<80x128xf32, #tpu.memory_space<vmem>>, vector<16xf32>,
        %get3A_58 = arith.index_cast %scan3A_40 : i32 to index
        %get3A_59 = arith.constant 16 : index
        %get3A_60 = tpu.vector_load %arg20[%get3A_58, %get3A_59] {strides = array<i32>} : memref<80x128xf32, #tpu.memory_space<vmem>>, vector<16xf32>,
        %get3A_61 = arith.index_cast %scan3A_40 : i32 to index
        %get3A_62 = arith.constant 16 : index
        %get3A_63 = tpu.vector_load %arg18[%get3A_61, %get3A_62] {strides = array<i32>} : memref<80x128xf32, #tpu.memory_space<vmem>>, vector<16xf32>,
        %sub3A_64 = arith.subf %get3A_60, %get3A_57 : vector<16xf32>
        %mul3A_65 = arith.mulf %sub3A_64, %gather3A : vector<16xf32>
        %add3A_66 = arith.addf %get3A_57, %mul3A_65 : vector<16xf32>
        %mul3A_67 = arith.mulf %get3A_63, %add3A_66 : vector<16xf32>
        %swap3A_68 = arith.index_cast %scan3A_40 : i32 to index
        %swap3A_69 = arith.constant 16 : index
        %swap3A_70 = tpu.vector_load %arg18[%swap3A_68, %swap3A_69] {strides = array<i32>} : memref<80x128xf32, #tpu.memory_space<vmem>>, vector<16xf32>,
        tpu.vector_store %arg18[%swap3A_68, %swap3A_69], %mul3A_67 {strides = array<i32>} : memref<80x128xf32, #tpu.memory_space<vmem>>, vector<16xf32>,
        %get3A_71 = arith.index_cast %scan3A_40 : i32 to index
        %get3A_72 = arith.constant 32 : index
        %get3A_73 = tpu.vector_load %arg19[%get3A_71, %get3A_72] {strides = array<i32>} : memref<80x128xf32, #tpu.memory_space<vmem>>, vector<16xf32>,
        %get3A_74 = arith.index_cast %scan3A_40 : i32 to index
        %get3A_75 = arith.constant 32 : index
        %get3A_76 = tpu.vector_load %arg20[%get3A_74, %get3A_75] {strides = array<i32>} : memref<80x128xf32, #tpu.memory_space<vmem>>, vector<16xf32>,
        %get3A_77 = arith.index_cast %scan3A_40 : i32 to index
        %get3A_78 = arith.constant 32 : index
        %get3A_79 = tpu.vector_load %arg18[%get3A_77, %get3A_78] {strides = array<i32>} : memref<80x128xf32, #tpu.memory_space<vmem>>, vector<16xf32>,
        %sub3A_80 = arith.subf %get3A_76, %get3A_73 : vector<16xf32>
        %mul3A_81 = arith.mulf %sub3A_80, %gather3A : vector<16xf32>
        %add3A_82 = arith.addf %get3A_73, %mul3A_81 : vector<16xf32>
        %mul3A_83 = arith.mulf %get3A_79, %add3A_82 : vector<16xf32>
        %swap3A_84 = arith.index_cast %scan3A_40 : i32 to index
        %swap3A_85 = arith.constant 32 : index
        %swap3A_86 = tpu.vector_load %arg18[%swap3A_84, %swap3A_85] {strides = array<i32>} : memref<80x128xf32, #tpu.memory_space<vmem>>, vector<16xf32>,
        tpu.vector_store %arg18[%swap3A_84, %swap3A_85], %mul3A_83 {strides = array<i32>} : memref<80x128xf32, #tpu.memory_space<vmem>>, vector<16xf32>,
        %get3A_87 = arith.index_cast %scan3A_40 : i32 to index
        %get3A_88 = arith.constant 48 : index
        %get3A_89 = tpu.vector_load %arg19[%get3A_87, %get3A_88] {strides = array<i32>} : memref<80x128xf32, #tpu.memory_space<vmem>>, vector<16xf32>,
        %get3A_90 = arith.index_cast %scan3A_40 : i32 to index
        %get3A_91 = arith.constant 48 : index
        %get3A_92 = tpu.vector_load %arg20[%get3A_90, %get3A_91] {strides = array<i32>} : memref<80x128xf32, #tpu.memory_space<vmem>>, vector<16xf32>,
        %get3A_93 = arith.index_cast %scan3A_40 : i32 to index
        %get3A_94 = arith.constant 48 : index
        %get3A_95 = tpu.vector_load %arg18[%get3A_93, %get3A_94] {strides = array<i32>} : memref<80x128xf32, #tpu.memory_space<vmem>>, vector<16xf32>,
        %sub3A_96 = arith.subf %get3A_92, %get3A_89 : vector<16xf32>
        %mul3A_97 = arith.mulf %sub3A_96, %gather3A : vector<16xf32>
        %add3A_98 = arith.addf %get3A_89, %mul3A_97 : vector<16xf32>
        %mul3A_99 = arith.mulf %get3A_95, %add3A_98 : vector<16xf32>
        %swap3A_100 = arith.index_cast %scan3A_40 : i32 to index
        %swap3A_101 = arith.constant 48 : index
        %swap3A_102 = tpu.vector_load %arg18[%swap3A_100, %swap3A_101] {strides = array<i32>} : memref<80x128xf32, #tpu.memory_space<vmem>>, vector<16xf32>,
        tpu.vector_store %arg18[%swap3A_100, %swap3A_101], %mul3A_99 {strides = array<i32>} : memref<80x128xf32, #tpu.memory_space<vmem>>, vector<16xf32>,
        %get3A_103 = arith.index_cast %scan3A_40 : i32 to index
        %get3A_104 = arith.constant 64 : index
        %get3A_105 = tpu.vector_load %arg19[%get3A_103, %get3A_104] {strides = array<i32>} : memref<80x128xf32, #tpu.memory_space<vmem>>, vector<16xf32>,
        %get3A_106 = arith.index_cast %scan3A_40 : i32 to index
        %get3A_107 = arith.constant 64 : index
        %get3A_108 = tpu.vector_load %arg20[%get3A_106, %get3A_107] {strides = array<i32>} : memref<80x128xf32, #tpu.memory_space<vmem>>, vector<16xf32>,
        %get3A_109 = arith.index_cast %scan3A_40 : i32 to index
        %get3A_110 = arith.constant 64 : index
        %get3A_111 = tpu.vector_load %arg18[%get3A_109, %get3A_110] {strides = array<i32>} : memref<80x128xf32, #tpu.memory_space<vmem>>, vector<16xf32>,
        %sub3A_112 = arith.subf %get3A_108, %get3A_105 : vector<16xf32>
        %mul3A_113 = arith.mulf %sub3A_112, %gather3A : vector<16xf32>
        %add3A_114 = arith.addf %get3A_105, %mul3A_113 : vector<16xf32>
        %mul3A_115 = arith.mulf %get3A_111, %add3A_114 : vector<16xf32>
        %swap3A_116 = arith.index_cast %scan3A_40 : i32 to index
        %swap3A_117 = arith.constant 64 : index
        %swap3A_118 = tpu.vector_load %arg18[%swap3A_116, %swap3A_117] {strides = array<i32>} : memref<80x128xf32, #tpu.memory_space<vmem>>, vector<16xf32>,
        tpu.vector_store %arg18[%swap3A_116, %swap3A_117], %mul3A_115 {strides = array<i32>} : memref<80x128xf32, #tpu.memory_space<vmem>>, vector<16xf32>,
        %get3A_119 = arith.index_cast %scan3A_40 : i32 to index
        %get3A_120 = arith.constant 80 : index
        %get3A_121 = tpu.vector_load %arg19[%get3A_119, %get3A_120] {strides = array<i32>} : memref<80x128xf32, #tpu.memory_space<vmem>>, vector<16xf32>,
        %get3A_122 = arith.index_cast %scan3A_40 : i32 to index
        %get3A_123 = arith.constant 80 : index
        %get3A_124 = tpu.vector_load %arg20[%get3A_122, %get3A_123] {strides = array<i32>} : memref<80x128xf32, #tpu.memory_space<vmem>>, vector<16xf32>,
        %get3A_125 = arith.index_cast %scan3A_40 : i32 to index
        %get3A_126 = arith.constant 80 : index
        %get3A_127 = tpu.vector_load %arg18[%get3A_125, %get3A_126] {strides = array<i32>} : memref<80x128xf32, #tpu.memory_space<vmem>>, vector<16xf32>,
        %sub3A_128 = arith.subf %get3A_124, %get3A_121 : vector<16xf32>
        %mul3A_129 = arith.mulf %sub3A_128, %gather3A : vector<16xf32>
        %add3A_130 = arith.addf %get3A_121, %mul3A_129 : vector<16xf32>
        %mul3A_131 = arith.mulf %get3A_127, %add3A_130 : vector<16xf32>
        %swap3A_132 = arith.index_cast %scan3A_40 : i32 to index
        %swap3A_133 = arith.constant 80 : index
        %swap3A_134 = tpu.vector_load %arg18[%swap3A_132, %swap3A_133] {strides = array<i32>} : memref<80x128xf32, #tpu.memory_space<vmem>>, vector<16xf32>,
        tpu.vector_store %arg18[%swap3A_132, %swap3A_133], %mul3A_131 {strides = array<i32>} : memref<80x128xf32, #tpu.memory_space<vmem>>, vector<16xf32>,
        %get3A_135 = arith.index_cast %scan3A_40 : i32 to index
        %get3A_136 = arith.constant 96 : index
        %get3A_137 = tpu.vector_load %arg19[%get3A_135, %get3A_136] {strides = array<i32>} : memref<80x128xf32, #tpu.memory_space<vmem>>, vector<16xf32>,
        %get3A_138 = arith.index_cast %scan3A_40 : i32 to index
        %get3A_139 = arith.constant 96 : index
        %get3A_140 = tpu.vector_load %arg20[%get3A_138, %get3A_139] {strides = array<i32>} : memref<80x128xf32, #tpu.memory_space<vmem>>, vector<16xf32>,
        %get3A_141 = arith.index_cast %scan3A_40 : i32 to index
        %get3A_142 = arith.constant 96 : index
        %get3A_143 = tpu.vector_load %arg18[%get3A_141, %get3A_142] {strides = array<i32>} : memref<80x128xf32, #tpu.memory_space<vmem>>, vector<16xf32>,
        %sub3A_144 = arith.subf %get3A_140, %get3A_137 : vector<16xf32>
        %mul3A_145 = arith.mulf %sub3A_144, %gather3A : vector<16xf32>
        %add3A_146 = arith.addf %get3A_137, %mul3A_145 : vector<16xf32>
        %mul3A_147 = arith.mulf %get3A_143, %add3A_146 : vector<16xf32>
        %swap3A_148 = arith.index_cast %scan3A_40 : i32 to index
        %swap3A_149 = arith.constant 96 : index
        %swap3A_150 = tpu.vector_load %arg18[%swap3A_148, %swap3A_149] {strides = array<i32>} : memref<80x128xf32, #tpu.memory_space<vmem>>, vector<16xf32>,
        tpu.vector_store %arg18[%swap3A_148, %swap3A_149], %mul3A_147 {strides = array<i32>} : memref<80x128xf32, #tpu.memory_space<vmem>>, vector<16xf32>,
        %get3A_151 = arith.index_cast %scan3A_40 : i32 to index
        %get3A_152 = arith.constant 112 : index
        %get3A_153 = tpu.vector_load %arg19[%get3A_151, %get3A_152] {strides = array<i32>} : memref<80x128xf32, #tpu.memory_space<vmem>>, vector<16xf32>,
        %get3A_154 = arith.index_cast %scan3A_40 : i32 to index
        %get3A_155 = arith.constant 112 : index
        %get3A_156 = tpu.vector_load %arg20[%get3A_154, %get3A_155] {strides = array<i32>} : memref<80x128xf32, #tpu.memory_space<vmem>>, vector<16xf32>,
        %get3A_157 = arith.index_cast %scan3A_40 : i32 to index
        %get3A_158 = arith.constant 112 : index
        %get3A_159 = tpu.vector_load %arg18[%get3A_157, %get3A_158] {strides = array<i32>} : memref<80x128xf32, #tpu.memory_space<vmem>>, vector<16xf32>,
        %sub3A_160 = arith.subf %get3A_156, %get3A_153 : vector<16xf32>
        %mul3A_161 = arith.mulf %sub3A_160, %gather3A : vector<16xf32>
        %add3A_162 = arith.addf %get3A_153, %mul3A_161 : vector<16xf32>
        %mul3A_163 = arith.mulf %get3A_159, %add3A_162 : vector<16xf32>
        %swap3A_164 = arith.index_cast %scan3A_40 : i32 to index
        %swap3A_165 = arith.constant 112 : index
        %swap3A_166 = tpu.vector_load %arg18[%swap3A_164, %swap3A_165] {strides = array<i32>} : memref<80x128xf32, #tpu.memory_space<vmem>>, vector<16xf32>,
        tpu.vector_store %arg18[%swap3A_164, %swap3A_165], %mul3A_163 {strides = array<i32>} : memref<80x128xf32, #tpu.memory_space<vmem>>, vector<16xf32>,
        %scan3A_167 = arith.constant 0 : i32
        scf.yield %scan3A_167 : i32
      }
      %scan3A_38 = arith.constant 80 : i32
      "tpu.region"() ({
        %run_scoped3A = tpu.sem_alloc : memref<!tpu.dma_semaphore, #tpu.memory_space<semaphore_mem>>
        %dma_start3A_40 = arith.constant 0 : i32
        %dma_start3A_41 = arith.constant 0 : i32
        %dma_start3A_42 = tpu.memref_slice %arg13[%dma_start3A_40, %dma_start3A_41] : memref<10000x128xf32, #tpu.memory_space<vmem_shared>> -> memref<10000x128xf32, #tpu.memory_space<vmem_shared>>
        tpu.enqueue_indirect_dma source(%arg18 : memref<80x128xf32, #tpu.memory_space<vmem>>) target(%dma_start3A_42 : memref<10000x128xf32, #tpu.memory_space<vmem_shared>>) offsets(%arg15 : memref<80xi32, #tpu.memory_space<vmem>>) semaphore(%run_scoped3A : memref<!tpu.dma_semaphore, #tpu.memory_space<semaphore_mem>>) {add = true}
        %dma_wait3A_43 = arith.constant 0 : i32
        %dma_wait3A_44 = arith.constant 0 : i32
        %dma_wait3A_45 = tpu.memref_slice %arg13[%dma_wait3A_43, %dma_wait3A_44] : memref<10000x128xf32, #tpu.memory_space<vmem_shared>> -> memref<10000x128xf32, #tpu.memory_space<vmem_shared>>
        tpu.wait_indirect_dma semaphore(%run_scoped3A : memref<!tpu.dma_semaphore, #tpu.memory_space<semaphore_mem>>) src(%arg18 : memref<80x128xf32, #tpu.memory_space<vmem>>) dst(%dma_wait3A_45 : memref<10000x128xf32, #tpu.memory_space<vmem_shared>>)
        tpu.yield
      }) : () -> ()
      %scan3A_39 = arith.constant 0 : i32
      scf.yield %scan3A_39 : i32
    }
    %scan3A_8 = arith.constant 125 : i32
    %barrier3A_9 = arith.constant 0 : index
    tpu.barrier barrier_id(%barrier3A_9)
    %lt3A_10 = arith.constant 10 : i32
    %lt3A_11 = arith.cmpi slt, %arg1, %lt3A_10 : i32
    %convert_element_type3A_12 = arith.extui %lt3A_11 : i1 to i32
    %cond3A_13 = arith.constant 0 : i32
    %cond3A_14 = arith.cmpi ne, %convert_element_type3A_12, %cond3A_13 : i32
    scf.if %cond3A_14 {
      %mul3A_15 = arith.constant 1000 : i32
      %mul3A_16 = arith.muli %arg1, %mul3A_15 : i32
      "tpu.region"() ({
        %run_scoped3A = tpu.sem_alloc : memref<!tpu.dma_semaphore, #tpu.memory_space<semaphore_mem>>
        %dma_start3A = arith.constant 0 : i32
        %dma_start3A_17 = tpu.memref_slice %arg12[%arg0, %mul3A_16, %dma_start3A] : memref<2x10000x128xf32, #tpu.memory_space<hbm>> -> memref<1x1000x128xf32, #tpu.memory_space<hbm>>
        %dma_start3A_18 = tpu.memref_squeeze %dma_start3A_17 : memref<1x1000x128xf32, #tpu.memory_space<hbm>> -> memref<1000x128xf32, #tpu.memory_space<hbm>>
        %dma_start3A_19 = arith.constant 0 : i32
        %dma_start3A_20 = tpu.memref_slice %arg13[%mul3A_16, %dma_start3A_19] : memref<10000x128xf32, #tpu.memory_space<vmem_shared>> -> memref<1000x128xf32, #tpu.memory_space<vmem_shared>>
        tpu.enqueue_dma source(%dma_start3A_20 : memref<1000x128xf32, #tpu.memory_space<vmem_shared>>) target(%dma_start3A_18 : memref<1000x128xf32, #tpu.memory_space<hbm>>) target_semaphore(%run_scoped3A : memref<!tpu.dma_semaphore, #tpu.memory_space<semaphore_mem>>)
        %dma_wait3A = arith.constant 0 : i32
        %dma_wait3A_21 = tpu.memref_slice %arg12[%arg0, %mul3A_16, %dma_wait3A] : memref<2x10000x128xf32, #tpu.memory_space<hbm>> -> memref<1x1000x128xf32, #tpu.memory_space<hbm>>
        %dma_wait3A_22 = tpu.memref_squeeze %dma_wait3A_21 : memref<1x1000x128xf32, #tpu.memory_space<hbm>> -> memref<1000x128xf32, #tpu.memory_space<hbm>>
        %dma_wait3A_23 = arith.constant 0 : i32
        %dma_wait3A_24 = tpu.memref_slice %arg13[%mul3A_16, %dma_wait3A_23] : memref<10000x128xf32, #tpu.memory_space<vmem_shared>> -> memref<1000x128xf32, #tpu.memory_space<vmem_shared>>
        tpu.wait_dma2 semaphore(%run_scoped3A : memref<!tpu.dma_semaphore, #tpu.memory_space<semaphore_mem>>) src(%dma_wait3A_24 : memref<1000x128xf32, #tpu.memory_space<vmem_shared>>) dst(%dma_wait3A_22 : memref<1000x128xf32, #tpu.memory_space<hbm>>)
        tpu.yield
      }) : () -> ()
    } else {
    }
    return
  }
}

#map = affine_map<(d0, d1) -> (0, 0)>
#map1 = affine_map<(d0, d1) -> (0)>
#map2 = affine_map<(d0, d1) -> (0, 0, 0)>
module attributes {stable_mosaic.version = 14 : i64} {
  func.func @body(%arg0: i32, %arg1: i32, %arg2: memref<10000x128xf32, #tpu.memory_space<hbm>>, %arg3: memref<32768x128xf32, #tpu.memory_space<hbm>>, %arg4: memref<32768x128xf32, #tpu.memory_space<hbm>>, %arg5: memref<32768x128xf32, #tpu.memory_space<hbm>>, %arg6: memref<32768x128xf32, #tpu.memory_space<hbm>>, %arg7: memref<320000xi32, #tpu.memory_space<hbm>>, %arg8: memref<320000xi32, #tpu.memory_space<hbm>>, %arg9: memref<320000xi32, #tpu.memory_space<hbm>>, %arg10: memref<320000xf32, #tpu.memory_space<hbm>>, %arg11: memref<10000x128xf32, #tpu.memory_space<hbm>>, %arg12: memref<2x10000x128xf32, #tpu.memory_space<hbm>>, %arg13: memref<10000x128xf32, #tpu.memory_space<vmem_shared>>, %arg14: memref<80xi32, #tpu.memory_space<vmem>>, %arg15: memref<80xi32, #tpu.memory_space<vmem>>, %arg16: memref<80xi32, #tpu.memory_space<vmem>>, %arg17: memref<80xf32, #tpu.memory_space<vmem>>, %arg18: memref<80x128xf32, #tpu.memory_space<vmem>>, %arg19: memref<80x128xf32, #tpu.memory_space<vmem>>, %arg20: memref<80x128xf32, #tpu.memory_space<vmem>>, %arg21: memref<!tpu.dma_semaphore, #tpu.memory_space<semaphore_mem>>) attributes {dimension_semantics = [#tpu.dimension_semantics<core_parallel>, #tpu.dimension_semantics<subcore_parallel>], iteration_bounds = array<i64: 2, 16>, scalar_prefetch = 0 : i64, scratch_operands = 9 : i64, tpu.core_type = #tpu.core_type<sc_vector_subcore>, window_params = [{transform_indices = #map}, {transform_indices = #map}, {transform_indices = #map}, {transform_indices = #map}, {transform_indices = #map}, {transform_indices = #map1}, {transform_indices = #map1}, {transform_indices = #map1}, {transform_indices = #map1}, {transform_indices = #map}, {transform_indices = #map2}]} {
    %lt3A = arith.constant 10 : i32
    %lt3A_0 = arith.cmpi slt, %arg1, %lt3A : i32
    %convert_element_type3A = arith.extui %lt3A_0 : i1 to i32
    %cond3A = arith.constant 0 : i32
    %cond3A_1 = arith.cmpi ne, %convert_element_type3A, %cond3A : i32
    scf.if %cond3A_1 {
      %mul3A_17 = arith.constant 1000 : i32
      %mul3A_18 = arith.muli %arg1, %mul3A_17 : i32
      "tpu.region"() ({
        %run_scoped3A = tpu.sem_alloc : memref<!tpu.dma_semaphore, #tpu.memory_space<semaphore_mem>>
        %dma_start3A = arith.constant 0 : i32
        %dma_start3A_19 = tpu.memref_slice %arg13[%mul3A_18, %dma_start3A] : memref<10000x128xf32, #tpu.memory_space<vmem_shared>> -> memref<1000x128xf32, #tpu.memory_space<vmem_shared>>
        %dma_start3A_20 = arith.constant 0 : i32
        %dma_start3A_21 = tpu.memref_slice %arg11[%mul3A_18, %dma_start3A_20] : memref<10000x128xf32, #tpu.memory_space<hbm>> -> memref<1000x128xf32, #tpu.memory_space<hbm>>
        tpu.enqueue_dma source(%dma_start3A_21 : memref<1000x128xf32, #tpu.memory_space<hbm>>) target(%dma_start3A_19 : memref<1000x128xf32, #tpu.memory_space<vmem_shared>>) target_semaphore(%run_scoped3A : memref<!tpu.dma_semaphore, #tpu.memory_space<semaphore_mem>>)
        %dma_wait3A = arith.constant 0 : i32
        %dma_wait3A_22 = tpu.memref_slice %arg13[%mul3A_18, %dma_wait3A] : memref<10000x128xf32, #tpu.memory_space<vmem_shared>> -> memref<1000x128xf32, #tpu.memory_space<vmem_shared>>
        %dma_wait3A_23 = arith.constant 0 : i32
        %dma_wait3A_24 = tpu.memref_slice %arg11[%mul3A_18, %dma_wait3A_23] : memref<10000x128xf32, #tpu.memory_space<hbm>> -> memref<1000x128xf32, #tpu.memory_space<hbm>>
        tpu.wait_dma2 semaphore(%run_scoped3A : memref<!tpu.dma_semaphore, #tpu.memory_space<semaphore_mem>>) src(%dma_wait3A_24 : memref<1000x128xf32, #tpu.memory_space<hbm>>) dst(%dma_wait3A_22 : memref<1000x128xf32, #tpu.memory_space<vmem_shared>>)
        tpu.yield
      }) : () -> ()
    } else {
    }
    %barrier3A = arith.constant 0 : index
    tpu.barrier barrier_id(%barrier3A)
    %mul3A = arith.constant 16 : i32
    %mul3A_2 = arith.muli %arg0, %mul3A : i32
    %add3A = arith.addi %mul3A_2, %arg1 : i32
    %mul3A_3 = arith.constant 10000 : i32
    %mul3A_4 = arith.muli %add3A, %mul3A_3 : i32
    %scan3A = arith.constant 0 : i32
    %scan3A_5 = arith.constant 0 : i32
    %scan3A_6 = arith.constant 125 : i32
    %scan3A_7 = arith.addi %scan3A_5, %scan3A_6 : i32
    %scan3A_8 = arith.constant 1 : i32
    %scan3A_9 = scf.for %scan3A_17 = %scan3A_5 to %scan3A_7 step %scan3A_8 iter_args(%scan3A_18 = %scan3A) -> (i32)  : i32 {
      %mul3A_19 = arith.constant 80 : i32
      %mul3A_20 = arith.muli %scan3A_17, %mul3A_19 : i32
      %add3A_21 = arith.addi %mul3A_4, %mul3A_20 : i32
      "tpu.region"() ({
        %run_scoped3A = tpu.sem_alloc : memref<!tpu.dma_semaphore, #tpu.memory_space<semaphore_mem>>
        %dma_start3A_43 = tpu.memref_slice %arg7[%add3A_21] : memref<320000xi32, #tpu.memory_space<hbm>> -> memref<80xi32, #tpu.memory_space<hbm>>
        %dma_start3A_44 = tpu.memref_slice %arg7[%add3A_21] : memref<320000xi32, #tpu.memory_space<hbm>> -> memref<80xi32, #tpu.memory_space<hbm>>
        tpu.enqueue_dma source(%dma_start3A_44 : memref<80xi32, #tpu.memory_space<hbm>>) target(%arg14 : memref<80xi32, #tpu.memory_space<vmem>>) target_semaphore(%run_scoped3A : memref<!tpu.dma_semaphore, #tpu.memory_space<semaphore_mem>>)
        %dma_wait3A_45 = tpu.memref_slice %arg7[%add3A_21] : memref<320000xi32, #tpu.memory_space<hbm>> -> memref<80xi32, #tpu.memory_space<hbm>>
        %dma_wait3A_46 = tpu.memref_slice %arg7[%add3A_21] : memref<320000xi32, #tpu.memory_space<hbm>> -> memref<80xi32, #tpu.memory_space<hbm>>
        tpu.wait_dma2 semaphore(%run_scoped3A : memref<!tpu.dma_semaphore, #tpu.memory_space<semaphore_mem>>) src(%dma_wait3A_46 : memref<80xi32, #tpu.memory_space<hbm>>) dst(%arg14 : memref<80xi32, #tpu.memory_space<vmem>>)
        tpu.yield
      }) : () -> ()
      "tpu.region"() ({
        %run_scoped3A = tpu.sem_alloc : memref<!tpu.dma_semaphore, #tpu.memory_space<semaphore_mem>>
        %dma_start3A_43 = tpu.memref_slice %arg8[%add3A_21] : memref<320000xi32, #tpu.memory_space<hbm>> -> memref<80xi32, #tpu.memory_space<hbm>>
        %dma_start3A_44 = tpu.memref_slice %arg8[%add3A_21] : memref<320000xi32, #tpu.memory_space<hbm>> -> memref<80xi32, #tpu.memory_space<hbm>>
        tpu.enqueue_dma source(%dma_start3A_44 : memref<80xi32, #tpu.memory_space<hbm>>) target(%arg15 : memref<80xi32, #tpu.memory_space<vmem>>) target_semaphore(%run_scoped3A : memref<!tpu.dma_semaphore, #tpu.memory_space<semaphore_mem>>)
        %dma_wait3A_45 = tpu.memref_slice %arg8[%add3A_21] : memref<320000xi32, #tpu.memory_space<hbm>> -> memref<80xi32, #tpu.memory_space<hbm>>
        %dma_wait3A_46 = tpu.memref_slice %arg8[%add3A_21] : memref<320000xi32, #tpu.memory_space<hbm>> -> memref<80xi32, #tpu.memory_space<hbm>>
        tpu.wait_dma2 semaphore(%run_scoped3A : memref<!tpu.dma_semaphore, #tpu.memory_space<semaphore_mem>>) src(%dma_wait3A_46 : memref<80xi32, #tpu.memory_space<hbm>>) dst(%arg15 : memref<80xi32, #tpu.memory_space<vmem>>)
        tpu.yield
      }) : () -> ()
      "tpu.region"() ({
        %run_scoped3A = tpu.sem_alloc : memref<!tpu.dma_semaphore, #tpu.memory_space<semaphore_mem>>
        %dma_start3A_43 = tpu.memref_slice %arg9[%add3A_21] : memref<320000xi32, #tpu.memory_space<hbm>> -> memref<80xi32, #tpu.memory_space<hbm>>
        %dma_start3A_44 = tpu.memref_slice %arg9[%add3A_21] : memref<320000xi32, #tpu.memory_space<hbm>> -> memref<80xi32, #tpu.memory_space<hbm>>
        tpu.enqueue_dma source(%dma_start3A_44 : memref<80xi32, #tpu.memory_space<hbm>>) target(%arg16 : memref<80xi32, #tpu.memory_space<vmem>>) target_semaphore(%run_scoped3A : memref<!tpu.dma_semaphore, #tpu.memory_space<semaphore_mem>>)
        %dma_wait3A_45 = tpu.memref_slice %arg9[%add3A_21] : memref<320000xi32, #tpu.memory_space<hbm>> -> memref<80xi32, #tpu.memory_space<hbm>>
        %dma_wait3A_46 = tpu.memref_slice %arg9[%add3A_21] : memref<320000xi32, #tpu.memory_space<hbm>> -> memref<80xi32, #tpu.memory_space<hbm>>
        tpu.wait_dma2 semaphore(%run_scoped3A : memref<!tpu.dma_semaphore, #tpu.memory_space<semaphore_mem>>) src(%dma_wait3A_46 : memref<80xi32, #tpu.memory_space<hbm>>) dst(%arg16 : memref<80xi32, #tpu.memory_space<vmem>>)
        tpu.yield
      }) : () -> ()
      "tpu.region"() ({
        %run_scoped3A = tpu.sem_alloc : memref<!tpu.dma_semaphore, #tpu.memory_space<semaphore_mem>>
        %dma_start3A_43 = tpu.memref_slice %arg10[%add3A_21] : memref<320000xf32, #tpu.memory_space<hbm>> -> memref<80xf32, #tpu.memory_space<hbm>>
        %dma_start3A_44 = tpu.memref_slice %arg10[%add3A_21] : memref<320000xf32, #tpu.memory_space<hbm>> -> memref<80xf32, #tpu.memory_space<hbm>>
        tpu.enqueue_dma source(%dma_start3A_44 : memref<80xf32, #tpu.memory_space<hbm>>) target(%arg17 : memref<80xf32, #tpu.memory_space<vmem>>) target_semaphore(%run_scoped3A : memref<!tpu.dma_semaphore, #tpu.memory_space<semaphore_mem>>)
        %dma_wait3A_45 = tpu.memref_slice %arg10[%add3A_21] : memref<320000xf32, #tpu.memory_space<hbm>> -> memref<80xf32, #tpu.memory_space<hbm>>
        %dma_wait3A_46 = tpu.memref_slice %arg10[%add3A_21] : memref<320000xf32, #tpu.memory_space<hbm>> -> memref<80xf32, #tpu.memory_space<hbm>>
        tpu.wait_dma2 semaphore(%run_scoped3A : memref<!tpu.dma_semaphore, #tpu.memory_space<semaphore_mem>>) src(%dma_wait3A_46 : memref<80xf32, #tpu.memory_space<hbm>>) dst(%arg17 : memref<80xf32, #tpu.memory_space<vmem>>)
        tpu.yield
      }) : () -> ()
      %dma_start3A = arith.constant 0 : i32
      %dma_start3A_22 = arith.constant 0 : i32
      %dma_start3A_23 = tpu.memref_slice %arg2[%dma_start3A, %dma_start3A_22] : memref<10000x128xf32, #tpu.memory_space<hbm>> -> memref<10000x128xf32, #tpu.memory_space<hbm>>
      tpu.enqueue_indirect_dma source(%dma_start3A_23 : memref<10000x128xf32, #tpu.memory_space<hbm>>) target(%arg18 : memref<80x128xf32, #tpu.memory_space<vmem>>) offsets(%arg14 : memref<80xi32, #tpu.memory_space<vmem>>) semaphore(%arg21 : memref<!tpu.dma_semaphore, #tpu.memory_space<semaphore_mem>>)
      %eq3A = arith.constant 0 : i32
      %eq3A_24 = arith.cmpi eq, %arg0, %eq3A : i32
      %convert_element_type3A_25 = arith.extui %eq3A_24 : i1 to i32
      %cond3A_26 = arith.constant 0 : i32
      %cond3A_27 = arith.cmpi ne, %convert_element_type3A_25, %cond3A_26 : i32
      scf.if %cond3A_27 {
        %dma_start3A_43 = arith.constant 0 : i32
        %dma_start3A_44 = arith.constant 0 : i32
        %dma_start3A_45 = tpu.memref_slice %arg3[%dma_start3A_43, %dma_start3A_44] : memref<32768x128xf32, #tpu.memory_space<hbm>> -> memref<32768x128xf32, #tpu.memory_space<hbm>>
        tpu.enqueue_indirect_dma source(%dma_start3A_45 : memref<32768x128xf32, #tpu.memory_space<hbm>>) target(%arg19 : memref<80x128xf32, #tpu.memory_space<vmem>>) offsets(%arg16 : memref<80xi32, #tpu.memory_space<vmem>>) semaphore(%arg21 : memref<!tpu.dma_semaphore, #tpu.memory_space<semaphore_mem>>)
        %dma_start3A_46 = arith.constant 0 : i32
        %dma_start3A_47 = arith.constant 0 : i32
        %dma_start3A_48 = tpu.memref_slice %arg4[%dma_start3A_46, %dma_start3A_47] : memref<32768x128xf32, #tpu.memory_space<hbm>> -> memref<32768x128xf32, #tpu.memory_space<hbm>>
        tpu.enqueue_indirect_dma source(%dma_start3A_48 : memref<32768x128xf32, #tpu.memory_space<hbm>>) target(%arg20 : memref<80x128xf32, #tpu.memory_space<vmem>>) offsets(%arg16 : memref<80xi32, #tpu.memory_space<vmem>>) semaphore(%arg21 : memref<!tpu.dma_semaphore, #tpu.memory_space<semaphore_mem>>)
        %dma_wait3A_49 = arith.constant 0 : i32
        %dma_wait3A_50 = arith.constant 0 : i32
        %dma_wait3A_51 = tpu.memref_slice %arg3[%dma_wait3A_49, %dma_wait3A_50] : memref<32768x128xf32, #tpu.memory_space<hbm>> -> memref<32768x128xf32, #tpu.memory_space<hbm>>
        tpu.wait_indirect_dma semaphore(%arg21 : memref<!tpu.dma_semaphore, #tpu.memory_space<semaphore_mem>>) src(%dma_wait3A_51 : memref<32768x128xf32, #tpu.memory_space<hbm>>) dst(%arg19 : memref<80x128xf32, #tpu.memory_space<vmem>>)
        %dma_wait3A_52 = arith.constant 0 : i32
        %dma_wait3A_53 = arith.constant 0 : i32
        %dma_wait3A_54 = tpu.memref_slice %arg4[%dma_wait3A_52, %dma_wait3A_53] : memref<32768x128xf32, #tpu.memory_space<hbm>> -> memref<32768x128xf32, #tpu.memory_space<hbm>>
        tpu.wait_indirect_dma semaphore(%arg21 : memref<!tpu.dma_semaphore, #tpu.memory_space<semaphore_mem>>) src(%dma_wait3A_54 : memref<32768x128xf32, #tpu.memory_space<hbm>>) dst(%arg20 : memref<80x128xf32, #tpu.memory_space<vmem>>)
      } else {
      }
      %eq3A_28 = arith.constant 1 : i32
      %eq3A_29 = arith.cmpi eq, %arg0, %eq3A_28 : i32
      %convert_element_type3A_30 = arith.extui %eq3A_29 : i1 to i32
      %cond3A_31 = arith.constant 0 : i32
      %cond3A_32 = arith.cmpi ne, %convert_element_type3A_30, %cond3A_31 : i32
      scf.if %cond3A_32 {
        %dma_start3A_43 = arith.constant 0 : i32
        %dma_start3A_44 = arith.constant 0 : i32
        %dma_start3A_45 = tpu.memref_slice %arg5[%dma_start3A_43, %dma_start3A_44] : memref<32768x128xf32, #tpu.memory_space<hbm>> -> memref<32768x128xf32, #tpu.memory_space<hbm>>
        tpu.enqueue_indirect_dma source(%dma_start3A_45 : memref<32768x128xf32, #tpu.memory_space<hbm>>) target(%arg19 : memref<80x128xf32, #tpu.memory_space<vmem>>) offsets(%arg16 : memref<80xi32, #tpu.memory_space<vmem>>) semaphore(%arg21 : memref<!tpu.dma_semaphore, #tpu.memory_space<semaphore_mem>>)
        %dma_start3A_46 = arith.constant 0 : i32
        %dma_start3A_47 = arith.constant 0 : i32
        %dma_start3A_48 = tpu.memref_slice %arg6[%dma_start3A_46, %dma_start3A_47] : memref<32768x128xf32, #tpu.memory_space<hbm>> -> memref<32768x128xf32, #tpu.memory_space<hbm>>
        tpu.enqueue_indirect_dma source(%dma_start3A_48 : memref<32768x128xf32, #tpu.memory_space<hbm>>) target(%arg20 : memref<80x128xf32, #tpu.memory_space<vmem>>) offsets(%arg16 : memref<80xi32, #tpu.memory_space<vmem>>) semaphore(%arg21 : memref<!tpu.dma_semaphore, #tpu.memory_space<semaphore_mem>>)
        %dma_wait3A_49 = arith.constant 0 : i32
        %dma_wait3A_50 = arith.constant 0 : i32
        %dma_wait3A_51 = tpu.memref_slice %arg5[%dma_wait3A_49, %dma_wait3A_50] : memref<32768x128xf32, #tpu.memory_space<hbm>> -> memref<32768x128xf32, #tpu.memory_space<hbm>>
        tpu.wait_indirect_dma semaphore(%arg21 : memref<!tpu.dma_semaphore, #tpu.memory_space<semaphore_mem>>) src(%dma_wait3A_51 : memref<32768x128xf32, #tpu.memory_space<hbm>>) dst(%arg19 : memref<80x128xf32, #tpu.memory_space<vmem>>)
        %dma_wait3A_52 = arith.constant 0 : i32
        %dma_wait3A_53 = arith.constant 0 : i32
        %dma_wait3A_54 = tpu.memref_slice %arg6[%dma_wait3A_52, %dma_wait3A_53] : memref<32768x128xf32, #tpu.memory_space<hbm>> -> memref<32768x128xf32, #tpu.memory_space<hbm>>
        tpu.wait_indirect_dma semaphore(%arg21 : memref<!tpu.dma_semaphore, #tpu.memory_space<semaphore_mem>>) src(%dma_wait3A_54 : memref<32768x128xf32, #tpu.memory_space<hbm>>) dst(%arg20 : memref<80x128xf32, #tpu.memory_space<vmem>>)
      } else {
      }
      %dma_wait3A = arith.constant 0 : i32
      %dma_wait3A_33 = arith.constant 0 : i32
      %dma_wait3A_34 = tpu.memref_slice %arg2[%dma_wait3A, %dma_wait3A_33] : memref<10000x128xf32, #tpu.memory_space<hbm>> -> memref<10000x128xf32, #tpu.memory_space<hbm>>
      tpu.wait_indirect_dma semaphore(%arg21 : memref<!tpu.dma_semaphore, #tpu.memory_space<semaphore_mem>>) src(%dma_wait3A_34 : memref<10000x128xf32, #tpu.memory_space<hbm>>) dst(%arg18 : memref<80x128xf32, #tpu.memory_space<vmem>>)
      %scan3A_35 = arith.constant 0 : i32
      %scan3A_36 = arith.constant 0 : i32
      %scan3A_37 = arith.constant 80 : i32
      %scan3A_38 = arith.addi %scan3A_36, %scan3A_37 : i32
      %scan3A_39 = arith.constant 1 : i32
      %scan3A_40 = scf.for %scan3A_43 = %scan3A_36 to %scan3A_38 step %scan3A_39 iter_args(%scan3A_44 = %scan3A_35) -> (i32)  : i32 {
        %broadcast_in_dim3A = vector.broadcast %scan3A_43 : i32 to vector<16xi32>
        %gather3A = tpu.vector_load_idx %arg17[%broadcast_in_dim3A] : memref<80xf32, #tpu.memory_space<vmem>>[vector<16xi32>], vector<16xf32>,
        %get3A = arith.index_cast %scan3A_43 : i32 to index
        %get3A_45 = arith.constant 0 : index
        %get3A_46 = tpu.vector_load %arg19[%get3A, %get3A_45] {strides = array<i32>} : memref<80x128xf32, #tpu.memory_space<vmem>>, vector<16xf32>,
        %get3A_47 = arith.index_cast %scan3A_43 : i32 to index
        %get3A_48 = arith.constant 0 : index
        %get3A_49 = tpu.vector_load %arg20[%get3A_47, %get3A_48] {strides = array<i32>} : memref<80x128xf32, #tpu.memory_space<vmem>>, vector<16xf32>,
        %get3A_50 = arith.index_cast %scan3A_43 : i32 to index
        %get3A_51 = arith.constant 0 : index
        %get3A_52 = tpu.vector_load %arg18[%get3A_50, %get3A_51] {strides = array<i32>} : memref<80x128xf32, #tpu.memory_space<vmem>>, vector<16xf32>,
        %sub3A = arith.subf %get3A_49, %get3A_46 : vector<16xf32>
        %mul3A_53 = arith.mulf %sub3A, %gather3A : vector<16xf32>
        %add3A_54 = arith.addf %get3A_46, %mul3A_53 : vector<16xf32>
        %mul3A_55 = arith.mulf %get3A_52, %add3A_54 : vector<16xf32>
        %swap3A = arith.index_cast %scan3A_43 : i32 to index
        %swap3A_56 = arith.constant 0 : index
        %swap3A_57 = tpu.vector_load %arg18[%swap3A, %swap3A_56] {strides = array<i32>} : memref<80x128xf32, #tpu.memory_space<vmem>>, vector<16xf32>,
        tpu.vector_store %arg18[%swap3A, %swap3A_56], %mul3A_55 {strides = array<i32>} : memref<80x128xf32, #tpu.memory_space<vmem>>, vector<16xf32>,
        %get3A_58 = arith.index_cast %scan3A_43 : i32 to index
        %get3A_59 = arith.constant 16 : index
        %get3A_60 = tpu.vector_load %arg19[%get3A_58, %get3A_59] {strides = array<i32>} : memref<80x128xf32, #tpu.memory_space<vmem>>, vector<16xf32>,
        %get3A_61 = arith.index_cast %scan3A_43 : i32 to index
        %get3A_62 = arith.constant 16 : index
        %get3A_63 = tpu.vector_load %arg20[%get3A_61, %get3A_62] {strides = array<i32>} : memref<80x128xf32, #tpu.memory_space<vmem>>, vector<16xf32>,
        %get3A_64 = arith.index_cast %scan3A_43 : i32 to index
        %get3A_65 = arith.constant 16 : index
        %get3A_66 = tpu.vector_load %arg18[%get3A_64, %get3A_65] {strides = array<i32>} : memref<80x128xf32, #tpu.memory_space<vmem>>, vector<16xf32>,
        %sub3A_67 = arith.subf %get3A_63, %get3A_60 : vector<16xf32>
        %mul3A_68 = arith.mulf %sub3A_67, %gather3A : vector<16xf32>
        %add3A_69 = arith.addf %get3A_60, %mul3A_68 : vector<16xf32>
        %mul3A_70 = arith.mulf %get3A_66, %add3A_69 : vector<16xf32>
        %swap3A_71 = arith.index_cast %scan3A_43 : i32 to index
        %swap3A_72 = arith.constant 16 : index
        %swap3A_73 = tpu.vector_load %arg18[%swap3A_71, %swap3A_72] {strides = array<i32>} : memref<80x128xf32, #tpu.memory_space<vmem>>, vector<16xf32>,
        tpu.vector_store %arg18[%swap3A_71, %swap3A_72], %mul3A_70 {strides = array<i32>} : memref<80x128xf32, #tpu.memory_space<vmem>>, vector<16xf32>,
        %get3A_74 = arith.index_cast %scan3A_43 : i32 to index
        %get3A_75 = arith.constant 32 : index
        %get3A_76 = tpu.vector_load %arg19[%get3A_74, %get3A_75] {strides = array<i32>} : memref<80x128xf32, #tpu.memory_space<vmem>>, vector<16xf32>,
        %get3A_77 = arith.index_cast %scan3A_43 : i32 to index
        %get3A_78 = arith.constant 32 : index
        %get3A_79 = tpu.vector_load %arg20[%get3A_77, %get3A_78] {strides = array<i32>} : memref<80x128xf32, #tpu.memory_space<vmem>>, vector<16xf32>,
        %get3A_80 = arith.index_cast %scan3A_43 : i32 to index
        %get3A_81 = arith.constant 32 : index
        %get3A_82 = tpu.vector_load %arg18[%get3A_80, %get3A_81] {strides = array<i32>} : memref<80x128xf32, #tpu.memory_space<vmem>>, vector<16xf32>,
        %sub3A_83 = arith.subf %get3A_79, %get3A_76 : vector<16xf32>
        %mul3A_84 = arith.mulf %sub3A_83, %gather3A : vector<16xf32>
        %add3A_85 = arith.addf %get3A_76, %mul3A_84 : vector<16xf32>
        %mul3A_86 = arith.mulf %get3A_82, %add3A_85 : vector<16xf32>
        %swap3A_87 = arith.index_cast %scan3A_43 : i32 to index
        %swap3A_88 = arith.constant 32 : index
        %swap3A_89 = tpu.vector_load %arg18[%swap3A_87, %swap3A_88] {strides = array<i32>} : memref<80x128xf32, #tpu.memory_space<vmem>>, vector<16xf32>,
        tpu.vector_store %arg18[%swap3A_87, %swap3A_88], %mul3A_86 {strides = array<i32>} : memref<80x128xf32, #tpu.memory_space<vmem>>, vector<16xf32>,
        %get3A_90 = arith.index_cast %scan3A_43 : i32 to index
        %get3A_91 = arith.constant 48 : index
        %get3A_92 = tpu.vector_load %arg19[%get3A_90, %get3A_91] {strides = array<i32>} : memref<80x128xf32, #tpu.memory_space<vmem>>, vector<16xf32>,
        %get3A_93 = arith.index_cast %scan3A_43 : i32 to index
        %get3A_94 = arith.constant 48 : index
        %get3A_95 = tpu.vector_load %arg20[%get3A_93, %get3A_94] {strides = array<i32>} : memref<80x128xf32, #tpu.memory_space<vmem>>, vector<16xf32>,
        %get3A_96 = arith.index_cast %scan3A_43 : i32 to index
        %get3A_97 = arith.constant 48 : index
        %get3A_98 = tpu.vector_load %arg18[%get3A_96, %get3A_97] {strides = array<i32>} : memref<80x128xf32, #tpu.memory_space<vmem>>, vector<16xf32>,
        %sub3A_99 = arith.subf %get3A_95, %get3A_92 : vector<16xf32>
        %mul3A_100 = arith.mulf %sub3A_99, %gather3A : vector<16xf32>
        %add3A_101 = arith.addf %get3A_92, %mul3A_100 : vector<16xf32>
        %mul3A_102 = arith.mulf %get3A_98, %add3A_101 : vector<16xf32>
        %swap3A_103 = arith.index_cast %scan3A_43 : i32 to index
        %swap3A_104 = arith.constant 48 : index
        %swap3A_105 = tpu.vector_load %arg18[%swap3A_103, %swap3A_104] {strides = array<i32>} : memref<80x128xf32, #tpu.memory_space<vmem>>, vector<16xf32>,
        tpu.vector_store %arg18[%swap3A_103, %swap3A_104], %mul3A_102 {strides = array<i32>} : memref<80x128xf32, #tpu.memory_space<vmem>>, vector<16xf32>,
        %get3A_106 = arith.index_cast %scan3A_43 : i32 to index
        %get3A_107 = arith.constant 64 : index
        %get3A_108 = tpu.vector_load %arg19[%get3A_106, %get3A_107] {strides = array<i32>} : memref<80x128xf32, #tpu.memory_space<vmem>>, vector<16xf32>,
        %get3A_109 = arith.index_cast %scan3A_43 : i32 to index
        %get3A_110 = arith.constant 64 : index
        %get3A_111 = tpu.vector_load %arg20[%get3A_109, %get3A_110] {strides = array<i32>} : memref<80x128xf32, #tpu.memory_space<vmem>>, vector<16xf32>,
        %get3A_112 = arith.index_cast %scan3A_43 : i32 to index
        %get3A_113 = arith.constant 64 : index
        %get3A_114 = tpu.vector_load %arg18[%get3A_112, %get3A_113] {strides = array<i32>} : memref<80x128xf32, #tpu.memory_space<vmem>>, vector<16xf32>,
        %sub3A_115 = arith.subf %get3A_111, %get3A_108 : vector<16xf32>
        %mul3A_116 = arith.mulf %sub3A_115, %gather3A : vector<16xf32>
        %add3A_117 = arith.addf %get3A_108, %mul3A_116 : vector<16xf32>
        %mul3A_118 = arith.mulf %get3A_114, %add3A_117 : vector<16xf32>
        %swap3A_119 = arith.index_cast %scan3A_43 : i32 to index
        %swap3A_120 = arith.constant 64 : index
        %swap3A_121 = tpu.vector_load %arg18[%swap3A_119, %swap3A_120] {strides = array<i32>} : memref<80x128xf32, #tpu.memory_space<vmem>>, vector<16xf32>,
        tpu.vector_store %arg18[%swap3A_119, %swap3A_120], %mul3A_118 {strides = array<i32>} : memref<80x128xf32, #tpu.memory_space<vmem>>, vector<16xf32>,
        %get3A_122 = arith.index_cast %scan3A_43 : i32 to index
        %get3A_123 = arith.constant 80 : index
        %get3A_124 = tpu.vector_load %arg19[%get3A_122, %get3A_123] {strides = array<i32>} : memref<80x128xf32, #tpu.memory_space<vmem>>, vector<16xf32>,
        %get3A_125 = arith.index_cast %scan3A_43 : i32 to index
        %get3A_126 = arith.constant 80 : index
        %get3A_127 = tpu.vector_load %arg20[%get3A_125, %get3A_126] {strides = array<i32>} : memref<80x128xf32, #tpu.memory_space<vmem>>, vector<16xf32>,
        %get3A_128 = arith.index_cast %scan3A_43 : i32 to index
        %get3A_129 = arith.constant 80 : index
        %get3A_130 = tpu.vector_load %arg18[%get3A_128, %get3A_129] {strides = array<i32>} : memref<80x128xf32, #tpu.memory_space<vmem>>, vector<16xf32>,
        %sub3A_131 = arith.subf %get3A_127, %get3A_124 : vector<16xf32>
        %mul3A_132 = arith.mulf %sub3A_131, %gather3A : vector<16xf32>
        %add3A_133 = arith.addf %get3A_124, %mul3A_132 : vector<16xf32>
        %mul3A_134 = arith.mulf %get3A_130, %add3A_133 : vector<16xf32>
        %swap3A_135 = arith.index_cast %scan3A_43 : i32 to index
        %swap3A_136 = arith.constant 80 : index
        %swap3A_137 = tpu.vector_load %arg18[%swap3A_135, %swap3A_136] {strides = array<i32>} : memref<80x128xf32, #tpu.memory_space<vmem>>, vector<16xf32>,
        tpu.vector_store %arg18[%swap3A_135, %swap3A_136], %mul3A_134 {strides = array<i32>} : memref<80x128xf32, #tpu.memory_space<vmem>>, vector<16xf32>,
        %get3A_138 = arith.index_cast %scan3A_43 : i32 to index
        %get3A_139 = arith.constant 96 : index
        %get3A_140 = tpu.vector_load %arg19[%get3A_138, %get3A_139] {strides = array<i32>} : memref<80x128xf32, #tpu.memory_space<vmem>>, vector<16xf32>,
        %get3A_141 = arith.index_cast %scan3A_43 : i32 to index
        %get3A_142 = arith.constant 96 : index
        %get3A_143 = tpu.vector_load %arg20[%get3A_141, %get3A_142] {strides = array<i32>} : memref<80x128xf32, #tpu.memory_space<vmem>>, vector<16xf32>,
        %get3A_144 = arith.index_cast %scan3A_43 : i32 to index
        %get3A_145 = arith.constant 96 : index
        %get3A_146 = tpu.vector_load %arg18[%get3A_144, %get3A_145] {strides = array<i32>} : memref<80x128xf32, #tpu.memory_space<vmem>>, vector<16xf32>,
        %sub3A_147 = arith.subf %get3A_143, %get3A_140 : vector<16xf32>
        %mul3A_148 = arith.mulf %sub3A_147, %gather3A : vector<16xf32>
        %add3A_149 = arith.addf %get3A_140, %mul3A_148 : vector<16xf32>
        %mul3A_150 = arith.mulf %get3A_146, %add3A_149 : vector<16xf32>
        %swap3A_151 = arith.index_cast %scan3A_43 : i32 to index
        %swap3A_152 = arith.constant 96 : index
        %swap3A_153 = tpu.vector_load %arg18[%swap3A_151, %swap3A_152] {strides = array<i32>} : memref<80x128xf32, #tpu.memory_space<vmem>>, vector<16xf32>,
        tpu.vector_store %arg18[%swap3A_151, %swap3A_152], %mul3A_150 {strides = array<i32>} : memref<80x128xf32, #tpu.memory_space<vmem>>, vector<16xf32>,
        %get3A_154 = arith.index_cast %scan3A_43 : i32 to index
        %get3A_155 = arith.constant 112 : index
        %get3A_156 = tpu.vector_load %arg19[%get3A_154, %get3A_155] {strides = array<i32>} : memref<80x128xf32, #tpu.memory_space<vmem>>, vector<16xf32>,
        %get3A_157 = arith.index_cast %scan3A_43 : i32 to index
        %get3A_158 = arith.constant 112 : index
        %get3A_159 = tpu.vector_load %arg20[%get3A_157, %get3A_158] {strides = array<i32>} : memref<80x128xf32, #tpu.memory_space<vmem>>, vector<16xf32>,
        %get3A_160 = arith.index_cast %scan3A_43 : i32 to index
        %get3A_161 = arith.constant 112 : index
        %get3A_162 = tpu.vector_load %arg18[%get3A_160, %get3A_161] {strides = array<i32>} : memref<80x128xf32, #tpu.memory_space<vmem>>, vector<16xf32>,
        %sub3A_163 = arith.subf %get3A_159, %get3A_156 : vector<16xf32>
        %mul3A_164 = arith.mulf %sub3A_163, %gather3A : vector<16xf32>
        %add3A_165 = arith.addf %get3A_156, %mul3A_164 : vector<16xf32>
        %mul3A_166 = arith.mulf %get3A_162, %add3A_165 : vector<16xf32>
        %swap3A_167 = arith.index_cast %scan3A_43 : i32 to index
        %swap3A_168 = arith.constant 112 : index
        %swap3A_169 = tpu.vector_load %arg18[%swap3A_167, %swap3A_168] {strides = array<i32>} : memref<80x128xf32, #tpu.memory_space<vmem>>, vector<16xf32>,
        tpu.vector_store %arg18[%swap3A_167, %swap3A_168], %mul3A_166 {strides = array<i32>} : memref<80x128xf32, #tpu.memory_space<vmem>>, vector<16xf32>,
        %scan3A_170 = arith.constant 0 : i32
        scf.yield %scan3A_170 : i32
      }
      %scan3A_41 = arith.constant 80 : i32
      "tpu.region"() ({
        %run_scoped3A = tpu.sem_alloc : memref<!tpu.dma_semaphore, #tpu.memory_space<semaphore_mem>>
        %dma_start3A_43 = arith.constant 0 : i32
        %dma_start3A_44 = arith.constant 0 : i32
        %dma_start3A_45 = tpu.memref_slice %arg13[%dma_start3A_43, %dma_start3A_44] : memref<10000x128xf32, #tpu.memory_space<vmem_shared>> -> memref<10000x128xf32, #tpu.memory_space<vmem_shared>>
        tpu.enqueue_indirect_dma source(%arg18 : memref<80x128xf32, #tpu.memory_space<vmem>>) target(%dma_start3A_45 : memref<10000x128xf32, #tpu.memory_space<vmem_shared>>) offsets(%arg15 : memref<80xi32, #tpu.memory_space<vmem>>) semaphore(%run_scoped3A : memref<!tpu.dma_semaphore, #tpu.memory_space<semaphore_mem>>) {add = true}
        %dma_wait3A_46 = arith.constant 0 : i32
        %dma_wait3A_47 = arith.constant 0 : i32
        %dma_wait3A_48 = tpu.memref_slice %arg13[%dma_wait3A_46, %dma_wait3A_47] : memref<10000x128xf32, #tpu.memory_space<vmem_shared>> -> memref<10000x128xf32, #tpu.memory_space<vmem_shared>>
        tpu.wait_indirect_dma semaphore(%run_scoped3A : memref<!tpu.dma_semaphore, #tpu.memory_space<semaphore_mem>>) src(%arg18 : memref<80x128xf32, #tpu.memory_space<vmem>>) dst(%dma_wait3A_48 : memref<10000x128xf32, #tpu.memory_space<vmem_shared>>)
        tpu.yield
      }) : () -> ()
      %scan3A_42 = arith.constant 0 : i32
      scf.yield %scan3A_42 : i32
    }
    %scan3A_10 = arith.constant 125 : i32
    %barrier3A_11 = arith.constant 0 : index
    tpu.barrier barrier_id(%barrier3A_11)
    %lt3A_12 = arith.constant 10 : i32
    %lt3A_13 = arith.cmpi slt, %arg1, %lt3A_12 : i32
    %convert_element_type3A_14 = arith.extui %lt3A_13 : i1 to i32
    %cond3A_15 = arith.constant 0 : i32
    %cond3A_16 = arith.cmpi ne, %convert_element_type3A_14, %cond3A_15 : i32
    scf.if %cond3A_16 {
      %mul3A_17 = arith.constant 1000 : i32
      %mul3A_18 = arith.muli %arg1, %mul3A_17 : i32
      "tpu.region"() ({
        %run_scoped3A = tpu.sem_alloc : memref<!tpu.dma_semaphore, #tpu.memory_space<semaphore_mem>>
        %dma_start3A = arith.constant 0 : i32
        %dma_start3A_19 = tpu.memref_slice %arg12[%arg0, %mul3A_18, %dma_start3A] : memref<2x10000x128xf32, #tpu.memory_space<hbm>> -> memref<1x1000x128xf32, #tpu.memory_space<hbm>>
        %dma_start3A_20 = tpu.memref_squeeze %dma_start3A_19 : memref<1x1000x128xf32, #tpu.memory_space<hbm>> -> memref<1000x128xf32, #tpu.memory_space<hbm>>
        %dma_start3A_21 = arith.constant 0 : i32
        %dma_start3A_22 = tpu.memref_slice %arg13[%mul3A_18, %dma_start3A_21] : memref<10000x128xf32, #tpu.memory_space<vmem_shared>> -> memref<1000x128xf32, #tpu.memory_space<vmem_shared>>
        tpu.enqueue_dma source(%dma_start3A_22 : memref<1000x128xf32, #tpu.memory_space<vmem_shared>>) target(%dma_start3A_20 : memref<1000x128xf32, #tpu.memory_space<hbm>>) target_semaphore(%run_scoped3A : memref<!tpu.dma_semaphore, #tpu.memory_space<semaphore_mem>>)
        %dma_wait3A = arith.constant 0 : i32
        %dma_wait3A_23 = tpu.memref_slice %arg12[%arg0, %mul3A_18, %dma_wait3A] : memref<2x10000x128xf32, #tpu.memory_space<hbm>> -> memref<1x1000x128xf32, #tpu.memory_space<hbm>>
        %dma_wait3A_24 = tpu.memref_squeeze %dma_wait3A_23 : memref<1x1000x128xf32, #tpu.memory_space<hbm>> -> memref<1000x128xf32, #tpu.memory_space<hbm>>
        %dma_wait3A_25 = arith.constant 0 : i32
        %dma_wait3A_26 = tpu.memref_slice %arg13[%mul3A_18, %dma_wait3A_25] : memref<10000x128xf32, #tpu.memory_space<vmem_shared>> -> memref<1000x128xf32, #tpu.memory_space<vmem_shared>>
        tpu.wait_dma2 semaphore(%run_scoped3A : memref<!tpu.dma_semaphore, #tpu.memory_space<semaphore_mem>>) src(%dma_wait3A_26 : memref<1000x128xf32, #tpu.memory_space<vmem_shared>>) dst(%dma_wait3A_24 : memref<1000x128xf32, #tpu.memory_space<hbm>>)
        tpu.yield
      }) : () -> ()
    } else {
    }
    return
  }
}

#map = affine_map<(d0, d1) -> (0)>
module attributes {stable_mosaic.version = 14 : i64} {
  func.func @body(%arg0: i32, %arg1: i32, %arg2: memref<10000xf32, #tpu.memory_space<hbm>>, %arg3: memref<10000xf32, #tpu.memory_space<hbm>>, %arg4: memref<10000xf32, #tpu.memory_space<hbm>>, %arg5: memref<4000xf32, #tpu.memory_space<hbm>>, %arg6: memref<4000xf32, #tpu.memory_space<hbm>>, %arg7: memref<4000xf32, #tpu.memory_space<hbm>>, %arg8: memref<8192xf32, #tpu.memory_space<hbm>>, %arg9: memref<320000xi32, #tpu.memory_space<hbm>>, %arg10: memref<320000xi32, #tpu.memory_space<hbm>>, %arg11: memref<163840xi32, #tpu.memory_space<hbm>>, %arg12: memref<163840xi32, #tpu.memory_space<hbm>>, %arg13: memref<320000xi32, #tpu.memory_space<hbm>>, %arg14: memref<320000xf32, #tpu.memory_space<hbm>>, %arg15: memref<320000xf32, #tpu.memory_space<hbm>>, %arg16: memref<320000xf32, #tpu.memory_space<hbm>>, %arg17: memref<320000xf32, #tpu.memory_space<hbm>>, %arg18: memref<163840xi32, #tpu.memory_space<hbm>>, %arg19: memref<163840xf32, #tpu.memory_space<hbm>>, %arg20: memref<10000xf32, #tpu.memory_space<vmem>>, %arg21: memref<10000xf32, #tpu.memory_space<vmem>>, %arg22: memref<10000xf32, #tpu.memory_space<vmem>>, %arg23: memref<4000xf32, #tpu.memory_space<vmem>>, %arg24: memref<4000xf32, #tpu.memory_space<vmem>>, %arg25: memref<4000xf32, #tpu.memory_space<vmem>>, %arg26: memref<8192xf32, #tpu.memory_space<vmem>>, %arg27: memref<80xi32, #tpu.memory_space<vmem>>, %arg28: memref<80xi32, #tpu.memory_space<vmem>>, %arg29: memref<80xi32, #tpu.memory_space<vmem>>, %arg30: memref<80xf32, #tpu.memory_space<vmem>>, %arg31: memref<80xf32, #tpu.memory_space<vmem>>, %arg32: memref<80xf32, #tpu.memory_space<vmem>>, %arg33: memref<80xf32, #tpu.memory_space<vmem>>, %arg34: memref<!tpu.dma_semaphore, #tpu.memory_space<semaphore_mem>>) attributes {dimension_semantics = [#tpu.dimension_semantics<core_parallel>, #tpu.dimension_semantics<subcore_parallel>], iteration_bounds = array<i64: 2, 16>, scalar_prefetch = 0 : i64, scratch_operands = 15 : i64, tpu.core_type = #tpu.core_type<sc_vector_subcore>, window_params = [{transform_indices = #map}, {transform_indices = #map}, {transform_indices = #map}, {transform_indices = #map}, {transform_indices = #map}, {transform_indices = #map}, {transform_indices = #map}, {transform_indices = #map}, {transform_indices = #map}, {transform_indices = #map}, {transform_indices = #map}, {transform_indices = #map}, {transform_indices = #map}, {transform_indices = #map}, {transform_indices = #map}, {transform_indices = #map}, {transform_indices = #map}, {transform_indices = #map}]} {
    "tpu.region"() ({
      %run_scoped3A = tpu.sem_alloc : memref<!tpu.dma_semaphore, #tpu.memory_space<semaphore_mem>>
      tpu.enqueue_dma source(%arg2 : memref<10000xf32, #tpu.memory_space<hbm>>) target(%arg20 : memref<10000xf32, #tpu.memory_space<vmem>>) target_semaphore(%run_scoped3A : memref<!tpu.dma_semaphore, #tpu.memory_space<semaphore_mem>>)
      tpu.wait_dma2 semaphore(%run_scoped3A : memref<!tpu.dma_semaphore, #tpu.memory_space<semaphore_mem>>) src(%arg2 : memref<10000xf32, #tpu.memory_space<hbm>>) dst(%arg20 : memref<10000xf32, #tpu.memory_space<vmem>>)
      tpu.yield
    }) : () -> ()
    "tpu.region"() ({
      %run_scoped3A = tpu.sem_alloc : memref<!tpu.dma_semaphore, #tpu.memory_space<semaphore_mem>>
      tpu.enqueue_dma source(%arg3 : memref<10000xf32, #tpu.memory_space<hbm>>) target(%arg21 : memref<10000xf32, #tpu.memory_space<vmem>>) target_semaphore(%run_scoped3A : memref<!tpu.dma_semaphore, #tpu.memory_space<semaphore_mem>>)
      tpu.wait_dma2 semaphore(%run_scoped3A : memref<!tpu.dma_semaphore, #tpu.memory_space<semaphore_mem>>) src(%arg3 : memref<10000xf32, #tpu.memory_space<hbm>>) dst(%arg21 : memref<10000xf32, #tpu.memory_space<vmem>>)
      tpu.yield
    }) : () -> ()
    "tpu.region"() ({
      %run_scoped3A = tpu.sem_alloc : memref<!tpu.dma_semaphore, #tpu.memory_space<semaphore_mem>>
      tpu.enqueue_dma source(%arg4 : memref<10000xf32, #tpu.memory_space<hbm>>) target(%arg22 : memref<10000xf32, #tpu.memory_space<vmem>>) target_semaphore(%run_scoped3A : memref<!tpu.dma_semaphore, #tpu.memory_space<semaphore_mem>>)
      tpu.wait_dma2 semaphore(%run_scoped3A : memref<!tpu.dma_semaphore, #tpu.memory_space<semaphore_mem>>) src(%arg4 : memref<10000xf32, #tpu.memory_space<hbm>>) dst(%arg22 : memref<10000xf32, #tpu.memory_space<vmem>>)
      tpu.yield
    }) : () -> ()
    "tpu.region"() ({
      %run_scoped3A = tpu.sem_alloc : memref<!tpu.dma_semaphore, #tpu.memory_space<semaphore_mem>>
      tpu.enqueue_dma source(%arg5 : memref<4000xf32, #tpu.memory_space<hbm>>) target(%arg23 : memref<4000xf32, #tpu.memory_space<vmem>>) target_semaphore(%run_scoped3A : memref<!tpu.dma_semaphore, #tpu.memory_space<semaphore_mem>>)
      tpu.wait_dma2 semaphore(%run_scoped3A : memref<!tpu.dma_semaphore, #tpu.memory_space<semaphore_mem>>) src(%arg5 : memref<4000xf32, #tpu.memory_space<hbm>>) dst(%arg23 : memref<4000xf32, #tpu.memory_space<vmem>>)
      tpu.yield
    }) : () -> ()
    "tpu.region"() ({
      %run_scoped3A = tpu.sem_alloc : memref<!tpu.dma_semaphore, #tpu.memory_space<semaphore_mem>>
      tpu.enqueue_dma source(%arg6 : memref<4000xf32, #tpu.memory_space<hbm>>) target(%arg24 : memref<4000xf32, #tpu.memory_space<vmem>>) target_semaphore(%run_scoped3A : memref<!tpu.dma_semaphore, #tpu.memory_space<semaphore_mem>>)
      tpu.wait_dma2 semaphore(%run_scoped3A : memref<!tpu.dma_semaphore, #tpu.memory_space<semaphore_mem>>) src(%arg6 : memref<4000xf32, #tpu.memory_space<hbm>>) dst(%arg24 : memref<4000xf32, #tpu.memory_space<vmem>>)
      tpu.yield
    }) : () -> ()
    "tpu.region"() ({
      %run_scoped3A = tpu.sem_alloc : memref<!tpu.dma_semaphore, #tpu.memory_space<semaphore_mem>>
      tpu.enqueue_dma source(%arg7 : memref<4000xf32, #tpu.memory_space<hbm>>) target(%arg25 : memref<4000xf32, #tpu.memory_space<vmem>>) target_semaphore(%run_scoped3A : memref<!tpu.dma_semaphore, #tpu.memory_space<semaphore_mem>>)
      tpu.wait_dma2 semaphore(%run_scoped3A : memref<!tpu.dma_semaphore, #tpu.memory_space<semaphore_mem>>) src(%arg7 : memref<4000xf32, #tpu.memory_space<hbm>>) dst(%arg25 : memref<4000xf32, #tpu.memory_space<vmem>>)
      tpu.yield
    }) : () -> ()
    "tpu.region"() ({
      %run_scoped3A = tpu.sem_alloc : memref<!tpu.dma_semaphore, #tpu.memory_space<semaphore_mem>>
      tpu.enqueue_dma source(%arg8 : memref<8192xf32, #tpu.memory_space<hbm>>) target(%arg26 : memref<8192xf32, #tpu.memory_space<vmem>>) target_semaphore(%run_scoped3A : memref<!tpu.dma_semaphore, #tpu.memory_space<semaphore_mem>>)
      tpu.wait_dma2 semaphore(%run_scoped3A : memref<!tpu.dma_semaphore, #tpu.memory_space<semaphore_mem>>) src(%arg8 : memref<8192xf32, #tpu.memory_space<hbm>>) dst(%arg26 : memref<8192xf32, #tpu.memory_space<vmem>>)
      tpu.yield
    }) : () -> ()
    %mul3A = arith.constant 16 : i32
    %mul3A_0 = arith.muli %arg0, %mul3A : i32
    %add3A = arith.addi %mul3A_0, %arg1 : i32
    %scan3A = arith.constant 0 : i32
    %scan3A_1 = arith.constant 0 : i32
    %scan3A_2 = arith.constant 125 : i32
    %scan3A_3 = arith.addi %scan3A_1, %scan3A_2 : i32
    %scan3A_4 = arith.constant 1 : i32
    %scan3A_5 = scf.for %scan3A_14 = %scan3A_1 to %scan3A_3 step %scan3A_4 iter_args(%scan3A_15 = %scan3A) -> (i32)  : i32 {
      %mul3A_16 = arith.constant 10000 : i32
      %mul3A_17 = arith.muli %add3A, %mul3A_16 : i32
      %mul3A_18 = arith.constant 80 : i32
      %mul3A_19 = arith.muli %scan3A_14, %mul3A_18 : i32
      %add3A_20 = arith.addi %mul3A_17, %mul3A_19 : i32
      "tpu.region"() ({
        %run_scoped3A = tpu.sem_alloc : memref<!tpu.dma_semaphore, #tpu.memory_space<semaphore_mem>>
        %dma_start3A = tpu.memref_slice %arg9[%add3A_20] : memref<320000xi32, #tpu.memory_space<hbm>> -> memref<80xi32, #tpu.memory_space<hbm>>
        %dma_start3A_499 = tpu.memref_slice %arg9[%add3A_20] : memref<320000xi32, #tpu.memory_space<hbm>> -> memref<80xi32, #tpu.memory_space<hbm>>
        tpu.enqueue_dma source(%dma_start3A_499 : memref<80xi32, #tpu.memory_space<hbm>>) target(%arg27 : memref<80xi32, #tpu.memory_space<vmem>>) target_semaphore(%run_scoped3A : memref<!tpu.dma_semaphore, #tpu.memory_space<semaphore_mem>>)
        %dma_wait3A = tpu.memref_slice %arg9[%add3A_20] : memref<320000xi32, #tpu.memory_space<hbm>> -> memref<80xi32, #tpu.memory_space<hbm>>
        %dma_wait3A_500 = tpu.memref_slice %arg9[%add3A_20] : memref<320000xi32, #tpu.memory_space<hbm>> -> memref<80xi32, #tpu.memory_space<hbm>>
        tpu.wait_dma2 semaphore(%run_scoped3A : memref<!tpu.dma_semaphore, #tpu.memory_space<semaphore_mem>>) src(%dma_wait3A_500 : memref<80xi32, #tpu.memory_space<hbm>>) dst(%arg27 : memref<80xi32, #tpu.memory_space<vmem>>)
        tpu.yield
      }) : () -> ()
      "tpu.region"() ({
        %run_scoped3A = tpu.sem_alloc : memref<!tpu.dma_semaphore, #tpu.memory_space<semaphore_mem>>
        %dma_start3A = tpu.memref_slice %arg10[%add3A_20] : memref<320000xi32, #tpu.memory_space<hbm>> -> memref<80xi32, #tpu.memory_space<hbm>>
        %dma_start3A_499 = tpu.memref_slice %arg10[%add3A_20] : memref<320000xi32, #tpu.memory_space<hbm>> -> memref<80xi32, #tpu.memory_space<hbm>>
        tpu.enqueue_dma source(%dma_start3A_499 : memref<80xi32, #tpu.memory_space<hbm>>) target(%arg28 : memref<80xi32, #tpu.memory_space<vmem>>) target_semaphore(%run_scoped3A : memref<!tpu.dma_semaphore, #tpu.memory_space<semaphore_mem>>)
        %dma_wait3A = tpu.memref_slice %arg10[%add3A_20] : memref<320000xi32, #tpu.memory_space<hbm>> -> memref<80xi32, #tpu.memory_space<hbm>>
        %dma_wait3A_500 = tpu.memref_slice %arg10[%add3A_20] : memref<320000xi32, #tpu.memory_space<hbm>> -> memref<80xi32, #tpu.memory_space<hbm>>
        tpu.wait_dma2 semaphore(%run_scoped3A : memref<!tpu.dma_semaphore, #tpu.memory_space<semaphore_mem>>) src(%dma_wait3A_500 : memref<80xi32, #tpu.memory_space<hbm>>) dst(%arg28 : memref<80xi32, #tpu.memory_space<vmem>>)
        tpu.yield
      }) : () -> ()
      %get3A = arith.constant 0 : index
      %get3A_21 = tpu.vector_load %arg27[%get3A] {strides = array<i32>} : memref<80xi32, #tpu.memory_space<vmem>>, vector<16xi32>,
      %get3A_22 = arith.constant 0 : index
      %get3A_23 = tpu.vector_load %arg28[%get3A_22] {strides = array<i32>} : memref<80xi32, #tpu.memory_space<vmem>>, vector<16xi32>,
      %gather3A = tpu.vector_load_idx %arg20[%get3A_21] : memref<10000xf32, #tpu.memory_space<vmem>>[vector<16xi32>], vector<16xf32>,
      %gather3A_24 = tpu.vector_load_idx %arg20[%get3A_23] : memref<10000xf32, #tpu.memory_space<vmem>>[vector<16xi32>], vector<16xf32>,
      %sub3A = arith.subf %gather3A, %gather3A_24 : vector<16xf32>
      %gather3A_25 = tpu.vector_load_idx %arg21[%get3A_21] : memref<10000xf32, #tpu.memory_space<vmem>>[vector<16xi32>], vector<16xf32>,
      %gather3A_26 = tpu.vector_load_idx %arg21[%get3A_23] : memref<10000xf32, #tpu.memory_space<vmem>>[vector<16xi32>], vector<16xf32>,
      %sub3A_27 = arith.subf %gather3A_25, %gather3A_26 : vector<16xf32>
      %gather3A_28 = tpu.vector_load_idx %arg22[%get3A_21] : memref<10000xf32, #tpu.memory_space<vmem>>[vector<16xi32>], vector<16xf32>,
      %gather3A_29 = tpu.vector_load_idx %arg22[%get3A_23] : memref<10000xf32, #tpu.memory_space<vmem>>[vector<16xi32>], vector<16xf32>,
      %sub3A_30 = arith.subf %gather3A_28, %gather3A_29 : vector<16xf32>
      %mul3A_31 = arith.mulf %sub3A, %sub3A : vector<16xf32>
      %mul3A_32 = arith.mulf %sub3A_27, %sub3A_27 : vector<16xf32>
      %add3A_33 = arith.addf %mul3A_31, %mul3A_32 : vector<16xf32>
      %mul3A_34 = arith.mulf %sub3A_30, %sub3A_30 : vector<16xf32>
      %add3A_35 = arith.addf %add3A_33, %mul3A_34 : vector<16xf32>
      %add3A_36 = arith.constant 9.99999997E-7 : f32
      %add3A_37 = vector.broadcast %add3A_36 : f32 to vector<16xf32>
      %add3A_38 = arith.addf %add3A_35, %add3A_37 : vector<16xf32>
      %bitcast3A = vector.bitcast %add3A_38 : vector<16xf32> to vector<16xi32>
      %shift_right_logical3A = arith.constant 1 : i32
      %shift_right_logical3A_39 = vector.broadcast %shift_right_logical3A : i32 to vector<16xi32>
      %shift_right_logical3A_40 = arith.shrui %bitcast3A, %shift_right_logical3A_39 : vector<16xi32>
      %sub3A_41 = arith.constant 1597463007 : i32
      %sub3A_42 = vector.broadcast %sub3A_41 : i32 to vector<16xi32>
      %sub3A_43 = arith.subi %sub3A_42, %shift_right_logical3A_40 : vector<16xi32>
      %bitcast3A_44 = vector.bitcast %sub3A_43 : vector<16xi32> to vector<16xf32>
      %mul3A_45 = arith.constant 5.000000e-01 : f32
      %mul3A_46 = vector.broadcast %mul3A_45 : f32 to vector<16xf32>
      %mul3A_47 = arith.mulf %mul3A_46, %add3A_38 : vector<16xf32>
      %mul3A_48 = arith.mulf %mul3A_47, %bitcast3A_44 : vector<16xf32>
      %mul3A_49 = arith.mulf %mul3A_48, %bitcast3A_44 : vector<16xf32>
      %sub3A_50 = arith.constant 1.500000e+00 : f32
      %sub3A_51 = vector.broadcast %sub3A_50 : f32 to vector<16xf32>
      %sub3A_52 = arith.subf %sub3A_51, %mul3A_49 : vector<16xf32>
      %mul3A_53 = arith.mulf %bitcast3A_44, %sub3A_52 : vector<16xf32>
      %mul3A_54 = arith.constant 5.000000e-01 : f32
      %mul3A_55 = vector.broadcast %mul3A_54 : f32 to vector<16xf32>
      %mul3A_56 = arith.mulf %mul3A_55, %add3A_38 : vector<16xf32>
      %mul3A_57 = arith.mulf %mul3A_56, %mul3A_53 : vector<16xf32>
      %mul3A_58 = arith.mulf %mul3A_57, %mul3A_53 : vector<16xf32>
      %sub3A_59 = arith.constant 1.500000e+00 : f32
      %sub3A_60 = vector.broadcast %sub3A_59 : f32 to vector<16xf32>
      %sub3A_61 = arith.subf %sub3A_60, %mul3A_58 : vector<16xf32>
      %mul3A_62 = arith.mulf %mul3A_53, %sub3A_61 : vector<16xf32>
      %mul3A_63 = arith.constant 5.000000e-01 : f32
      %mul3A_64 = vector.broadcast %mul3A_63 : f32 to vector<16xf32>
      %mul3A_65 = arith.mulf %mul3A_64, %add3A_38 : vector<16xf32>
      %mul3A_66 = arith.mulf %mul3A_65, %mul3A_62 : vector<16xf32>
      %mul3A_67 = arith.mulf %mul3A_66, %mul3A_62 : vector<16xf32>
      %sub3A_68 = arith.constant 1.500000e+00 : f32
      %sub3A_69 = vector.broadcast %sub3A_68 : f32 to vector<16xf32>
      %sub3A_70 = arith.subf %sub3A_69, %mul3A_67 : vector<16xf32>
      %mul3A_71 = arith.mulf %mul3A_62, %sub3A_70 : vector<16xf32>
      %mul3A_72 = arith.mulf %add3A_38, %mul3A_71 : vector<16xf32>
      %mul3A_73 = arith.constant 4.096000e+03 : f32
      %mul3A_74 = vector.broadcast %mul3A_73 : f32 to vector<16xf32>
      %mul3A_75 = arith.mulf %mul3A_72, %mul3A_74 : vector<16xf32>
      %min3A = arith.constant 32766.998 : f32
      %min3A_76 = vector.broadcast %min3A : f32 to vector<16xf32>
      %min3A_77 = arith.minimumf %mul3A_75, %min3A_76 : vector<16xf32>
      %convert_element_type3A = arith.fptosi %min3A_77 : vector<16xf32> to vector<16xi32>
      %swap3A = arith.constant 0 : index
      %swap3A_78 = tpu.vector_load %arg29[%swap3A] {strides = array<i32>} : memref<80xi32, #tpu.memory_space<vmem>>, vector<16xi32>,
      tpu.vector_store %arg29[%swap3A], %convert_element_type3A {strides = array<i32>} : memref<80xi32, #tpu.memory_space<vmem>>, vector<16xi32>,
      %convert_element_type3A_79 = arith.sitofp %convert_element_type3A : vector<16xi32> to vector<16xf32>
      %sub3A_80 = arith.subf %min3A_77, %convert_element_type3A_79 : vector<16xf32>
      %swap3A_81 = arith.constant 0 : index
      %swap3A_82 = tpu.vector_load %arg30[%swap3A_81] {strides = array<i32>} : memref<80xf32, #tpu.memory_space<vmem>>, vector<16xf32>,
      tpu.vector_store %arg30[%swap3A_81], %sub3A_80 {strides = array<i32>} : memref<80xf32, #tpu.memory_space<vmem>>, vector<16xf32>,
      %mul3A_83 = arith.constant 1.024000e+03 : f32
      %mul3A_84 = vector.broadcast %mul3A_83 : f32 to vector<16xf32>
      %mul3A_85 = arith.mulf %mul3A_72, %mul3A_84 : vector<16xf32>
      %min3A_86 = arith.constant 8190.99902 : f32
      %min3A_87 = vector.broadcast %min3A_86 : f32 to vector<16xf32>
      %min3A_88 = arith.minimumf %mul3A_85, %min3A_87 : vector<16xf32>
      %convert_element_type3A_89 = arith.fptosi %min3A_88 : vector<16xf32> to vector<16xi32>
      %convert_element_type3A_90 = arith.sitofp %convert_element_type3A_89 : vector<16xi32> to vector<16xf32>
      %sub3A_91 = arith.subf %min3A_88, %convert_element_type3A_90 : vector<16xf32>
      %gather3A_92 = tpu.vector_load_idx %arg26[%convert_element_type3A_89] : memref<8192xf32, #tpu.memory_space<vmem>>[vector<16xi32>], vector<16xf32>,
      %add3A_93 = arith.constant 1 : i32
      %add3A_94 = vector.broadcast %add3A_93 : i32 to vector<16xi32>
      %add3A_95 = arith.addi %convert_element_type3A_89, %add3A_94 : vector<16xi32>
      %gather3A_96 = tpu.vector_load_idx %arg26[%add3A_95] : memref<8192xf32, #tpu.memory_space<vmem>>[vector<16xi32>], vector<16xf32>,
      %sub3A_97 = arith.subf %gather3A_96, %gather3A_92 : vector<16xf32>
      %mul3A_98 = arith.mulf %sub3A_97, %sub3A_91 : vector<16xf32>
      %add3A_99 = arith.addf %gather3A_92, %mul3A_98 : vector<16xf32>
      %mul3A_100 = arith.mulf %add3A_99, %mul3A_71 : vector<16xf32>
      %mul3A_101 = arith.mulf %sub3A, %mul3A_100 : vector<16xf32>
      %swap3A_102 = arith.constant 0 : index
      %swap3A_103 = tpu.vector_load %arg31[%swap3A_102] {strides = array<i32>} : memref<80xf32, #tpu.memory_space<vmem>>, vector<16xf32>,
      tpu.vector_store %arg31[%swap3A_102], %mul3A_101 {strides = array<i32>} : memref<80xf32, #tpu.memory_space<vmem>>, vector<16xf32>,
      %mul3A_104 = arith.mulf %sub3A_27, %mul3A_100 : vector<16xf32>
      %swap3A_105 = arith.constant 0 : index
      %swap3A_106 = tpu.vector_load %arg32[%swap3A_105] {strides = array<i32>} : memref<80xf32, #tpu.memory_space<vmem>>, vector<16xf32>,
      tpu.vector_store %arg32[%swap3A_105], %mul3A_104 {strides = array<i32>} : memref<80xf32, #tpu.memory_space<vmem>>, vector<16xf32>,
      %mul3A_107 = arith.mulf %sub3A_30, %mul3A_100 : vector<16xf32>
      %swap3A_108 = arith.constant 0 : index
      %swap3A_109 = tpu.vector_load %arg33[%swap3A_108] {strides = array<i32>} : memref<80xf32, #tpu.memory_space<vmem>>, vector<16xf32>,
      tpu.vector_store %arg33[%swap3A_108], %mul3A_107 {strides = array<i32>} : memref<80xf32, #tpu.memory_space<vmem>>, vector<16xf32>,
      %get3A_110 = arith.constant 16 : index
      %get3A_111 = tpu.vector_load %arg27[%get3A_110] {strides = array<i32>} : memref<80xi32, #tpu.memory_space<vmem>>, vector<16xi32>,
      %get3A_112 = arith.constant 16 : index
      %get3A_113 = tpu.vector_load %arg28[%get3A_112] {strides = array<i32>} : memref<80xi32, #tpu.memory_space<vmem>>, vector<16xi32>,
      %gather3A_114 = tpu.vector_load_idx %arg20[%get3A_111] : memref<10000xf32, #tpu.memory_space<vmem>>[vector<16xi32>], vector<16xf32>,
      %gather3A_115 = tpu.vector_load_idx %arg20[%get3A_113] : memref<10000xf32, #tpu.memory_space<vmem>>[vector<16xi32>], vector<16xf32>,
      %sub3A_116 = arith.subf %gather3A_114, %gather3A_115 : vector<16xf32>
      %gather3A_117 = tpu.vector_load_idx %arg21[%get3A_111] : memref<10000xf32, #tpu.memory_space<vmem>>[vector<16xi32>], vector<16xf32>,
      %gather3A_118 = tpu.vector_load_idx %arg21[%get3A_113] : memref<10000xf32, #tpu.memory_space<vmem>>[vector<16xi32>], vector<16xf32>,
      %sub3A_119 = arith.subf %gather3A_117, %gather3A_118 : vector<16xf32>
      %gather3A_120 = tpu.vector_load_idx %arg22[%get3A_111] : memref<10000xf32, #tpu.memory_space<vmem>>[vector<16xi32>], vector<16xf32>,
      %gather3A_121 = tpu.vector_load_idx %arg22[%get3A_113] : memref<10000xf32, #tpu.memory_space<vmem>>[vector<16xi32>], vector<16xf32>,
      %sub3A_122 = arith.subf %gather3A_120, %gather3A_121 : vector<16xf32>
      %mul3A_123 = arith.mulf %sub3A_116, %sub3A_116 : vector<16xf32>
      %mul3A_124 = arith.mulf %sub3A_119, %sub3A_119 : vector<16xf32>
      %add3A_125 = arith.addf %mul3A_123, %mul3A_124 : vector<16xf32>
      %mul3A_126 = arith.mulf %sub3A_122, %sub3A_122 : vector<16xf32>
      %add3A_127 = arith.addf %add3A_125, %mul3A_126 : vector<16xf32>
      %add3A_128 = arith.constant 9.99999997E-7 : f32
      %add3A_129 = vector.broadcast %add3A_128 : f32 to vector<16xf32>
      %add3A_130 = arith.addf %add3A_127, %add3A_129 : vector<16xf32>
      %bitcast3A_131 = vector.bitcast %add3A_130 : vector<16xf32> to vector<16xi32>
      %shift_right_logical3A_132 = arith.constant 1 : i32
      %shift_right_logical3A_133 = vector.broadcast %shift_right_logical3A_132 : i32 to vector<16xi32>
      %shift_right_logical3A_134 = arith.shrui %bitcast3A_131, %shift_right_logical3A_133 : vector<16xi32>
      %sub3A_135 = arith.constant 1597463007 : i32
      %sub3A_136 = vector.broadcast %sub3A_135 : i32 to vector<16xi32>
      %sub3A_137 = arith.subi %sub3A_136, %shift_right_logical3A_134 : vector<16xi32>
      %bitcast3A_138 = vector.bitcast %sub3A_137 : vector<16xi32> to vector<16xf32>
      %mul3A_139 = arith.constant 5.000000e-01 : f32
      %mul3A_140 = vector.broadcast %mul3A_139 : f32 to vector<16xf32>
      %mul3A_141 = arith.mulf %mul3A_140, %add3A_130 : vector<16xf32>
      %mul3A_142 = arith.mulf %mul3A_141, %bitcast3A_138 : vector<16xf32>
      %mul3A_143 = arith.mulf %mul3A_142, %bitcast3A_138 : vector<16xf32>
      %sub3A_144 = arith.constant 1.500000e+00 : f32
      %sub3A_145 = vector.broadcast %sub3A_144 : f32 to vector<16xf32>
      %sub3A_146 = arith.subf %sub3A_145, %mul3A_143 : vector<16xf32>
      %mul3A_147 = arith.mulf %bitcast3A_138, %sub3A_146 : vector<16xf32>
      %mul3A_148 = arith.constant 5.000000e-01 : f32
      %mul3A_149 = vector.broadcast %mul3A_148 : f32 to vector<16xf32>
      %mul3A_150 = arith.mulf %mul3A_149, %add3A_130 : vector<16xf32>
      %mul3A_151 = arith.mulf %mul3A_150, %mul3A_147 : vector<16xf32>
      %mul3A_152 = arith.mulf %mul3A_151, %mul3A_147 : vector<16xf32>
      %sub3A_153 = arith.constant 1.500000e+00 : f32
      %sub3A_154 = vector.broadcast %sub3A_153 : f32 to vector<16xf32>
      %sub3A_155 = arith.subf %sub3A_154, %mul3A_152 : vector<16xf32>
      %mul3A_156 = arith.mulf %mul3A_147, %sub3A_155 : vector<16xf32>
      %mul3A_157 = arith.constant 5.000000e-01 : f32
      %mul3A_158 = vector.broadcast %mul3A_157 : f32 to vector<16xf32>
      %mul3A_159 = arith.mulf %mul3A_158, %add3A_130 : vector<16xf32>
      %mul3A_160 = arith.mulf %mul3A_159, %mul3A_156 : vector<16xf32>
      %mul3A_161 = arith.mulf %mul3A_160, %mul3A_156 : vector<16xf32>
      %sub3A_162 = arith.constant 1.500000e+00 : f32
      %sub3A_163 = vector.broadcast %sub3A_162 : f32 to vector<16xf32>
      %sub3A_164 = arith.subf %sub3A_163, %mul3A_161 : vector<16xf32>
      %mul3A_165 = arith.mulf %mul3A_156, %sub3A_164 : vector<16xf32>
      %mul3A_166 = arith.mulf %add3A_130, %mul3A_165 : vector<16xf32>
      %mul3A_167 = arith.constant 4.096000e+03 : f32
      %mul3A_168 = vector.broadcast %mul3A_167 : f32 to vector<16xf32>
      %mul3A_169 = arith.mulf %mul3A_166, %mul3A_168 : vector<16xf32>
      %min3A_170 = arith.constant 32766.998 : f32
      %min3A_171 = vector.broadcast %min3A_170 : f32 to vector<16xf32>
      %min3A_172 = arith.minimumf %mul3A_169, %min3A_171 : vector<16xf32>
      %convert_element_type3A_173 = arith.fptosi %min3A_172 : vector<16xf32> to vector<16xi32>
      %swap3A_174 = arith.constant 16 : index
      %swap3A_175 = tpu.vector_load %arg29[%swap3A_174] {strides = array<i32>} : memref<80xi32, #tpu.memory_space<vmem>>, vector<16xi32>,
      tpu.vector_store %arg29[%swap3A_174], %convert_element_type3A_173 {strides = array<i32>} : memref<80xi32, #tpu.memory_space<vmem>>, vector<16xi32>,
      %convert_element_type3A_176 = arith.sitofp %convert_element_type3A_173 : vector<16xi32> to vector<16xf32>
      %sub3A_177 = arith.subf %min3A_172, %convert_element_type3A_176 : vector<16xf32>
      %swap3A_178 = arith.constant 16 : index
      %swap3A_179 = tpu.vector_load %arg30[%swap3A_178] {strides = array<i32>} : memref<80xf32, #tpu.memory_space<vmem>>, vector<16xf32>,
      tpu.vector_store %arg30[%swap3A_178], %sub3A_177 {strides = array<i32>} : memref<80xf32, #tpu.memory_space<vmem>>, vector<16xf32>,
      %mul3A_180 = arith.constant 1.024000e+03 : f32
      %mul3A_181 = vector.broadcast %mul3A_180 : f32 to vector<16xf32>
      %mul3A_182 = arith.mulf %mul3A_166, %mul3A_181 : vector<16xf32>
      %min3A_183 = arith.constant 8190.99902 : f32
      %min3A_184 = vector.broadcast %min3A_183 : f32 to vector<16xf32>
      %min3A_185 = arith.minimumf %mul3A_182, %min3A_184 : vector<16xf32>
      %convert_element_type3A_186 = arith.fptosi %min3A_185 : vector<16xf32> to vector<16xi32>
      %convert_element_type3A_187 = arith.sitofp %convert_element_type3A_186 : vector<16xi32> to vector<16xf32>
      %sub3A_188 = arith.subf %min3A_185, %convert_element_type3A_187 : vector<16xf32>
      %gather3A_189 = tpu.vector_load_idx %arg26[%convert_element_type3A_186] : memref<8192xf32, #tpu.memory_space<vmem>>[vector<16xi32>], vector<16xf32>,
      %add3A_190 = arith.constant 1 : i32
      %add3A_191 = vector.broadcast %add3A_190 : i32 to vector<16xi32>
      %add3A_192 = arith.addi %convert_element_type3A_186, %add3A_191 : vector<16xi32>
      %gather3A_193 = tpu.vector_load_idx %arg26[%add3A_192] : memref<8192xf32, #tpu.memory_space<vmem>>[vector<16xi32>], vector<16xf32>,
      %sub3A_194 = arith.subf %gather3A_193, %gather3A_189 : vector<16xf32>
      %mul3A_195 = arith.mulf %sub3A_194, %sub3A_188 : vector<16xf32>
      %add3A_196 = arith.addf %gather3A_189, %mul3A_195 : vector<16xf32>
      %mul3A_197 = arith.mulf %add3A_196, %mul3A_165 : vector<16xf32>
      %mul3A_198 = arith.mulf %sub3A_116, %mul3A_197 : vector<16xf32>
      %swap3A_199 = arith.constant 16 : index
      %swap3A_200 = tpu.vector_load %arg31[%swap3A_199] {strides = array<i32>} : memref<80xf32, #tpu.memory_space<vmem>>, vector<16xf32>,
      tpu.vector_store %arg31[%swap3A_199], %mul3A_198 {strides = array<i32>} : memref<80xf32, #tpu.memory_space<vmem>>, vector<16xf32>,
      %mul3A_201 = arith.mulf %sub3A_119, %mul3A_197 : vector<16xf32>
      %swap3A_202 = arith.constant 16 : index
      %swap3A_203 = tpu.vector_load %arg32[%swap3A_202] {strides = array<i32>} : memref<80xf32, #tpu.memory_space<vmem>>, vector<16xf32>,
      tpu.vector_store %arg32[%swap3A_202], %mul3A_201 {strides = array<i32>} : memref<80xf32, #tpu.memory_space<vmem>>, vector<16xf32>,
      %mul3A_204 = arith.mulf %sub3A_122, %mul3A_197 : vector<16xf32>
      %swap3A_205 = arith.constant 16 : index
      %swap3A_206 = tpu.vector_load %arg33[%swap3A_205] {strides = array<i32>} : memref<80xf32, #tpu.memory_space<vmem>>, vector<16xf32>,
      tpu.vector_store %arg33[%swap3A_205], %mul3A_204 {strides = array<i32>} : memref<80xf32, #tpu.memory_space<vmem>>, vector<16xf32>,
      %get3A_207 = arith.constant 32 : index
      %get3A_208 = tpu.vector_load %arg27[%get3A_207] {strides = array<i32>} : memref<80xi32, #tpu.memory_space<vmem>>, vector<16xi32>,
      %get3A_209 = arith.constant 32 : index
      %get3A_210 = tpu.vector_load %arg28[%get3A_209] {strides = array<i32>} : memref<80xi32, #tpu.memory_space<vmem>>, vector<16xi32>,
      %gather3A_211 = tpu.vector_load_idx %arg20[%get3A_208] : memref<10000xf32, #tpu.memory_space<vmem>>[vector<16xi32>], vector<16xf32>,
      %gather3A_212 = tpu.vector_load_idx %arg20[%get3A_210] : memref<10000xf32, #tpu.memory_space<vmem>>[vector<16xi32>], vector<16xf32>,
      %sub3A_213 = arith.subf %gather3A_211, %gather3A_212 : vector<16xf32>
      %gather3A_214 = tpu.vector_load_idx %arg21[%get3A_208] : memref<10000xf32, #tpu.memory_space<vmem>>[vector<16xi32>], vector<16xf32>,
      %gather3A_215 = tpu.vector_load_idx %arg21[%get3A_210] : memref<10000xf32, #tpu.memory_space<vmem>>[vector<16xi32>], vector<16xf32>,
      %sub3A_216 = arith.subf %gather3A_214, %gather3A_215 : vector<16xf32>
      %gather3A_217 = tpu.vector_load_idx %arg22[%get3A_208] : memref<10000xf32, #tpu.memory_space<vmem>>[vector<16xi32>], vector<16xf32>,
      %gather3A_218 = tpu.vector_load_idx %arg22[%get3A_210] : memref<10000xf32, #tpu.memory_space<vmem>>[vector<16xi32>], vector<16xf32>,
      %sub3A_219 = arith.subf %gather3A_217, %gather3A_218 : vector<16xf32>
      %mul3A_220 = arith.mulf %sub3A_213, %sub3A_213 : vector<16xf32>
      %mul3A_221 = arith.mulf %sub3A_216, %sub3A_216 : vector<16xf32>
      %add3A_222 = arith.addf %mul3A_220, %mul3A_221 : vector<16xf32>
      %mul3A_223 = arith.mulf %sub3A_219, %sub3A_219 : vector<16xf32>
      %add3A_224 = arith.addf %add3A_222, %mul3A_223 : vector<16xf32>
      %add3A_225 = arith.constant 9.99999997E-7 : f32
      %add3A_226 = vector.broadcast %add3A_225 : f32 to vector<16xf32>
      %add3A_227 = arith.addf %add3A_224, %add3A_226 : vector<16xf32>
      %bitcast3A_228 = vector.bitcast %add3A_227 : vector<16xf32> to vector<16xi32>
      %shift_right_logical3A_229 = arith.constant 1 : i32
      %shift_right_logical3A_230 = vector.broadcast %shift_right_logical3A_229 : i32 to vector<16xi32>
      %shift_right_logical3A_231 = arith.shrui %bitcast3A_228, %shift_right_logical3A_230 : vector<16xi32>
      %sub3A_232 = arith.constant 1597463007 : i32
      %sub3A_233 = vector.broadcast %sub3A_232 : i32 to vector<16xi32>
      %sub3A_234 = arith.subi %sub3A_233, %shift_right_logical3A_231 : vector<16xi32>
      %bitcast3A_235 = vector.bitcast %sub3A_234 : vector<16xi32> to vector<16xf32>
      %mul3A_236 = arith.constant 5.000000e-01 : f32
      %mul3A_237 = vector.broadcast %mul3A_236 : f32 to vector<16xf32>
      %mul3A_238 = arith.mulf %mul3A_237, %add3A_227 : vector<16xf32>
      %mul3A_239 = arith.mulf %mul3A_238, %bitcast3A_235 : vector<16xf32>
      %mul3A_240 = arith.mulf %mul3A_239, %bitcast3A_235 : vector<16xf32>
      %sub3A_241 = arith.constant 1.500000e+00 : f32
      %sub3A_242 = vector.broadcast %sub3A_241 : f32 to vector<16xf32>
      %sub3A_243 = arith.subf %sub3A_242, %mul3A_240 : vector<16xf32>
      %mul3A_244 = arith.mulf %bitcast3A_235, %sub3A_243 : vector<16xf32>
      %mul3A_245 = arith.constant 5.000000e-01 : f32
      %mul3A_246 = vector.broadcast %mul3A_245 : f32 to vector<16xf32>
      %mul3A_247 = arith.mulf %mul3A_246, %add3A_227 : vector<16xf32>
      %mul3A_248 = arith.mulf %mul3A_247, %mul3A_244 : vector<16xf32>
      %mul3A_249 = arith.mulf %mul3A_248, %mul3A_244 : vector<16xf32>
      %sub3A_250 = arith.constant 1.500000e+00 : f32
      %sub3A_251 = vector.broadcast %sub3A_250 : f32 to vector<16xf32>
      %sub3A_252 = arith.subf %sub3A_251, %mul3A_249 : vector<16xf32>
      %mul3A_253 = arith.mulf %mul3A_244, %sub3A_252 : vector<16xf32>
      %mul3A_254 = arith.constant 5.000000e-01 : f32
      %mul3A_255 = vector.broadcast %mul3A_254 : f32 to vector<16xf32>
      %mul3A_256 = arith.mulf %mul3A_255, %add3A_227 : vector<16xf32>
      %mul3A_257 = arith.mulf %mul3A_256, %mul3A_253 : vector<16xf32>
      %mul3A_258 = arith.mulf %mul3A_257, %mul3A_253 : vector<16xf32>
      %sub3A_259 = arith.constant 1.500000e+00 : f32
      %sub3A_260 = vector.broadcast %sub3A_259 : f32 to vector<16xf32>
      %sub3A_261 = arith.subf %sub3A_260, %mul3A_258 : vector<16xf32>
      %mul3A_262 = arith.mulf %mul3A_253, %sub3A_261 : vector<16xf32>
      %mul3A_263 = arith.mulf %add3A_227, %mul3A_262 : vector<16xf32>
      %mul3A_264 = arith.constant 4.096000e+03 : f32
      %mul3A_265 = vector.broadcast %mul3A_264 : f32 to vector<16xf32>
      %mul3A_266 = arith.mulf %mul3A_263, %mul3A_265 : vector<16xf32>
      %min3A_267 = arith.constant 32766.998 : f32
      %min3A_268 = vector.broadcast %min3A_267 : f32 to vector<16xf32>
      %min3A_269 = arith.minimumf %mul3A_266, %min3A_268 : vector<16xf32>
      %convert_element_type3A_270 = arith.fptosi %min3A_269 : vector<16xf32> to vector<16xi32>
      %swap3A_271 = arith.constant 32 : index
      %swap3A_272 = tpu.vector_load %arg29[%swap3A_271] {strides = array<i32>} : memref<80xi32, #tpu.memory_space<vmem>>, vector<16xi32>,
      tpu.vector_store %arg29[%swap3A_271], %convert_element_type3A_270 {strides = array<i32>} : memref<80xi32, #tpu.memory_space<vmem>>, vector<16xi32>,
      %convert_element_type3A_273 = arith.sitofp %convert_element_type3A_270 : vector<16xi32> to vector<16xf32>
      %sub3A_274 = arith.subf %min3A_269, %convert_element_type3A_273 : vector<16xf32>
      %swap3A_275 = arith.constant 32 : index
      %swap3A_276 = tpu.vector_load %arg30[%swap3A_275] {strides = array<i32>} : memref<80xf32, #tpu.memory_space<vmem>>, vector<16xf32>,
      tpu.vector_store %arg30[%swap3A_275], %sub3A_274 {strides = array<i32>} : memref<80xf32, #tpu.memory_space<vmem>>, vector<16xf32>,
      %mul3A_277 = arith.constant 1.024000e+03 : f32
      %mul3A_278 = vector.broadcast %mul3A_277 : f32 to vector<16xf32>
      %mul3A_279 = arith.mulf %mul3A_263, %mul3A_278 : vector<16xf32>
      %min3A_280 = arith.constant 8190.99902 : f32
      %min3A_281 = vector.broadcast %min3A_280 : f32 to vector<16xf32>
      %min3A_282 = arith.minimumf %mul3A_279, %min3A_281 : vector<16xf32>
      %convert_element_type3A_283 = arith.fptosi %min3A_282 : vector<16xf32> to vector<16xi32>
      %convert_element_type3A_284 = arith.sitofp %convert_element_type3A_283 : vector<16xi32> to vector<16xf32>
      %sub3A_285 = arith.subf %min3A_282, %convert_element_type3A_284 : vector<16xf32>
      %gather3A_286 = tpu.vector_load_idx %arg26[%convert_element_type3A_283] : memref<8192xf32, #tpu.memory_space<vmem>>[vector<16xi32>], vector<16xf32>,
      %add3A_287 = arith.constant 1 : i32
      %add3A_288 = vector.broadcast %add3A_287 : i32 to vector<16xi32>
      %add3A_289 = arith.addi %convert_element_type3A_283, %add3A_288 : vector<16xi32>
      %gather3A_290 = tpu.vector_load_idx %arg26[%add3A_289] : memref<8192xf32, #tpu.memory_space<vmem>>[vector<16xi32>], vector<16xf32>,
      %sub3A_291 = arith.subf %gather3A_290, %gather3A_286 : vector<16xf32>
      %mul3A_292 = arith.mulf %sub3A_291, %sub3A_285 : vector<16xf32>
      %add3A_293 = arith.addf %gather3A_286, %mul3A_292 : vector<16xf32>
      %mul3A_294 = arith.mulf %add3A_293, %mul3A_262 : vector<16xf32>
      %mul3A_295 = arith.mulf %sub3A_213, %mul3A_294 : vector<16xf32>
      %swap3A_296 = arith.constant 32 : index
      %swap3A_297 = tpu.vector_load %arg31[%swap3A_296] {strides = array<i32>} : memref<80xf32, #tpu.memory_space<vmem>>, vector<16xf32>,
      tpu.vector_store %arg31[%swap3A_296], %mul3A_295 {strides = array<i32>} : memref<80xf32, #tpu.memory_space<vmem>>, vector<16xf32>,
      %mul3A_298 = arith.mulf %sub3A_216, %mul3A_294 : vector<16xf32>
      %swap3A_299 = arith.constant 32 : index
      %swap3A_300 = tpu.vector_load %arg32[%swap3A_299] {strides = array<i32>} : memref<80xf32, #tpu.memory_space<vmem>>, vector<16xf32>,
      tpu.vector_store %arg32[%swap3A_299], %mul3A_298 {strides = array<i32>} : memref<80xf32, #tpu.memory_space<vmem>>, vector<16xf32>,
      %mul3A_301 = arith.mulf %sub3A_219, %mul3A_294 : vector<16xf32>
      %swap3A_302 = arith.constant 32 : index
      %swap3A_303 = tpu.vector_load %arg33[%swap3A_302] {strides = array<i32>} : memref<80xf32, #tpu.memory_space<vmem>>, vector<16xf32>,
      tpu.vector_store %arg33[%swap3A_302], %mul3A_301 {strides = array<i32>} : memref<80xf32, #tpu.memory_space<vmem>>, vector<16xf32>,
      %get3A_304 = arith.constant 48 : index
      %get3A_305 = tpu.vector_load %arg27[%get3A_304] {strides = array<i32>} : memref<80xi32, #tpu.memory_space<vmem>>, vector<16xi32>,
      %get3A_306 = arith.constant 48 : index
      %get3A_307 = tpu.vector_load %arg28[%get3A_306] {strides = array<i32>} : memref<80xi32, #tpu.memory_space<vmem>>, vector<16xi32>,
      %gather3A_308 = tpu.vector_load_idx %arg20[%get3A_305] : memref<10000xf32, #tpu.memory_space<vmem>>[vector<16xi32>], vector<16xf32>,
      %gather3A_309 = tpu.vector_load_idx %arg20[%get3A_307] : memref<10000xf32, #tpu.memory_space<vmem>>[vector<16xi32>], vector<16xf32>,
      %sub3A_310 = arith.subf %gather3A_308, %gather3A_309 : vector<16xf32>
      %gather3A_311 = tpu.vector_load_idx %arg21[%get3A_305] : memref<10000xf32, #tpu.memory_space<vmem>>[vector<16xi32>], vector<16xf32>,
      %gather3A_312 = tpu.vector_load_idx %arg21[%get3A_307] : memref<10000xf32, #tpu.memory_space<vmem>>[vector<16xi32>], vector<16xf32>,
      %sub3A_313 = arith.subf %gather3A_311, %gather3A_312 : vector<16xf32>
      %gather3A_314 = tpu.vector_load_idx %arg22[%get3A_305] : memref<10000xf32, #tpu.memory_space<vmem>>[vector<16xi32>], vector<16xf32>,
      %gather3A_315 = tpu.vector_load_idx %arg22[%get3A_307] : memref<10000xf32, #tpu.memory_space<vmem>>[vector<16xi32>], vector<16xf32>,
      %sub3A_316 = arith.subf %gather3A_314, %gather3A_315 : vector<16xf32>
      %mul3A_317 = arith.mulf %sub3A_310, %sub3A_310 : vector<16xf32>
      %mul3A_318 = arith.mulf %sub3A_313, %sub3A_313 : vector<16xf32>
      %add3A_319 = arith.addf %mul3A_317, %mul3A_318 : vector<16xf32>
      %mul3A_320 = arith.mulf %sub3A_316, %sub3A_316 : vector<16xf32>
      %add3A_321 = arith.addf %add3A_319, %mul3A_320 : vector<16xf32>
      %add3A_322 = arith.constant 9.99999997E-7 : f32
      %add3A_323 = vector.broadcast %add3A_322 : f32 to vector<16xf32>
      %add3A_324 = arith.addf %add3A_321, %add3A_323 : vector<16xf32>
      %bitcast3A_325 = vector.bitcast %add3A_324 : vector<16xf32> to vector<16xi32>
      %shift_right_logical3A_326 = arith.constant 1 : i32
      %shift_right_logical3A_327 = vector.broadcast %shift_right_logical3A_326 : i32 to vector<16xi32>
      %shift_right_logical3A_328 = arith.shrui %bitcast3A_325, %shift_right_logical3A_327 : vector<16xi32>
      %sub3A_329 = arith.constant 1597463007 : i32
      %sub3A_330 = vector.broadcast %sub3A_329 : i32 to vector<16xi32>
      %sub3A_331 = arith.subi %sub3A_330, %shift_right_logical3A_328 : vector<16xi32>
      %bitcast3A_332 = vector.bitcast %sub3A_331 : vector<16xi32> to vector<16xf32>
      %mul3A_333 = arith.constant 5.000000e-01 : f32
      %mul3A_334 = vector.broadcast %mul3A_333 : f32 to vector<16xf32>
      %mul3A_335 = arith.mulf %mul3A_334, %add3A_324 : vector<16xf32>
      %mul3A_336 = arith.mulf %mul3A_335, %bitcast3A_332 : vector<16xf32>
      %mul3A_337 = arith.mulf %mul3A_336, %bitcast3A_332 : vector<16xf32>
      %sub3A_338 = arith.constant 1.500000e+00 : f32
      %sub3A_339 = vector.broadcast %sub3A_338 : f32 to vector<16xf32>
      %sub3A_340 = arith.subf %sub3A_339, %mul3A_337 : vector<16xf32>
      %mul3A_341 = arith.mulf %bitcast3A_332, %sub3A_340 : vector<16xf32>
      %mul3A_342 = arith.constant 5.000000e-01 : f32
      %mul3A_343 = vector.broadcast %mul3A_342 : f32 to vector<16xf32>
      %mul3A_344 = arith.mulf %mul3A_343, %add3A_324 : vector<16xf32>
      %mul3A_345 = arith.mulf %mul3A_344, %mul3A_341 : vector<16xf32>
      %mul3A_346 = arith.mulf %mul3A_345, %mul3A_341 : vector<16xf32>
      %sub3A_347 = arith.constant 1.500000e+00 : f32
      %sub3A_348 = vector.broadcast %sub3A_347 : f32 to vector<16xf32>
      %sub3A_349 = arith.subf %sub3A_348, %mul3A_346 : vector<16xf32>
      %mul3A_350 = arith.mulf %mul3A_341, %sub3A_349 : vector<16xf32>
      %mul3A_351 = arith.constant 5.000000e-01 : f32
      %mul3A_352 = vector.broadcast %mul3A_351 : f32 to vector<16xf32>
      %mul3A_353 = arith.mulf %mul3A_352, %add3A_324 : vector<16xf32>
      %mul3A_354 = arith.mulf %mul3A_353, %mul3A_350 : vector<16xf32>
      %mul3A_355 = arith.mulf %mul3A_354, %mul3A_350 : vector<16xf32>
      %sub3A_356 = arith.constant 1.500000e+00 : f32
      %sub3A_357 = vector.broadcast %sub3A_356 : f32 to vector<16xf32>
      %sub3A_358 = arith.subf %sub3A_357, %mul3A_355 : vector<16xf32>
      %mul3A_359 = arith.mulf %mul3A_350, %sub3A_358 : vector<16xf32>
      %mul3A_360 = arith.mulf %add3A_324, %mul3A_359 : vector<16xf32>
      %mul3A_361 = arith.constant 4.096000e+03 : f32
      %mul3A_362 = vector.broadcast %mul3A_361 : f32 to vector<16xf32>
      %mul3A_363 = arith.mulf %mul3A_360, %mul3A_362 : vector<16xf32>
      %min3A_364 = arith.constant 32766.998 : f32
      %min3A_365 = vector.broadcast %min3A_364 : f32 to vector<16xf32>
      %min3A_366 = arith.minimumf %mul3A_363, %min3A_365 : vector<16xf32>
      %convert_element_type3A_367 = arith.fptosi %min3A_366 : vector<16xf32> to vector<16xi32>
      %swap3A_368 = arith.constant 48 : index
      %swap3A_369 = tpu.vector_load %arg29[%swap3A_368] {strides = array<i32>} : memref<80xi32, #tpu.memory_space<vmem>>, vector<16xi32>,
      tpu.vector_store %arg29[%swap3A_368], %convert_element_type3A_367 {strides = array<i32>} : memref<80xi32, #tpu.memory_space<vmem>>, vector<16xi32>,
      %convert_element_type3A_370 = arith.sitofp %convert_element_type3A_367 : vector<16xi32> to vector<16xf32>
      %sub3A_371 = arith.subf %min3A_366, %convert_element_type3A_370 : vector<16xf32>
      %swap3A_372 = arith.constant 48 : index
      %swap3A_373 = tpu.vector_load %arg30[%swap3A_372] {strides = array<i32>} : memref<80xf32, #tpu.memory_space<vmem>>, vector<16xf32>,
      tpu.vector_store %arg30[%swap3A_372], %sub3A_371 {strides = array<i32>} : memref<80xf32, #tpu.memory_space<vmem>>, vector<16xf32>,
      %mul3A_374 = arith.constant 1.024000e+03 : f32
      %mul3A_375 = vector.broadcast %mul3A_374 : f32 to vector<16xf32>
      %mul3A_376 = arith.mulf %mul3A_360, %mul3A_375 : vector<16xf32>
      %min3A_377 = arith.constant 8190.99902 : f32
      %min3A_378 = vector.broadcast %min3A_377 : f32 to vector<16xf32>
      %min3A_379 = arith.minimumf %mul3A_376, %min3A_378 : vector<16xf32>
      %convert_element_type3A_380 = arith.fptosi %min3A_379 : vector<16xf32> to vector<16xi32>
      %convert_element_type3A_381 = arith.sitofp %convert_element_type3A_380 : vector<16xi32> to vector<16xf32>
      %sub3A_382 = arith.subf %min3A_379, %convert_element_type3A_381 : vector<16xf32>
      %gather3A_383 = tpu.vector_load_idx %arg26[%convert_element_type3A_380] : memref<8192xf32, #tpu.memory_space<vmem>>[vector<16xi32>], vector<16xf32>,
      %add3A_384 = arith.constant 1 : i32
      %add3A_385 = vector.broadcast %add3A_384 : i32 to vector<16xi32>
      %add3A_386 = arith.addi %convert_element_type3A_380, %add3A_385 : vector<16xi32>
      %gather3A_387 = tpu.vector_load_idx %arg26[%add3A_386] : memref<8192xf32, #tpu.memory_space<vmem>>[vector<16xi32>], vector<16xf32>,
      %sub3A_388 = arith.subf %gather3A_387, %gather3A_383 : vector<16xf32>
      %mul3A_389 = arith.mulf %sub3A_388, %sub3A_382 : vector<16xf32>
      %add3A_390 = arith.addf %gather3A_383, %mul3A_389 : vector<16xf32>
      %mul3A_391 = arith.mulf %add3A_390, %mul3A_359 : vector<16xf32>
      %mul3A_392 = arith.mulf %sub3A_310, %mul3A_391 : vector<16xf32>
      %swap3A_393 = arith.constant 48 : index
      %swap3A_394 = tpu.vector_load %arg31[%swap3A_393] {strides = array<i32>} : memref<80xf32, #tpu.memory_space<vmem>>, vector<16xf32>,
      tpu.vector_store %arg31[%swap3A_393], %mul3A_392 {strides = array<i32>} : memref<80xf32, #tpu.memory_space<vmem>>, vector<16xf32>,
      %mul3A_395 = arith.mulf %sub3A_313, %mul3A_391 : vector<16xf32>
      %swap3A_396 = arith.constant 48 : index
      %swap3A_397 = tpu.vector_load %arg32[%swap3A_396] {strides = array<i32>} : memref<80xf32, #tpu.memory_space<vmem>>, vector<16xf32>,
      tpu.vector_store %arg32[%swap3A_396], %mul3A_395 {strides = array<i32>} : memref<80xf32, #tpu.memory_space<vmem>>, vector<16xf32>,
      %mul3A_398 = arith.mulf %sub3A_316, %mul3A_391 : vector<16xf32>
      %swap3A_399 = arith.constant 48 : index
      %swap3A_400 = tpu.vector_load %arg33[%swap3A_399] {strides = array<i32>} : memref<80xf32, #tpu.memory_space<vmem>>, vector<16xf32>,
      tpu.vector_store %arg33[%swap3A_399], %mul3A_398 {strides = array<i32>} : memref<80xf32, #tpu.memory_space<vmem>>, vector<16xf32>,
      %get3A_401 = arith.constant 64 : index
      %get3A_402 = tpu.vector_load %arg27[%get3A_401] {strides = array<i32>} : memref<80xi32, #tpu.memory_space<vmem>>, vector<16xi32>,
      %get3A_403 = arith.constant 64 : index
      %get3A_404 = tpu.vector_load %arg28[%get3A_403] {strides = array<i32>} : memref<80xi32, #tpu.memory_space<vmem>>, vector<16xi32>,
      %gather3A_405 = tpu.vector_load_idx %arg20[%get3A_402] : memref<10000xf32, #tpu.memory_space<vmem>>[vector<16xi32>], vector<16xf32>,
      %gather3A_406 = tpu.vector_load_idx %arg20[%get3A_404] : memref<10000xf32, #tpu.memory_space<vmem>>[vector<16xi32>], vector<16xf32>,
      %sub3A_407 = arith.subf %gather3A_405, %gather3A_406 : vector<16xf32>
      %gather3A_408 = tpu.vector_load_idx %arg21[%get3A_402] : memref<10000xf32, #tpu.memory_space<vmem>>[vector<16xi32>], vector<16xf32>,
      %gather3A_409 = tpu.vector_load_idx %arg21[%get3A_404] : memref<10000xf32, #tpu.memory_space<vmem>>[vector<16xi32>], vector<16xf32>,
      %sub3A_410 = arith.subf %gather3A_408, %gather3A_409 : vector<16xf32>
      %gather3A_411 = tpu.vector_load_idx %arg22[%get3A_402] : memref<10000xf32, #tpu.memory_space<vmem>>[vector<16xi32>], vector<16xf32>,
      %gather3A_412 = tpu.vector_load_idx %arg22[%get3A_404] : memref<10000xf32, #tpu.memory_space<vmem>>[vector<16xi32>], vector<16xf32>,
      %sub3A_413 = arith.subf %gather3A_411, %gather3A_412 : vector<16xf32>
      %mul3A_414 = arith.mulf %sub3A_407, %sub3A_407 : vector<16xf32>
      %mul3A_415 = arith.mulf %sub3A_410, %sub3A_410 : vector<16xf32>
      %add3A_416 = arith.addf %mul3A_414, %mul3A_415 : vector<16xf32>
      %mul3A_417 = arith.mulf %sub3A_413, %sub3A_413 : vector<16xf32>
      %add3A_418 = arith.addf %add3A_416, %mul3A_417 : vector<16xf32>
      %add3A_419 = arith.constant 9.99999997E-7 : f32
      %add3A_420 = vector.broadcast %add3A_419 : f32 to vector<16xf32>
      %add3A_421 = arith.addf %add3A_418, %add3A_420 : vector<16xf32>
      %bitcast3A_422 = vector.bitcast %add3A_421 : vector<16xf32> to vector<16xi32>
      %shift_right_logical3A_423 = arith.constant 1 : i32
      %shift_right_logical3A_424 = vector.broadcast %shift_right_logical3A_423 : i32 to vector<16xi32>
      %shift_right_logical3A_425 = arith.shrui %bitcast3A_422, %shift_right_logical3A_424 : vector<16xi32>
      %sub3A_426 = arith.constant 1597463007 : i32
      %sub3A_427 = vector.broadcast %sub3A_426 : i32 to vector<16xi32>
      %sub3A_428 = arith.subi %sub3A_427, %shift_right_logical3A_425 : vector<16xi32>
      %bitcast3A_429 = vector.bitcast %sub3A_428 : vector<16xi32> to vector<16xf32>
      %mul3A_430 = arith.constant 5.000000e-01 : f32
      %mul3A_431 = vector.broadcast %mul3A_430 : f32 to vector<16xf32>
      %mul3A_432 = arith.mulf %mul3A_431, %add3A_421 : vector<16xf32>
      %mul3A_433 = arith.mulf %mul3A_432, %bitcast3A_429 : vector<16xf32>
      %mul3A_434 = arith.mulf %mul3A_433, %bitcast3A_429 : vector<16xf32>
      %sub3A_435 = arith.constant 1.500000e+00 : f32
      %sub3A_436 = vector.broadcast %sub3A_435 : f32 to vector<16xf32>
      %sub3A_437 = arith.subf %sub3A_436, %mul3A_434 : vector<16xf32>
      %mul3A_438 = arith.mulf %bitcast3A_429, %sub3A_437 : vector<16xf32>
      %mul3A_439 = arith.constant 5.000000e-01 : f32
      %mul3A_440 = vector.broadcast %mul3A_439 : f32 to vector<16xf32>
      %mul3A_441 = arith.mulf %mul3A_440, %add3A_421 : vector<16xf32>
      %mul3A_442 = arith.mulf %mul3A_441, %mul3A_438 : vector<16xf32>
      %mul3A_443 = arith.mulf %mul3A_442, %mul3A_438 : vector<16xf32>
      %sub3A_444 = arith.constant 1.500000e+00 : f32
      %sub3A_445 = vector.broadcast %sub3A_444 : f32 to vector<16xf32>
      %sub3A_446 = arith.subf %sub3A_445, %mul3A_443 : vector<16xf32>
      %mul3A_447 = arith.mulf %mul3A_438, %sub3A_446 : vector<16xf32>
      %mul3A_448 = arith.constant 5.000000e-01 : f32
      %mul3A_449 = vector.broadcast %mul3A_448 : f32 to vector<16xf32>
      %mul3A_450 = arith.mulf %mul3A_449, %add3A_421 : vector<16xf32>
      %mul3A_451 = arith.mulf %mul3A_450, %mul3A_447 : vector<16xf32>
      %mul3A_452 = arith.mulf %mul3A_451, %mul3A_447 : vector<16xf32>
      %sub3A_453 = arith.constant 1.500000e+00 : f32
      %sub3A_454 = vector.broadcast %sub3A_453 : f32 to vector<16xf32>
      %sub3A_455 = arith.subf %sub3A_454, %mul3A_452 : vector<16xf32>
      %mul3A_456 = arith.mulf %mul3A_447, %sub3A_455 : vector<16xf32>
      %mul3A_457 = arith.mulf %add3A_421, %mul3A_456 : vector<16xf32>
      %mul3A_458 = arith.constant 4.096000e+03 : f32
      %mul3A_459 = vector.broadcast %mul3A_458 : f32 to vector<16xf32>
      %mul3A_460 = arith.mulf %mul3A_457, %mul3A_459 : vector<16xf32>
      %min3A_461 = arith.constant 32766.998 : f32
      %min3A_462 = vector.broadcast %min3A_461 : f32 to vector<16xf32>
      %min3A_463 = arith.minimumf %mul3A_460, %min3A_462 : vector<16xf32>
      %convert_element_type3A_464 = arith.fptosi %min3A_463 : vector<16xf32> to vector<16xi32>
      %swap3A_465 = arith.constant 64 : index
      %swap3A_466 = tpu.vector_load %arg29[%swap3A_465] {strides = array<i32>} : memref<80xi32, #tpu.memory_space<vmem>>, vector<16xi32>,
      tpu.vector_store %arg29[%swap3A_465], %convert_element_type3A_464 {strides = array<i32>} : memref<80xi32, #tpu.memory_space<vmem>>, vector<16xi32>,
      %convert_element_type3A_467 = arith.sitofp %convert_element_type3A_464 : vector<16xi32> to vector<16xf32>
      %sub3A_468 = arith.subf %min3A_463, %convert_element_type3A_467 : vector<16xf32>
      %swap3A_469 = arith.constant 64 : index
      %swap3A_470 = tpu.vector_load %arg30[%swap3A_469] {strides = array<i32>} : memref<80xf32, #tpu.memory_space<vmem>>, vector<16xf32>,
      tpu.vector_store %arg30[%swap3A_469], %sub3A_468 {strides = array<i32>} : memref<80xf32, #tpu.memory_space<vmem>>, vector<16xf32>,
      %mul3A_471 = arith.constant 1.024000e+03 : f32
      %mul3A_472 = vector.broadcast %mul3A_471 : f32 to vector<16xf32>
      %mul3A_473 = arith.mulf %mul3A_457, %mul3A_472 : vector<16xf32>
      %min3A_474 = arith.constant 8190.99902 : f32
      %min3A_475 = vector.broadcast %min3A_474 : f32 to vector<16xf32>
      %min3A_476 = arith.minimumf %mul3A_473, %min3A_475 : vector<16xf32>
      %convert_element_type3A_477 = arith.fptosi %min3A_476 : vector<16xf32> to vector<16xi32>
      %convert_element_type3A_478 = arith.sitofp %convert_element_type3A_477 : vector<16xi32> to vector<16xf32>
      %sub3A_479 = arith.subf %min3A_476, %convert_element_type3A_478 : vector<16xf32>
      %gather3A_480 = tpu.vector_load_idx %arg26[%convert_element_type3A_477] : memref<8192xf32, #tpu.memory_space<vmem>>[vector<16xi32>], vector<16xf32>,
      %add3A_481 = arith.constant 1 : i32
      %add3A_482 = vector.broadcast %add3A_481 : i32 to vector<16xi32>
      %add3A_483 = arith.addi %convert_element_type3A_477, %add3A_482 : vector<16xi32>
      %gather3A_484 = tpu.vector_load_idx %arg26[%add3A_483] : memref<8192xf32, #tpu.memory_space<vmem>>[vector<16xi32>], vector<16xf32>,
      %sub3A_485 = arith.subf %gather3A_484, %gather3A_480 : vector<16xf32>
      %mul3A_486 = arith.mulf %sub3A_485, %sub3A_479 : vector<16xf32>
      %add3A_487 = arith.addf %gather3A_480, %mul3A_486 : vector<16xf32>
      %mul3A_488 = arith.mulf %add3A_487, %mul3A_456 : vector<16xf32>
      %mul3A_489 = arith.mulf %sub3A_407, %mul3A_488 : vector<16xf32>
      %swap3A_490 = arith.constant 64 : index
      %swap3A_491 = tpu.vector_load %arg31[%swap3A_490] {strides = array<i32>} : memref<80xf32, #tpu.memory_space<vmem>>, vector<16xf32>,
      tpu.vector_store %arg31[%swap3A_490], %mul3A_489 {strides = array<i32>} : memref<80xf32, #tpu.memory_space<vmem>>, vector<16xf32>,
      %mul3A_492 = arith.mulf %sub3A_410, %mul3A_488 : vector<16xf32>
      %swap3A_493 = arith.constant 64 : index
      %swap3A_494 = tpu.vector_load %arg32[%swap3A_493] {strides = array<i32>} : memref<80xf32, #tpu.memory_space<vmem>>, vector<16xf32>,
      tpu.vector_store %arg32[%swap3A_493], %mul3A_492 {strides = array<i32>} : memref<80xf32, #tpu.memory_space<vmem>>, vector<16xf32>,
      %mul3A_495 = arith.mulf %sub3A_413, %mul3A_488 : vector<16xf32>
      %swap3A_496 = arith.constant 64 : index
      %swap3A_497 = tpu.vector_load %arg33[%swap3A_496] {strides = array<i32>} : memref<80xf32, #tpu.memory_space<vmem>>, vector<16xf32>,
      tpu.vector_store %arg33[%swap3A_496], %mul3A_495 {strides = array<i32>} : memref<80xf32, #tpu.memory_space<vmem>>, vector<16xf32>,
      "tpu.region"() ({
        %run_scoped3A = tpu.sem_alloc : memref<!tpu.dma_semaphore, #tpu.memory_space<semaphore_mem>>
        %dma_start3A = tpu.memref_slice %arg13[%add3A_20] : memref<320000xi32, #tpu.memory_space<hbm>> -> memref<80xi32, #tpu.memory_space<hbm>>
        %dma_start3A_499 = tpu.memref_slice %arg13[%add3A_20] : memref<320000xi32, #tpu.memory_space<hbm>> -> memref<80xi32, #tpu.memory_space<hbm>>
        tpu.enqueue_dma source(%arg29 : memref<80xi32, #tpu.memory_space<vmem>>) target(%dma_start3A_499 : memref<80xi32, #tpu.memory_space<hbm>>) target_semaphore(%run_scoped3A : memref<!tpu.dma_semaphore, #tpu.memory_space<semaphore_mem>>)
        %dma_wait3A = tpu.memref_slice %arg13[%add3A_20] : memref<320000xi32, #tpu.memory_space<hbm>> -> memref<80xi32, #tpu.memory_space<hbm>>
        %dma_wait3A_500 = tpu.memref_slice %arg13[%add3A_20] : memref<320000xi32, #tpu.memory_space<hbm>> -> memref<80xi32, #tpu.memory_space<hbm>>
        tpu.wait_dma2 semaphore(%run_scoped3A : memref<!tpu.dma_semaphore, #tpu.memory_space<semaphore_mem>>) src(%arg29 : memref<80xi32, #tpu.memory_space<vmem>>) dst(%dma_wait3A_500 : memref<80xi32, #tpu.memory_space<hbm>>)
        tpu.yield
      }) : () -> ()
      "tpu.region"() ({
        %run_scoped3A = tpu.sem_alloc : memref<!tpu.dma_semaphore, #tpu.memory_space<semaphore_mem>>
        %dma_start3A = tpu.memref_slice %arg14[%add3A_20] : memref<320000xf32, #tpu.memory_space<hbm>> -> memref<80xf32, #tpu.memory_space<hbm>>
        %dma_start3A_499 = tpu.memref_slice %arg14[%add3A_20] : memref<320000xf32, #tpu.memory_space<hbm>> -> memref<80xf32, #tpu.memory_space<hbm>>
        tpu.enqueue_dma source(%arg30 : memref<80xf32, #tpu.memory_space<vmem>>) target(%dma_start3A_499 : memref<80xf32, #tpu.memory_space<hbm>>) target_semaphore(%run_scoped3A : memref<!tpu.dma_semaphore, #tpu.memory_space<semaphore_mem>>)
        %dma_wait3A = tpu.memref_slice %arg14[%add3A_20] : memref<320000xf32, #tpu.memory_space<hbm>> -> memref<80xf32, #tpu.memory_space<hbm>>
        %dma_wait3A_500 = tpu.memref_slice %arg14[%add3A_20] : memref<320000xf32, #tpu.memory_space<hbm>> -> memref<80xf32, #tpu.memory_space<hbm>>
        tpu.wait_dma2 semaphore(%run_scoped3A : memref<!tpu.dma_semaphore, #tpu.memory_space<semaphore_mem>>) src(%arg30 : memref<80xf32, #tpu.memory_space<vmem>>) dst(%dma_wait3A_500 : memref<80xf32, #tpu.memory_space<hbm>>)
        tpu.yield
      }) : () -> ()
      "tpu.region"() ({
        %run_scoped3A = tpu.sem_alloc : memref<!tpu.dma_semaphore, #tpu.memory_space<semaphore_mem>>
        %dma_start3A = tpu.memref_slice %arg15[%add3A_20] : memref<320000xf32, #tpu.memory_space<hbm>> -> memref<80xf32, #tpu.memory_space<hbm>>
        %dma_start3A_499 = tpu.memref_slice %arg15[%add3A_20] : memref<320000xf32, #tpu.memory_space<hbm>> -> memref<80xf32, #tpu.memory_space<hbm>>
        tpu.enqueue_dma source(%arg31 : memref<80xf32, #tpu.memory_space<vmem>>) target(%dma_start3A_499 : memref<80xf32, #tpu.memory_space<hbm>>) target_semaphore(%run_scoped3A : memref<!tpu.dma_semaphore, #tpu.memory_space<semaphore_mem>>)
        %dma_wait3A = tpu.memref_slice %arg15[%add3A_20] : memref<320000xf32, #tpu.memory_space<hbm>> -> memref<80xf32, #tpu.memory_space<hbm>>
        %dma_wait3A_500 = tpu.memref_slice %arg15[%add3A_20] : memref<320000xf32, #tpu.memory_space<hbm>> -> memref<80xf32, #tpu.memory_space<hbm>>
        tpu.wait_dma2 semaphore(%run_scoped3A : memref<!tpu.dma_semaphore, #tpu.memory_space<semaphore_mem>>) src(%arg31 : memref<80xf32, #tpu.memory_space<vmem>>) dst(%dma_wait3A_500 : memref<80xf32, #tpu.memory_space<hbm>>)
        tpu.yield
      }) : () -> ()
      "tpu.region"() ({
        %run_scoped3A = tpu.sem_alloc : memref<!tpu.dma_semaphore, #tpu.memory_space<semaphore_mem>>
        %dma_start3A = tpu.memref_slice %arg16[%add3A_20] : memref<320000xf32, #tpu.memory_space<hbm>> -> memref<80xf32, #tpu.memory_space<hbm>>
        %dma_start3A_499 = tpu.memref_slice %arg16[%add3A_20] : memref<320000xf32, #tpu.memory_space<hbm>> -> memref<80xf32, #tpu.memory_space<hbm>>
        tpu.enqueue_dma source(%arg32 : memref<80xf32, #tpu.memory_space<vmem>>) target(%dma_start3A_499 : memref<80xf32, #tpu.memory_space<hbm>>) target_semaphore(%run_scoped3A : memref<!tpu.dma_semaphore, #tpu.memory_space<semaphore_mem>>)
        %dma_wait3A = tpu.memref_slice %arg16[%add3A_20] : memref<320000xf32, #tpu.memory_space<hbm>> -> memref<80xf32, #tpu.memory_space<hbm>>
        %dma_wait3A_500 = tpu.memref_slice %arg16[%add3A_20] : memref<320000xf32, #tpu.memory_space<hbm>> -> memref<80xf32, #tpu.memory_space<hbm>>
        tpu.wait_dma2 semaphore(%run_scoped3A : memref<!tpu.dma_semaphore, #tpu.memory_space<semaphore_mem>>) src(%arg32 : memref<80xf32, #tpu.memory_space<vmem>>) dst(%dma_wait3A_500 : memref<80xf32, #tpu.memory_space<hbm>>)
        tpu.yield
      }) : () -> ()
      "tpu.region"() ({
        %run_scoped3A = tpu.sem_alloc : memref<!tpu.dma_semaphore, #tpu.memory_space<semaphore_mem>>
        %dma_start3A = tpu.memref_slice %arg17[%add3A_20] : memref<320000xf32, #tpu.memory_space<hbm>> -> memref<80xf32, #tpu.memory_space<hbm>>
        %dma_start3A_499 = tpu.memref_slice %arg17[%add3A_20] : memref<320000xf32, #tpu.memory_space<hbm>> -> memref<80xf32, #tpu.memory_space<hbm>>
        tpu.enqueue_dma source(%arg33 : memref<80xf32, #tpu.memory_space<vmem>>) target(%dma_start3A_499 : memref<80xf32, #tpu.memory_space<hbm>>) target_semaphore(%run_scoped3A : memref<!tpu.dma_semaphore, #tpu.memory_space<semaphore_mem>>)
        %dma_wait3A = tpu.memref_slice %arg17[%add3A_20] : memref<320000xf32, #tpu.memory_space<hbm>> -> memref<80xf32, #tpu.memory_space<hbm>>
        %dma_wait3A_500 = tpu.memref_slice %arg17[%add3A_20] : memref<320000xf32, #tpu.memory_space<hbm>> -> memref<80xf32, #tpu.memory_space<hbm>>
        tpu.wait_dma2 semaphore(%run_scoped3A : memref<!tpu.dma_semaphore, #tpu.memory_space<semaphore_mem>>) src(%arg33 : memref<80xf32, #tpu.memory_space<vmem>>) dst(%dma_wait3A_500 : memref<80xf32, #tpu.memory_space<hbm>>)
        tpu.yield
      }) : () -> ()
      %scan3A_498 = arith.constant 0 : i32
      scf.yield %scan3A_498 : i32
    }
    %scan3A_6 = arith.constant 125 : i32
    %scan3A_7 = arith.constant 0 : i32
    %scan3A_8 = arith.constant 0 : i32
    %scan3A_9 = arith.constant 64 : i32
    %scan3A_10 = arith.addi %scan3A_8, %scan3A_9 : i32
    %scan3A_11 = arith.constant 1 : i32
    %scan3A_12 = scf.for %scan3A_14 = %scan3A_8 to %scan3A_10 step %scan3A_11 iter_args(%scan3A_15 = %scan3A_7) -> (i32)  : i32 {
      %mul3A_16 = arith.constant 5120 : i32
      %mul3A_17 = arith.muli %add3A, %mul3A_16 : i32
      %mul3A_18 = arith.constant 80 : i32
      %mul3A_19 = arith.muli %scan3A_14, %mul3A_18 : i32
      %add3A_20 = arith.addi %mul3A_17, %mul3A_19 : i32
      "tpu.region"() ({
        %run_scoped3A = tpu.sem_alloc : memref<!tpu.dma_semaphore, #tpu.memory_space<semaphore_mem>>
        %dma_start3A = tpu.memref_slice %arg11[%add3A_20] : memref<163840xi32, #tpu.memory_space<hbm>> -> memref<80xi32, #tpu.memory_space<hbm>>
        %dma_start3A_364 = tpu.memref_slice %arg11[%add3A_20] : memref<163840xi32, #tpu.memory_space<hbm>> -> memref<80xi32, #tpu.memory_space<hbm>>
        tpu.enqueue_dma source(%dma_start3A_364 : memref<80xi32, #tpu.memory_space<hbm>>) target(%arg27 : memref<80xi32, #tpu.memory_space<vmem>>) target_semaphore(%run_scoped3A : memref<!tpu.dma_semaphore, #tpu.memory_space<semaphore_mem>>)
        %dma_wait3A = tpu.memref_slice %arg11[%add3A_20] : memref<163840xi32, #tpu.memory_space<hbm>> -> memref<80xi32, #tpu.memory_space<hbm>>
        %dma_wait3A_365 = tpu.memref_slice %arg11[%add3A_20] : memref<163840xi32, #tpu.memory_space<hbm>> -> memref<80xi32, #tpu.memory_space<hbm>>
        tpu.wait_dma2 semaphore(%run_scoped3A : memref<!tpu.dma_semaphore, #tpu.memory_space<semaphore_mem>>) src(%dma_wait3A_365 : memref<80xi32, #tpu.memory_space<hbm>>) dst(%arg27 : memref<80xi32, #tpu.memory_space<vmem>>)
        tpu.yield
      }) : () -> ()
      "tpu.region"() ({
        %run_scoped3A = tpu.sem_alloc : memref<!tpu.dma_semaphore, #tpu.memory_space<semaphore_mem>>
        %dma_start3A = tpu.memref_slice %arg12[%add3A_20] : memref<163840xi32, #tpu.memory_space<hbm>> -> memref<80xi32, #tpu.memory_space<hbm>>
        %dma_start3A_364 = tpu.memref_slice %arg12[%add3A_20] : memref<163840xi32, #tpu.memory_space<hbm>> -> memref<80xi32, #tpu.memory_space<hbm>>
        tpu.enqueue_dma source(%dma_start3A_364 : memref<80xi32, #tpu.memory_space<hbm>>) target(%arg28 : memref<80xi32, #tpu.memory_space<vmem>>) target_semaphore(%run_scoped3A : memref<!tpu.dma_semaphore, #tpu.memory_space<semaphore_mem>>)
        %dma_wait3A = tpu.memref_slice %arg12[%add3A_20] : memref<163840xi32, #tpu.memory_space<hbm>> -> memref<80xi32, #tpu.memory_space<hbm>>
        %dma_wait3A_365 = tpu.memref_slice %arg12[%add3A_20] : memref<163840xi32, #tpu.memory_space<hbm>> -> memref<80xi32, #tpu.memory_space<hbm>>
        tpu.wait_dma2 semaphore(%run_scoped3A : memref<!tpu.dma_semaphore, #tpu.memory_space<semaphore_mem>>) src(%dma_wait3A_365 : memref<80xi32, #tpu.memory_space<hbm>>) dst(%arg28 : memref<80xi32, #tpu.memory_space<vmem>>)
        tpu.yield
      }) : () -> ()
      %get3A = arith.constant 0 : index
      %get3A_21 = tpu.vector_load %arg27[%get3A] {strides = array<i32>} : memref<80xi32, #tpu.memory_space<vmem>>, vector<16xi32>,
      %get3A_22 = arith.constant 0 : index
      %get3A_23 = tpu.vector_load %arg28[%get3A_22] {strides = array<i32>} : memref<80xi32, #tpu.memory_space<vmem>>, vector<16xi32>,
      %gather3A = tpu.vector_load_idx %arg20[%get3A_21] : memref<10000xf32, #tpu.memory_space<vmem>>[vector<16xi32>], vector<16xf32>,
      %gather3A_24 = tpu.vector_load_idx %arg23[%get3A_23] : memref<4000xf32, #tpu.memory_space<vmem>>[vector<16xi32>], vector<16xf32>,
      %sub3A = arith.subf %gather3A, %gather3A_24 : vector<16xf32>
      %gather3A_25 = tpu.vector_load_idx %arg21[%get3A_21] : memref<10000xf32, #tpu.memory_space<vmem>>[vector<16xi32>], vector<16xf32>,
      %gather3A_26 = tpu.vector_load_idx %arg24[%get3A_23] : memref<4000xf32, #tpu.memory_space<vmem>>[vector<16xi32>], vector<16xf32>,
      %sub3A_27 = arith.subf %gather3A_25, %gather3A_26 : vector<16xf32>
      %gather3A_28 = tpu.vector_load_idx %arg22[%get3A_21] : memref<10000xf32, #tpu.memory_space<vmem>>[vector<16xi32>], vector<16xf32>,
      %gather3A_29 = tpu.vector_load_idx %arg25[%get3A_23] : memref<4000xf32, #tpu.memory_space<vmem>>[vector<16xi32>], vector<16xf32>,
      %sub3A_30 = arith.subf %gather3A_28, %gather3A_29 : vector<16xf32>
      %mul3A_31 = arith.mulf %sub3A, %sub3A : vector<16xf32>
      %mul3A_32 = arith.mulf %sub3A_27, %sub3A_27 : vector<16xf32>
      %add3A_33 = arith.addf %mul3A_31, %mul3A_32 : vector<16xf32>
      %mul3A_34 = arith.mulf %sub3A_30, %sub3A_30 : vector<16xf32>
      %add3A_35 = arith.addf %add3A_33, %mul3A_34 : vector<16xf32>
      %add3A_36 = arith.constant 9.99999997E-7 : f32
      %add3A_37 = vector.broadcast %add3A_36 : f32 to vector<16xf32>
      %add3A_38 = arith.addf %add3A_35, %add3A_37 : vector<16xf32>
      %bitcast3A = vector.bitcast %add3A_38 : vector<16xf32> to vector<16xi32>
      %shift_right_logical3A = arith.constant 1 : i32
      %shift_right_logical3A_39 = vector.broadcast %shift_right_logical3A : i32 to vector<16xi32>
      %shift_right_logical3A_40 = arith.shrui %bitcast3A, %shift_right_logical3A_39 : vector<16xi32>
      %sub3A_41 = arith.constant 1597463007 : i32
      %sub3A_42 = vector.broadcast %sub3A_41 : i32 to vector<16xi32>
      %sub3A_43 = arith.subi %sub3A_42, %shift_right_logical3A_40 : vector<16xi32>
      %bitcast3A_44 = vector.bitcast %sub3A_43 : vector<16xi32> to vector<16xf32>
      %mul3A_45 = arith.constant 5.000000e-01 : f32
      %mul3A_46 = vector.broadcast %mul3A_45 : f32 to vector<16xf32>
      %mul3A_47 = arith.mulf %mul3A_46, %add3A_38 : vector<16xf32>
      %mul3A_48 = arith.mulf %mul3A_47, %bitcast3A_44 : vector<16xf32>
      %mul3A_49 = arith.mulf %mul3A_48, %bitcast3A_44 : vector<16xf32>
      %sub3A_50 = arith.constant 1.500000e+00 : f32
      %sub3A_51 = vector.broadcast %sub3A_50 : f32 to vector<16xf32>
      %sub3A_52 = arith.subf %sub3A_51, %mul3A_49 : vector<16xf32>
      %mul3A_53 = arith.mulf %bitcast3A_44, %sub3A_52 : vector<16xf32>
      %mul3A_54 = arith.constant 5.000000e-01 : f32
      %mul3A_55 = vector.broadcast %mul3A_54 : f32 to vector<16xf32>
      %mul3A_56 = arith.mulf %mul3A_55, %add3A_38 : vector<16xf32>
      %mul3A_57 = arith.mulf %mul3A_56, %mul3A_53 : vector<16xf32>
      %mul3A_58 = arith.mulf %mul3A_57, %mul3A_53 : vector<16xf32>
      %sub3A_59 = arith.constant 1.500000e+00 : f32
      %sub3A_60 = vector.broadcast %sub3A_59 : f32 to vector<16xf32>
      %sub3A_61 = arith.subf %sub3A_60, %mul3A_58 : vector<16xf32>
      %mul3A_62 = arith.mulf %mul3A_53, %sub3A_61 : vector<16xf32>
      %mul3A_63 = arith.constant 5.000000e-01 : f32
      %mul3A_64 = vector.broadcast %mul3A_63 : f32 to vector<16xf32>
      %mul3A_65 = arith.mulf %mul3A_64, %add3A_38 : vector<16xf32>
      %mul3A_66 = arith.mulf %mul3A_65, %mul3A_62 : vector<16xf32>
      %mul3A_67 = arith.mulf %mul3A_66, %mul3A_62 : vector<16xf32>
      %sub3A_68 = arith.constant 1.500000e+00 : f32
      %sub3A_69 = vector.broadcast %sub3A_68 : f32 to vector<16xf32>
      %sub3A_70 = arith.subf %sub3A_69, %mul3A_67 : vector<16xf32>
      %mul3A_71 = arith.mulf %mul3A_62, %sub3A_70 : vector<16xf32>
      %mul3A_72 = arith.mulf %add3A_38, %mul3A_71 : vector<16xf32>
      %mul3A_73 = arith.constant 4.096000e+03 : f32
      %mul3A_74 = vector.broadcast %mul3A_73 : f32 to vector<16xf32>
      %mul3A_75 = arith.mulf %mul3A_72, %mul3A_74 : vector<16xf32>
      %min3A = arith.constant 32766.998 : f32
      %min3A_76 = vector.broadcast %min3A : f32 to vector<16xf32>
      %min3A_77 = arith.minimumf %mul3A_75, %min3A_76 : vector<16xf32>
      %convert_element_type3A = arith.fptosi %min3A_77 : vector<16xf32> to vector<16xi32>
      %swap3A = arith.constant 0 : index
      %swap3A_78 = tpu.vector_load %arg29[%swap3A] {strides = array<i32>} : memref<80xi32, #tpu.memory_space<vmem>>, vector<16xi32>,
      tpu.vector_store %arg29[%swap3A], %convert_element_type3A {strides = array<i32>} : memref<80xi32, #tpu.memory_space<vmem>>, vector<16xi32>,
      %convert_element_type3A_79 = arith.sitofp %convert_element_type3A : vector<16xi32> to vector<16xf32>
      %sub3A_80 = arith.subf %min3A_77, %convert_element_type3A_79 : vector<16xf32>
      %swap3A_81 = arith.constant 0 : index
      %swap3A_82 = tpu.vector_load %arg30[%swap3A_81] {strides = array<i32>} : memref<80xf32, #tpu.memory_space<vmem>>, vector<16xf32>,
      tpu.vector_store %arg30[%swap3A_81], %sub3A_80 {strides = array<i32>} : memref<80xf32, #tpu.memory_space<vmem>>, vector<16xf32>,
      %get3A_83 = arith.constant 16 : index
      %get3A_84 = tpu.vector_load %arg27[%get3A_83] {strides = array<i32>} : memref<80xi32, #tpu.memory_space<vmem>>, vector<16xi32>,
      %get3A_85 = arith.constant 16 : index
      %get3A_86 = tpu.vector_load %arg28[%get3A_85] {strides = array<i32>} : memref<80xi32, #tpu.memory_space<vmem>>, vector<16xi32>,
      %gather3A_87 = tpu.vector_load_idx %arg20[%get3A_84] : memref<10000xf32, #tpu.memory_space<vmem>>[vector<16xi32>], vector<16xf32>,
      %gather3A_88 = tpu.vector_load_idx %arg23[%get3A_86] : memref<4000xf32, #tpu.memory_space<vmem>>[vector<16xi32>], vector<16xf32>,
      %sub3A_89 = arith.subf %gather3A_87, %gather3A_88 : vector<16xf32>
      %gather3A_90 = tpu.vector_load_idx %arg21[%get3A_84] : memref<10000xf32, #tpu.memory_space<vmem>>[vector<16xi32>], vector<16xf32>,
      %gather3A_91 = tpu.vector_load_idx %arg24[%get3A_86] : memref<4000xf32, #tpu.memory_space<vmem>>[vector<16xi32>], vector<16xf32>,
      %sub3A_92 = arith.subf %gather3A_90, %gather3A_91 : vector<16xf32>
      %gather3A_93 = tpu.vector_load_idx %arg22[%get3A_84] : memref<10000xf32, #tpu.memory_space<vmem>>[vector<16xi32>], vector<16xf32>,
      %gather3A_94 = tpu.vector_load_idx %arg25[%get3A_86] : memref<4000xf32, #tpu.memory_space<vmem>>[vector<16xi32>], vector<16xf32>,
      %sub3A_95 = arith.subf %gather3A_93, %gather3A_94 : vector<16xf32>
      %mul3A_96 = arith.mulf %sub3A_89, %sub3A_89 : vector<16xf32>
      %mul3A_97 = arith.mulf %sub3A_92, %sub3A_92 : vector<16xf32>
      %add3A_98 = arith.addf %mul3A_96, %mul3A_97 : vector<16xf32>
      %mul3A_99 = arith.mulf %sub3A_95, %sub3A_95 : vector<16xf32>
      %add3A_100 = arith.addf %add3A_98, %mul3A_99 : vector<16xf32>
      %add3A_101 = arith.constant 9.99999997E-7 : f32
      %add3A_102 = vector.broadcast %add3A_101 : f32 to vector<16xf32>
      %add3A_103 = arith.addf %add3A_100, %add3A_102 : vector<16xf32>
      %bitcast3A_104 = vector.bitcast %add3A_103 : vector<16xf32> to vector<16xi32>
      %shift_right_logical3A_105 = arith.constant 1 : i32
      %shift_right_logical3A_106 = vector.broadcast %shift_right_logical3A_105 : i32 to vector<16xi32>
      %shift_right_logical3A_107 = arith.shrui %bitcast3A_104, %shift_right_logical3A_106 : vector<16xi32>
      %sub3A_108 = arith.constant 1597463007 : i32
      %sub3A_109 = vector.broadcast %sub3A_108 : i32 to vector<16xi32>
      %sub3A_110 = arith.subi %sub3A_109, %shift_right_logical3A_107 : vector<16xi32>
      %bitcast3A_111 = vector.bitcast %sub3A_110 : vector<16xi32> to vector<16xf32>
      %mul3A_112 = arith.constant 5.000000e-01 : f32
      %mul3A_113 = vector.broadcast %mul3A_112 : f32 to vector<16xf32>
      %mul3A_114 = arith.mulf %mul3A_113, %add3A_103 : vector<16xf32>
      %mul3A_115 = arith.mulf %mul3A_114, %bitcast3A_111 : vector<16xf32>
      %mul3A_116 = arith.mulf %mul3A_115, %bitcast3A_111 : vector<16xf32>
      %sub3A_117 = arith.constant 1.500000e+00 : f32
      %sub3A_118 = vector.broadcast %sub3A_117 : f32 to vector<16xf32>
      %sub3A_119 = arith.subf %sub3A_118, %mul3A_116 : vector<16xf32>
      %mul3A_120 = arith.mulf %bitcast3A_111, %sub3A_119 : vector<16xf32>
      %mul3A_121 = arith.constant 5.000000e-01 : f32
      %mul3A_122 = vector.broadcast %mul3A_121 : f32 to vector<16xf32>
      %mul3A_123 = arith.mulf %mul3A_122, %add3A_103 : vector<16xf32>
      %mul3A_124 = arith.mulf %mul3A_123, %mul3A_120 : vector<16xf32>
      %mul3A_125 = arith.mulf %mul3A_124, %mul3A_120 : vector<16xf32>
      %sub3A_126 = arith.constant 1.500000e+00 : f32
      %sub3A_127 = vector.broadcast %sub3A_126 : f32 to vector<16xf32>
      %sub3A_128 = arith.subf %sub3A_127, %mul3A_125 : vector<16xf32>
      %mul3A_129 = arith.mulf %mul3A_120, %sub3A_128 : vector<16xf32>
      %mul3A_130 = arith.constant 5.000000e-01 : f32
      %mul3A_131 = vector.broadcast %mul3A_130 : f32 to vector<16xf32>
      %mul3A_132 = arith.mulf %mul3A_131, %add3A_103 : vector<16xf32>
      %mul3A_133 = arith.mulf %mul3A_132, %mul3A_129 : vector<16xf32>
      %mul3A_134 = arith.mulf %mul3A_133, %mul3A_129 : vector<16xf32>
      %sub3A_135 = arith.constant 1.500000e+00 : f32
      %sub3A_136 = vector.broadcast %sub3A_135 : f32 to vector<16xf32>
      %sub3A_137 = arith.subf %sub3A_136, %mul3A_134 : vector<16xf32>
      %mul3A_138 = arith.mulf %mul3A_129, %sub3A_137 : vector<16xf32>
      %mul3A_139 = arith.mulf %add3A_103, %mul3A_138 : vector<16xf32>
      %mul3A_140 = arith.constant 4.096000e+03 : f32
      %mul3A_141 = vector.broadcast %mul3A_140 : f32 to vector<16xf32>
      %mul3A_142 = arith.mulf %mul3A_139, %mul3A_141 : vector<16xf32>
      %min3A_143 = arith.constant 32766.998 : f32
      %min3A_144 = vector.broadcast %min3A_143 : f32 to vector<16xf32>
      %min3A_145 = arith.minimumf %mul3A_142, %min3A_144 : vector<16xf32>
      %convert_element_type3A_146 = arith.fptosi %min3A_145 : vector<16xf32> to vector<16xi32>
      %swap3A_147 = arith.constant 16 : index
      %swap3A_148 = tpu.vector_load %arg29[%swap3A_147] {strides = array<i32>} : memref<80xi32, #tpu.memory_space<vmem>>, vector<16xi32>,
      tpu.vector_store %arg29[%swap3A_147], %convert_element_type3A_146 {strides = array<i32>} : memref<80xi32, #tpu.memory_space<vmem>>, vector<16xi32>,
      %convert_element_type3A_149 = arith.sitofp %convert_element_type3A_146 : vector<16xi32> to vector<16xf32>
      %sub3A_150 = arith.subf %min3A_145, %convert_element_type3A_149 : vector<16xf32>
      %swap3A_151 = arith.constant 16 : index
      %swap3A_152 = tpu.vector_load %arg30[%swap3A_151] {strides = array<i32>} : memref<80xf32, #tpu.memory_space<vmem>>, vector<16xf32>,
      tpu.vector_store %arg30[%swap3A_151], %sub3A_150 {strides = array<i32>} : memref<80xf32, #tpu.memory_space<vmem>>, vector<16xf32>,
      %get3A_153 = arith.constant 32 : index
      %get3A_154 = tpu.vector_load %arg27[%get3A_153] {strides = array<i32>} : memref<80xi32, #tpu.memory_space<vmem>>, vector<16xi32>,
      %get3A_155 = arith.constant 32 : index
      %get3A_156 = tpu.vector_load %arg28[%get3A_155] {strides = array<i32>} : memref<80xi32, #tpu.memory_space<vmem>>, vector<16xi32>,
      %gather3A_157 = tpu.vector_load_idx %arg20[%get3A_154] : memref<10000xf32, #tpu.memory_space<vmem>>[vector<16xi32>], vector<16xf32>,
      %gather3A_158 = tpu.vector_load_idx %arg23[%get3A_156] : memref<4000xf32, #tpu.memory_space<vmem>>[vector<16xi32>], vector<16xf32>,
      %sub3A_159 = arith.subf %gather3A_157, %gather3A_158 : vector<16xf32>
      %gather3A_160 = tpu.vector_load_idx %arg21[%get3A_154] : memref<10000xf32, #tpu.memory_space<vmem>>[vector<16xi32>], vector<16xf32>,
      %gather3A_161 = tpu.vector_load_idx %arg24[%get3A_156] : memref<4000xf32, #tpu.memory_space<vmem>>[vector<16xi32>], vector<16xf32>,
      %sub3A_162 = arith.subf %gather3A_160, %gather3A_161 : vector<16xf32>
      %gather3A_163 = tpu.vector_load_idx %arg22[%get3A_154] : memref<10000xf32, #tpu.memory_space<vmem>>[vector<16xi32>], vector<16xf32>,
      %gather3A_164 = tpu.vector_load_idx %arg25[%get3A_156] : memref<4000xf32, #tpu.memory_space<vmem>>[vector<16xi32>], vector<16xf32>,
      %sub3A_165 = arith.subf %gather3A_163, %gather3A_164 : vector<16xf32>
      %mul3A_166 = arith.mulf %sub3A_159, %sub3A_159 : vector<16xf32>
      %mul3A_167 = arith.mulf %sub3A_162, %sub3A_162 : vector<16xf32>
      %add3A_168 = arith.addf %mul3A_166, %mul3A_167 : vector<16xf32>
      %mul3A_169 = arith.mulf %sub3A_165, %sub3A_165 : vector<16xf32>
      %add3A_170 = arith.addf %add3A_168, %mul3A_169 : vector<16xf32>
      %add3A_171 = arith.constant 9.99999997E-7 : f32
      %add3A_172 = vector.broadcast %add3A_171 : f32 to vector<16xf32>
      %add3A_173 = arith.addf %add3A_170, %add3A_172 : vector<16xf32>
      %bitcast3A_174 = vector.bitcast %add3A_173 : vector<16xf32> to vector<16xi32>
      %shift_right_logical3A_175 = arith.constant 1 : i32
      %shift_right_logical3A_176 = vector.broadcast %shift_right_logical3A_175 : i32 to vector<16xi32>
      %shift_right_logical3A_177 = arith.shrui %bitcast3A_174, %shift_right_logical3A_176 : vector<16xi32>
      %sub3A_178 = arith.constant 1597463007 : i32
      %sub3A_179 = vector.broadcast %sub3A_178 : i32 to vector<16xi32>
      %sub3A_180 = arith.subi %sub3A_179, %shift_right_logical3A_177 : vector<16xi32>
      %bitcast3A_181 = vector.bitcast %sub3A_180 : vector<16xi32> to vector<16xf32>
      %mul3A_182 = arith.constant 5.000000e-01 : f32
      %mul3A_183 = vector.broadcast %mul3A_182 : f32 to vector<16xf32>
      %mul3A_184 = arith.mulf %mul3A_183, %add3A_173 : vector<16xf32>
      %mul3A_185 = arith.mulf %mul3A_184, %bitcast3A_181 : vector<16xf32>
      %mul3A_186 = arith.mulf %mul3A_185, %bitcast3A_181 : vector<16xf32>
      %sub3A_187 = arith.constant 1.500000e+00 : f32
      %sub3A_188 = vector.broadcast %sub3A_187 : f32 to vector<16xf32>
      %sub3A_189 = arith.subf %sub3A_188, %mul3A_186 : vector<16xf32>
      %mul3A_190 = arith.mulf %bitcast3A_181, %sub3A_189 : vector<16xf32>
      %mul3A_191 = arith.constant 5.000000e-01 : f32
      %mul3A_192 = vector.broadcast %mul3A_191 : f32 to vector<16xf32>
      %mul3A_193 = arith.mulf %mul3A_192, %add3A_173 : vector<16xf32>
      %mul3A_194 = arith.mulf %mul3A_193, %mul3A_190 : vector<16xf32>
      %mul3A_195 = arith.mulf %mul3A_194, %mul3A_190 : vector<16xf32>
      %sub3A_196 = arith.constant 1.500000e+00 : f32
      %sub3A_197 = vector.broadcast %sub3A_196 : f32 to vector<16xf32>
      %sub3A_198 = arith.subf %sub3A_197, %mul3A_195 : vector<16xf32>
      %mul3A_199 = arith.mulf %mul3A_190, %sub3A_198 : vector<16xf32>
      %mul3A_200 = arith.constant 5.000000e-01 : f32
      %mul3A_201 = vector.broadcast %mul3A_200 : f32 to vector<16xf32>
      %mul3A_202 = arith.mulf %mul3A_201, %add3A_173 : vector<16xf32>
      %mul3A_203 = arith.mulf %mul3A_202, %mul3A_199 : vector<16xf32>
      %mul3A_204 = arith.mulf %mul3A_203, %mul3A_199 : vector<16xf32>
      %sub3A_205 = arith.constant 1.500000e+00 : f32
      %sub3A_206 = vector.broadcast %sub3A_205 : f32 to vector<16xf32>
      %sub3A_207 = arith.subf %sub3A_206, %mul3A_204 : vector<16xf32>
      %mul3A_208 = arith.mulf %mul3A_199, %sub3A_207 : vector<16xf32>
      %mul3A_209 = arith.mulf %add3A_173, %mul3A_208 : vector<16xf32>
      %mul3A_210 = arith.constant 4.096000e+03 : f32
      %mul3A_211 = vector.broadcast %mul3A_210 : f32 to vector<16xf32>
      %mul3A_212 = arith.mulf %mul3A_209, %mul3A_211 : vector<16xf32>
      %min3A_213 = arith.constant 32766.998 : f32
      %min3A_214 = vector.broadcast %min3A_213 : f32 to vector<16xf32>
      %min3A_215 = arith.minimumf %mul3A_212, %min3A_214 : vector<16xf32>
      %convert_element_type3A_216 = arith.fptosi %min3A_215 : vector<16xf32> to vector<16xi32>
      %swap3A_217 = arith.constant 32 : index
      %swap3A_218 = tpu.vector_load %arg29[%swap3A_217] {strides = array<i32>} : memref<80xi32, #tpu.memory_space<vmem>>, vector<16xi32>,
      tpu.vector_store %arg29[%swap3A_217], %convert_element_type3A_216 {strides = array<i32>} : memref<80xi32, #tpu.memory_space<vmem>>, vector<16xi32>,
      %convert_element_type3A_219 = arith.sitofp %convert_element_type3A_216 : vector<16xi32> to vector<16xf32>
      %sub3A_220 = arith.subf %min3A_215, %convert_element_type3A_219 : vector<16xf32>
      %swap3A_221 = arith.constant 32 : index
      %swap3A_222 = tpu.vector_load %arg30[%swap3A_221] {strides = array<i32>} : memref<80xf32, #tpu.memory_space<vmem>>, vector<16xf32>,
      tpu.vector_store %arg30[%swap3A_221], %sub3A_220 {strides = array<i32>} : memref<80xf32, #tpu.memory_space<vmem>>, vector<16xf32>,
      %get3A_223 = arith.constant 48 : index
      %get3A_224 = tpu.vector_load %arg27[%get3A_223] {strides = array<i32>} : memref<80xi32, #tpu.memory_space<vmem>>, vector<16xi32>,
      %get3A_225 = arith.constant 48 : index
      %get3A_226 = tpu.vector_load %arg28[%get3A_225] {strides = array<i32>} : memref<80xi32, #tpu.memory_space<vmem>>, vector<16xi32>,
      %gather3A_227 = tpu.vector_load_idx %arg20[%get3A_224] : memref<10000xf32, #tpu.memory_space<vmem>>[vector<16xi32>], vector<16xf32>,
      %gather3A_228 = tpu.vector_load_idx %arg23[%get3A_226] : memref<4000xf32, #tpu.memory_space<vmem>>[vector<16xi32>], vector<16xf32>,
      %sub3A_229 = arith.subf %gather3A_227, %gather3A_228 : vector<16xf32>
      %gather3A_230 = tpu.vector_load_idx %arg21[%get3A_224] : memref<10000xf32, #tpu.memory_space<vmem>>[vector<16xi32>], vector<16xf32>,
      %gather3A_231 = tpu.vector_load_idx %arg24[%get3A_226] : memref<4000xf32, #tpu.memory_space<vmem>>[vector<16xi32>], vector<16xf32>,
      %sub3A_232 = arith.subf %gather3A_230, %gather3A_231 : vector<16xf32>
      %gather3A_233 = tpu.vector_load_idx %arg22[%get3A_224] : memref<10000xf32, #tpu.memory_space<vmem>>[vector<16xi32>], vector<16xf32>,
      %gather3A_234 = tpu.vector_load_idx %arg25[%get3A_226] : memref<4000xf32, #tpu.memory_space<vmem>>[vector<16xi32>], vector<16xf32>,
      %sub3A_235 = arith.subf %gather3A_233, %gather3A_234 : vector<16xf32>
      %mul3A_236 = arith.mulf %sub3A_229, %sub3A_229 : vector<16xf32>
      %mul3A_237 = arith.mulf %sub3A_232, %sub3A_232 : vector<16xf32>
      %add3A_238 = arith.addf %mul3A_236, %mul3A_237 : vector<16xf32>
      %mul3A_239 = arith.mulf %sub3A_235, %sub3A_235 : vector<16xf32>
      %add3A_240 = arith.addf %add3A_238, %mul3A_239 : vector<16xf32>
      %add3A_241 = arith.constant 9.99999997E-7 : f32
      %add3A_242 = vector.broadcast %add3A_241 : f32 to vector<16xf32>
      %add3A_243 = arith.addf %add3A_240, %add3A_242 : vector<16xf32>
      %bitcast3A_244 = vector.bitcast %add3A_243 : vector<16xf32> to vector<16xi32>
      %shift_right_logical3A_245 = arith.constant 1 : i32
      %shift_right_logical3A_246 = vector.broadcast %shift_right_logical3A_245 : i32 to vector<16xi32>
      %shift_right_logical3A_247 = arith.shrui %bitcast3A_244, %shift_right_logical3A_246 : vector<16xi32>
      %sub3A_248 = arith.constant 1597463007 : i32
      %sub3A_249 = vector.broadcast %sub3A_248 : i32 to vector<16xi32>
      %sub3A_250 = arith.subi %sub3A_249, %shift_right_logical3A_247 : vector<16xi32>
      %bitcast3A_251 = vector.bitcast %sub3A_250 : vector<16xi32> to vector<16xf32>
      %mul3A_252 = arith.constant 5.000000e-01 : f32
      %mul3A_253 = vector.broadcast %mul3A_252 : f32 to vector<16xf32>
      %mul3A_254 = arith.mulf %mul3A_253, %add3A_243 : vector<16xf32>
      %mul3A_255 = arith.mulf %mul3A_254, %bitcast3A_251 : vector<16xf32>
      %mul3A_256 = arith.mulf %mul3A_255, %bitcast3A_251 : vector<16xf32>
      %sub3A_257 = arith.constant 1.500000e+00 : f32
      %sub3A_258 = vector.broadcast %sub3A_257 : f32 to vector<16xf32>
      %sub3A_259 = arith.subf %sub3A_258, %mul3A_256 : vector<16xf32>
      %mul3A_260 = arith.mulf %bitcast3A_251, %sub3A_259 : vector<16xf32>
      %mul3A_261 = arith.constant 5.000000e-01 : f32
      %mul3A_262 = vector.broadcast %mul3A_261 : f32 to vector<16xf32>
      %mul3A_263 = arith.mulf %mul3A_262, %add3A_243 : vector<16xf32>
      %mul3A_264 = arith.mulf %mul3A_263, %mul3A_260 : vector<16xf32>
      %mul3A_265 = arith.mulf %mul3A_264, %mul3A_260 : vector<16xf32>
      %sub3A_266 = arith.constant 1.500000e+00 : f32
      %sub3A_267 = vector.broadcast %sub3A_266 : f32 to vector<16xf32>
      %sub3A_268 = arith.subf %sub3A_267, %mul3A_265 : vector<16xf32>
      %mul3A_269 = arith.mulf %mul3A_260, %sub3A_268 : vector<16xf32>
      %mul3A_270 = arith.constant 5.000000e-01 : f32
      %mul3A_271 = vector.broadcast %mul3A_270 : f32 to vector<16xf32>
      %mul3A_272 = arith.mulf %mul3A_271, %add3A_243 : vector<16xf32>
      %mul3A_273 = arith.mulf %mul3A_272, %mul3A_269 : vector<16xf32>
      %mul3A_274 = arith.mulf %mul3A_273, %mul3A_269 : vector<16xf32>
      %sub3A_275 = arith.constant 1.500000e+00 : f32
      %sub3A_276 = vector.broadcast %sub3A_275 : f32 to vector<16xf32>
      %sub3A_277 = arith.subf %sub3A_276, %mul3A_274 : vector<16xf32>
      %mul3A_278 = arith.mulf %mul3A_269, %sub3A_277 : vector<16xf32>
      %mul3A_279 = arith.mulf %add3A_243, %mul3A_278 : vector<16xf32>
      %mul3A_280 = arith.constant 4.096000e+03 : f32
      %mul3A_281 = vector.broadcast %mul3A_280 : f32 to vector<16xf32>
      %mul3A_282 = arith.mulf %mul3A_279, %mul3A_281 : vector<16xf32>
      %min3A_283 = arith.constant 32766.998 : f32
      %min3A_284 = vector.broadcast %min3A_283 : f32 to vector<16xf32>
      %min3A_285 = arith.minimumf %mul3A_282, %min3A_284 : vector<16xf32>
      %convert_element_type3A_286 = arith.fptosi %min3A_285 : vector<16xf32> to vector<16xi32>
      %swap3A_287 = arith.constant 48 : index
      %swap3A_288 = tpu.vector_load %arg29[%swap3A_287] {strides = array<i32>} : memref<80xi32, #tpu.memory_space<vmem>>, vector<16xi32>,
      tpu.vector_store %arg29[%swap3A_287], %convert_element_type3A_286 {strides = array<i32>} : memref<80xi32, #tpu.memory_space<vmem>>, vector<16xi32>,
      %convert_element_type3A_289 = arith.sitofp %convert_element_type3A_286 : vector<16xi32> to vector<16xf32>
      %sub3A_290 = arith.subf %min3A_285, %convert_element_type3A_289 : vector<16xf32>
      %swap3A_291 = arith.constant 48 : index
      %swap3A_292 = tpu.vector_load %arg30[%swap3A_291] {strides = array<i32>} : memref<80xf32, #tpu.memory_space<vmem>>, vector<16xf32>,
      tpu.vector_store %arg30[%swap3A_291], %sub3A_290 {strides = array<i32>} : memref<80xf32, #tpu.memory_space<vmem>>, vector<16xf32>,
      %get3A_293 = arith.constant 64 : index
      %get3A_294 = tpu.vector_load %arg27[%get3A_293] {strides = array<i32>} : memref<80xi32, #tpu.memory_space<vmem>>, vector<16xi32>,
      %get3A_295 = arith.constant 64 : index
      %get3A_296 = tpu.vector_load %arg28[%get3A_295] {strides = array<i32>} : memref<80xi32, #tpu.memory_space<vmem>>, vector<16xi32>,
      %gather3A_297 = tpu.vector_load_idx %arg20[%get3A_294] : memref<10000xf32, #tpu.memory_space<vmem>>[vector<16xi32>], vector<16xf32>,
      %gather3A_298 = tpu.vector_load_idx %arg23[%get3A_296] : memref<4000xf32, #tpu.memory_space<vmem>>[vector<16xi32>], vector<16xf32>,
      %sub3A_299 = arith.subf %gather3A_297, %gather3A_298 : vector<16xf32>
      %gather3A_300 = tpu.vector_load_idx %arg21[%get3A_294] : memref<10000xf32, #tpu.memory_space<vmem>>[vector<16xi32>], vector<16xf32>,
      %gather3A_301 = tpu.vector_load_idx %arg24[%get3A_296] : memref<4000xf32, #tpu.memory_space<vmem>>[vector<16xi32>], vector<16xf32>,
      %sub3A_302 = arith.subf %gather3A_300, %gather3A_301 : vector<16xf32>
      %gather3A_303 = tpu.vector_load_idx %arg22[%get3A_294] : memref<10000xf32, #tpu.memory_space<vmem>>[vector<16xi32>], vector<16xf32>,
      %gather3A_304 = tpu.vector_load_idx %arg25[%get3A_296] : memref<4000xf32, #tpu.memory_space<vmem>>[vector<16xi32>], vector<16xf32>,
      %sub3A_305 = arith.subf %gather3A_303, %gather3A_304 : vector<16xf32>
      %mul3A_306 = arith.mulf %sub3A_299, %sub3A_299 : vector<16xf32>
      %mul3A_307 = arith.mulf %sub3A_302, %sub3A_302 : vector<16xf32>
      %add3A_308 = arith.addf %mul3A_306, %mul3A_307 : vector<16xf32>
      %mul3A_309 = arith.mulf %sub3A_305, %sub3A_305 : vector<16xf32>
      %add3A_310 = arith.addf %add3A_308, %mul3A_309 : vector<16xf32>
      %add3A_311 = arith.constant 9.99999997E-7 : f32
      %add3A_312 = vector.broadcast %add3A_311 : f32 to vector<16xf32>
      %add3A_313 = arith.addf %add3A_310, %add3A_312 : vector<16xf32>
      %bitcast3A_314 = vector.bitcast %add3A_313 : vector<16xf32> to vector<16xi32>
      %shift_right_logical3A_315 = arith.constant 1 : i32
      %shift_right_logical3A_316 = vector.broadcast %shift_right_logical3A_315 : i32 to vector<16xi32>
      %shift_right_logical3A_317 = arith.shrui %bitcast3A_314, %shift_right_logical3A_316 : vector<16xi32>
      %sub3A_318 = arith.constant 1597463007 : i32
      %sub3A_319 = vector.broadcast %sub3A_318 : i32 to vector<16xi32>
      %sub3A_320 = arith.subi %sub3A_319, %shift_right_logical3A_317 : vector<16xi32>
      %bitcast3A_321 = vector.bitcast %sub3A_320 : vector<16xi32> to vector<16xf32>
      %mul3A_322 = arith.constant 5.000000e-01 : f32
      %mul3A_323 = vector.broadcast %mul3A_322 : f32 to vector<16xf32>
      %mul3A_324 = arith.mulf %mul3A_323, %add3A_313 : vector<16xf32>
      %mul3A_325 = arith.mulf %mul3A_324, %bitcast3A_321 : vector<16xf32>
      %mul3A_326 = arith.mulf %mul3A_325, %bitcast3A_321 : vector<16xf32>
      %sub3A_327 = arith.constant 1.500000e+00 : f32
      %sub3A_328 = vector.broadcast %sub3A_327 : f32 to vector<16xf32>
      %sub3A_329 = arith.subf %sub3A_328, %mul3A_326 : vector<16xf32>
      %mul3A_330 = arith.mulf %bitcast3A_321, %sub3A_329 : vector<16xf32>
      %mul3A_331 = arith.constant 5.000000e-01 : f32
      %mul3A_332 = vector.broadcast %mul3A_331 : f32 to vector<16xf32>
      %mul3A_333 = arith.mulf %mul3A_332, %add3A_313 : vector<16xf32>
      %mul3A_334 = arith.mulf %mul3A_333, %mul3A_330 : vector<16xf32>
      %mul3A_335 = arith.mulf %mul3A_334, %mul3A_330 : vector<16xf32>
      %sub3A_336 = arith.constant 1.500000e+00 : f32
      %sub3A_337 = vector.broadcast %sub3A_336 : f32 to vector<16xf32>
      %sub3A_338 = arith.subf %sub3A_337, %mul3A_335 : vector<16xf32>
      %mul3A_339 = arith.mulf %mul3A_330, %sub3A_338 : vector<16xf32>
      %mul3A_340 = arith.constant 5.000000e-01 : f32
      %mul3A_341 = vector.broadcast %mul3A_340 : f32 to vector<16xf32>
      %mul3A_342 = arith.mulf %mul3A_341, %add3A_313 : vector<16xf32>
      %mul3A_343 = arith.mulf %mul3A_342, %mul3A_339 : vector<16xf32>
      %mul3A_344 = arith.mulf %mul3A_343, %mul3A_339 : vector<16xf32>
      %sub3A_345 = arith.constant 1.500000e+00 : f32
      %sub3A_346 = vector.broadcast %sub3A_345 : f32 to vector<16xf32>
      %sub3A_347 = arith.subf %sub3A_346, %mul3A_344 : vector<16xf32>
      %mul3A_348 = arith.mulf %mul3A_339, %sub3A_347 : vector<16xf32>
      %mul3A_349 = arith.mulf %add3A_313, %mul3A_348 : vector<16xf32>
      %mul3A_350 = arith.constant 4.096000e+03 : f32
      %mul3A_351 = vector.broadcast %mul3A_350 : f32 to vector<16xf32>
      %mul3A_352 = arith.mulf %mul3A_349, %mul3A_351 : vector<16xf32>
      %min3A_353 = arith.constant 32766.998 : f32
      %min3A_354 = vector.broadcast %min3A_353 : f32 to vector<16xf32>
      %min3A_355 = arith.minimumf %mul3A_352, %min3A_354 : vector<16xf32>
      %convert_element_type3A_356 = arith.fptosi %min3A_355 : vector<16xf32> to vector<16xi32>
      %swap3A_357 = arith.constant 64 : index
      %swap3A_358 = tpu.vector_load %arg29[%swap3A_357] {strides = array<i32>} : memref<80xi32, #tpu.memory_space<vmem>>, vector<16xi32>,
      tpu.vector_store %arg29[%swap3A_357], %convert_element_type3A_356 {strides = array<i32>} : memref<80xi32, #tpu.memory_space<vmem>>, vector<16xi32>,
      %convert_element_type3A_359 = arith.sitofp %convert_element_type3A_356 : vector<16xi32> to vector<16xf32>
      %sub3A_360 = arith.subf %min3A_355, %convert_element_type3A_359 : vector<16xf32>
      %swap3A_361 = arith.constant 64 : index
      %swap3A_362 = tpu.vector_load %arg30[%swap3A_361] {strides = array<i32>} : memref<80xf32, #tpu.memory_space<vmem>>, vector<16xf32>,
      tpu.vector_store %arg30[%swap3A_361], %sub3A_360 {strides = array<i32>} : memref<80xf32, #tpu.memory_space<vmem>>, vector<16xf32>,
      "tpu.region"() ({
        %run_scoped3A = tpu.sem_alloc : memref<!tpu.dma_semaphore, #tpu.memory_space<semaphore_mem>>
        %dma_start3A = tpu.memref_slice %arg18[%add3A_20] : memref<163840xi32, #tpu.memory_space<hbm>> -> memref<80xi32, #tpu.memory_space<hbm>>
        %dma_start3A_364 = tpu.memref_slice %arg18[%add3A_20] : memref<163840xi32, #tpu.memory_space<hbm>> -> memref<80xi32, #tpu.memory_space<hbm>>
        tpu.enqueue_dma source(%arg29 : memref<80xi32, #tpu.memory_space<vmem>>) target(%dma_start3A_364 : memref<80xi32, #tpu.memory_space<hbm>>) target_semaphore(%run_scoped3A : memref<!tpu.dma_semaphore, #tpu.memory_space<semaphore_mem>>)
        %dma_wait3A = tpu.memref_slice %arg18[%add3A_20] : memref<163840xi32, #tpu.memory_space<hbm>> -> memref<80xi32, #tpu.memory_space<hbm>>
        %dma_wait3A_365 = tpu.memref_slice %arg18[%add3A_20] : memref<163840xi32, #tpu.memory_space<hbm>> -> memref<80xi32, #tpu.memory_space<hbm>>
        tpu.wait_dma2 semaphore(%run_scoped3A : memref<!tpu.dma_semaphore, #tpu.memory_space<semaphore_mem>>) src(%arg29 : memref<80xi32, #tpu.memory_space<vmem>>) dst(%dma_wait3A_365 : memref<80xi32, #tpu.memory_space<hbm>>)
        tpu.yield
      }) : () -> ()
      "tpu.region"() ({
        %run_scoped3A = tpu.sem_alloc : memref<!tpu.dma_semaphore, #tpu.memory_space<semaphore_mem>>
        %dma_start3A = tpu.memref_slice %arg19[%add3A_20] : memref<163840xf32, #tpu.memory_space<hbm>> -> memref<80xf32, #tpu.memory_space<hbm>>
        %dma_start3A_364 = tpu.memref_slice %arg19[%add3A_20] : memref<163840xf32, #tpu.memory_space<hbm>> -> memref<80xf32, #tpu.memory_space<hbm>>
        tpu.enqueue_dma source(%arg30 : memref<80xf32, #tpu.memory_space<vmem>>) target(%dma_start3A_364 : memref<80xf32, #tpu.memory_space<hbm>>) target_semaphore(%run_scoped3A : memref<!tpu.dma_semaphore, #tpu.memory_space<semaphore_mem>>)
        %dma_wait3A = tpu.memref_slice %arg19[%add3A_20] : memref<163840xf32, #tpu.memory_space<hbm>> -> memref<80xf32, #tpu.memory_space<hbm>>
        %dma_wait3A_365 = tpu.memref_slice %arg19[%add3A_20] : memref<163840xf32, #tpu.memory_space<hbm>> -> memref<80xf32, #tpu.memory_space<hbm>>
        tpu.wait_dma2 semaphore(%run_scoped3A : memref<!tpu.dma_semaphore, #tpu.memory_space<semaphore_mem>>) src(%arg30 : memref<80xf32, #tpu.memory_space<vmem>>) dst(%dma_wait3A_365 : memref<80xf32, #tpu.memory_space<hbm>>)
        tpu.yield
      }) : () -> ()
      %scan3A_363 = arith.constant 0 : i32
      scf.yield %scan3A_363 : i32
    }
    %scan3A_13 = arith.constant 64 : i32
    return
  }
}

#map = affine_map<(d0, d1) -> (0)>
#map1 = affine_map<(d0, d1) -> (0, 0)>
#map2 = affine_map<(d0, d1) -> (0, 0, 0)>
module attributes {stable_mosaic.version = 14 : i64} {
  func.func @body(%arg0: i32, %arg1: i32, %arg2: memref<320000xf32, #tpu.memory_space<hbm>>, %arg3: memref<320000xf32, #tpu.memory_space<hbm>>, %arg4: memref<320000xf32, #tpu.memory_space<hbm>>, %arg5: memref<320000xi32, #tpu.memory_space<hbm>>, %arg6: memref<10000x128xf32, #tpu.memory_space<hbm>>, %arg7: memref<2x10000x128xf32, #tpu.memory_space<hbm>>, %arg8: memref<10000x128xf32, #tpu.memory_space<vmem_shared>>, %arg9: memref<80xi32, #tpu.memory_space<vmem>>, %arg10: memref<80xf32, #tpu.memory_space<vmem>>, %arg11: memref<80xf32, #tpu.memory_space<vmem>>, %arg12: memref<80xf32, #tpu.memory_space<vmem>>, %arg13: memref<80x128xf32, #tpu.memory_space<vmem>>, %arg14: memref<!tpu.dma_semaphore, #tpu.memory_space<semaphore_mem>>) attributes {dimension_semantics = [#tpu.dimension_semantics<core_parallel>, #tpu.dimension_semantics<subcore_parallel>], iteration_bounds = array<i64: 2, 16>, scalar_prefetch = 0 : i64, scratch_operands = 7 : i64, tpu.core_type = #tpu.core_type<sc_vector_subcore>, window_params = [{transform_indices = #map}, {transform_indices = #map}, {transform_indices = #map}, {transform_indices = #map}, {transform_indices = #map1}, {transform_indices = #map2}]} {
    %lt3A = arith.constant 10 : i32
    %lt3A_0 = arith.cmpi slt, %arg1, %lt3A : i32
    %convert_element_type3A = arith.extui %lt3A_0 : i1 to i32
    %cond3A = arith.constant 0 : i32
    %cond3A_1 = arith.cmpi ne, %convert_element_type3A, %cond3A : i32
    scf.if %cond3A_1 {
      %mul3A_24 = arith.constant 1000 : i32
      %mul3A_25 = arith.muli %arg1, %mul3A_24 : i32
      "tpu.region"() ({
        %run_scoped3A = tpu.sem_alloc : memref<!tpu.dma_semaphore, #tpu.memory_space<semaphore_mem>>
        %dma_start3A = arith.constant 0 : i32
        %dma_start3A_26 = tpu.memref_slice %arg8[%mul3A_25, %dma_start3A] : memref<10000x128xf32, #tpu.memory_space<vmem_shared>> -> memref<1000x128xf32, #tpu.memory_space<vmem_shared>>
        %dma_start3A_27 = arith.constant 0 : i32
        %dma_start3A_28 = tpu.memref_slice %arg6[%mul3A_25, %dma_start3A_27] : memref<10000x128xf32, #tpu.memory_space<hbm>> -> memref<1000x128xf32, #tpu.memory_space<hbm>>
        tpu.enqueue_dma source(%dma_start3A_28 : memref<1000x128xf32, #tpu.memory_space<hbm>>) target(%dma_start3A_26 : memref<1000x128xf32, #tpu.memory_space<vmem_shared>>) target_semaphore(%run_scoped3A : memref<!tpu.dma_semaphore, #tpu.memory_space<semaphore_mem>>)
        %dma_wait3A = arith.constant 0 : i32
        %dma_wait3A_29 = tpu.memref_slice %arg8[%mul3A_25, %dma_wait3A] : memref<10000x128xf32, #tpu.memory_space<vmem_shared>> -> memref<1000x128xf32, #tpu.memory_space<vmem_shared>>
        %dma_wait3A_30 = arith.constant 0 : i32
        %dma_wait3A_31 = tpu.memref_slice %arg6[%mul3A_25, %dma_wait3A_30] : memref<10000x128xf32, #tpu.memory_space<hbm>> -> memref<1000x128xf32, #tpu.memory_space<hbm>>
        tpu.wait_dma2 semaphore(%run_scoped3A : memref<!tpu.dma_semaphore, #tpu.memory_space<semaphore_mem>>) src(%dma_wait3A_31 : memref<1000x128xf32, #tpu.memory_space<hbm>>) dst(%dma_wait3A_29 : memref<1000x128xf32, #tpu.memory_space<vmem_shared>>)
        tpu.yield
      }) : () -> ()
    } else {
    }
    %scan3A = arith.constant 0 : i32
    %scan3A_2 = arith.constant 0 : i32
    %scan3A_3 = arith.constant 80 : i32
    %scan3A_4 = arith.addi %scan3A_2, %scan3A_3 : i32
    %scan3A_5 = arith.constant 1 : i32
    %scan3A_6 = scf.for %scan3A_24 = %scan3A_2 to %scan3A_4 step %scan3A_5 iter_args(%scan3A_25 = %scan3A) -> (i32)  : i32 {
      %broadcast_in_dim3A = arith.constant 0.000000e+00 : f32
      %broadcast_in_dim3A_26 = vector.broadcast %broadcast_in_dim3A : f32 to vector<16xf32>
      %swap3A = arith.index_cast %scan3A_24 : i32 to index
      %swap3A_27 = arith.constant 0 : index
      %swap3A_28 = tpu.vector_load %arg13[%swap3A, %swap3A_27] {strides = array<i32>} : memref<80x128xf32, #tpu.memory_space<vmem>>, vector<16xf32>,
      tpu.vector_store %arg13[%swap3A, %swap3A_27], %broadcast_in_dim3A_26 {strides = array<i32>} : memref<80x128xf32, #tpu.memory_space<vmem>>, vector<16xf32>,
      %broadcast_in_dim3A_29 = arith.constant 0.000000e+00 : f32
      %broadcast_in_dim3A_30 = vector.broadcast %broadcast_in_dim3A_29 : f32 to vector<16xf32>
      %swap3A_31 = arith.index_cast %scan3A_24 : i32 to index
      %swap3A_32 = arith.constant 16 : index
      %swap3A_33 = tpu.vector_load %arg13[%swap3A_31, %swap3A_32] {strides = array<i32>} : memref<80x128xf32, #tpu.memory_space<vmem>>, vector<16xf32>,
      tpu.vector_store %arg13[%swap3A_31, %swap3A_32], %broadcast_in_dim3A_30 {strides = array<i32>} : memref<80x128xf32, #tpu.memory_space<vmem>>, vector<16xf32>,
      %broadcast_in_dim3A_34 = arith.constant 0.000000e+00 : f32
      %broadcast_in_dim3A_35 = vector.broadcast %broadcast_in_dim3A_34 : f32 to vector<16xf32>
      %swap3A_36 = arith.index_cast %scan3A_24 : i32 to index
      %swap3A_37 = arith.constant 32 : index
      %swap3A_38 = tpu.vector_load %arg13[%swap3A_36, %swap3A_37] {strides = array<i32>} : memref<80x128xf32, #tpu.memory_space<vmem>>, vector<16xf32>,
      tpu.vector_store %arg13[%swap3A_36, %swap3A_37], %broadcast_in_dim3A_35 {strides = array<i32>} : memref<80x128xf32, #tpu.memory_space<vmem>>, vector<16xf32>,
      %broadcast_in_dim3A_39 = arith.constant 0.000000e+00 : f32
      %broadcast_in_dim3A_40 = vector.broadcast %broadcast_in_dim3A_39 : f32 to vector<16xf32>
      %swap3A_41 = arith.index_cast %scan3A_24 : i32 to index
      %swap3A_42 = arith.constant 48 : index
      %swap3A_43 = tpu.vector_load %arg13[%swap3A_41, %swap3A_42] {strides = array<i32>} : memref<80x128xf32, #tpu.memory_space<vmem>>, vector<16xf32>,
      tpu.vector_store %arg13[%swap3A_41, %swap3A_42], %broadcast_in_dim3A_40 {strides = array<i32>} : memref<80x128xf32, #tpu.memory_space<vmem>>, vector<16xf32>,
      %broadcast_in_dim3A_44 = arith.constant 0.000000e+00 : f32
      %broadcast_in_dim3A_45 = vector.broadcast %broadcast_in_dim3A_44 : f32 to vector<16xf32>
      %swap3A_46 = arith.index_cast %scan3A_24 : i32 to index
      %swap3A_47 = arith.constant 64 : index
      %swap3A_48 = tpu.vector_load %arg13[%swap3A_46, %swap3A_47] {strides = array<i32>} : memref<80x128xf32, #tpu.memory_space<vmem>>, vector<16xf32>,
      tpu.vector_store %arg13[%swap3A_46, %swap3A_47], %broadcast_in_dim3A_45 {strides = array<i32>} : memref<80x128xf32, #tpu.memory_space<vmem>>, vector<16xf32>,
      %broadcast_in_dim3A_49 = arith.constant 0.000000e+00 : f32
      %broadcast_in_dim3A_50 = vector.broadcast %broadcast_in_dim3A_49 : f32 to vector<16xf32>
      %swap3A_51 = arith.index_cast %scan3A_24 : i32 to index
      %swap3A_52 = arith.constant 80 : index
      %swap3A_53 = tpu.vector_load %arg13[%swap3A_51, %swap3A_52] {strides = array<i32>} : memref<80x128xf32, #tpu.memory_space<vmem>>, vector<16xf32>,
      tpu.vector_store %arg13[%swap3A_51, %swap3A_52], %broadcast_in_dim3A_50 {strides = array<i32>} : memref<80x128xf32, #tpu.memory_space<vmem>>, vector<16xf32>,
      %broadcast_in_dim3A_54 = arith.constant 0.000000e+00 : f32
      %broadcast_in_dim3A_55 = vector.broadcast %broadcast_in_dim3A_54 : f32 to vector<16xf32>
      %swap3A_56 = arith.index_cast %scan3A_24 : i32 to index
      %swap3A_57 = arith.constant 96 : index
      %swap3A_58 = tpu.vector_load %arg13[%swap3A_56, %swap3A_57] {strides = array<i32>} : memref<80x128xf32, #tpu.memory_space<vmem>>, vector<16xf32>,
      tpu.vector_store %arg13[%swap3A_56, %swap3A_57], %broadcast_in_dim3A_55 {strides = array<i32>} : memref<80x128xf32, #tpu.memory_space<vmem>>, vector<16xf32>,
      %broadcast_in_dim3A_59 = arith.constant 0.000000e+00 : f32
      %broadcast_in_dim3A_60 = vector.broadcast %broadcast_in_dim3A_59 : f32 to vector<16xf32>
      %swap3A_61 = arith.index_cast %scan3A_24 : i32 to index
      %swap3A_62 = arith.constant 112 : index
      %swap3A_63 = tpu.vector_load %arg13[%swap3A_61, %swap3A_62] {strides = array<i32>} : memref<80x128xf32, #tpu.memory_space<vmem>>, vector<16xf32>,
      tpu.vector_store %arg13[%swap3A_61, %swap3A_62], %broadcast_in_dim3A_60 {strides = array<i32>} : memref<80x128xf32, #tpu.memory_space<vmem>>, vector<16xf32>,
      %scan3A_64 = arith.constant 0 : i32
      scf.yield %scan3A_64 : i32
    }
    %scan3A_7 = arith.constant 80 : i32
    %barrier3A = arith.constant 0 : index
    tpu.barrier barrier_id(%barrier3A)
    %mul3A = arith.constant 16 : i32
    %mul3A_8 = arith.muli %arg0, %mul3A : i32
    %add3A = arith.addi %mul3A_8, %arg1 : i32
    %mul3A_9 = arith.constant 10000 : i32
    %mul3A_10 = arith.muli %add3A, %mul3A_9 : i32
    %iota3A = tpu.iota {dimensions = array<i32: 0>} : vector<16xi32>
    %scan3A_11 = arith.constant 0 : i32
    %scan3A_12 = arith.constant 0 : i32
    %scan3A_13 = arith.constant 125 : i32
    %scan3A_14 = arith.addi %scan3A_12, %scan3A_13 : i32
    %scan3A_15 = arith.constant 1 : i32
    %scan3A_16 = scf.for %scan3A_24 = %scan3A_12 to %scan3A_14 step %scan3A_15 iter_args(%scan3A_25 = %scan3A_11) -> (i32)  : i32 {
      %mul3A_26 = arith.constant 80 : i32
      %mul3A_27 = arith.muli %scan3A_24, %mul3A_26 : i32
      %add3A_28 = arith.addi %mul3A_10, %mul3A_27 : i32
      "tpu.region"() ({
        %run_scoped3A = tpu.sem_alloc : memref<!tpu.dma_semaphore, #tpu.memory_space<semaphore_mem>>
        %dma_start3A = tpu.memref_slice %arg5[%add3A_28] : memref<320000xi32, #tpu.memory_space<hbm>> -> memref<80xi32, #tpu.memory_space<hbm>>
        %dma_start3A_105 = tpu.memref_slice %arg5[%add3A_28] : memref<320000xi32, #tpu.memory_space<hbm>> -> memref<80xi32, #tpu.memory_space<hbm>>
        tpu.enqueue_dma source(%dma_start3A_105 : memref<80xi32, #tpu.memory_space<hbm>>) target(%arg9 : memref<80xi32, #tpu.memory_space<vmem>>) target_semaphore(%run_scoped3A : memref<!tpu.dma_semaphore, #tpu.memory_space<semaphore_mem>>)
        %dma_wait3A = tpu.memref_slice %arg5[%add3A_28] : memref<320000xi32, #tpu.memory_space<hbm>> -> memref<80xi32, #tpu.memory_space<hbm>>
        %dma_wait3A_106 = tpu.memref_slice %arg5[%add3A_28] : memref<320000xi32, #tpu.memory_space<hbm>> -> memref<80xi32, #tpu.memory_space<hbm>>
        tpu.wait_dma2 semaphore(%run_scoped3A : memref<!tpu.dma_semaphore, #tpu.memory_space<semaphore_mem>>) src(%dma_wait3A_106 : memref<80xi32, #tpu.memory_space<hbm>>) dst(%arg9 : memref<80xi32, #tpu.memory_space<vmem>>)
        tpu.yield
      }) : () -> ()
      "tpu.region"() ({
        %run_scoped3A = tpu.sem_alloc : memref<!tpu.dma_semaphore, #tpu.memory_space<semaphore_mem>>
        %dma_start3A = tpu.memref_slice %arg2[%add3A_28] : memref<320000xf32, #tpu.memory_space<hbm>> -> memref<80xf32, #tpu.memory_space<hbm>>
        %dma_start3A_105 = tpu.memref_slice %arg2[%add3A_28] : memref<320000xf32, #tpu.memory_space<hbm>> -> memref<80xf32, #tpu.memory_space<hbm>>
        tpu.enqueue_dma source(%dma_start3A_105 : memref<80xf32, #tpu.memory_space<hbm>>) target(%arg10 : memref<80xf32, #tpu.memory_space<vmem>>) target_semaphore(%run_scoped3A : memref<!tpu.dma_semaphore, #tpu.memory_space<semaphore_mem>>)
        %dma_wait3A = tpu.memref_slice %arg2[%add3A_28] : memref<320000xf32, #tpu.memory_space<hbm>> -> memref<80xf32, #tpu.memory_space<hbm>>
        %dma_wait3A_106 = tpu.memref_slice %arg2[%add3A_28] : memref<320000xf32, #tpu.memory_space<hbm>> -> memref<80xf32, #tpu.memory_space<hbm>>
        tpu.wait_dma2 semaphore(%run_scoped3A : memref<!tpu.dma_semaphore, #tpu.memory_space<semaphore_mem>>) src(%dma_wait3A_106 : memref<80xf32, #tpu.memory_space<hbm>>) dst(%arg10 : memref<80xf32, #tpu.memory_space<vmem>>)
        tpu.yield
      }) : () -> ()
      "tpu.region"() ({
        %run_scoped3A = tpu.sem_alloc : memref<!tpu.dma_semaphore, #tpu.memory_space<semaphore_mem>>
        %dma_start3A = tpu.memref_slice %arg3[%add3A_28] : memref<320000xf32, #tpu.memory_space<hbm>> -> memref<80xf32, #tpu.memory_space<hbm>>
        %dma_start3A_105 = tpu.memref_slice %arg3[%add3A_28] : memref<320000xf32, #tpu.memory_space<hbm>> -> memref<80xf32, #tpu.memory_space<hbm>>
        tpu.enqueue_dma source(%dma_start3A_105 : memref<80xf32, #tpu.memory_space<hbm>>) target(%arg11 : memref<80xf32, #tpu.memory_space<vmem>>) target_semaphore(%run_scoped3A : memref<!tpu.dma_semaphore, #tpu.memory_space<semaphore_mem>>)
        %dma_wait3A = tpu.memref_slice %arg3[%add3A_28] : memref<320000xf32, #tpu.memory_space<hbm>> -> memref<80xf32, #tpu.memory_space<hbm>>
        %dma_wait3A_106 = tpu.memref_slice %arg3[%add3A_28] : memref<320000xf32, #tpu.memory_space<hbm>> -> memref<80xf32, #tpu.memory_space<hbm>>
        tpu.wait_dma2 semaphore(%run_scoped3A : memref<!tpu.dma_semaphore, #tpu.memory_space<semaphore_mem>>) src(%dma_wait3A_106 : memref<80xf32, #tpu.memory_space<hbm>>) dst(%arg11 : memref<80xf32, #tpu.memory_space<vmem>>)
        tpu.yield
      }) : () -> ()
      "tpu.region"() ({
        %run_scoped3A = tpu.sem_alloc : memref<!tpu.dma_semaphore, #tpu.memory_space<semaphore_mem>>
        %dma_start3A = tpu.memref_slice %arg4[%add3A_28] : memref<320000xf32, #tpu.memory_space<hbm>> -> memref<80xf32, #tpu.memory_space<hbm>>
        %dma_start3A_105 = tpu.memref_slice %arg4[%add3A_28] : memref<320000xf32, #tpu.memory_space<hbm>> -> memref<80xf32, #tpu.memory_space<hbm>>
        tpu.enqueue_dma source(%dma_start3A_105 : memref<80xf32, #tpu.memory_space<hbm>>) target(%arg12 : memref<80xf32, #tpu.memory_space<vmem>>) target_semaphore(%run_scoped3A : memref<!tpu.dma_semaphore, #tpu.memory_space<semaphore_mem>>)
        %dma_wait3A = tpu.memref_slice %arg4[%add3A_28] : memref<320000xf32, #tpu.memory_space<hbm>> -> memref<80xf32, #tpu.memory_space<hbm>>
        %dma_wait3A_106 = tpu.memref_slice %arg4[%add3A_28] : memref<320000xf32, #tpu.memory_space<hbm>> -> memref<80xf32, #tpu.memory_space<hbm>>
        tpu.wait_dma2 semaphore(%run_scoped3A : memref<!tpu.dma_semaphore, #tpu.memory_space<semaphore_mem>>) src(%dma_wait3A_106 : memref<80xf32, #tpu.memory_space<hbm>>) dst(%arg12 : memref<80xf32, #tpu.memory_space<vmem>>)
        tpu.yield
      }) : () -> ()
      %broadcast_in_dim3A = arith.constant 0 : i32
      %broadcast_in_dim3A_29 = vector.broadcast %broadcast_in_dim3A : i32 to vector<16xi32>
      %add3A_30 = arith.constant 0 : i32
      %add3A_31 = vector.broadcast %add3A_30 : i32 to vector<16xi32>
      %add3A_32 = arith.addi %iota3A, %add3A_31 : vector<16xi32>
      %get3A = arith.constant 0 : index
      %get3A_33 = tpu.vector_load %arg10[%get3A] {strides = array<i32>} : memref<80xf32, #tpu.memory_space<vmem>>, vector<16xf32>,
      tpu.vector_store_idx %arg13[%add3A_32, %broadcast_in_dim3A_29], %get3A_33 : memref<80x128xf32, #tpu.memory_space<vmem>>[vector<16xi32>, vector<16xi32>], vector<16xf32>,
      %add3A_34 = arith.constant 1 : i32
      %add3A_35 = vector.broadcast %add3A_34 : i32 to vector<16xi32>
      %add3A_36 = arith.addi %broadcast_in_dim3A_29, %add3A_35 : vector<16xi32>
      %get3A_37 = arith.constant 0 : index
      %get3A_38 = tpu.vector_load %arg11[%get3A_37] {strides = array<i32>} : memref<80xf32, #tpu.memory_space<vmem>>, vector<16xf32>,
      tpu.vector_store_idx %arg13[%add3A_32, %add3A_36], %get3A_38 : memref<80x128xf32, #tpu.memory_space<vmem>>[vector<16xi32>, vector<16xi32>], vector<16xf32>,
      %add3A_39 = arith.constant 2 : i32
      %add3A_40 = vector.broadcast %add3A_39 : i32 to vector<16xi32>
      %add3A_41 = arith.addi %broadcast_in_dim3A_29, %add3A_40 : vector<16xi32>
      %get3A_42 = arith.constant 0 : index
      %get3A_43 = tpu.vector_load %arg12[%get3A_42] {strides = array<i32>} : memref<80xf32, #tpu.memory_space<vmem>>, vector<16xf32>,
      tpu.vector_store_idx %arg13[%add3A_32, %add3A_41], %get3A_43 : memref<80x128xf32, #tpu.memory_space<vmem>>[vector<16xi32>, vector<16xi32>], vector<16xf32>,
      %add3A_44 = arith.constant 16 : i32
      %add3A_45 = vector.broadcast %add3A_44 : i32 to vector<16xi32>
      %add3A_46 = arith.addi %iota3A, %add3A_45 : vector<16xi32>
      %get3A_47 = arith.constant 16 : index
      %get3A_48 = tpu.vector_load %arg10[%get3A_47] {strides = array<i32>} : memref<80xf32, #tpu.memory_space<vmem>>, vector<16xf32>,
      tpu.vector_store_idx %arg13[%add3A_46, %broadcast_in_dim3A_29], %get3A_48 : memref<80x128xf32, #tpu.memory_space<vmem>>[vector<16xi32>, vector<16xi32>], vector<16xf32>,
      %add3A_49 = arith.constant 1 : i32
      %add3A_50 = vector.broadcast %add3A_49 : i32 to vector<16xi32>
      %add3A_51 = arith.addi %broadcast_in_dim3A_29, %add3A_50 : vector<16xi32>
      %get3A_52 = arith.constant 16 : index
      %get3A_53 = tpu.vector_load %arg11[%get3A_52] {strides = array<i32>} : memref<80xf32, #tpu.memory_space<vmem>>, vector<16xf32>,
      tpu.vector_store_idx %arg13[%add3A_46, %add3A_51], %get3A_53 : memref<80x128xf32, #tpu.memory_space<vmem>>[vector<16xi32>, vector<16xi32>], vector<16xf32>,
      %add3A_54 = arith.constant 2 : i32
      %add3A_55 = vector.broadcast %add3A_54 : i32 to vector<16xi32>
      %add3A_56 = arith.addi %broadcast_in_dim3A_29, %add3A_55 : vector<16xi32>
      %get3A_57 = arith.constant 16 : index
      %get3A_58 = tpu.vector_load %arg12[%get3A_57] {strides = array<i32>} : memref<80xf32, #tpu.memory_space<vmem>>, vector<16xf32>,
      tpu.vector_store_idx %arg13[%add3A_46, %add3A_56], %get3A_58 : memref<80x128xf32, #tpu.memory_space<vmem>>[vector<16xi32>, vector<16xi32>], vector<16xf32>,
      %add3A_59 = arith.constant 32 : i32
      %add3A_60 = vector.broadcast %add3A_59 : i32 to vector<16xi32>
      %add3A_61 = arith.addi %iota3A, %add3A_60 : vector<16xi32>
      %get3A_62 = arith.constant 32 : index
      %get3A_63 = tpu.vector_load %arg10[%get3A_62] {strides = array<i32>} : memref<80xf32, #tpu.memory_space<vmem>>, vector<16xf32>,
      tpu.vector_store_idx %arg13[%add3A_61, %broadcast_in_dim3A_29], %get3A_63 : memref<80x128xf32, #tpu.memory_space<vmem>>[vector<16xi32>, vector<16xi32>], vector<16xf32>,
      %add3A_64 = arith.constant 1 : i32
      %add3A_65 = vector.broadcast %add3A_64 : i32 to vector<16xi32>
      %add3A_66 = arith.addi %broadcast_in_dim3A_29, %add3A_65 : vector<16xi32>
      %get3A_67 = arith.constant 32 : index
      %get3A_68 = tpu.vector_load %arg11[%get3A_67] {strides = array<i32>} : memref<80xf32, #tpu.memory_space<vmem>>, vector<16xf32>,
      tpu.vector_store_idx %arg13[%add3A_61, %add3A_66], %get3A_68 : memref<80x128xf32, #tpu.memory_space<vmem>>[vector<16xi32>, vector<16xi32>], vector<16xf32>,
      %add3A_69 = arith.constant 2 : i32
      %add3A_70 = vector.broadcast %add3A_69 : i32 to vector<16xi32>
      %add3A_71 = arith.addi %broadcast_in_dim3A_29, %add3A_70 : vector<16xi32>
      %get3A_72 = arith.constant 32 : index
      %get3A_73 = tpu.vector_load %arg12[%get3A_72] {strides = array<i32>} : memref<80xf32, #tpu.memory_space<vmem>>, vector<16xf32>,
      tpu.vector_store_idx %arg13[%add3A_61, %add3A_71], %get3A_73 : memref<80x128xf32, #tpu.memory_space<vmem>>[vector<16xi32>, vector<16xi32>], vector<16xf32>,
      %add3A_74 = arith.constant 48 : i32
      %add3A_75 = vector.broadcast %add3A_74 : i32 to vector<16xi32>
      %add3A_76 = arith.addi %iota3A, %add3A_75 : vector<16xi32>
      %get3A_77 = arith.constant 48 : index
      %get3A_78 = tpu.vector_load %arg10[%get3A_77] {strides = array<i32>} : memref<80xf32, #tpu.memory_space<vmem>>, vector<16xf32>,
      tpu.vector_store_idx %arg13[%add3A_76, %broadcast_in_dim3A_29], %get3A_78 : memref<80x128xf32, #tpu.memory_space<vmem>>[vector<16xi32>, vector<16xi32>], vector<16xf32>,
      %add3A_79 = arith.constant 1 : i32
      %add3A_80 = vector.broadcast %add3A_79 : i32 to vector<16xi32>
      %add3A_81 = arith.addi %broadcast_in_dim3A_29, %add3A_80 : vector<16xi32>
      %get3A_82 = arith.constant 48 : index
      %get3A_83 = tpu.vector_load %arg11[%get3A_82] {strides = array<i32>} : memref<80xf32, #tpu.memory_space<vmem>>, vector<16xf32>,
      tpu.vector_store_idx %arg13[%add3A_76, %add3A_81], %get3A_83 : memref<80x128xf32, #tpu.memory_space<vmem>>[vector<16xi32>, vector<16xi32>], vector<16xf32>,
      %add3A_84 = arith.constant 2 : i32
      %add3A_85 = vector.broadcast %add3A_84 : i32 to vector<16xi32>
      %add3A_86 = arith.addi %broadcast_in_dim3A_29, %add3A_85 : vector<16xi32>
      %get3A_87 = arith.constant 48 : index
      %get3A_88 = tpu.vector_load %arg12[%get3A_87] {strides = array<i32>} : memref<80xf32, #tpu.memory_space<vmem>>, vector<16xf32>,
      tpu.vector_store_idx %arg13[%add3A_76, %add3A_86], %get3A_88 : memref<80x128xf32, #tpu.memory_space<vmem>>[vector<16xi32>, vector<16xi32>], vector<16xf32>,
      %add3A_89 = arith.constant 64 : i32
      %add3A_90 = vector.broadcast %add3A_89 : i32 to vector<16xi32>
      %add3A_91 = arith.addi %iota3A, %add3A_90 : vector<16xi32>
      %get3A_92 = arith.constant 64 : index
      %get3A_93 = tpu.vector_load %arg10[%get3A_92] {strides = array<i32>} : memref<80xf32, #tpu.memory_space<vmem>>, vector<16xf32>,
      tpu.vector_store_idx %arg13[%add3A_91, %broadcast_in_dim3A_29], %get3A_93 : memref<80x128xf32, #tpu.memory_space<vmem>>[vector<16xi32>, vector<16xi32>], vector<16xf32>,
      %add3A_94 = arith.constant 1 : i32
      %add3A_95 = vector.broadcast %add3A_94 : i32 to vector<16xi32>
      %add3A_96 = arith.addi %broadcast_in_dim3A_29, %add3A_95 : vector<16xi32>
      %get3A_97 = arith.constant 64 : index
      %get3A_98 = tpu.vector_load %arg11[%get3A_97] {strides = array<i32>} : memref<80xf32, #tpu.memory_space<vmem>>, vector<16xf32>,
      tpu.vector_store_idx %arg13[%add3A_91, %add3A_96], %get3A_98 : memref<80x128xf32, #tpu.memory_space<vmem>>[vector<16xi32>, vector<16xi32>], vector<16xf32>,
      %add3A_99 = arith.constant 2 : i32
      %add3A_100 = vector.broadcast %add3A_99 : i32 to vector<16xi32>
      %add3A_101 = arith.addi %broadcast_in_dim3A_29, %add3A_100 : vector<16xi32>
      %get3A_102 = arith.constant 64 : index
      %get3A_103 = tpu.vector_load %arg12[%get3A_102] {strides = array<i32>} : memref<80xf32, #tpu.memory_space<vmem>>, vector<16xf32>,
      tpu.vector_store_idx %arg13[%add3A_91, %add3A_101], %get3A_103 : memref<80x128xf32, #tpu.memory_space<vmem>>[vector<16xi32>, vector<16xi32>], vector<16xf32>,
      "tpu.region"() ({
        %run_scoped3A = tpu.sem_alloc : memref<!tpu.dma_semaphore, #tpu.memory_space<semaphore_mem>>
        %dma_start3A = arith.constant 0 : i32
        %dma_start3A_105 = arith.constant 0 : i32
        %dma_start3A_106 = tpu.memref_slice %arg8[%dma_start3A, %dma_start3A_105] : memref<10000x128xf32, #tpu.memory_space<vmem_shared>> -> memref<10000x128xf32, #tpu.memory_space<vmem_shared>>
        tpu.enqueue_indirect_dma source(%arg13 : memref<80x128xf32, #tpu.memory_space<vmem>>) target(%dma_start3A_106 : memref<10000x128xf32, #tpu.memory_space<vmem_shared>>) offsets(%arg9 : memref<80xi32, #tpu.memory_space<vmem>>) semaphore(%run_scoped3A : memref<!tpu.dma_semaphore, #tpu.memory_space<semaphore_mem>>) {add = true}
        %dma_wait3A = arith.constant 0 : i32
        %dma_wait3A_107 = arith.constant 0 : i32
        %dma_wait3A_108 = tpu.memref_slice %arg8[%dma_wait3A, %dma_wait3A_107] : memref<10000x128xf32, #tpu.memory_space<vmem_shared>> -> memref<10000x128xf32, #tpu.memory_space<vmem_shared>>
        tpu.wait_indirect_dma semaphore(%run_scoped3A : memref<!tpu.dma_semaphore, #tpu.memory_space<semaphore_mem>>) src(%arg13 : memref<80x128xf32, #tpu.memory_space<vmem>>) dst(%dma_wait3A_108 : memref<10000x128xf32, #tpu.memory_space<vmem_shared>>)
        tpu.yield
      }) : () -> ()
      %scan3A_104 = arith.constant 0 : i32
      scf.yield %scan3A_104 : i32
    }
    %scan3A_17 = arith.constant 125 : i32
    %barrier3A_18 = arith.constant 0 : index
    tpu.barrier barrier_id(%barrier3A_18)
    %lt3A_19 = arith.constant 10 : i32
    %lt3A_20 = arith.cmpi slt, %arg1, %lt3A_19 : i32
    %convert_element_type3A_21 = arith.extui %lt3A_20 : i1 to i32
    %cond3A_22 = arith.constant 0 : i32
    %cond3A_23 = arith.cmpi ne, %convert_element_type3A_21, %cond3A_22 : i32
    scf.if %cond3A_23 {
      %mul3A_24 = arith.constant 1000 : i32
      %mul3A_25 = arith.muli %arg1, %mul3A_24 : i32
      "tpu.region"() ({
        %run_scoped3A = tpu.sem_alloc : memref<!tpu.dma_semaphore, #tpu.memory_space<semaphore_mem>>
        %dma_start3A = arith.constant 0 : i32
        %dma_start3A_26 = tpu.memref_slice %arg7[%arg0, %mul3A_25, %dma_start3A] : memref<2x10000x128xf32, #tpu.memory_space<hbm>> -> memref<1x1000x128xf32, #tpu.memory_space<hbm>>
        %dma_start3A_27 = tpu.memref_squeeze %dma_start3A_26 : memref<1x1000x128xf32, #tpu.memory_space<hbm>> -> memref<1000x128xf32, #tpu.memory_space<hbm>>
        %dma_start3A_28 = arith.constant 0 : i32
        %dma_start3A_29 = tpu.memref_slice %arg8[%mul3A_25, %dma_start3A_28] : memref<10000x128xf32, #tpu.memory_space<vmem_shared>> -> memref<1000x128xf32, #tpu.memory_space<vmem_shared>>
        tpu.enqueue_dma source(%dma_start3A_29 : memref<1000x128xf32, #tpu.memory_space<vmem_shared>>) target(%dma_start3A_27 : memref<1000x128xf32, #tpu.memory_space<hbm>>) target_semaphore(%run_scoped3A : memref<!tpu.dma_semaphore, #tpu.memory_space<semaphore_mem>>)
        %dma_wait3A = arith.constant 0 : i32
        %dma_wait3A_30 = tpu.memref_slice %arg7[%arg0, %mul3A_25, %dma_wait3A] : memref<2x10000x128xf32, #tpu.memory_space<hbm>> -> memref<1x1000x128xf32, #tpu.memory_space<hbm>>
        %dma_wait3A_31 = tpu.memref_squeeze %dma_wait3A_30 : memref<1x1000x128xf32, #tpu.memory_space<hbm>> -> memref<1000x128xf32, #tpu.memory_space<hbm>>
        %dma_wait3A_32 = arith.constant 0 : i32
        %dma_wait3A_33 = tpu.memref_slice %arg8[%mul3A_25, %dma_wait3A_32] : memref<10000x128xf32, #tpu.memory_space<vmem_shared>> -> memref<1000x128xf32, #tpu.memory_space<vmem_shared>>
        tpu.wait_dma2 semaphore(%run_scoped3A : memref<!tpu.dma_semaphore, #tpu.memory_space<semaphore_mem>>) src(%dma_wait3A_33 : memref<1000x128xf32, #tpu.memory_space<vmem_shared>>) dst(%dma_wait3A_31 : memref<1000x128xf32, #tpu.memory_space<hbm>>)
        tpu.yield
      }) : () -> ()
    } else {
    }
    return
  }
}

#map = affine_map<(d0, d1) -> (0, 0)>
#map1 = affine_map<(d0, d1) -> (0)>
#map2 = affine_map<(d0, d1) -> (0, 0, 0)>
module attributes {stable_mosaic.version = 14 : i64} {
  func.func @body(%arg0: i32, %arg1: i32, %arg2: memref<10000x128xf32, #tpu.memory_space<hbm>>, %arg3: memref<32768x128xf32, #tpu.memory_space<hbm>>, %arg4: memref<32768x128xf32, #tpu.memory_space<hbm>>, %arg5: memref<32768x128xf32, #tpu.memory_space<hbm>>, %arg6: memref<32768x128xf32, #tpu.memory_space<hbm>>, %arg7: memref<320000xi32, #tpu.memory_space<hbm>>, %arg8: memref<320000xi32, #tpu.memory_space<hbm>>, %arg9: memref<320000xi32, #tpu.memory_space<hbm>>, %arg10: memref<320000xf32, #tpu.memory_space<hbm>>, %arg11: memref<10000x128xf32, #tpu.memory_space<hbm>>, %arg12: memref<2x10000x128xf32, #tpu.memory_space<hbm>>, %arg13: memref<10000x128xf32, #tpu.memory_space<vmem_shared>>, %arg14: memref<80xi32, #tpu.memory_space<vmem>>, %arg15: memref<80xi32, #tpu.memory_space<vmem>>, %arg16: memref<80xi32, #tpu.memory_space<vmem>>, %arg17: memref<80xf32, #tpu.memory_space<vmem>>, %arg18: memref<80x128xf32, #tpu.memory_space<vmem>>, %arg19: memref<80x128xf32, #tpu.memory_space<vmem>>, %arg20: memref<80x128xf32, #tpu.memory_space<vmem>>, %arg21: memref<!tpu.dma_semaphore, #tpu.memory_space<semaphore_mem>>) attributes {dimension_semantics = [#tpu.dimension_semantics<core_parallel>, #tpu.dimension_semantics<subcore_parallel>], iteration_bounds = array<i64: 2, 16>, scalar_prefetch = 0 : i64, scratch_operands = 9 : i64, tpu.core_type = #tpu.core_type<sc_vector_subcore>, window_params = [{transform_indices = #map}, {transform_indices = #map}, {transform_indices = #map}, {transform_indices = #map}, {transform_indices = #map}, {transform_indices = #map1}, {transform_indices = #map1}, {transform_indices = #map1}, {transform_indices = #map1}, {transform_indices = #map}, {transform_indices = #map2}]} {
    %lt3A = arith.constant 10 : i32
    %lt3A_0 = arith.cmpi slt, %arg1, %lt3A : i32
    %convert_element_type3A = arith.extui %lt3A_0 : i1 to i32
    %cond3A = arith.constant 0 : i32
    %cond3A_1 = arith.cmpi ne, %convert_element_type3A, %cond3A : i32
    scf.if %cond3A_1 {
      %mul3A_17 = arith.constant 1000 : i32
      %mul3A_18 = arith.muli %arg1, %mul3A_17 : i32
      "tpu.region"() ({
        %run_scoped3A = tpu.sem_alloc : memref<!tpu.dma_semaphore, #tpu.memory_space<semaphore_mem>>
        %dma_start3A = arith.constant 0 : i32
        %dma_start3A_19 = tpu.memref_slice %arg13[%mul3A_18, %dma_start3A] : memref<10000x128xf32, #tpu.memory_space<vmem_shared>> -> memref<1000x128xf32, #tpu.memory_space<vmem_shared>>
        %dma_start3A_20 = arith.constant 0 : i32
        %dma_start3A_21 = tpu.memref_slice %arg11[%mul3A_18, %dma_start3A_20] : memref<10000x128xf32, #tpu.memory_space<hbm>> -> memref<1000x128xf32, #tpu.memory_space<hbm>>
        tpu.enqueue_dma source(%dma_start3A_21 : memref<1000x128xf32, #tpu.memory_space<hbm>>) target(%dma_start3A_19 : memref<1000x128xf32, #tpu.memory_space<vmem_shared>>) target_semaphore(%run_scoped3A : memref<!tpu.dma_semaphore, #tpu.memory_space<semaphore_mem>>)
        %dma_wait3A = arith.constant 0 : i32
        %dma_wait3A_22 = tpu.memref_slice %arg13[%mul3A_18, %dma_wait3A] : memref<10000x128xf32, #tpu.memory_space<vmem_shared>> -> memref<1000x128xf32, #tpu.memory_space<vmem_shared>>
        %dma_wait3A_23 = arith.constant 0 : i32
        %dma_wait3A_24 = tpu.memref_slice %arg11[%mul3A_18, %dma_wait3A_23] : memref<10000x128xf32, #tpu.memory_space<hbm>> -> memref<1000x128xf32, #tpu.memory_space<hbm>>
        tpu.wait_dma2 semaphore(%run_scoped3A : memref<!tpu.dma_semaphore, #tpu.memory_space<semaphore_mem>>) src(%dma_wait3A_24 : memref<1000x128xf32, #tpu.memory_space<hbm>>) dst(%dma_wait3A_22 : memref<1000x128xf32, #tpu.memory_space<vmem_shared>>)
        tpu.yield
      }) : () -> ()
    } else {
    }
    %barrier3A = arith.constant 0 : index
    tpu.barrier barrier_id(%barrier3A)
    %mul3A = arith.constant 16 : i32
    %mul3A_2 = arith.muli %arg0, %mul3A : i32
    %add3A = arith.addi %mul3A_2, %arg1 : i32
    %mul3A_3 = arith.constant 10000 : i32
    %mul3A_4 = arith.muli %add3A, %mul3A_3 : i32
    %scan3A = arith.constant 0 : i32
    %scan3A_5 = arith.constant 0 : i32
    %scan3A_6 = arith.constant 125 : i32
    %scan3A_7 = arith.addi %scan3A_5, %scan3A_6 : i32
    %scan3A_8 = arith.constant 1 : i32
    %scan3A_9 = scf.for %scan3A_17 = %scan3A_5 to %scan3A_7 step %scan3A_8 iter_args(%scan3A_18 = %scan3A) -> (i32)  : i32 {
      %mul3A_19 = arith.constant 80 : i32
      %mul3A_20 = arith.muli %scan3A_17, %mul3A_19 : i32
      %add3A_21 = arith.addi %mul3A_4, %mul3A_20 : i32
      "tpu.region"() ({
        %run_scoped3A = tpu.sem_alloc : memref<!tpu.dma_semaphore, #tpu.memory_space<semaphore_mem>>
        %dma_start3A_43 = tpu.memref_slice %arg7[%add3A_21] : memref<320000xi32, #tpu.memory_space<hbm>> -> memref<80xi32, #tpu.memory_space<hbm>>
        %dma_start3A_44 = tpu.memref_slice %arg7[%add3A_21] : memref<320000xi32, #tpu.memory_space<hbm>> -> memref<80xi32, #tpu.memory_space<hbm>>
        tpu.enqueue_dma source(%dma_start3A_44 : memref<80xi32, #tpu.memory_space<hbm>>) target(%arg14 : memref<80xi32, #tpu.memory_space<vmem>>) target_semaphore(%run_scoped3A : memref<!tpu.dma_semaphore, #tpu.memory_space<semaphore_mem>>)
        %dma_wait3A_45 = tpu.memref_slice %arg7[%add3A_21] : memref<320000xi32, #tpu.memory_space<hbm>> -> memref<80xi32, #tpu.memory_space<hbm>>
        %dma_wait3A_46 = tpu.memref_slice %arg7[%add3A_21] : memref<320000xi32, #tpu.memory_space<hbm>> -> memref<80xi32, #tpu.memory_space<hbm>>
        tpu.wait_dma2 semaphore(%run_scoped3A : memref<!tpu.dma_semaphore, #tpu.memory_space<semaphore_mem>>) src(%dma_wait3A_46 : memref<80xi32, #tpu.memory_space<hbm>>) dst(%arg14 : memref<80xi32, #tpu.memory_space<vmem>>)
        tpu.yield
      }) : () -> ()
      "tpu.region"() ({
        %run_scoped3A = tpu.sem_alloc : memref<!tpu.dma_semaphore, #tpu.memory_space<semaphore_mem>>
        %dma_start3A_43 = tpu.memref_slice %arg8[%add3A_21] : memref<320000xi32, #tpu.memory_space<hbm>> -> memref<80xi32, #tpu.memory_space<hbm>>
        %dma_start3A_44 = tpu.memref_slice %arg8[%add3A_21] : memref<320000xi32, #tpu.memory_space<hbm>> -> memref<80xi32, #tpu.memory_space<hbm>>
        tpu.enqueue_dma source(%dma_start3A_44 : memref<80xi32, #tpu.memory_space<hbm>>) target(%arg15 : memref<80xi32, #tpu.memory_space<vmem>>) target_semaphore(%run_scoped3A : memref<!tpu.dma_semaphore, #tpu.memory_space<semaphore_mem>>)
        %dma_wait3A_45 = tpu.memref_slice %arg8[%add3A_21] : memref<320000xi32, #tpu.memory_space<hbm>> -> memref<80xi32, #tpu.memory_space<hbm>>
        %dma_wait3A_46 = tpu.memref_slice %arg8[%add3A_21] : memref<320000xi32, #tpu.memory_space<hbm>> -> memref<80xi32, #tpu.memory_space<hbm>>
        tpu.wait_dma2 semaphore(%run_scoped3A : memref<!tpu.dma_semaphore, #tpu.memory_space<semaphore_mem>>) src(%dma_wait3A_46 : memref<80xi32, #tpu.memory_space<hbm>>) dst(%arg15 : memref<80xi32, #tpu.memory_space<vmem>>)
        tpu.yield
      }) : () -> ()
      "tpu.region"() ({
        %run_scoped3A = tpu.sem_alloc : memref<!tpu.dma_semaphore, #tpu.memory_space<semaphore_mem>>
        %dma_start3A_43 = tpu.memref_slice %arg9[%add3A_21] : memref<320000xi32, #tpu.memory_space<hbm>> -> memref<80xi32, #tpu.memory_space<hbm>>
        %dma_start3A_44 = tpu.memref_slice %arg9[%add3A_21] : memref<320000xi32, #tpu.memory_space<hbm>> -> memref<80xi32, #tpu.memory_space<hbm>>
        tpu.enqueue_dma source(%dma_start3A_44 : memref<80xi32, #tpu.memory_space<hbm>>) target(%arg16 : memref<80xi32, #tpu.memory_space<vmem>>) target_semaphore(%run_scoped3A : memref<!tpu.dma_semaphore, #tpu.memory_space<semaphore_mem>>)
        %dma_wait3A_45 = tpu.memref_slice %arg9[%add3A_21] : memref<320000xi32, #tpu.memory_space<hbm>> -> memref<80xi32, #tpu.memory_space<hbm>>
        %dma_wait3A_46 = tpu.memref_slice %arg9[%add3A_21] : memref<320000xi32, #tpu.memory_space<hbm>> -> memref<80xi32, #tpu.memory_space<hbm>>
        tpu.wait_dma2 semaphore(%run_scoped3A : memref<!tpu.dma_semaphore, #tpu.memory_space<semaphore_mem>>) src(%dma_wait3A_46 : memref<80xi32, #tpu.memory_space<hbm>>) dst(%arg16 : memref<80xi32, #tpu.memory_space<vmem>>)
        tpu.yield
      }) : () -> ()
      "tpu.region"() ({
        %run_scoped3A = tpu.sem_alloc : memref<!tpu.dma_semaphore, #tpu.memory_space<semaphore_mem>>
        %dma_start3A_43 = tpu.memref_slice %arg10[%add3A_21] : memref<320000xf32, #tpu.memory_space<hbm>> -> memref<80xf32, #tpu.memory_space<hbm>>
        %dma_start3A_44 = tpu.memref_slice %arg10[%add3A_21] : memref<320000xf32, #tpu.memory_space<hbm>> -> memref<80xf32, #tpu.memory_space<hbm>>
        tpu.enqueue_dma source(%dma_start3A_44 : memref<80xf32, #tpu.memory_space<hbm>>) target(%arg17 : memref<80xf32, #tpu.memory_space<vmem>>) target_semaphore(%run_scoped3A : memref<!tpu.dma_semaphore, #tpu.memory_space<semaphore_mem>>)
        %dma_wait3A_45 = tpu.memref_slice %arg10[%add3A_21] : memref<320000xf32, #tpu.memory_space<hbm>> -> memref<80xf32, #tpu.memory_space<hbm>>
        %dma_wait3A_46 = tpu.memref_slice %arg10[%add3A_21] : memref<320000xf32, #tpu.memory_space<hbm>> -> memref<80xf32, #tpu.memory_space<hbm>>
        tpu.wait_dma2 semaphore(%run_scoped3A : memref<!tpu.dma_semaphore, #tpu.memory_space<semaphore_mem>>) src(%dma_wait3A_46 : memref<80xf32, #tpu.memory_space<hbm>>) dst(%arg17 : memref<80xf32, #tpu.memory_space<vmem>>)
        tpu.yield
      }) : () -> ()
      %dma_start3A = arith.constant 0 : i32
      %dma_start3A_22 = arith.constant 0 : i32
      %dma_start3A_23 = tpu.memref_slice %arg2[%dma_start3A, %dma_start3A_22] : memref<10000x128xf32, #tpu.memory_space<hbm>> -> memref<10000x128xf32, #tpu.memory_space<hbm>>
      tpu.enqueue_indirect_dma source(%dma_start3A_23 : memref<10000x128xf32, #tpu.memory_space<hbm>>) target(%arg18 : memref<80x128xf32, #tpu.memory_space<vmem>>) offsets(%arg14 : memref<80xi32, #tpu.memory_space<vmem>>) semaphore(%arg21 : memref<!tpu.dma_semaphore, #tpu.memory_space<semaphore_mem>>)
      %eq3A = arith.constant 0 : i32
      %eq3A_24 = arith.cmpi eq, %arg0, %eq3A : i32
      %convert_element_type3A_25 = arith.extui %eq3A_24 : i1 to i32
      %cond3A_26 = arith.constant 0 : i32
      %cond3A_27 = arith.cmpi ne, %convert_element_type3A_25, %cond3A_26 : i32
      scf.if %cond3A_27 {
        %dma_start3A_43 = arith.constant 0 : i32
        %dma_start3A_44 = arith.constant 0 : i32
        %dma_start3A_45 = tpu.memref_slice %arg3[%dma_start3A_43, %dma_start3A_44] : memref<32768x128xf32, #tpu.memory_space<hbm>> -> memref<32768x128xf32, #tpu.memory_space<hbm>>
        tpu.enqueue_indirect_dma source(%dma_start3A_45 : memref<32768x128xf32, #tpu.memory_space<hbm>>) target(%arg19 : memref<80x128xf32, #tpu.memory_space<vmem>>) offsets(%arg16 : memref<80xi32, #tpu.memory_space<vmem>>) semaphore(%arg21 : memref<!tpu.dma_semaphore, #tpu.memory_space<semaphore_mem>>)
        %dma_start3A_46 = arith.constant 0 : i32
        %dma_start3A_47 = arith.constant 0 : i32
        %dma_start3A_48 = tpu.memref_slice %arg4[%dma_start3A_46, %dma_start3A_47] : memref<32768x128xf32, #tpu.memory_space<hbm>> -> memref<32768x128xf32, #tpu.memory_space<hbm>>
        tpu.enqueue_indirect_dma source(%dma_start3A_48 : memref<32768x128xf32, #tpu.memory_space<hbm>>) target(%arg20 : memref<80x128xf32, #tpu.memory_space<vmem>>) offsets(%arg16 : memref<80xi32, #tpu.memory_space<vmem>>) semaphore(%arg21 : memref<!tpu.dma_semaphore, #tpu.memory_space<semaphore_mem>>)
        %dma_wait3A_49 = arith.constant 0 : i32
        %dma_wait3A_50 = arith.constant 0 : i32
        %dma_wait3A_51 = tpu.memref_slice %arg3[%dma_wait3A_49, %dma_wait3A_50] : memref<32768x128xf32, #tpu.memory_space<hbm>> -> memref<32768x128xf32, #tpu.memory_space<hbm>>
        tpu.wait_indirect_dma semaphore(%arg21 : memref<!tpu.dma_semaphore, #tpu.memory_space<semaphore_mem>>) src(%dma_wait3A_51 : memref<32768x128xf32, #tpu.memory_space<hbm>>) dst(%arg19 : memref<80x128xf32, #tpu.memory_space<vmem>>)
        %dma_wait3A_52 = arith.constant 0 : i32
        %dma_wait3A_53 = arith.constant 0 : i32
        %dma_wait3A_54 = tpu.memref_slice %arg4[%dma_wait3A_52, %dma_wait3A_53] : memref<32768x128xf32, #tpu.memory_space<hbm>> -> memref<32768x128xf32, #tpu.memory_space<hbm>>
        tpu.wait_indirect_dma semaphore(%arg21 : memref<!tpu.dma_semaphore, #tpu.memory_space<semaphore_mem>>) src(%dma_wait3A_54 : memref<32768x128xf32, #tpu.memory_space<hbm>>) dst(%arg20 : memref<80x128xf32, #tpu.memory_space<vmem>>)
      } else {
      }
      %eq3A_28 = arith.constant 1 : i32
      %eq3A_29 = arith.cmpi eq, %arg0, %eq3A_28 : i32
      %convert_element_type3A_30 = arith.extui %eq3A_29 : i1 to i32
      %cond3A_31 = arith.constant 0 : i32
      %cond3A_32 = arith.cmpi ne, %convert_element_type3A_30, %cond3A_31 : i32
      scf.if %cond3A_32 {
        %dma_start3A_43 = arith.constant 0 : i32
        %dma_start3A_44 = arith.constant 0 : i32
        %dma_start3A_45 = tpu.memref_slice %arg5[%dma_start3A_43, %dma_start3A_44] : memref<32768x128xf32, #tpu.memory_space<hbm>> -> memref<32768x128xf32, #tpu.memory_space<hbm>>
        tpu.enqueue_indirect_dma source(%dma_start3A_45 : memref<32768x128xf32, #tpu.memory_space<hbm>>) target(%arg19 : memref<80x128xf32, #tpu.memory_space<vmem>>) offsets(%arg16 : memref<80xi32, #tpu.memory_space<vmem>>) semaphore(%arg21 : memref<!tpu.dma_semaphore, #tpu.memory_space<semaphore_mem>>)
        %dma_start3A_46 = arith.constant 0 : i32
        %dma_start3A_47 = arith.constant 0 : i32
        %dma_start3A_48 = tpu.memref_slice %arg6[%dma_start3A_46, %dma_start3A_47] : memref<32768x128xf32, #tpu.memory_space<hbm>> -> memref<32768x128xf32, #tpu.memory_space<hbm>>
        tpu.enqueue_indirect_dma source(%dma_start3A_48 : memref<32768x128xf32, #tpu.memory_space<hbm>>) target(%arg20 : memref<80x128xf32, #tpu.memory_space<vmem>>) offsets(%arg16 : memref<80xi32, #tpu.memory_space<vmem>>) semaphore(%arg21 : memref<!tpu.dma_semaphore, #tpu.memory_space<semaphore_mem>>)
        %dma_wait3A_49 = arith.constant 0 : i32
        %dma_wait3A_50 = arith.constant 0 : i32
        %dma_wait3A_51 = tpu.memref_slice %arg5[%dma_wait3A_49, %dma_wait3A_50] : memref<32768x128xf32, #tpu.memory_space<hbm>> -> memref<32768x128xf32, #tpu.memory_space<hbm>>
        tpu.wait_indirect_dma semaphore(%arg21 : memref<!tpu.dma_semaphore, #tpu.memory_space<semaphore_mem>>) src(%dma_wait3A_51 : memref<32768x128xf32, #tpu.memory_space<hbm>>) dst(%arg19 : memref<80x128xf32, #tpu.memory_space<vmem>>)
        %dma_wait3A_52 = arith.constant 0 : i32
        %dma_wait3A_53 = arith.constant 0 : i32
        %dma_wait3A_54 = tpu.memref_slice %arg6[%dma_wait3A_52, %dma_wait3A_53] : memref<32768x128xf32, #tpu.memory_space<hbm>> -> memref<32768x128xf32, #tpu.memory_space<hbm>>
        tpu.wait_indirect_dma semaphore(%arg21 : memref<!tpu.dma_semaphore, #tpu.memory_space<semaphore_mem>>) src(%dma_wait3A_54 : memref<32768x128xf32, #tpu.memory_space<hbm>>) dst(%arg20 : memref<80x128xf32, #tpu.memory_space<vmem>>)
      } else {
      }
      %dma_wait3A = arith.constant 0 : i32
      %dma_wait3A_33 = arith.constant 0 : i32
      %dma_wait3A_34 = tpu.memref_slice %arg2[%dma_wait3A, %dma_wait3A_33] : memref<10000x128xf32, #tpu.memory_space<hbm>> -> memref<10000x128xf32, #tpu.memory_space<hbm>>
      tpu.wait_indirect_dma semaphore(%arg21 : memref<!tpu.dma_semaphore, #tpu.memory_space<semaphore_mem>>) src(%dma_wait3A_34 : memref<10000x128xf32, #tpu.memory_space<hbm>>) dst(%arg18 : memref<80x128xf32, #tpu.memory_space<vmem>>)
      %scan3A_35 = arith.constant 0 : i32
      %scan3A_36 = arith.constant 0 : i32
      %scan3A_37 = arith.constant 80 : i32
      %scan3A_38 = arith.addi %scan3A_36, %scan3A_37 : i32
      %scan3A_39 = arith.constant 1 : i32
      %scan3A_40 = scf.for %scan3A_43 = %scan3A_36 to %scan3A_38 step %scan3A_39 iter_args(%scan3A_44 = %scan3A_35) -> (i32)  : i32 {
        %broadcast_in_dim3A = vector.broadcast %scan3A_43 : i32 to vector<16xi32>
        %gather3A = tpu.vector_load_idx %arg17[%broadcast_in_dim3A] : memref<80xf32, #tpu.memory_space<vmem>>[vector<16xi32>], vector<16xf32>,
        %get3A = arith.index_cast %scan3A_43 : i32 to index
        %get3A_45 = arith.constant 0 : index
        %get3A_46 = tpu.vector_load %arg19[%get3A, %get3A_45] {strides = array<i32>} : memref<80x128xf32, #tpu.memory_space<vmem>>, vector<16xf32>,
        %get3A_47 = arith.index_cast %scan3A_43 : i32 to index
        %get3A_48 = arith.constant 0 : index
        %get3A_49 = tpu.vector_load %arg20[%get3A_47, %get3A_48] {strides = array<i32>} : memref<80x128xf32, #tpu.memory_space<vmem>>, vector<16xf32>,
        %get3A_50 = arith.index_cast %scan3A_43 : i32 to index
        %get3A_51 = arith.constant 0 : index
        %get3A_52 = tpu.vector_load %arg18[%get3A_50, %get3A_51] {strides = array<i32>} : memref<80x128xf32, #tpu.memory_space<vmem>>, vector<16xf32>,
        %sub3A = arith.subf %get3A_49, %get3A_46 : vector<16xf32>
        %mul3A_53 = arith.mulf %sub3A, %gather3A : vector<16xf32>
        %add3A_54 = arith.addf %get3A_46, %mul3A_53 : vector<16xf32>
        %mul3A_55 = arith.mulf %get3A_52, %add3A_54 : vector<16xf32>
        %swap3A = arith.index_cast %scan3A_43 : i32 to index
        %swap3A_56 = arith.constant 0 : index
        %swap3A_57 = tpu.vector_load %arg18[%swap3A, %swap3A_56] {strides = array<i32>} : memref<80x128xf32, #tpu.memory_space<vmem>>, vector<16xf32>,
        tpu.vector_store %arg18[%swap3A, %swap3A_56], %mul3A_55 {strides = array<i32>} : memref<80x128xf32, #tpu.memory_space<vmem>>, vector<16xf32>,
        %get3A_58 = arith.index_cast %scan3A_43 : i32 to index
        %get3A_59 = arith.constant 16 : index
        %get3A_60 = tpu.vector_load %arg19[%get3A_58, %get3A_59] {strides = array<i32>} : memref<80x128xf32, #tpu.memory_space<vmem>>, vector<16xf32>,
        %get3A_61 = arith.index_cast %scan3A_43 : i32 to index
        %get3A_62 = arith.constant 16 : index
        %get3A_63 = tpu.vector_load %arg20[%get3A_61, %get3A_62] {strides = array<i32>} : memref<80x128xf32, #tpu.memory_space<vmem>>, vector<16xf32>,
        %get3A_64 = arith.index_cast %scan3A_43 : i32 to index
        %get3A_65 = arith.constant 16 : index
        %get3A_66 = tpu.vector_load %arg18[%get3A_64, %get3A_65] {strides = array<i32>} : memref<80x128xf32, #tpu.memory_space<vmem>>, vector<16xf32>,
        %sub3A_67 = arith.subf %get3A_63, %get3A_60 : vector<16xf32>
        %mul3A_68 = arith.mulf %sub3A_67, %gather3A : vector<16xf32>
        %add3A_69 = arith.addf %get3A_60, %mul3A_68 : vector<16xf32>
        %mul3A_70 = arith.mulf %get3A_66, %add3A_69 : vector<16xf32>
        %swap3A_71 = arith.index_cast %scan3A_43 : i32 to index
        %swap3A_72 = arith.constant 16 : index
        %swap3A_73 = tpu.vector_load %arg18[%swap3A_71, %swap3A_72] {strides = array<i32>} : memref<80x128xf32, #tpu.memory_space<vmem>>, vector<16xf32>,
        tpu.vector_store %arg18[%swap3A_71, %swap3A_72], %mul3A_70 {strides = array<i32>} : memref<80x128xf32, #tpu.memory_space<vmem>>, vector<16xf32>,
        %get3A_74 = arith.index_cast %scan3A_43 : i32 to index
        %get3A_75 = arith.constant 32 : index
        %get3A_76 = tpu.vector_load %arg19[%get3A_74, %get3A_75] {strides = array<i32>} : memref<80x128xf32, #tpu.memory_space<vmem>>, vector<16xf32>,
        %get3A_77 = arith.index_cast %scan3A_43 : i32 to index
        %get3A_78 = arith.constant 32 : index
        %get3A_79 = tpu.vector_load %arg20[%get3A_77, %get3A_78] {strides = array<i32>} : memref<80x128xf32, #tpu.memory_space<vmem>>, vector<16xf32>,
        %get3A_80 = arith.index_cast %scan3A_43 : i32 to index
        %get3A_81 = arith.constant 32 : index
        %get3A_82 = tpu.vector_load %arg18[%get3A_80, %get3A_81] {strides = array<i32>} : memref<80x128xf32, #tpu.memory_space<vmem>>, vector<16xf32>,
        %sub3A_83 = arith.subf %get3A_79, %get3A_76 : vector<16xf32>
        %mul3A_84 = arith.mulf %sub3A_83, %gather3A : vector<16xf32>
        %add3A_85 = arith.addf %get3A_76, %mul3A_84 : vector<16xf32>
        %mul3A_86 = arith.mulf %get3A_82, %add3A_85 : vector<16xf32>
        %swap3A_87 = arith.index_cast %scan3A_43 : i32 to index
        %swap3A_88 = arith.constant 32 : index
        %swap3A_89 = tpu.vector_load %arg18[%swap3A_87, %swap3A_88] {strides = array<i32>} : memref<80x128xf32, #tpu.memory_space<vmem>>, vector<16xf32>,
        tpu.vector_store %arg18[%swap3A_87, %swap3A_88], %mul3A_86 {strides = array<i32>} : memref<80x128xf32, #tpu.memory_space<vmem>>, vector<16xf32>,
        %get3A_90 = arith.index_cast %scan3A_43 : i32 to index
        %get3A_91 = arith.constant 48 : index
        %get3A_92 = tpu.vector_load %arg19[%get3A_90, %get3A_91] {strides = array<i32>} : memref<80x128xf32, #tpu.memory_space<vmem>>, vector<16xf32>,
        %get3A_93 = arith.index_cast %scan3A_43 : i32 to index
        %get3A_94 = arith.constant 48 : index
        %get3A_95 = tpu.vector_load %arg20[%get3A_93, %get3A_94] {strides = array<i32>} : memref<80x128xf32, #tpu.memory_space<vmem>>, vector<16xf32>,
        %get3A_96 = arith.index_cast %scan3A_43 : i32 to index
        %get3A_97 = arith.constant 48 : index
        %get3A_98 = tpu.vector_load %arg18[%get3A_96, %get3A_97] {strides = array<i32>} : memref<80x128xf32, #tpu.memory_space<vmem>>, vector<16xf32>,
        %sub3A_99 = arith.subf %get3A_95, %get3A_92 : vector<16xf32>
        %mul3A_100 = arith.mulf %sub3A_99, %gather3A : vector<16xf32>
        %add3A_101 = arith.addf %get3A_92, %mul3A_100 : vector<16xf32>
        %mul3A_102 = arith.mulf %get3A_98, %add3A_101 : vector<16xf32>
        %swap3A_103 = arith.index_cast %scan3A_43 : i32 to index
        %swap3A_104 = arith.constant 48 : index
        %swap3A_105 = tpu.vector_load %arg18[%swap3A_103, %swap3A_104] {strides = array<i32>} : memref<80x128xf32, #tpu.memory_space<vmem>>, vector<16xf32>,
        tpu.vector_store %arg18[%swap3A_103, %swap3A_104], %mul3A_102 {strides = array<i32>} : memref<80x128xf32, #tpu.memory_space<vmem>>, vector<16xf32>,
        %get3A_106 = arith.index_cast %scan3A_43 : i32 to index
        %get3A_107 = arith.constant 64 : index
        %get3A_108 = tpu.vector_load %arg19[%get3A_106, %get3A_107] {strides = array<i32>} : memref<80x128xf32, #tpu.memory_space<vmem>>, vector<16xf32>,
        %get3A_109 = arith.index_cast %scan3A_43 : i32 to index
        %get3A_110 = arith.constant 64 : index
        %get3A_111 = tpu.vector_load %arg20[%get3A_109, %get3A_110] {strides = array<i32>} : memref<80x128xf32, #tpu.memory_space<vmem>>, vector<16xf32>,
        %get3A_112 = arith.index_cast %scan3A_43 : i32 to index
        %get3A_113 = arith.constant 64 : index
        %get3A_114 = tpu.vector_load %arg18[%get3A_112, %get3A_113] {strides = array<i32>} : memref<80x128xf32, #tpu.memory_space<vmem>>, vector<16xf32>,
        %sub3A_115 = arith.subf %get3A_111, %get3A_108 : vector<16xf32>
        %mul3A_116 = arith.mulf %sub3A_115, %gather3A : vector<16xf32>
        %add3A_117 = arith.addf %get3A_108, %mul3A_116 : vector<16xf32>
        %mul3A_118 = arith.mulf %get3A_114, %add3A_117 : vector<16xf32>
        %swap3A_119 = arith.index_cast %scan3A_43 : i32 to index
        %swap3A_120 = arith.constant 64 : index
        %swap3A_121 = tpu.vector_load %arg18[%swap3A_119, %swap3A_120] {strides = array<i32>} : memref<80x128xf32, #tpu.memory_space<vmem>>, vector<16xf32>,
        tpu.vector_store %arg18[%swap3A_119, %swap3A_120], %mul3A_118 {strides = array<i32>} : memref<80x128xf32, #tpu.memory_space<vmem>>, vector<16xf32>,
        %get3A_122 = arith.index_cast %scan3A_43 : i32 to index
        %get3A_123 = arith.constant 80 : index
        %get3A_124 = tpu.vector_load %arg19[%get3A_122, %get3A_123] {strides = array<i32>} : memref<80x128xf32, #tpu.memory_space<vmem>>, vector<16xf32>,
        %get3A_125 = arith.index_cast %scan3A_43 : i32 to index
        %get3A_126 = arith.constant 80 : index
        %get3A_127 = tpu.vector_load %arg20[%get3A_125, %get3A_126] {strides = array<i32>} : memref<80x128xf32, #tpu.memory_space<vmem>>, vector<16xf32>,
        %get3A_128 = arith.index_cast %scan3A_43 : i32 to index
        %get3A_129 = arith.constant 80 : index
        %get3A_130 = tpu.vector_load %arg18[%get3A_128, %get3A_129] {strides = array<i32>} : memref<80x128xf32, #tpu.memory_space<vmem>>, vector<16xf32>,
        %sub3A_131 = arith.subf %get3A_127, %get3A_124 : vector<16xf32>
        %mul3A_132 = arith.mulf %sub3A_131, %gather3A : vector<16xf32>
        %add3A_133 = arith.addf %get3A_124, %mul3A_132 : vector<16xf32>
        %mul3A_134 = arith.mulf %get3A_130, %add3A_133 : vector<16xf32>
        %swap3A_135 = arith.index_cast %scan3A_43 : i32 to index
        %swap3A_136 = arith.constant 80 : index
        %swap3A_137 = tpu.vector_load %arg18[%swap3A_135, %swap3A_136] {strides = array<i32>} : memref<80x128xf32, #tpu.memory_space<vmem>>, vector<16xf32>,
        tpu.vector_store %arg18[%swap3A_135, %swap3A_136], %mul3A_134 {strides = array<i32>} : memref<80x128xf32, #tpu.memory_space<vmem>>, vector<16xf32>,
        %get3A_138 = arith.index_cast %scan3A_43 : i32 to index
        %get3A_139 = arith.constant 96 : index
        %get3A_140 = tpu.vector_load %arg19[%get3A_138, %get3A_139] {strides = array<i32>} : memref<80x128xf32, #tpu.memory_space<vmem>>, vector<16xf32>,
        %get3A_141 = arith.index_cast %scan3A_43 : i32 to index
        %get3A_142 = arith.constant 96 : index
        %get3A_143 = tpu.vector_load %arg20[%get3A_141, %get3A_142] {strides = array<i32>} : memref<80x128xf32, #tpu.memory_space<vmem>>, vector<16xf32>,
        %get3A_144 = arith.index_cast %scan3A_43 : i32 to index
        %get3A_145 = arith.constant 96 : index
        %get3A_146 = tpu.vector_load %arg18[%get3A_144, %get3A_145] {strides = array<i32>} : memref<80x128xf32, #tpu.memory_space<vmem>>, vector<16xf32>,
        %sub3A_147 = arith.subf %get3A_143, %get3A_140 : vector<16xf32>
        %mul3A_148 = arith.mulf %sub3A_147, %gather3A : vector<16xf32>
        %add3A_149 = arith.addf %get3A_140, %mul3A_148 : vector<16xf32>
        %mul3A_150 = arith.mulf %get3A_146, %add3A_149 : vector<16xf32>
        %swap3A_151 = arith.index_cast %scan3A_43 : i32 to index
        %swap3A_152 = arith.constant 96 : index
        %swap3A_153 = tpu.vector_load %arg18[%swap3A_151, %swap3A_152] {strides = array<i32>} : memref<80x128xf32, #tpu.memory_space<vmem>>, vector<16xf32>,
        tpu.vector_store %arg18[%swap3A_151, %swap3A_152], %mul3A_150 {strides = array<i32>} : memref<80x128xf32, #tpu.memory_space<vmem>>, vector<16xf32>,
        %get3A_154 = arith.index_cast %scan3A_43 : i32 to index
        %get3A_155 = arith.constant 112 : index
        %get3A_156 = tpu.vector_load %arg19[%get3A_154, %get3A_155] {strides = array<i32>} : memref<80x128xf32, #tpu.memory_space<vmem>>, vector<16xf32>,
        %get3A_157 = arith.index_cast %scan3A_43 : i32 to index
        %get3A_158 = arith.constant 112 : index
        %get3A_159 = tpu.vector_load %arg20[%get3A_157, %get3A_158] {strides = array<i32>} : memref<80x128xf32, #tpu.memory_space<vmem>>, vector<16xf32>,
        %get3A_160 = arith.index_cast %scan3A_43 : i32 to index
        %get3A_161 = arith.constant 112 : index
        %get3A_162 = tpu.vector_load %arg18[%get3A_160, %get3A_161] {strides = array<i32>} : memref<80x128xf32, #tpu.memory_space<vmem>>, vector<16xf32>,
        %sub3A_163 = arith.subf %get3A_159, %get3A_156 : vector<16xf32>
        %mul3A_164 = arith.mulf %sub3A_163, %gather3A : vector<16xf32>
        %add3A_165 = arith.addf %get3A_156, %mul3A_164 : vector<16xf32>
        %mul3A_166 = arith.mulf %get3A_162, %add3A_165 : vector<16xf32>
        %swap3A_167 = arith.index_cast %scan3A_43 : i32 to index
        %swap3A_168 = arith.constant 112 : index
        %swap3A_169 = tpu.vector_load %arg18[%swap3A_167, %swap3A_168] {strides = array<i32>} : memref<80x128xf32, #tpu.memory_space<vmem>>, vector<16xf32>,
        tpu.vector_store %arg18[%swap3A_167, %swap3A_168], %mul3A_166 {strides = array<i32>} : memref<80x128xf32, #tpu.memory_space<vmem>>, vector<16xf32>,
        %scan3A_170 = arith.constant 0 : i32
        scf.yield %scan3A_170 : i32
      }
      %scan3A_41 = arith.constant 80 : i32
      "tpu.region"() ({
        %run_scoped3A = tpu.sem_alloc : memref<!tpu.dma_semaphore, #tpu.memory_space<semaphore_mem>>
        %dma_start3A_43 = arith.constant 0 : i32
        %dma_start3A_44 = arith.constant 0 : i32
        %dma_start3A_45 = tpu.memref_slice %arg13[%dma_start3A_43, %dma_start3A_44] : memref<10000x128xf32, #tpu.memory_space<vmem_shared>> -> memref<10000x128xf32, #tpu.memory_space<vmem_shared>>
        tpu.enqueue_indirect_dma source(%arg18 : memref<80x128xf32, #tpu.memory_space<vmem>>) target(%dma_start3A_45 : memref<10000x128xf32, #tpu.memory_space<vmem_shared>>) offsets(%arg15 : memref<80xi32, #tpu.memory_space<vmem>>) semaphore(%run_scoped3A : memref<!tpu.dma_semaphore, #tpu.memory_space<semaphore_mem>>) {add = true}
        %dma_wait3A_46 = arith.constant 0 : i32
        %dma_wait3A_47 = arith.constant 0 : i32
        %dma_wait3A_48 = tpu.memref_slice %arg13[%dma_wait3A_46, %dma_wait3A_47] : memref<10000x128xf32, #tpu.memory_space<vmem_shared>> -> memref<10000x128xf32, #tpu.memory_space<vmem_shared>>
        tpu.wait_indirect_dma semaphore(%run_scoped3A : memref<!tpu.dma_semaphore, #tpu.memory_space<semaphore_mem>>) src(%arg18 : memref<80x128xf32, #tpu.memory_space<vmem>>) dst(%dma_wait3A_48 : memref<10000x128xf32, #tpu.memory_space<vmem_shared>>)
        tpu.yield
      }) : () -> ()
      %scan3A_42 = arith.constant 0 : i32
      scf.yield %scan3A_42 : i32
    }
    %scan3A_10 = arith.constant 125 : i32
    %barrier3A_11 = arith.constant 0 : index
    tpu.barrier barrier_id(%barrier3A_11)
    %lt3A_12 = arith.constant 10 : i32
    %lt3A_13 = arith.cmpi slt, %arg1, %lt3A_12 : i32
    %convert_element_type3A_14 = arith.extui %lt3A_13 : i1 to i32
    %cond3A_15 = arith.constant 0 : i32
    %cond3A_16 = arith.cmpi ne, %convert_element_type3A_14, %cond3A_15 : i32
    scf.if %cond3A_16 {
      %mul3A_17 = arith.constant 1000 : i32
      %mul3A_18 = arith.muli %arg1, %mul3A_17 : i32
      "tpu.region"() ({
        %run_scoped3A = tpu.sem_alloc : memref<!tpu.dma_semaphore, #tpu.memory_space<semaphore_mem>>
        %dma_start3A = arith.constant 0 : i32
        %dma_start3A_19 = tpu.memref_slice %arg12[%arg0, %mul3A_18, %dma_start3A] : memref<2x10000x128xf32, #tpu.memory_space<hbm>> -> memref<1x1000x128xf32, #tpu.memory_space<hbm>>
        %dma_start3A_20 = tpu.memref_squeeze %dma_start3A_19 : memref<1x1000x128xf32, #tpu.memory_space<hbm>> -> memref<1000x128xf32, #tpu.memory_space<hbm>>
        %dma_start3A_21 = arith.constant 0 : i32
        %dma_start3A_22 = tpu.memref_slice %arg13[%mul3A_18, %dma_start3A_21] : memref<10000x128xf32, #tpu.memory_space<vmem_shared>> -> memref<1000x128xf32, #tpu.memory_space<vmem_shared>>
        tpu.enqueue_dma source(%dma_start3A_22 : memref<1000x128xf32, #tpu.memory_space<vmem_shared>>) target(%dma_start3A_20 : memref<1000x128xf32, #tpu.memory_space<hbm>>) target_semaphore(%run_scoped3A : memref<!tpu.dma_semaphore, #tpu.memory_space<semaphore_mem>>)
        %dma_wait3A = arith.constant 0 : i32
        %dma_wait3A_23 = tpu.memref_slice %arg12[%arg0, %mul3A_18, %dma_wait3A] : memref<2x10000x128xf32, #tpu.memory_space<hbm>> -> memref<1x1000x128xf32, #tpu.memory_space<hbm>>
        %dma_wait3A_24 = tpu.memref_squeeze %dma_wait3A_23 : memref<1x1000x128xf32, #tpu.memory_space<hbm>> -> memref<1000x128xf32, #tpu.memory_space<hbm>>
        %dma_wait3A_25 = arith.constant 0 : i32
        %dma_wait3A_26 = tpu.memref_slice %arg13[%mul3A_18, %dma_wait3A_25] : memref<10000x128xf32, #tpu.memory_space<vmem_shared>> -> memref<1000x128xf32, #tpu.memory_space<vmem_shared>>
        tpu.wait_dma2 semaphore(%run_scoped3A : memref<!tpu.dma_semaphore, #tpu.memory_space<semaphore_mem>>) src(%dma_wait3A_26 : memref<1000x128xf32, #tpu.memory_space<vmem_shared>>) dst(%dma_wait3A_24 : memref<1000x128xf32, #tpu.memory_space<hbm>>)
        tpu.yield
      }) : () -> ()
    } else {
    }
    return
  }
}

module attributes {stable_mosaic.version = 14 : i64} {
  func.func @_vtab_body(%arg0: i32, %arg1: memref<1x32xf32, #tpu.memory_space<vmem>>, %arg2: memref<32x1xf32, #tpu.memory_space<vmem>>, %arg3: memref<4096x1xf32, #tpu.memory_space<vmem>>) attributes {dimension_semantics = [#tpu.dimension_semantics<arbitrary>], iteration_bounds = array<i64: 2>, scalar_prefetch = 0 : i64, scratch_operands = 0 : i64, tpu.core_type = #tpu.core_type<tc>, window_params = [{pipeline_mode = #tpu.pipeline_mode<synchronous>, transform_indices = @transform_0, window_bounds = array<i64: 1, 32>}, {pipeline_mode = #tpu.pipeline_mode<synchronous>, transform_indices = @transform_1, window_bounds = array<i64: 32, 1>}, {transform_indices = @transform_2, window_bounds = array<i64: 4096, 1>}]} {
    %iota3A = tpu.iota {dimensions = array<i32: 1>} : vector<1x4096xi32>
    %iota3A_0 = vector.shape_cast %iota3A : vector<1x4096xi32> to vector<4096xi32>
    %mul3A = arith.constant 4096 : i32
    %mul3A_1 = arith.muli %arg0, %mul3A : i32
    %add3A = vector.broadcast %mul3A_1 : i32 to vector<4096xi32>
    %add3A_2 = arith.addi %iota3A_0, %add3A : vector<4096xi32>
    %convert_element_type3A = arith.sitofp %add3A_2 : vector<4096xi32> to vector<4096xf32>
    %get3A = arith.constant 0 : index
    %get3A_3 = arith.constant 0 : index
    %get3A_4 = vector.load %arg1[%get3A, %get3A_3] : memref<1x32xf32, #tpu.memory_space<vmem>>, vector<1x32xf32>
    %mul3A_5 = arith.constant 9.765625E-4 : f32
    %mul3A_6 = vector.broadcast %mul3A_5 : f32 to vector<4096xf32>
    %mul3A_7 = arith.mulf %convert_element_type3A, %mul3A_6 : vector<4096xf32>
    %broadcast_in_dim3A = vector.shape_cast %mul3A_7 : vector<4096xf32> to vector<4096x1xf32>
    %sub3A = vector.broadcast %broadcast_in_dim3A : vector<4096x1xf32> to vector<4096x32xf32>
    %sub3A_8 = vector.broadcast %get3A_4 : vector<1x32xf32> to vector<4096x32xf32>
    %sub3A_9 = arith.subf %sub3A, %sub3A_8 : vector<4096x32xf32>
    %integer_pow3A = arith.mulf %sub3A_9, %sub3A_9 : vector<4096x32xf32>
    %mul3A_10 = arith.constant -1.000000e+01 : f32
    %mul3A_11 = vector.broadcast %mul3A_10 : f32 to vector<4096x32xf32>
    %mul3A_12 = arith.mulf %mul3A_11, %integer_pow3A : vector<4096x32xf32>
    %exp3A = math.exp %mul3A_12 : vector<4096x32xf32>
    %get3A_13 = arith.constant 0 : index
    %get3A_14 = arith.constant 0 : index
    %get3A_15 = vector.load %arg2[%get3A_13, %get3A_14] : memref<32x1xf32, #tpu.memory_space<vmem>>, vector<32x1xf32>
    %dot_general3A = arith.constant dense<0.000000e+00> : vector<4096x1xf32>
    %dot_general3A_16 = tpu.matmul %exp3A, %get3A_15, %dot_general3A {dimension_numbers = #tpu.dot_dimension_numbers<[1], [0], [0], [1], [0, 0, 1, 1], [], []>, precision = #tpu.contract_precision<fp32>, transpose_lhs_hint = false} : vector<4096x32xf32>, vector<32x1xf32>, vector<4096x1xf32> -> vector<4096x1xf32>
    %swap3A = arith.constant 0 : index
    %swap3A_17 = arith.constant 0 : index
    %swap3A_18 = vector.load %arg3[%swap3A, %swap3A_17] : memref<4096x1xf32, #tpu.memory_space<vmem>>, vector<4096x1xf32>
    tpu.vector_store %arg3[%swap3A, %swap3A_17], %dot_general3A_16 {strides = array<i32>} : memref<4096x1xf32, #tpu.memory_space<vmem>>, vector<4096x1xf32>,
    return
  }
  func.func @transform_0(%arg0: i32) -> (i32, i32) {
    %c0_i32 = arith.constant 0 : i32
    %c0_i32_0 = arith.constant 0 : i32
    %c0_i32_1 = arith.constant 0 : i32
    return %c0_i32, %c0_i32_0 : i32, i32
  }
  func.func @transform_1(%arg0: i32) -> (i32, i32) {
    %c0_i32 = arith.constant 0 : i32
    %c0_i32_0 = arith.constant 0 : i32
    %c0_i32_1 = arith.constant 0 : i32
    return %c0_i32, %c0_i32_0 : i32, i32
  }
  func.func @transform_2(%arg0: i32) -> (i32, i32) {
    %c0_i32 = arith.constant 0 : i32
    %c0_i32_0 = arith.constant 0 : i32
    return %arg0, %c0_i32 : i32, i32
  }
}

module attributes {stable_mosaic.version = 14 : i64} {
  func.func @_tab1_body(%arg0: i32, %arg1: memref<1x32xf32, #tpu.memory_space<vmem>>, %arg2: memref<32x128xf32, #tpu.memory_space<vmem>>, %arg3: memref<32x128xf32, #tpu.memory_space<vmem>>, %arg4: memref<4096x128xf32, #tpu.memory_space<vmem>>, %arg5: memref<4096x128xf32, #tpu.memory_space<vmem>>) attributes {dimension_semantics = [#tpu.dimension_semantics<arbitrary>], iteration_bounds = array<i64: 8>, scalar_prefetch = 0 : i64, scratch_operands = 0 : i64, tpu.core_type = #tpu.core_type<tc>, window_params = [{pipeline_mode = #tpu.pipeline_mode<synchronous>, transform_indices = @transform_0, window_bounds = array<i64: 1, 32>}, {pipeline_mode = #tpu.pipeline_mode<synchronous>, transform_indices = @transform_1, window_bounds = array<i64: 32, 128>}, {pipeline_mode = #tpu.pipeline_mode<synchronous>, transform_indices = @transform_2, window_bounds = array<i64: 32, 128>}, {transform_indices = @transform_3, window_bounds = array<i64: 4096, 128>}, {transform_indices = @transform_4, window_bounds = array<i64: 4096, 128>}]} {
    %iota3A = tpu.iota {dimensions = array<i32: 1>} : vector<1x4096xi32>
    %iota3A_0 = vector.shape_cast %iota3A : vector<1x4096xi32> to vector<4096xi32>
    %mul3A = arith.constant 4096 : i32
    %mul3A_1 = arith.muli %arg0, %mul3A : i32
    %add3A = vector.broadcast %mul3A_1 : i32 to vector<4096xi32>
    %add3A_2 = arith.addi %iota3A_0, %add3A : vector<4096xi32>
    %convert_element_type3A = arith.sitofp %add3A_2 : vector<4096xi32> to vector<4096xf32>
    %get3A = arith.constant 0 : index
    %get3A_3 = arith.constant 0 : index
    %get3A_4 = vector.load %arg1[%get3A, %get3A_3] : memref<1x32xf32, #tpu.memory_space<vmem>>, vector<1x32xf32>
    %mul3A_5 = arith.constant 2.44140625E-4 : f32
    %mul3A_6 = vector.broadcast %mul3A_5 : f32 to vector<4096xf32>
    %mul3A_7 = arith.mulf %convert_element_type3A, %mul3A_6 : vector<4096xf32>
    %broadcast_in_dim3A = vector.shape_cast %mul3A_7 : vector<4096xf32> to vector<4096x1xf32>
    %sub3A = vector.broadcast %broadcast_in_dim3A : vector<4096x1xf32> to vector<4096x32xf32>
    %sub3A_8 = vector.broadcast %get3A_4 : vector<1x32xf32> to vector<4096x32xf32>
    %sub3A_9 = arith.subf %sub3A, %sub3A_8 : vector<4096x32xf32>
    %integer_pow3A = arith.mulf %sub3A_9, %sub3A_9 : vector<4096x32xf32>
    %mul3A_10 = arith.constant -1.000000e+01 : f32
    %mul3A_11 = vector.broadcast %mul3A_10 : f32 to vector<4096x32xf32>
    %mul3A_12 = arith.mulf %mul3A_11, %integer_pow3A : vector<4096x32xf32>
    %exp3A = math.exp %mul3A_12 : vector<4096x32xf32>
    %get3A_13 = arith.constant 0 : index
    %get3A_14 = arith.constant 0 : index
    %get3A_15 = vector.load %arg2[%get3A_13, %get3A_14] : memref<32x128xf32, #tpu.memory_space<vmem>>, vector<32x128xf32>
    %dot_general3A = arith.constant dense<0.000000e+00> : vector<4096x128xf32>
    %dot_general3A_16 = tpu.matmul %exp3A, %get3A_15, %dot_general3A {dimension_numbers = #tpu.dot_dimension_numbers<[1], [0], [0], [1], [0, 0, 1, 1], [], []>, precision = #tpu.contract_precision<fp32>, transpose_lhs_hint = false} : vector<4096x32xf32>, vector<32x128xf32>, vector<4096x128xf32> -> vector<4096x128xf32>
    %swap3A = arith.constant 0 : index
    %swap3A_17 = arith.constant 0 : index
    %swap3A_18 = vector.load %arg4[%swap3A, %swap3A_17] : memref<4096x128xf32, #tpu.memory_space<vmem>>, vector<4096x128xf32>
    tpu.vector_store %arg4[%swap3A, %swap3A_17], %dot_general3A_16 {strides = array<i32>} : memref<4096x128xf32, #tpu.memory_space<vmem>>, vector<4096x128xf32>,
    %get3A_19 = arith.constant 0 : index
    %get3A_20 = arith.constant 0 : index
    %get3A_21 = vector.load %arg3[%get3A_19, %get3A_20] : memref<32x128xf32, #tpu.memory_space<vmem>>, vector<32x128xf32>
    %dot_general3A_22 = arith.constant dense<0.000000e+00> : vector<4096x128xf32>
    %dot_general3A_23 = tpu.matmul %exp3A, %get3A_21, %dot_general3A_22 {dimension_numbers = #tpu.dot_dimension_numbers<[1], [0], [0], [1], [0, 0, 1, 1], [], []>, precision = #tpu.contract_precision<fp32>, transpose_lhs_hint = false} : vector<4096x32xf32>, vector<32x128xf32>, vector<4096x128xf32> -> vector<4096x128xf32>
    %swap3A_24 = arith.constant 0 : index
    %swap3A_25 = arith.constant 0 : index
    %swap3A_26 = vector.load %arg5[%swap3A_24, %swap3A_25] : memref<4096x128xf32, #tpu.memory_space<vmem>>, vector<4096x128xf32>
    tpu.vector_store %arg5[%swap3A_24, %swap3A_25], %dot_general3A_23 {strides = array<i32>} : memref<4096x128xf32, #tpu.memory_space<vmem>>, vector<4096x128xf32>,
    return
  }
  func.func @transform_0(%arg0: i32) -> (i32, i32) {
    %c0_i32 = arith.constant 0 : i32
    %c0_i32_0 = arith.constant 0 : i32
    %c0_i32_1 = arith.constant 0 : i32
    return %c0_i32, %c0_i32_0 : i32, i32
  }
  func.func @transform_1(%arg0: i32) -> (i32, i32) {
    %c0_i32 = arith.constant 0 : i32
    %c0_i32_0 = arith.constant 0 : i32
    %c0_i32_1 = arith.constant 0 : i32
    return %c0_i32, %c0_i32_0 : i32, i32
  }
  func.func @transform_2(%arg0: i32) -> (i32, i32) {
    %c0_i32 = arith.constant 0 : i32
    %c0_i32_0 = arith.constant 0 : i32
    %c0_i32_1 = arith.constant 0 : i32
    return %c0_i32, %c0_i32_0 : i32, i32
  }
  func.func @transform_3(%arg0: i32) -> (i32, i32) {
    %c0_i32 = arith.constant 0 : i32
    %c0_i32_0 = arith.constant 0 : i32
    return %arg0, %c0_i32 : i32, i32
  }
  func.func @transform_4(%arg0: i32) -> (i32, i32) {
    %c0_i32 = arith.constant 0 : i32
    %c0_i32_0 = arith.constant 0 : i32
    return %arg0, %c0_i32 : i32, i32
  }
}

module attributes {stable_mosaic.version = 14 : i64} {
  func.func @_embed_body(%arg0: i32, %arg1: memref<1000x1xi32, #tpu.memory_space<vmem>>, %arg2: memref<119x128xf32, #tpu.memory_space<vmem>>, %arg3: memref<1000x128xf32, #tpu.memory_space<vmem>>) attributes {dimension_semantics = [#tpu.dimension_semantics<arbitrary>], iteration_bounds = array<i64: 10>, scalar_prefetch = 0 : i64, scratch_operands = 0 : i64, tpu.core_type = #tpu.core_type<tc>, window_params = [{transform_indices = @transform_0, window_bounds = array<i64: 1000, 1>}, {pipeline_mode = #tpu.pipeline_mode<synchronous>, transform_indices = @transform_1, window_bounds = array<i64: 119, 128>}, {transform_indices = @transform_2, window_bounds = array<i64: 1000, 128>}]} {
    %get3A = arith.constant 0 : index
    %get3A_0 = arith.constant 0 : index
    %get3A_1 = vector.load %arg1[%get3A, %get3A_0] : memref<1000x1xi32, #tpu.memory_space<vmem>>, vector<1000x1xi32>
    %iota3A = tpu.iota {dimensions = array<i32: 1>} : vector<1000x119xi32>
    %eq3A = vector.broadcast %get3A_1 : vector<1000x1xi32> to vector<1000x119xi32>
    %eq3A_2 = arith.cmpi eq, %iota3A, %eq3A : vector<1000x119xi32>
    %convert_element_type3A = arith.extui %eq3A_2 : vector<1000x119xi1> to vector<1000x119xi32>
    %convert_element_type3A_3 = arith.sitofp %convert_element_type3A : vector<1000x119xi32> to vector<1000x119xf32>
    %get3A_4 = arith.constant 0 : index
    %get3A_5 = arith.constant 0 : index
    %get3A_6 = vector.load %arg2[%get3A_4, %get3A_5] : memref<119x128xf32, #tpu.memory_space<vmem>>, vector<119x128xf32>
    %dot_general3A = arith.constant dense<0.000000e+00> : vector<1000x128xf32>
    %dot_general3A_7 = tpu.matmul %convert_element_type3A_3, %get3A_6, %dot_general3A {dimension_numbers = #tpu.dot_dimension_numbers<[1], [0], [0], [1], [0, 0, 1, 1], [], []>, precision = #tpu.contract_precision<fp32>, transpose_lhs_hint = false} : vector<1000x119xf32>, vector<119x128xf32>, vector<1000x128xf32> -> vector<1000x128xf32>
    %swap3A = arith.constant 0 : index
    %swap3A_8 = arith.constant 0 : index
    %swap3A_9 = vector.load %arg3[%swap3A, %swap3A_8] : memref<1000x128xf32, #tpu.memory_space<vmem>>, vector<1000x128xf32>
    tpu.vector_store %arg3[%swap3A, %swap3A_8], %dot_general3A_7 {strides = array<i32>} : memref<1000x128xf32, #tpu.memory_space<vmem>>, vector<1000x128xf32>,
    return
  }
  func.func @transform_0(%arg0: i32) -> (i32, i32) {
    %c0_i32 = arith.constant 0 : i32
    %c0_i32_0 = arith.constant 0 : i32
    return %arg0, %c0_i32 : i32, i32
  }
  func.func @transform_1(%arg0: i32) -> (i32, i32) {
    %c0_i32 = arith.constant 0 : i32
    %c0_i32_0 = arith.constant 0 : i32
    %c0_i32_1 = arith.constant 0 : i32
    return %c0_i32, %c0_i32_0 : i32, i32
  }
  func.func @transform_2(%arg0: i32) -> (i32, i32) {
    %c0_i32 = arith.constant 0 : i32
    %c0_i32_0 = arith.constant 0 : i32
    return %arg0, %c0_i32 : i32, i32
  }
}

module attributes {stable_mosaic.version = 14 : i64} {
  func.func @_h_body(%arg0: memref<4000x1xi32, #tpu.memory_space<vmem>>, %arg1: memref<26x128xf32, #tpu.memory_space<vmem>>, %arg2: memref<4000x3xf32, #tpu.memory_space<vmem>>, %arg3: memref<4000x3xf32, #tpu.memory_space<vmem>>, %arg4: memref<4000x3xf32, #tpu.memory_space<vmem>>, %arg5: memref<3x128xf32, #tpu.memory_space<vmem>>, %arg6: memref<1x128xf32, #tpu.memory_space<vmem>>, %arg7: memref<4000x128xf32, #tpu.memory_space<vmem>>) attributes {dimension_semantics = [], scalar_prefetch = 0 : i64, scratch_operands = 0 : i64, tpu.core_type = #tpu.core_type<tc>} {
    %get3A = arith.constant 0 : index
    %get3A_0 = arith.constant 0 : index
    %get3A_1 = vector.load %arg0[%get3A, %get3A_0] : memref<4000x1xi32, #tpu.memory_space<vmem>>, vector<4000x1xi32>
    %iota3A = tpu.iota {dimensions = array<i32: 1>} : vector<4000x26xi32>
    %eq3A = vector.broadcast %get3A_1 : vector<4000x1xi32> to vector<4000x26xi32>
    %eq3A_2 = arith.cmpi eq, %iota3A, %eq3A : vector<4000x26xi32>
    %convert_element_type3A = arith.extui %eq3A_2 : vector<4000x26xi1> to vector<4000x26xi32>
    %convert_element_type3A_3 = arith.sitofp %convert_element_type3A : vector<4000x26xi32> to vector<4000x26xf32>
    %get3A_4 = arith.constant 0 : index
    %get3A_5 = arith.constant 0 : index
    %get3A_6 = vector.load %arg1[%get3A_4, %get3A_5] : memref<26x128xf32, #tpu.memory_space<vmem>>, vector<26x128xf32>
    %dot_general3A = arith.constant dense<0.000000e+00> : vector<4000x128xf32>
    %dot_general3A_7 = tpu.matmul %convert_element_type3A_3, %get3A_6, %dot_general3A {dimension_numbers = #tpu.dot_dimension_numbers<[1], [0], [0], [1], [0, 0, 1, 1], [], []>, precision = #tpu.contract_precision<fp32>, transpose_lhs_hint = false} : vector<4000x26xf32>, vector<26x128xf32>, vector<4000x128xf32> -> vector<4000x128xf32>
    %get3A_8 = arith.constant 0 : index
    %get3A_9 = arith.constant 0 : index
    %get3A_10 = vector.load %arg2[%get3A_8, %get3A_9] : memref<4000x3xf32, #tpu.memory_space<vmem>>, vector<4000x3xf32>
    %get3A_11 = arith.constant 0 : index
    %get3A_12 = arith.constant 0 : index
    %get3A_13 = vector.load %arg3[%get3A_11, %get3A_12] : memref<4000x3xf32, #tpu.memory_space<vmem>>, vector<4000x3xf32>
    %sub3A = arith.subf %get3A_10, %get3A_13 : vector<4000x3xf32>
    %get3A_14 = arith.constant 0 : index
    %get3A_15 = arith.constant 0 : index
    %get3A_16 = vector.load %arg4[%get3A_14, %get3A_15] : memref<4000x3xf32, #tpu.memory_space<vmem>>, vector<4000x3xf32>
    %get3A_17 = arith.constant 0 : index
    %get3A_18 = arith.constant 0 : index
    %get3A_19 = vector.load %arg3[%get3A_17, %get3A_18] : memref<4000x3xf32, #tpu.memory_space<vmem>>, vector<4000x3xf32>
    %sub3A_20 = arith.subf %get3A_16, %get3A_19 : vector<4000x3xf32>
    %mul3A = arith.mulf %sub3A, %sub3A : vector<4000x3xf32>
    %reduce_sum3A = arith.constant dense<0.000000e+00> : vector<4000xf32>
    %reduce_sum3A_21 = vector.multi_reduction <add>, %mul3A, %reduce_sum3A [1] : vector<4000x3xf32> to vector<4000xf32>
    %broadcast_in_dim3A = vector.shape_cast %reduce_sum3A_21 : vector<4000xf32> to vector<4000x1xf32>
    %add3A = arith.constant 9.99999997E-7 : f32
    %add3A_22 = vector.broadcast %add3A : f32 to vector<4000x1xf32>
    %add3A_23 = arith.addf %broadcast_in_dim3A, %add3A_22 : vector<4000x1xf32>
    %sqrt3A = math.sqrt %add3A_23 : vector<4000x1xf32>
    %mul3A_24 = arith.mulf %sub3A_20, %sub3A_20 : vector<4000x3xf32>
    %reduce_sum3A_25 = arith.constant dense<0.000000e+00> : vector<4000xf32>
    %reduce_sum3A_26 = vector.multi_reduction <add>, %mul3A_24, %reduce_sum3A_25 [1] : vector<4000x3xf32> to vector<4000xf32>
    %broadcast_in_dim3A_27 = vector.shape_cast %reduce_sum3A_26 : vector<4000xf32> to vector<4000x1xf32>
    %add3A_28 = arith.constant 9.99999997E-7 : f32
    %add3A_29 = vector.broadcast %add3A_28 : f32 to vector<4000x1xf32>
    %add3A_30 = arith.addf %broadcast_in_dim3A_27, %add3A_29 : vector<4000x1xf32>
    %sqrt3A_31 = math.sqrt %add3A_30 : vector<4000x1xf32>
    %mul3A_32 = arith.mulf %sub3A, %sub3A_20 : vector<4000x3xf32>
    %reduce_sum3A_33 = arith.constant dense<0.000000e+00> : vector<4000xf32>
    %reduce_sum3A_34 = vector.multi_reduction <add>, %mul3A_32, %reduce_sum3A_33 [1] : vector<4000x3xf32> to vector<4000xf32>
    %broadcast_in_dim3A_35 = vector.shape_cast %reduce_sum3A_34 : vector<4000xf32> to vector<4000x1xf32>
    %concatenate3A = tpu.concatenate %sqrt3A, %sqrt3A_31, %broadcast_in_dim3A_35 in 1 : vector<4000x1xf32>, vector<4000x1xf32>, vector<4000x1xf32> -> vector<4000x3xf32>
    %get3A_36 = arith.constant 0 : index
    %get3A_37 = arith.constant 0 : index
    %get3A_38 = vector.load %arg5[%get3A_36, %get3A_37] : memref<3x128xf32, #tpu.memory_space<vmem>>, vector<3x128xf32>
    %dot_general3A_39 = arith.constant dense<0.000000e+00> : vector<4000x128xf32>
    %dot_general3A_40 = tpu.matmul %concatenate3A, %get3A_38, %dot_general3A_39 {dimension_numbers = #tpu.dot_dimension_numbers<[1], [0], [0], [1], [0, 0, 1, 1], [], []>, precision = #tpu.contract_precision<fp32>, transpose_lhs_hint = false} : vector<4000x3xf32>, vector<3x128xf32>, vector<4000x128xf32> -> vector<4000x128xf32>
    %get3A_41 = arith.constant 0 : index
    %get3A_42 = arith.constant 0 : index
    %get3A_43 = vector.load %arg6[%get3A_41, %get3A_42] : memref<1x128xf32, #tpu.memory_space<vmem>>, vector<1x128xf32>
    %add3A_44 = vector.broadcast %get3A_43 : vector<1x128xf32> to vector<4000x128xf32>
    %add3A_45 = arith.addf %dot_general3A_40, %add3A_44 : vector<4000x128xf32>
    %tanh3A = math.tanh %add3A_45 : vector<4000x128xf32>
    %add3A_46 = arith.addf %dot_general3A_7, %tanh3A : vector<4000x128xf32>
    %swap3A = arith.constant 0 : index
    %swap3A_47 = arith.constant 0 : index
    %swap3A_48 = vector.load %arg7[%swap3A, %swap3A_47] : memref<4000x128xf32, #tpu.memory_space<vmem>>, vector<4000x128xf32>
    tpu.vector_store %arg7[%swap3A, %swap3A_47], %add3A_46 {strides = array<i32>} : memref<4000x128xf32, #tpu.memory_space<vmem>>, vector<4000x128xf32>,
    return
  }
}

module attributes {stable_mosaic.version = 14 : i64} {
  func.func @_upd_body(%arg0: i32, %arg1: memref<1000x128xf32, #tpu.memory_space<vmem>>, %arg2: memref<1000x128xf32, #tpu.memory_space<vmem>>, %arg3: memref<1000x128xf32, #tpu.memory_space<vmem>>, %arg4: memref<128x128xf32, #tpu.memory_space<vmem>>, %arg5: memref<1x128xf32, #tpu.memory_space<vmem>>, %arg6: memref<1000x128xf32, #tpu.memory_space<vmem>>) attributes {dimension_semantics = [#tpu.dimension_semantics<arbitrary>], iteration_bounds = array<i64: 10>, scalar_prefetch = 0 : i64, scratch_operands = 0 : i64, tpu.core_type = #tpu.core_type<tc>, window_params = [{transform_indices = @transform_0, window_bounds = array<i64: 1000, 128>}, {transform_indices = @transform_1, window_bounds = array<i64: 1000, 128>}, {transform_indices = @transform_2, window_bounds = array<i64: 1000, 128>}, {pipeline_mode = #tpu.pipeline_mode<synchronous>, transform_indices = @transform_3, window_bounds = array<i64: 128, 128>}, {pipeline_mode = #tpu.pipeline_mode<synchronous>, transform_indices = @transform_4, window_bounds = array<i64: 1, 128>}, {transform_indices = @transform_5, window_bounds = array<i64: 1000, 128>}]} {
    %get3A = arith.constant 0 : index
    %get3A_0 = arith.constant 0 : index
    %get3A_1 = vector.load %arg2[%get3A, %get3A_0] : memref<1000x128xf32, #tpu.memory_space<vmem>>, vector<1000x128xf32>
    %get3A_2 = arith.constant 0 : index
    %get3A_3 = arith.constant 0 : index
    %get3A_4 = vector.load %arg3[%get3A_2, %get3A_3] : memref<1000x128xf32, #tpu.memory_space<vmem>>, vector<1000x128xf32>
    %add3A = arith.addf %get3A_1, %get3A_4 : vector<1000x128xf32>
    %get3A_5 = arith.constant 0 : index
    %get3A_6 = arith.constant 0 : index
    %get3A_7 = vector.load %arg1[%get3A_5, %get3A_6] : memref<1000x128xf32, #tpu.memory_space<vmem>>, vector<1000x128xf32>
    %get3A_8 = arith.constant 0 : index
    %get3A_9 = arith.constant 0 : index
    %get3A_10 = vector.load %arg4[%get3A_8, %get3A_9] : memref<128x128xf32, #tpu.memory_space<vmem>>, vector<128x128xf32>
    %dot_general3A = arith.constant dense<0.000000e+00> : vector<1000x128xf32>
    %dot_general3A_11 = tpu.matmul %add3A, %get3A_10, %dot_general3A {dimension_numbers = #tpu.dot_dimension_numbers<[1], [0], [0], [1], [0, 0, 1, 1], [], []>, precision = #tpu.contract_precision<fp32>, transpose_lhs_hint = false} : vector<1000x128xf32>, vector<128x128xf32>, vector<1000x128xf32> -> vector<1000x128xf32>
    %get3A_12 = arith.constant 0 : index
    %get3A_13 = arith.constant 0 : index
    %get3A_14 = vector.load %arg5[%get3A_12, %get3A_13] : memref<1x128xf32, #tpu.memory_space<vmem>>, vector<1x128xf32>
    %add3A_15 = vector.broadcast %get3A_14 : vector<1x128xf32> to vector<1000x128xf32>
    %add3A_16 = arith.addf %dot_general3A_11, %add3A_15 : vector<1000x128xf32>
    %tanh3A = math.tanh %add3A_16 : vector<1000x128xf32>
    %add3A_17 = arith.addf %get3A_7, %tanh3A : vector<1000x128xf32>
    %swap3A = arith.constant 0 : index
    %swap3A_18 = arith.constant 0 : index
    %swap3A_19 = vector.load %arg6[%swap3A, %swap3A_18] : memref<1000x128xf32, #tpu.memory_space<vmem>>, vector<1000x128xf32>
    tpu.vector_store %arg6[%swap3A, %swap3A_18], %add3A_17 {strides = array<i32>} : memref<1000x128xf32, #tpu.memory_space<vmem>>, vector<1000x128xf32>,
    return
  }
  func.func @transform_0(%arg0: i32) -> (i32, i32) {
    %c0_i32 = arith.constant 0 : i32
    %c0_i32_0 = arith.constant 0 : i32
    return %arg0, %c0_i32 : i32, i32
  }
  func.func @transform_1(%arg0: i32) -> (i32, i32) {
    %c0_i32 = arith.constant 0 : i32
    %c0_i32_0 = arith.constant 0 : i32
    return %arg0, %c0_i32 : i32, i32
  }
  func.func @transform_2(%arg0: i32) -> (i32, i32) {
    %c0_i32 = arith.constant 0 : i32
    %c0_i32_0 = arith.constant 0 : i32
    return %arg0, %c0_i32 : i32, i32
  }
  func.func @transform_3(%arg0: i32) -> (i32, i32) {
    %c0_i32 = arith.constant 0 : i32
    %c0_i32_0 = arith.constant 0 : i32
    %c0_i32_1 = arith.constant 0 : i32
    return %c0_i32, %c0_i32_0 : i32, i32
  }
  func.func @transform_4(%arg0: i32) -> (i32, i32) {
    %c0_i32 = arith.constant 0 : i32
    %c0_i32_0 = arith.constant 0 : i32
    %c0_i32_1 = arith.constant 0 : i32
    return %c0_i32, %c0_i32_0 : i32, i32
  }
  func.func @transform_5(%arg0: i32) -> (i32, i32) {
    %c0_i32 = arith.constant 0 : i32
    %c0_i32_0 = arith.constant 0 : i32
    return %arg0, %c0_i32 : i32, i32
  }
}

module attributes {stable_mosaic.version = 14 : i64} {
  func.func @_final_body(%arg0: i32, %arg1: memref<1000x128xf32, #tpu.memory_space<vmem>>, %arg2: memref<1000x128xf32, #tpu.memory_space<vmem>>, %arg3: memref<1000x128xf32, #tpu.memory_space<vmem>>, %arg4: memref<1000x128xf32, #tpu.memory_space<vmem>>, %arg5: memref<1000x128xf32, #tpu.memory_space<vmem>>, %arg6: memref<128x128xf32, #tpu.memory_space<vmem>>, %arg7: memref<1x128xf32, #tpu.memory_space<vmem>>, %arg8: memref<128x128xf32, #tpu.memory_space<vmem>>, %arg9: memref<1x128xf32, #tpu.memory_space<vmem>>, %arg10: memref<1000x128xf32, #tpu.memory_space<vmem>>) attributes {dimension_semantics = [#tpu.dimension_semantics<arbitrary>], iteration_bounds = array<i64: 10>, scalar_prefetch = 0 : i64, scratch_operands = 0 : i64, tpu.core_type = #tpu.core_type<tc>, window_params = [{transform_indices = @transform_0, window_bounds = array<i64: 1000, 128>}, {transform_indices = @transform_1, window_bounds = array<i64: 1000, 128>}, {transform_indices = @transform_2, window_bounds = array<i64: 1000, 128>}, {transform_indices = @transform_3, window_bounds = array<i64: 1000, 128>}, {transform_indices = @transform_4, window_bounds = array<i64: 1000, 128>}, {pipeline_mode = #tpu.pipeline_mode<synchronous>, transform_indices = @transform_5, window_bounds = array<i64: 128, 128>}, {pipeline_mode = #tpu.pipeline_mode<synchronous>, transform_indices = @transform_6, window_bounds = array<i64: 1, 128>}, {pipeline_mode = #tpu.pipeline_mode<synchronous>, transform_indices = @transform_7, window_bounds = array<i64: 128, 128>}, {pipeline_mode = #tpu.pipeline_mode<synchronous>, transform_indices = @transform_8, window_bounds = array<i64: 1, 128>}, {transform_indices = @transform_9, window_bounds = array<i64: 1000, 128>}]} {
    %get3A = arith.constant 0 : index
    %get3A_0 = arith.constant 0 : index
    %get3A_1 = vector.load %arg4[%get3A, %get3A_0] : memref<1000x128xf32, #tpu.memory_space<vmem>>, vector<1000x128xf32>
    %get3A_2 = arith.constant 0 : index
    %get3A_3 = arith.constant 0 : index
    %get3A_4 = vector.load %arg5[%get3A_2, %get3A_3] : memref<1000x128xf32, #tpu.memory_space<vmem>>, vector<1000x128xf32>
    %add3A = arith.addf %get3A_1, %get3A_4 : vector<1000x128xf32>
    %slice3A = vector.extract_strided_slice %add3A {offsets = [0, 0], sizes = [1000, 1], strides = [1, 1]} : vector<1000x128xf32> to vector<1000x1xf32>
    %slice3A_5 = vector.extract_strided_slice %add3A {offsets = [0, 1], sizes = [1000, 1], strides = [1, 1]} : vector<1000x128xf32> to vector<1000x1xf32>
    %slice3A_6 = vector.extract_strided_slice %add3A {offsets = [0, 2], sizes = [1000, 1], strides = [1, 1]} : vector<1000x128xf32> to vector<1000x1xf32>
    %mul3A = arith.mulf %slice3A, %slice3A : vector<1000x1xf32>
    %mul3A_7 = arith.mulf %slice3A_5, %slice3A_5 : vector<1000x1xf32>
    %add3A_8 = arith.addf %mul3A, %mul3A_7 : vector<1000x1xf32>
    %mul3A_9 = arith.mulf %slice3A_6, %slice3A_6 : vector<1000x1xf32>
    %add3A_10 = arith.addf %add3A_8, %mul3A_9 : vector<1000x1xf32>
    %add3A_11 = arith.constant 9.99999997E-7 : f32
    %add3A_12 = vector.broadcast %add3A_11 : f32 to vector<1000x1xf32>
    %add3A_13 = arith.addf %add3A_10, %add3A_12 : vector<1000x1xf32>
    %sqrt3A = math.sqrt %add3A_13 : vector<1000x1xf32>
    %add3A_14 = arith.constant 1.000000e+00 : f32
    %add3A_15 = vector.broadcast %add3A_14 : f32 to vector<1000x1xf32>
    %add3A_16 = arith.addf %add3A_15, %sqrt3A : vector<1000x1xf32>
    %get3A_17 = arith.constant 0 : index
    %get3A_18 = arith.constant 0 : index
    %get3A_19 = vector.load %arg1[%get3A_17, %get3A_18] : memref<1000x128xf32, #tpu.memory_space<vmem>>, vector<1000x128xf32>
    %get3A_20 = arith.constant 0 : index
    %get3A_21 = arith.constant 0 : index
    %get3A_22 = vector.load %arg2[%get3A_20, %get3A_21] : memref<1000x128xf32, #tpu.memory_space<vmem>>, vector<1000x128xf32>
    %mul3A_23 = vector.broadcast %add3A_16 : vector<1000x1xf32> to vector<1000x128xf32>
    %mul3A_24 = arith.mulf %get3A_22, %mul3A_23 : vector<1000x128xf32>
    %get3A_25 = arith.constant 0 : index
    %get3A_26 = arith.constant 0 : index
    %get3A_27 = vector.load %arg6[%get3A_25, %get3A_26] : memref<128x128xf32, #tpu.memory_space<vmem>>, vector<128x128xf32>
    %dot_general3A = arith.constant dense<0.000000e+00> : vector<1000x128xf32>
    %dot_general3A_28 = tpu.matmul %mul3A_24, %get3A_27, %dot_general3A {dimension_numbers = #tpu.dot_dimension_numbers<[1], [0], [0], [1], [0, 0, 1, 1], [], []>, precision = #tpu.contract_precision<fp32>, transpose_lhs_hint = false} : vector<1000x128xf32>, vector<128x128xf32>, vector<1000x128xf32> -> vector<1000x128xf32>
    %get3A_29 = arith.constant 0 : index
    %get3A_30 = arith.constant 0 : index
    %get3A_31 = vector.load %arg7[%get3A_29, %get3A_30] : memref<1x128xf32, #tpu.memory_space<vmem>>, vector<1x128xf32>
    %add3A_32 = vector.broadcast %get3A_31 : vector<1x128xf32> to vector<1000x128xf32>
    %add3A_33 = arith.addf %dot_general3A_28, %add3A_32 : vector<1000x128xf32>
    %tanh3A = math.tanh %add3A_33 : vector<1000x128xf32>
    %add3A_34 = arith.addf %get3A_19, %tanh3A : vector<1000x128xf32>
    %get3A_35 = arith.constant 0 : index
    %get3A_36 = arith.constant 0 : index
    %get3A_37 = vector.load %arg3[%get3A_35, %get3A_36] : memref<1000x128xf32, #tpu.memory_space<vmem>>, vector<1000x128xf32>
    %mul3A_38 = vector.broadcast %add3A_16 : vector<1000x1xf32> to vector<1000x128xf32>
    %mul3A_39 = arith.mulf %get3A_37, %mul3A_38 : vector<1000x128xf32>
    %get3A_40 = arith.constant 0 : index
    %get3A_41 = arith.constant 0 : index
    %get3A_42 = vector.load %arg8[%get3A_40, %get3A_41] : memref<128x128xf32, #tpu.memory_space<vmem>>, vector<128x128xf32>
    %dot_general3A_43 = arith.constant dense<0.000000e+00> : vector<1000x128xf32>
    %dot_general3A_44 = tpu.matmul %mul3A_39, %get3A_42, %dot_general3A_43 {dimension_numbers = #tpu.dot_dimension_numbers<[1], [0], [0], [1], [0, 0, 1, 1], [], []>, precision = #tpu.contract_precision<fp32>, transpose_lhs_hint = false} : vector<1000x128xf32>, vector<128x128xf32>, vector<1000x128xf32> -> vector<1000x128xf32>
    %get3A_45 = arith.constant 0 : index
    %get3A_46 = arith.constant 0 : index
    %get3A_47 = vector.load %arg9[%get3A_45, %get3A_46] : memref<1x128xf32, #tpu.memory_space<vmem>>, vector<1x128xf32>
    %add3A_48 = vector.broadcast %get3A_47 : vector<1x128xf32> to vector<1000x128xf32>
    %add3A_49 = arith.addf %dot_general3A_44, %add3A_48 : vector<1000x128xf32>
    %tanh3A_50 = math.tanh %add3A_49 : vector<1000x128xf32>
    %add3A_51 = arith.addf %add3A_34, %tanh3A_50 : vector<1000x128xf32>
    %swap3A = arith.constant 0 : index
    %swap3A_52 = arith.constant 0 : index
    %swap3A_53 = vector.load %arg10[%swap3A, %swap3A_52] : memref<1000x128xf32, #tpu.memory_space<vmem>>, vector<1000x128xf32>
    tpu.vector_store %arg10[%swap3A, %swap3A_52], %add3A_51 {strides = array<i32>} : memref<1000x128xf32, #tpu.memory_space<vmem>>, vector<1000x128xf32>,
    return
  }
  func.func @transform_0(%arg0: i32) -> (i32, i32) {
    %c0_i32 = arith.constant 0 : i32
    %c0_i32_0 = arith.constant 0 : i32
    return %arg0, %c0_i32 : i32, i32
  }
  func.func @transform_1(%arg0: i32) -> (i32, i32) {
    %c0_i32 = arith.constant 0 : i32
    %c0_i32_0 = arith.constant 0 : i32
    return %arg0, %c0_i32 : i32, i32
  }
  func.func @transform_2(%arg0: i32) -> (i32, i32) {
    %c0_i32 = arith.constant 0 : i32
    %c0_i32_0 = arith.constant 0 : i32
    return %arg0, %c0_i32 : i32, i32
  }
  func.func @transform_3(%arg0: i32) -> (i32, i32) {
    %c0_i32 = arith.constant 0 : i32
    %c0_i32_0 = arith.constant 0 : i32
    return %arg0, %c0_i32 : i32, i32
  }
  func.func @transform_4(%arg0: i32) -> (i32, i32) {
    %c0_i32 = arith.constant 0 : i32
    %c0_i32_0 = arith.constant 0 : i32
    return %arg0, %c0_i32 : i32, i32
  }
  func.func @transform_5(%arg0: i32) -> (i32, i32) {
    %c0_i32 = arith.constant 0 : i32
    %c0_i32_0 = arith.constant 0 : i32
    %c0_i32_1 = arith.constant 0 : i32
    return %c0_i32, %c0_i32_0 : i32, i32
  }
  func.func @transform_6(%arg0: i32) -> (i32, i32) {
    %c0_i32 = arith.constant 0 : i32
    %c0_i32_0 = arith.constant 0 : i32
    %c0_i32_1 = arith.constant 0 : i32
    return %c0_i32, %c0_i32_0 : i32, i32
  }
  func.func @transform_7(%arg0: i32) -> (i32, i32) {
    %c0_i32 = arith.constant 0 : i32
    %c0_i32_0 = arith.constant 0 : i32
    %c0_i32_1 = arith.constant 0 : i32
    return %c0_i32, %c0_i32_0 : i32, i32
  }
  func.func @transform_8(%arg0: i32) -> (i32, i32) {
    %c0_i32 = arith.constant 0 : i32
    %c0_i32_0 = arith.constant 0 : i32
    %c0_i32_1 = arith.constant 0 : i32
    return %c0_i32, %c0_i32_0 : i32, i32
  }
  func.func @transform_9(%arg0: i32) -> (i32, i32) {
    %c0_i32 = arith.constant 0 : i32
    %c0_i32_0 = arith.constant 0 : i32
    return %arg0, %c0_i32 : i32, i32
  }
}

</mosaic_0001>

<sc_bundles>
// kernel: kernel.15.cloned.1.call-start
scs
__scs_entry_jumppad:
0x0: {  	(pc) =	sbr.rel $0x88, $3  }
0x1: {  	(tag) =	ssettag $0x0;
	lr =	simm.s32 $0x1  }
0x2: {  	[smem:$0x3F84] =	sst lr;
	_ =	strace $0xD0000000  }
0x3: {  	_ = 	snop  }
0x4: {  	_ = 	snop  }
0x5: {  	_ = 	snop  }
0x6: {  	_ = 	snop  }
0x7: {  	_ = 	snop  }
__scs_overlays_trampoline_lowered:
0x8: {  	[smem:$0x3F93] =	sst s0  }
0x9: {  	[smem:$0x3F94] =	sst s1  }
0xa: {  	[smem:$0x3F95] =	sst s2  }
0xb: {  	[smem:$0x3F96] =	sst s3  }
0xc: {  	[smem:$0x3F97] =	sst s4  }
0xd: {  	[smem:$0x3F98] =	sst s5  }
0xe: {  	[smem:$0x3F99] =	sst s6  }
0xf: {  	[smem:$0x3F9A] =	sst s7  }
0x10: {  	[smem:$0x3F9B] =	sst s8  }
0x11: {  	[smem:$0x3F9C] =	sst s9;
	s0 =	simm.s32 @!p0 $0x0  }
0x12: {  	s1 =	sld [smem:$0x3F82];
	s0 =	simm.s32 @p0 $0x1  }
0x13: {  	[smem:$0x3F9D] =	sst s0;
	s0 =	simm.s32 @!p1 $0x0  }
0x14: {  	s2 =	sld [smem:$0x3F81];
	s0 =	simm.s32 @p1 $0x1  }
0x15: {  	[smem:$0x3F9E] =	sst s0;
	s0 =	simm.s32 @!p2 $0x0  }
0x16: {  	s3 =	sld [smem:$0x3FDB];
	s0 =	simm.s32 @p2 $0x1  }
0x17: {  	s4 =	simm.s32 $0x1BF5;
	[smem:$0x3FA0] =	sst s0  }
0x18: {  	s0 =	sld [smem:$0x3F83];
	_ =	swait.ge [sflag:s4], $0x0  }
0x19: {  	s7 =	sld [smem:$0x3F84]  }
0x1a: {  	s8 =	sadd.s32 $0xFFFFE003, lr  }
0x1b: {  	s9 =	sadd.s32 $0xFFFFFEF7, lr;
	s5 =	simm.s32 $0xFFFFFFFF;
	p2 =	slt.u32 s8, $0xFFFFF086  }
0x1c: {  	p1 =	slt.u32 s9, $0xF7A;
	s5 =	simm.s32 @!p2 $0x0  }
0x1d: {  	s5 =	simm.s32 @p1 $0x1;
	p0 =	seq.s32 s7, s2  }
0x1e: {  	s7 =	smul.u32 @!p0 $0xF7A, s2;
	p2 =	seq.s32 @!p0 s5, $0x0  }
0x1f: {  	s9 =	smul.u32 $0xF7A, s1;
	s8 =	simm.s32 @!p0 $0x1BF5;
	p2 =	por !p2, p0  }
0x20: {  	[sflag:s8] =	ssyncset.s32 @!p0 $0xFFFFF086;
	s6 =	sadd.s32 @!p0 s3, s7;
	s7 =	simm.s32 @!p0 $0x108  }
0x21: {  	s3 =	sadd.s32 s3, s9;
	s6 =	sadd.s32 @!p0 $0x88, s6;
	s7 =	simm.s32 @p2 $0x1082  }
0x22: {  	[simem:s7], [sflag:s8] =	dma.local @!p0 [hbm:s6], $0xF7A  }
0x23: {  	s9 =	sor.u32 $0xD0000000, s2;
	s6 =	simm.s32 $0x108;
	_ =	swait.ge @!p0 [sflag:s8], $0x0  }
0x24: {  	s3 =	sadd.s32 $0x88, s3;
	s6 =	simm.s32 @!p1 $0x1082;
	[sflag:s4] =	ssyncset.s32 $0xFFFFF086  }
0x25: {  	[simem:s6], [sflag:s4] =	dma.local [hbm:s3], $0xF7A  }
0x26: {  	[smem:$0x3F84] =	sst s1;
	(tag) =	ssettag s2;
	_ =	strace s9  }
0x27: {  	s1 =	sld [smem:$0x3F94]  }
0x28: {  	s2 =	sld [smem:$0x3F95]  }
0x29: {  	s4 =	sld [smem:$0x3F97]  }
0x2a: {  	p0 =	seq.s32 s5, $0x0;
	s5 =	sld [smem:$0x3F98]  }
0x2b: {  	s6 =	sld [smem:$0x3F99]  }
0x2c: {  	s7 =	sld [smem:$0x3F9A]  }
0x2d: {  	s3 =	simm.s32 $0x108;
	s8 =	sld [smem:$0x3F9B]  }
0x2e: {  	s3 =	simm.s32 @!p0 $0x1082;
	s9 =	sld [smem:$0x3F9C]  }
0x2f: {  	lr =	sadd.s32 s0, s3;
	s0 =	sld [smem:$0x3F93]  }
0x30: {  	s3 =	sld [smem:$0x3F96]  }
0x31: {  	[smem:$0x3F9F] =	sst s10  }
0x32: {  	s10 =	sld [smem:$0x3F9D];
	_ =	sdelay $0x3  }
0x33: {  	p0 =	seq.s32 s10, $0x1;
	s10 =	sld [smem:$0x3F9F];
	_ =	sdelay $0x3  }
0x34: {  	[smem:$0x3F9F] =	sst s10  }
0x35: {  	s10 =	sld [smem:$0x3F9E];
	_ =	sdelay $0x3  }
0x36: {  	p1 =	seq.s32 s10, $0x1;
	s10 =	sld [smem:$0x3F9F];
	_ =	sdelay $0x3  }
0x37: {  	[smem:$0x3F9F] =	sst s10  }
0x38: {  	s10 =	sld [smem:$0x3FA0]  }
0x39: {  	_ = 	snop;
	(pc) =	sbr.ind lr, $3  }
0x3a: {  	_ = 	snop  }
0x3b: {  	_ = 	snop  }
0x3c: {  	p2 =	seq.s32 s10, $0x1;
	s10 =	sld [smem:$0x3F9F]  }
0x3d: {  	_ =	shalt  }
0x3e: {  	_ =	shalt  }
0x3f: {  	_ =	shalt  }
0x40: {  	_ =	shalt  }
0x41: {  	_ =	shalt  }
0x42: {  	_ =	shalt  }
0x43: {  	_ =	shalt  }
0x44: {  	_ =	shalt  }
0x45: {  	_ =	shalt  }
0x46: {  	_ =	shalt  }
0x47: {  	_ =	shalt  }
0x48: {  	_ =	shalt  }
0x49: {  	_ =	shalt  }
0x4a: {  	_ =	shalt  }
0x4b: {  	_ =	shalt  }
0x4c: {  	_ =	shalt  }
0x4d: {  	_ =	shalt  }
0x4e: {  	_ =	shalt  }
0x4f: {  	_ =	shalt  }
0x50: {  	_ =	shalt  }
0x51: {  	_ =	shalt  }
0x52: {  	_ =	shalt  }
0x53: {  	_ =	shalt  }
0x54: {  	_ =	shalt  }
0x55: {  	_ =	shalt  }
0x56: {  	_ =	shalt  }
0x57: {  	_ =	shalt  }
0x58: {  	_ =	shalt  }
0x59: {  	_ =	shalt  }
0x5a: {  	_ =	shalt  }
0x5b: {  	_ =	shalt  }
0x5c: {  	_ =	shalt  }
0x5d: {  	_ =	shalt  }
0x5e: {  	_ =	shalt  }
0x5f: {  	_ =	shalt  }
0x60: {  	_ =	shalt  }
0x61: {  	_ =	shalt  }
0x62: {  	_ =	shalt  }
0x63: {  	_ =	shalt  }
0x64: {  	_ =	shalt  }
0x65: {  	_ =	shalt  }
0x66: {  	_ =	shalt  }
0x67: {  	_ =	shalt  }
0x68: {  	_ =	shalt  }
0x69: {  	_ =	shalt  }
0x6a: {  	_ =	shalt  }
0x6b: {  	_ =	shalt  }
0x6c: {  	_ =	shalt  }
0x6d: {  	_ =	shalt  }
0x6e: {  	_ =	shalt  }
0x6f: {  	_ =	shalt  }
0x70: {  	_ =	shalt  }
0x71: {  	_ =	shalt  }
0x72: {  	_ =	shalt  }
0x73: {  	_ =	shalt  }
0x74: {  	_ =	shalt  }
0x75: {  	_ =	shalt  }
0x76: {  	_ =	shalt  }
0x77: {  	_ =	shalt  }
0x78: {  	_ =	shalt  }
0x79: {  	_ =	shalt  }
0x7a: {  	_ =	shalt  }
0x7b: {  	_ =	shalt  }
0x7c: {  	_ =	shalt  }
0x7d: {  	_ =	shalt  }
0x7e: {  	_ =	shalt  }
0x7f: {  	_ =	shalt  }
0x80: {  	_ =	shalt  }
0x81: {  	_ =	shalt  }
0x82: {  	_ =	shalt  }
0x83: {  	_ =	shalt  }
0x84: {  	_ =	shalt  }
0x85: {  	_ =	shalt  }
0x86: {  	_ =	shalt  }
0x87: {  	_ =	shalt  }
.Lfunc_end0:
.L_simem_size_0:
called_computation.1_lowered:
.L_overlay_start_0:
0x88: {  	s2 =	sld [smem:$0x3FD9]  }
0x89: {  	s3 =	sld [smem:$0x3FFE];
	_ =	sdelay $0x1  }
0x8a: {  	s1 =	srdreg.scid  }
0x8b: {  	s0 =	sand.u32 $0x1, s1  }
0x8c: {  	s16 =	sshll.u32 s0, $0xA;
	s2 =	sadd.s32 s3, s2  }
0x8d: {  	s2 =	sadd.s32 s2, s16  }
0x8e: {  	[smem:$0x3FAB] =	sst s2  }
0x8f: {  	_ = 	snop  }
0x90: {  	(tm) =	ssettm $0x1  }
0x91: {  	s17 =	sld [smem:$0x3FFB];
	_ =	sdelay $0x3  }
0x92: {  	_ =	strace s17  }
0x93: {  	s2 =	sld [smem:$0x3FFC];
	_ =	sdelay $0x3  }
0x94: {  	_ =	strace s2  }
0x95: {  	s2 =	sld [smem:$0x3FFD];
	_ =	sdelay $0x3  }
0x96: {  	_ =	strace s2  }
0x97: {  	_ =	strace $0x8FFFFFFF  }
0x98: {  	s18 =	sld [smem:$0x3FDB];
	_ =	sdelay $0x1  }
0x99: {  	s19 =	simm.s32 $_scs_section_size  }
0x9a: {  	s4 =	simm.s32 $_size__tile_overlayer_lowered;
	s5 =	simm.s32 $_tile_overlayer_lowered  }
0x9b: {  	s22 =	simm.s32 $0x1BFF;
	s21 =	sshll.u32 s5, $0x1;
	s2 =	sadd.s32 s19, s18  }
0x9c: {  	s6 =	simm.s32 $0x0;
	s20 =	sshll.u32 s4, $0x1;
	s4 =	sadd.s32 s21, s2  }
0x9d: {  	[timem:s6], [sflag:s22] =	dma.local [hbm:s4], s20  }
0x9e: {  	_ =	swait.ge [sflag:s22], s20  }
0x9f: {  	s3 =	ssub.s32 $0x0, s20;
	[sflag:s22] =	ssyncset.done $0x0  }
0xa0: {  	[sflag:s22] =	ssyncadd.s32 s3;
	_ =	sdelay $0x1  }
0xa1: {  	s23 =	simm.s32 $0x1B8B  }
0xa2: {  	_ =	swait.ge [sflag:s23], $0x1  }
0xa3: {  	[sflag:s23] =	ssyncset.done $0x0  }
0xa4: {  	s25 =	simm.s32 $0x1B8E;
	s24 =	sld [smem:$0x3FFE];
	[sflag:s23] =	ssyncadd.s32 $0xFFFFFFFF  }
0xa5: {  	s26 =	simm.s32 $execute0_lowered;
	[smem:$0x3FD2] =	sst s25  }
0xa6: {  	s4 =	sshll.u32 s26, $0x1;
	_ =	strace $0x80000046;
	[dreg:$0x1] =	wrdreg $0xFFFFFFFF  }
0xa7: {  	s28 =	simm.s32 $_size_execute0_lowered;
	s2 =	sadd.s32 s2, s4;
	[dreg:$0x0] =	wrdreg $0x0  }
0xa8: {  	s4 =	sshll.u32 s28, $0x1;
	[dreg:$0x2] =	wrdreg s2  }
0xa9: {  	[dreg:$0x3] =	wrdreg s4  }
0xaa: {  	[dreg:$0x4] =	wrdreg $0xC0  }
0xab: {  	_ =	task [dreg:s6], $0x5FFFF  }
0xac: {  	[dreg:$0x1] =	wrdreg $0xFFFFFFFF  }
0xad: {  	[dreg:$0x0] =	wrdreg $0x60  }
0xae: {  	[dreg:$0x2] =	wrdreg s24  }
0xaf: {  	[dreg:$0x3] =	wrdreg $0x9  }
0xb0: {  	_ =	task.clear_ibuf [dreg:s6], $0x4FFFF;
	_ =	strace $0x90000046  }
0xb1: {  	s29 =	simm.s32 $0x9;
	_ =	strace $0x80000048  }
0xb2: {  	_ =	swait.ge [sflag:s29], $0x1  }
0xb3: {  	[sflag:s29] =	ssyncadd.s32 $0xFFFFFFFF  }
0xb4: {  	_ =	strace $0x90000048  }
0xb5: {  	_ =	sfence  }
0xb6: {  	s30 =	sld [smem:$0x0];
	_ =	sdelay $0x2  }
0xb7: {  	s31 =	sshll.u32 s1, $0xD;
	s1 =	sshrl.u32 s1, $0x2  }
0xb8: {  	s3 =	sand.u32 $0x4000, s31;
	s1 =	sadd.s32 s1, s30  }
0xb9: {  	s0 =	sor.u32 s3, s0;
	s1 =	sshll.u32 s1, $0x11  }
0xba: {  	s0 =	sor.u32 s1, s0  }
0xbb: {  	s0 =	sadd.s32 $0x8F2B, s0  }
0xbc: {  	[sflag:s0] =	ssyncadd.remote.s32 $0x1  }
0xbd: {  	_ =	sfence.sel $0xFFFF  }
0xbe: {  	[dreg:$0x0] =	wrdreg $0xFFFFFFFF;
	(pc) =	sbr.abs _section_cstart, $3  }
0xbf: {  	[dreg:$0x1] =	wrdreg $0xFFFFFFFF  }
0xc0: {  	_ =	task.clear_ibuf [dreg:s6], $0x2FFFF;
	_ =	strace $0x9FFFFFFF  }
0xc1: {  	(tm) =	ssettm $0x7FFFFFFF  }
tec
execute0_lowered:
.L_overlay_start_1:
0x0: {  	(tag) =	ssettag $0x1  }
0x1: {  	s0 =	rddreg [dreg:$0x0]  }
0x2: {  	s2 =	simm.s32 $0x0;
	s1 =	srdreg.scid;
	s6 =	stileid.u32  }
0x3: {  	s28 =	simm.s32 $0x9680;
	s29 =	simm.s32 $0xA680;
	s30 =	simm.s32 $0xC680  }
0x4: {  	s31 =	simm.s32 $0xC700;
	[smem:$0x7FF] =	sst s2;
	s5 =	sadd.s32 $0x1AC00, s0  }
0x5: {  	s19 =	sadd.s32 $0x1A600, s0;
	_ =	strace $0x80000047;
	[dreg:$0x2] =	wrdreg s5  }
0x6: {  	s1 =	sand.u32 $0x1, s1;
	s7 =	sadd.s32 $0x1A000, s0;
	[dreg:$0x3] =	wrdreg s19  }
0x7: {  	s4 =	smul.u32 $0x2710, s6;
	s21 =	sadd.s32 $0x1B600, s0;
	[dreg:$0x4] =	wrdreg s7  }
0x8: {  	s6 =	smul.u32 $0x1400, s6;
	s22 =	sadd.s32 $0x1B400, s0;
	[dreg:$0x5] =	wrdreg s21  }
0x9: {  	s23 =	sadd.s32 $0x1B200, s0;
	s3 =	smul.u32 $0x27100, s1;
	[dreg:$0x6] =	wrdreg s22  }
0xa: {  	s24 =	sadd.s32 $0x25800, s0;
	s20 =	smul.u32 $0x14000, s1;
	[dreg:$0x7] =	wrdreg s23  }
0xb: {  	[dreg:$0x8] =	wrdreg s24;
	s1 =	ssub.s32 $0x2, s1;
	s22 =	simm.s32 $0x1  }
0xc: {  	s23 =	simm.s32 $0x2780;
	s24 =	simm.s32 $0x4F00;
	s5 =	simm.s32 $0xC980  }
0xd: {  	s26 =	sshrl.u32 s1, $0x1;
	s3 =	sadd.s32 s4, s3;
	s25 =	sadd.s32 s6, s20  }
0xe: {  	s1 =	ssub.s32 s1, s26;
	s26 =	simm.s32 $0x8680;
	s6 =	simm.s32 $0x0  }
0xf: {  	s3 =	sshrl.u32 s3, $0x3;
	s4 =	sshrl.u32 s25, $0x3;
	s10 =	smax.u32 s1, $0x1  }
0x10: {  	s25 =	simm.s32 $0x7680;
	s1 =	simm.s32 $0xC800;
	s3 =	sadd.s32 s3, s0  }
0x11: {  	s0 =	sadd.s32 s4, s0;
	s4 =	simm.s32 $0xC900;
	s11 =	sadd.s32 $0x43800, s3  }
0x12: {  	s12 =	sadd.s32 $0x39A00, s3;
	s13 =	sadd.s32 $0x2FC00, s3;
	s14 =	sadd.s32 $0x57400, s3  }
0x13: {  	s15 =	sadd.s32 $0x4D600, s3;
	s16 =	sadd.s32 $0x6400, s3;
	s17 =	sadd.s32 $0x10200, s3  }
0x14: {  	s18 =	sadd.s32 $0x2AC00, s0;
	s19 =	sadd.s32 $0x25C00, s0;
	s20 =	sadd.s32 $0x20800, s0  }
0x15: {  	s21 =	sadd.s32 $0x1B800, s0;
	s0 =	simm.s32 $0xC780;
	s3 =	simm.s32 $0xC880  }
.LBB2_1:
0x16: {  	s7 =	rddreg [dreg:$0x2]  }
0x17: {  	[tilespmem:s2], [sflag:$0x1] =	stream.linear.gather [hbm4b:s7+s2], $0x2780, $0x38;
	[tilespmem:$0xCA00] =	vst v63  }
0x18: {  	_ =	swait.ge [sflag:s22], $0x2780  }
0x19: {  	[sflag:s22] =	ssyncset.done $0x0  }
0x1a: {  	s8 =	rddreg [dreg:$0x3];
	[sflag:s22] =	ssyncadd.s32 $0xFFFFD880  }
0x1b: {  	[tilespmem:s23], [sflag:$0x1] =	stream.linear.gather [hbm4b:s8+s2], $0x2780, $0x38;
	[tilespmem:$0xCA00] =	vst v63  }
0x1c: {  	_ =	swait.ge [sflag:s22], $0x2780  }
0x1d: {  	[sflag:s22] =	ssyncset.done $0x0  }
0x1e: {  	s9 =	rddreg [dreg:$0x4];
	[sflag:s22] =	ssyncadd.s32 $0xFFFFD880  }
0x1f: {  	[tilespmem:s24], [sflag:$0x1] =	stream.linear.gather [hbm4b:s9+s2], $0x2780, $0x38;
	[tilespmem:$0xCA00] =	vst v63  }
0x20: {  	_ =	swait.ge [sflag:s22], $0x2780  }
0x21: {  	[sflag:s22] =	ssyncset.done $0x0  }
0x22: {  	s8 =	rddreg [dreg:$0x5];
	[sflag:s22] =	ssyncadd.s32 $0xFFFFD880  }
0x23: {  	[tilespmem:s25], [sflag:$0x1] =	stream.linear.gather [hbm4b:s8+s2], $0x1000, $0x38;
	[tilespmem:$0xCA00] =	vst v63  }
0x24: {  	_ =	swait.ge [sflag:s22], $0x1000  }
0x25: {  	[sflag:s22] =	ssyncset.done $0x0  }
0x26: {  	s9 =	rddreg [dreg:$0x6];
	[sflag:s22] =	ssyncadd.s32 $0xFFFFF000  }
0x27: {  	[tilespmem:s26], [sflag:$0x1] =	stream.linear.gather [hbm4b:s9+s2], $0x1000, $0x38;
	[tilespmem:$0xCA00] =	vst v63  }
0x28: {  	_ =	swait.ge [sflag:s22], $0x1000  }
0x29: {  	[sflag:s22] =	ssyncset.done $0x0  }
0x2a: {  	s8 =	rddreg [dreg:$0x7];
	[sflag:s22] =	ssyncadd.s32 $0xFFFFF000  }
0x2b: {  	[tilespmem:s28], [sflag:$0x1] =	stream.linear.gather [hbm4b:s8+s2], $0x1000, $0x38;
	[tilespmem:$0xCA00] =	vst v63  }
0x2c: {  	_ =	swait.ge [sflag:s22], $0x1000  }
0x2d: {  	[sflag:s22] =	ssyncset.done $0x0  }
0x2e: {  	s9 =	rddreg [dreg:$0x8];
	[sflag:s22] =	ssyncadd.s32 $0xFFFFF000  }
0x2f: {  	[tilespmem:s29], [sflag:$0x1] =	stream.linear.gather [hbm4b:s9+s2], $0x2000, $0x38;
	[tilespmem:$0xCA00] =	vst v63  }
0x30: {  	_ =	swait.ge [sflag:s22], $0x2000  }
0x31: {  	[sflag:s22] =	ssyncset.done $0x0  }
0x32: {  	s8 =	simm.s32 $0x0;
	[sflag:s22] =	ssyncadd.s32 $0xFFFFE000  }
.LBB2_2:
0x33: {  	s9 =	sadd.s32 s8, s17;
	s7 =	simm.s32 $0x0  }
0x34: {  	[tilespmem:s30], [sflag:$0x1] =	stream.linear.gather [hbm4b:s9+s7], $0x50, $0x38;
	[tilespmem:$0xCA00] =	vst v63  }
0x35: {  	_ =	swait.ge [sflag:s22], $0x50  }
0x36: {  	[sflag:s22] =	ssyncset.done $0x0  }
0x37: {  	s9 =	sadd.s32 s8, s16;
	[sflag:s22] =	ssyncadd.s32 $0xFFFFFFB0  }
0x38: {  	[tilespmem:s31], [sflag:$0x1] =	stream.linear.gather [hbm4b:s9+s7], $0x50, $0x38;
	[tilespmem:$0xCA00] =	vst v63  }
0x39: {  	_ =	swait.ge [sflag:s22], $0x50  }
0x3a: {  	[sflag:s22] =	ssyncset.done $0x0  }
0x3b: {  	[sflag:s22] =	ssyncadd.s32 $0xFFFFFFB0  }
0x3c: {  	v0 =	vld [tilespmem:$0xC680]  }
0x3d: {  	v1 =	vld [tilespmem:$0xC700];
	_ =	sdelay $0x6  }
0x3e: {  	v2 =	vld.idx.msk [tilespmem:v0+s7+$0x0], $0xffff  }
0x3f: {  	v3 =	vld.idx.msk [tilespmem:v1+s7+$0x0], $0xffff  }
0x40: {  	v4 =	vld.idx.msk [tilespmem:v0+s23+$0x0], $0xffff  }
0x41: {  	v5 =	vld.idx.msk [tilespmem:v1+s23+$0x0], $0xffff  }
0x42: {  	v0 =	vld.idx.msk [tilespmem:v0+s24+$0x0], $0xffff  }
0x43: {  	v1 =	vld.idx.msk [tilespmem:v1+s24+$0x0], $0xffff;
	_ =	sdelay $0x2  }
0x44: {  	v2 =	vsub.f32 v2, v3;
	v41 =	vsub.f32 v4, v5;
	_ =	sdelay $0x1  }
0x45: {  	v0 =	vsub.f32 v0, v1;
	v42 =	vmul.f32 v2, v2;
	v4 =	vmul.f32 v41, v41;
	_ =	sdelay $0x1  }
0x46: {  	v43 =	vmul.f32 v0, v0;
	v1 =	vadd.f32 v4, v42;
	_ =	sdelay $0x1  }
0x47: {  	v1 =	vadd.f32 v43, v1;
	_ =	sdelay $0x1  }
0x48: {  	v1 =	vadd.f32 $9.999999970e-07, v1;
	_ =	sdelay $0x1  }
0x49: {  	v44 =	vshrl.u32 v1, $0x1;
	v45 =	vmul.f32 $5.000000000e-01, v1  }
0x4a: {  	v4 =	vsub.s32 $0x5F3759DF, v44  }
0x4b: {  	v6 =	vmul.f32 v4, v45;
	_ =	sdelay $0x1  }
0x4c: {  	v6 =	vmul.f32 v4, v6;
	_ =	sdelay $0x1  }
0x4d: {  	v6 =	vsub.f32 $1.500000000e+00, v6;
	_ =	sdelay $0x1  }
0x4e: {  	v4 =	vmul.f32 v4, v6;
	_ =	sdelay $0x1  }
0x4f: {  	v6 =	vmul.f32 v4, v45;
	_ =	sdelay $0x1  }
0x50: {  	v6 =	vmul.f32 v6, v4;
	_ =	sdelay $0x1  }
0x51: {  	v6 =	vsub.f32 $1.500000000e+00, v6;
	_ =	sdelay $0x1  }
0x52: {  	v4 =	vmul.f32 v6, v4;
	_ =	sdelay $0x1  }
0x53: {  	v5 =	vmul.f32 v4, v45;
	_ =	sdelay $0x1  }
0x54: {  	v5 =	vmul.f32 v5, v4;
	_ =	sdelay $0x1  }
0x55: {  	v5 =	vsub.f32 $1.500000000e+00, v5;
	_ =	sdelay $0x1  }
0x56: {  	v4 =	vmul.f32 v5, v4;
	_ =	sdelay $0x1  }
0x57: {  	v1 =	vmul.f32 v4, v1;
	_ =	sdelay $0x1  }
0x58: {  	v46 =	vmul.f32 $4.096000000e+03, v1  }
0x59: {  	v1 =	vmul.f32 $1.024000000e+03, v1  }
0x5a: {  	v5 =	vmin.f32 v46, $3.276699800e+04  }
0x5b: {  	v1 =	vmin.f32 v1, $8.190999020e+03;
	v47 =	vtrunc.f32 v5  }
0x5c: {  	v7 =	vtrunc.f32 v1;
	v6 =	vcvt.f32.s32 v47  }
0x5d: {  	v7 =	vcvt.f32.s32 v7  }
0x5e: {  	v8 =	vcvt.s32.f32 v6  }
0x5f: {  	v9 =	vadd.s32 $0x1, v7  }
0x60: {  	v5 =	vsub.f32 v5, v8  }
0x61: {  	[tilespmem:$0xC780] =	vst v6  }
0x62: {  	[tilespmem:$0xC800] =	vst v5  }
0x63: {  	v5 =	vld.idx.msk [tilespmem:v7+s29+$0x0], $0xffff  }
0x64: {  	v6 =	vld.idx.msk [tilespmem:v9+s29+$0x0], $0xffff;
	_ =	sdelay $0x2  }
0x65: {  	v7 =	vcvt.s32.f32 v7;
	_ =	sdelay $0x1  }
0x66: {  	v1 =	vsub.f32 v1, v7;
	v6 =	vsub.f32 v6, v5;
	_ =	sdelay $0x1  }
0x67: {  	v1 =	vmul.f32 v1, v6;
	_ =	sdelay $0x1  }
0x68: {  	v1 =	vadd.f32 v1, v5  }
0x69: {  	v48 =	vld [tilespmem:$0xC690]  }
0x6a: {  	v49 =	vld [tilespmem:$0xC710];
	v1 =	vmul.f32 v1, v4;
	_ =	sdelay $0x1  }
0x6b: {  	v2 =	vmul.f32 v1, v2  }
0x6c: {  	v3 =	vmul.f32 v1, v41  }
0x6d: {  	v0 =	vmul.f32 v1, v0;
	[tilespmem:$0xC880] =	vst v2  }
0x6e: {  	[tilespmem:$0xC900] =	vst v3  }
0x6f: {  	[tilespmem:$0xC980] =	vst v0  }
0x70: {  	v0 =	vld.idx.msk [tilespmem:v48+s7+$0x0], $0xffff  }
0x71: {  	v50 =	vld.idx.msk [tilespmem:v49+s7+$0x0], $0xffff  }
0x72: {  	v2 =	vld.idx.msk [tilespmem:v48+s23+$0x0], $0xffff  }
0x73: {  	v3 =	vld.idx.msk [tilespmem:v49+s23+$0x0], $0xffff  }
0x74: {  	v5 =	vld.idx.msk [tilespmem:v48+s24+$0x0], $0xffff  }
0x75: {  	v4 =	vld.idx.msk [tilespmem:v49+s24+$0x0], $0xffff;
	_ =	sdelay $0x2  }
0x76: {  	v0 =	vsub.f32 v0, v50;
	v51 =	vsub.f32 v2, v3;
	_ =	sdelay $0x1  }
0x77: {  	v52 =	vsub.f32 v5, v4;
	v53 =	vmul.f32 v0, v0;
	v54 =	vmul.f32 v51, v51;
	_ =	sdelay $0x1  }
0x78: {  	v55 =	vmul.f32 v52, v52;
	v3 =	vadd.f32 v54, v53;
	_ =	sdelay $0x1  }
0x79: {  	v3 =	vadd.f32 v55, v3;
	_ =	sdelay $0x1  }
0x7a: {  	v3 =	vadd.f32 $9.999999970e-07, v3;
	_ =	sdelay $0x1  }
0x7b: {  	v56 =	vshrl.u32 v3, $0x1;
	v57 =	vmul.f32 $5.000000000e-01, v3  }
0x7c: {  	v4 =	vsub.s32 $0x5F3759DF, v56  }
0x7d: {  	v58 =	vmul.f32 v4, v57;
	_ =	sdelay $0x1  }
0x7e: {  	v6 =	vmul.f32 v4, v58;
	_ =	sdelay $0x1  }
0x7f: {  	v6 =	vsub.f32 $1.500000000e+00, v6;
	_ =	sdelay $0x1  }
0x80: {  	v4 =	vmul.f32 v4, v6;
	_ =	sdelay $0x1  }
0x81: {  	v6 =	vmul.f32 v4, v57;
	_ =	sdelay $0x1  }
0x82: {  	v6 =	vmul.f32 v6, v4;
	_ =	sdelay $0x1  }
0x83: {  	v6 =	vsub.f32 $1.500000000e+00, v6;
	_ =	sdelay $0x1  }
0x84: {  	v4 =	vmul.f32 v6, v4;
	_ =	sdelay $0x1  }
0x85: {  	v5 =	vmul.f32 v4, v57;
	_ =	sdelay $0x1  }
0x86: {  	v5 =	vmul.f32 v5, v4;
	_ =	sdelay $0x1  }
0x87: {  	v5 =	vsub.f32 $1.500000000e+00, v5;
	_ =	sdelay $0x1  }
0x88: {  	v4 =	vmul.f32 v5, v4;
	_ =	sdelay $0x1  }
0x89: {  	v3 =	vmul.f32 v4, v3;
	_ =	sdelay $0x1  }
0x8a: {  	v59 =	vmul.f32 $4.096000000e+03, v3  }
0x8b: {  	v3 =	vmul.f32 $1.024000000e+03, v3  }
0x8c: {  	v5 =	vmin.f32 v59, $3.276699800e+04  }
0x8d: {  	v3 =	vmin.f32 v3, $8.190999020e+03;
	v60 =	vtrunc.f32 v5  }
0x8e: {  	v61 =	vtrunc.f32 v3;
	v6 =	vcvt.f32.s32 v60  }
0x8f: {  	v7 =	vcvt.f32.s32 v61  }
0x90: {  	v62 =	vcvt.s32.f32 v6  }
0x91: {  	v63 =	vadd.s32 $0x1, v7  }
0x92: {  	v5 =	vsub.f32 v5, v62  }
0x93: {  	[tilespmem:$0xC790] =	vst v6  }
0x94: {  	[tilespmem:$0xC810] =	vst v5  }
0x95: {  	v5 =	vld.idx.msk [tilespmem:v7+s29+$0x0], $0xffff  }
0x96: {  	v6 =	vld.idx.msk [tilespmem:v63+s29+$0x0], $0xffff;
	_ =	sdelay $0x2  }
0x97: {  	v7 =	vcvt.s32.f32 v7;
	_ =	sdelay $0x1  }
0x98: {  	v3 =	vsub.f32 v3, v7;
	v6 =	vsub.f32 v6, v5;
	_ =	sdelay $0x1  }
0x99: {  	v3 =	vmul.f32 v3, v6;
	_ =	sdelay $0x1  }
0x9a: {  	v3 =	vadd.f32 v3, v5  }
0x9b: {  	v9 =	vld [tilespmem:$0xC6A0]  }
0x9c: {  	v10 =	vld [tilespmem:$0xC720];
	v3 =	vmul.f32 v3, v4;
	_ =	sdelay $0x1  }
0x9d: {  	v0 =	vmul.f32 v3, v0  }
0x9e: {  	v1 =	vmul.f32 v3, v51  }
0x9f: {  	v11 =	vmul.f32 v3, v52;
	[tilespmem:$0xC890] =	vst v0  }
0xa0: {  	[tilespmem:$0xC910] =	vst v1  }
0xa1: {  	[tilespmem:$0xC990] =	vst v11  }
0xa2: {  	v0 =	vld.idx.msk [tilespmem:v9+s7+$0x0], $0xffff  }
0xa3: {  	v1 =	vld.idx.msk [tilespmem:v10+s7+$0x0], $0xffff  }
0xa4: {  	v12 =	vld.idx.msk [tilespmem:v9+s23+$0x0], $0xffff  }
0xa5: {  	v13 =	vld.idx.msk [tilespmem:v10+s23+$0x0], $0xffff  }
0xa6: {  	v5 =	vld.idx.msk [tilespmem:v9+s24+$0x0], $0xffff  }
0xa7: {  	v4 =	vld.idx.msk [tilespmem:v10+s24+$0x0], $0xffff;
	_ =	sdelay $0x2  }
0xa8: {  	v0 =	vsub.f32 v0, v1;
	v14 =	vsub.f32 v12, v13;
	_ =	sdelay $0x1  }
0xa9: {  	v15 =	vsub.f32 v5, v4;
	v16 =	vmul.f32 v0, v0;
	v17 =	vmul.f32 v14, v14;
	_ =	sdelay $0x1  }
0xaa: {  	v18 =	vmul.f32 v15, v15;
	v3 =	vadd.f32 v17, v16;
	_ =	sdelay $0x1  }
0xab: {  	v3 =	vadd.f32 v18, v3;
	_ =	sdelay $0x1  }
0xac: {  	v3 =	vadd.f32 $9.999999970e-07, v3;
	_ =	sdelay $0x1  }
0xad: {  	v19 =	vshrl.u32 v3, $0x1;
	v20 =	vmul.f32 $5.000000000e-01, v3  }
0xae: {  	v4 =	vsub.s32 $0x5F3759DF, v19  }
0xaf: {  	v21 =	vmul.f32 v4, v20;
	_ =	sdelay $0x1  }
0xb0: {  	v6 =	vmul.f32 v4, v21;
	_ =	sdelay $0x1  }
0xb1: {  	v6 =	vsub.f32 $1.500000000e+00, v6;
	_ =	sdelay $0x1  }
0xb2: {  	v4 =	vmul.f32 v4, v6;
	_ =	sdelay $0x1  }
0xb3: {  	v6 =	vmul.f32 v4, v20;
	_ =	sdelay $0x1  }
0xb4: {  	v6 =	vmul.f32 v6, v4;
	_ =	sdelay $0x1  }
0xb5: {  	v6 =	vsub.f32 $1.500000000e+00, v6;
	_ =	sdelay $0x1  }
0xb6: {  	v4 =	vmul.f32 v6, v4;
	_ =	sdelay $0x1  }
0xb7: {  	v5 =	vmul.f32 v4, v20;
	_ =	sdelay $0x1  }
0xb8: {  	v5 =	vmul.f32 v5, v4;
	_ =	sdelay $0x1  }
0xb9: {  	v5 =	vsub.f32 $1.500000000e+00, v5;
	_ =	sdelay $0x1  }
0xba: {  	v4 =	vmul.f32 v5, v4;
	_ =	sdelay $0x1  }
0xbb: {  	v3 =	vmul.f32 v4, v3;
	_ =	sdelay $0x1  }
0xbc: {  	v22 =	vmul.f32 $4.096000000e+03, v3  }
0xbd: {  	v3 =	vmul.f32 $1.024000000e+03, v3  }
0xbe: {  	v5 =	vmin.f32 v22, $3.276699800e+04  }
0xbf: {  	v3 =	vmin.f32 v3, $8.190999020e+03;
	v23 =	vtrunc.f32 v5  }
0xc0: {  	v24 =	vtrunc.f32 v3;
	v6 =	vcvt.f32.s32 v23  }
0xc1: {  	v7 =	vcvt.f32.s32 v24  }
0xc2: {  	v25 =	vcvt.s32.f32 v6  }
0xc3: {  	v26 =	vadd.s32 $0x1, v7  }
0xc4: {  	v5 =	vsub.f32 v5, v25  }
0xc5: {  	[tilespmem:$0xC7A0] =	vst v6  }
0xc6: {  	[tilespmem:$0xC820] =	vst v5  }
0xc7: {  	v5 =	vld.idx.msk [tilespmem:v7+s29+$0x0], $0xffff  }
0xc8: {  	v6 =	vld.idx.msk [tilespmem:v26+s29+$0x0], $0xffff;
	_ =	sdelay $0x2  }
0xc9: {  	v7 =	vcvt.s32.f32 v7;
	_ =	sdelay $0x1  }
0xca: {  	v3 =	vsub.f32 v3, v7;
	v6 =	vsub.f32 v6, v5;
	_ =	sdelay $0x1  }
0xcb: {  	v3 =	vmul.f32 v3, v6;
	_ =	sdelay $0x1  }
0xcc: {  	v3 =	vadd.f32 v3, v5  }
0xcd: {  	v27 =	vld [tilespmem:$0xC6B0]  }
0xce: {  	v28 =	vld [tilespmem:$0xC730];
	v3 =	vmul.f32 v3, v4;
	_ =	sdelay $0x1  }
0xcf: {  	v0 =	vmul.f32 v3, v0  }
0xd0: {  	v1 =	vmul.f32 v3, v14  }
0xd1: {  	v29 =	vmul.f32 v3, v15;
	[tilespmem:$0xC8A0] =	vst v0  }
0xd2: {  	[tilespmem:$0xC920] =	vst v1  }
0xd3: {  	[tilespmem:$0xC9A0] =	vst v29  }
0xd4: {  	v0 =	vld.idx.msk [tilespmem:v27+s7+$0x0], $0xffff  }
0xd5: {  	v1 =	vld.idx.msk [tilespmem:v28+s7+$0x0], $0xffff  }
0xd6: {  	v30 =	vld.idx.msk [tilespmem:v27+s23+$0x0], $0xffff  }
0xd7: {  	v31 =	vld.idx.msk [tilespmem:v28+s23+$0x0], $0xffff  }
0xd8: {  	v5 =	vld.idx.msk [tilespmem:v27+s24+$0x0], $0xffff  }
0xd9: {  	v4 =	vld.idx.msk [tilespmem:v28+s24+$0x0], $0xffff;
	_ =	sdelay $0x2  }
0xda: {  	v0 =	vsub.f32 v0, v1;
	v32 =	vsub.f32 v30, v31;
	_ =	sdelay $0x1  }
0xdb: {  	v33 =	vsub.f32 v5, v4;
	v34 =	vmul.f32 v0, v0;
	v35 =	vmul.f32 v32, v32;
	_ =	sdelay $0x1  }
0xdc: {  	v36 =	vmul.f32 v33, v33;
	v3 =	vadd.f32 v35, v34;
	_ =	sdelay $0x1  }
0xdd: {  	v3 =	vadd.f32 v36, v3;
	_ =	sdelay $0x1  }
0xde: {  	v3 =	vadd.f32 $9.999999970e-07, v3;
	_ =	sdelay $0x1  }
0xdf: {  	v37 =	vshrl.u32 v3, $0x1;
	v38 =	vmul.f32 $5.000000000e-01, v3  }
0xe0: {  	v4 =	vsub.s32 $0x5F3759DF, v37  }
0xe1: {  	v39 =	vmul.f32 v4, v38;
	_ =	sdelay $0x1  }
0xe2: {  	v6 =	vmul.f32 v4, v39;
	_ =	sdelay $0x1  }
0xe3: {  	v6 =	vsub.f32 $1.500000000e+00, v6;
	_ =	sdelay $0x1  }
0xe4: {  	v4 =	vmul.f32 v4, v6;
	_ =	sdelay $0x1  }
0xe5: {  	v6 =	vmul.f32 v4, v38;
	_ =	sdelay $0x1  }
0xe6: {  	v6 =	vmul.f32 v6, v4;
	_ =	sdelay $0x1  }
0xe7: {  	v6 =	vsub.f32 $1.500000000e+00, v6;
	_ =	sdelay $0x1  }
0xe8: {  	v4 =	vmul.f32 v6, v4;
	_ =	sdelay $0x1  }
0xe9: {  	v5 =	vmul.f32 v4, v38;
	_ =	sdelay $0x1  }
0xea: {  	v5 =	vmul.f32 v5, v4;
	_ =	sdelay $0x1  }
0xeb: {  	v5 =	vsub.f32 $1.500000000e+00, v5;
	_ =	sdelay $0x1  }
0xec: {  	v4 =	vmul.f32 v5, v4;
	_ =	sdelay $0x1  }
0xed: {  	v3 =	vmul.f32 v4, v3;
	_ =	sdelay $0x1  }
0xee: {  	v40 =	vmul.f32 $4.096000000e+03, v3  }
0xef: {  	v3 =	vmul.f32 $1.024000000e+03, v3  }
0xf0: {  	v5 =	vmin.f32 v40, $3.276699800e+04  }
0xf1: {  	v3 =	vmin.f32 v3, $8.190999020e+03;
	v41 =	vtrunc.f32 v5  }
0xf2: {  	v42 =	vtrunc.f32 v3;
	v6 =	vcvt.f32.s32 v41  }
0xf3: {  	v7 =	vcvt.f32.s32 v42  }
0xf4: {  	v43 =	vcvt.s32.f32 v6  }
0xf5: {  	v44 =	vadd.s32 $0x1, v7  }
0xf6: {  	v5 =	vsub.f32 v5, v43  }
0xf7: {  	[tilespmem:$0xC7B0] =	vst v6  }
0xf8: {  	[tilespmem:$0xC830] =	vst v5  }
0xf9: {  	v5 =	vld.idx.msk [tilespmem:v7+s29+$0x0], $0xffff  }
0xfa: {  	v6 =	vld.idx.msk [tilespmem:v44+s29+$0x0], $0xffff;
	_ =	sdelay $0x2  }
0xfb: {  	v7 =	vcvt.s32.f32 v7;
	_ =	sdelay $0x1  }
0xfc: {  	v3 =	vsub.f32 v3, v7;
	v6 =	vsub.f32 v6, v5;
	_ =	sdelay $0x1  }
0xfd: {  	v3 =	vmul.f32 v3, v6;
	_ =	sdelay $0x1  }
0xfe: {  	v3 =	vadd.f32 v3, v5  }
0xff: {  	v45 =	vld [tilespmem:$0xC6C0]  }
0x100: {  	v46 =	vld [tilespmem:$0xC740];
	v3 =	vmul.f32 v3, v4;
	_ =	sdelay $0x1  }
0x101: {  	v0 =	vmul.f32 v3, v0  }
0x102: {  	v1 =	vmul.f32 v3, v32  }
0x103: {  	v47 =	vmul.f32 v3, v33;
	[tilespmem:$0xC8B0] =	vst v0  }
0x104: {  	[tilespmem:$0xC930] =	vst v1  }
0x105: {  	[tilespmem:$0xC9B0] =	vst v47  }
0x106: {  	v0 =	vld.idx.msk [tilespmem:v45+s7+$0x0], $0xffff  }
0x107: {  	v1 =	vld.idx.msk [tilespmem:v46+s7+$0x0], $0xffff  }
0x108: {  	v48 =	vld.idx.msk [tilespmem:v45+s23+$0x0], $0xffff  }
0x109: {  	v49 =	vld.idx.msk [tilespmem:v46+s23+$0x0], $0xffff  }
0x10a: {  	v5 =	vld.idx.msk [tilespmem:v45+s24+$0x0], $0xffff  }
0x10b: {  	v4 =	vld.idx.msk [tilespmem:v46+s24+$0x0], $0xffff;
	_ =	sdelay $0x2  }
0x10c: {  	v0 =	vsub.f32 v0, v1;
	v50 =	vsub.f32 v48, v49;
	_ =	sdelay $0x1  }
0x10d: {  	v51 =	vsub.f32 v5, v4;
	v52 =	vmul.f32 v0, v0;
	v53 =	vmul.f32 v50, v50;
	_ =	sdelay $0x1  }
0x10e: {  	v54 =	vmul.f32 v51, v51;
	v3 =	vadd.f32 v53, v52;
	_ =	sdelay $0x1  }
0x10f: {  	v3 =	vadd.f32 v54, v3;
	_ =	sdelay $0x1  }
0x110: {  	v3 =	vadd.f32 $9.999999970e-07, v3;
	_ =	sdelay $0x1  }
0x111: {  	v55 =	vshrl.u32 v3, $0x1;
	v56 =	vmul.f32 $5.000000000e-01, v3  }
0x112: {  	v4 =	vsub.s32 $0x5F3759DF, v55  }
0x113: {  	v57 =	vmul.f32 v4, v56;
	_ =	sdelay $0x1  }
0x114: {  	v6 =	vmul.f32 v4, v57;
	_ =	sdelay $0x1  }
0x115: {  	v6 =	vsub.f32 $1.500000000e+00, v6;
	_ =	sdelay $0x1  }
0x116: {  	v4 =	vmul.f32 v4, v6;
	_ =	sdelay $0x1  }
0x117: {  	v6 =	vmul.f32 v4, v56;
	_ =	sdelay $0x1  }
0x118: {  	v6 =	vmul.f32 v6, v4;
	_ =	sdelay $0x1  }
0x119: {  	v6 =	vsub.f32 $1.500000000e+00, v6;
	_ =	sdelay $0x1  }
0x11a: {  	v4 =	vmul.f32 v6, v4;
	_ =	sdelay $0x1  }
0x11b: {  	v5 =	vmul.f32 v4, v56;
	_ =	sdelay $0x1  }
0x11c: {  	v5 =	vmul.f32 v5, v4;
	_ =	sdelay $0x1  }
0x11d: {  	v5 =	vsub.f32 $1.500000000e+00, v5;
	_ =	sdelay $0x1  }
0x11e: {  	v4 =	vmul.f32 v5, v4;
	_ =	sdelay $0x1  }
0x11f: {  	v3 =	vmul.f32 v4, v3;
	_ =	sdelay $0x1  }
0x120: {  	v58 =	vmul.f32 $4.096000000e+03, v3  }
0x121: {  	v3 =	vmul.f32 $1.024000000e+03, v3  }
0x122: {  	v5 =	vmin.f32 v58, $3.276699800e+04  }
0x123: {  	v3 =	vmin.f32 v3, $8.190999020e+03;
	v59 =	vtrunc.f32 v5  }
0x124: {  	v60 =	vtrunc.f32 v3;
	v6 =	vcvt.f32.s32 v59  }
0x125: {  	v7 =	vcvt.f32.s32 v60  }
0x126: {  	v61 =	vcvt.s32.f32 v6  }
0x127: {  	v62 =	vadd.s32 $0x1, v7  }
0x128: {  	v5 =	vsub.f32 v5, v61  }
0x129: {  	[tilespmem:$0xC7C0] =	vst v6  }
0x12a: {  	[tilespmem:$0xC840] =	vst v5  }
0x12b: {  	v5 =	vld.idx.msk [tilespmem:v7+s29+$0x0], $0xffff  }
0x12c: {  	v6 =	vld.idx.msk [tilespmem:v62+s29+$0x0], $0xffff;
	_ =	sdelay $0x2  }
0x12d: {  	v7 =	vcvt.s32.f32 v7;
	_ =	sdelay $0x1  }
0x12e: {  	v3 =	vsub.f32 v3, v7;
	v6 =	vsub.f32 v6, v5;
	_ =	sdelay $0x1  }
0x12f: {  	v3 =	vmul.f32 v3, v6;
	_ =	sdelay $0x1  }
0x130: {  	v3 =	vadd.f32 v3, v5;
	_ =	sdelay $0x1  }
0x131: {  	v3 =	vmul.f32 v3, v4;
	_ =	sdelay $0x1  }
0x132: {  	v0 =	vmul.f32 v3, v0  }
0x133: {  	v1 =	vmul.f32 v3, v50  }
0x134: {  	v63 =	vmul.f32 v3, v51;
	[tilespmem:$0xC8C0] =	vst v0  }
0x135: {  	[tilespmem:$0xC940] =	vst v1  }
0x136: {  	s9 =	sadd.s32 s8, s15;
	[tilespmem:$0xC9C0] =	vst v63  }
0x137: {  	[hbm4b:s9+s7] =	stream.linear.scatter [tilespmem:s0], [sflag:$0x1], $0x50, $0x38;
	[tilespmem:$0xCA00] =	vst v63  }
0x138: {  	_ =	swait.ge [sflag:s22], $0x50  }
0x139: {  	[sflag:s22] =	ssyncset.done $0x0  }
0x13a: {  	s9 =	sadd.s32 s8, s14;
	[sflag:s22] =	ssyncadd.s32 $0xFFFFFFB0  }
0x13b: {  	[hbm4b:s9+s7] =	stream.linear.scatter [tilespmem:s1], [sflag:$0x1], $0x50, $0x38;
	[tilespmem:$0xCA00] =	vst v63  }
0x13c: {  	_ =	swait.ge [sflag:s22], $0x50  }
0x13d: {  	[sflag:s22] =	ssyncset.done $0x0  }
0x13e: {  	s9 =	sadd.s32 s8, s13;
	[sflag:s22] =	ssyncadd.s32 $0xFFFFFFB0  }
0x13f: {  	[hbm4b:s9+s7] =	stream.linear.scatter [tilespmem:s3], [sflag:$0x1], $0x50, $0x38;
	[tilespmem:$0xCA00] =	vst v63  }
0x140: {  	_ =	swait.ge [sflag:s22], $0x50  }
0x141: {  	[sflag:s22] =	ssyncset.done $0x0  }
0x142: {  	s9 =	sadd.s32 s8, s12;
	[sflag:s22] =	ssyncadd.s32 $0xFFFFFFB0  }
0x143: {  	[hbm4b:s9+s7] =	stream.linear.scatter [tilespmem:s4], [sflag:$0x1], $0x50, $0x38;
	[tilespmem:$0xCA00] =	vst v63  }
0x144: {  	_ =	swait.ge [sflag:s22], $0x50  }
0x145: {  	p0 =	sne.s32 s8, $0x4D8;
	[sflag:s22] =	ssyncset.done $0x0  }
.Ltmp0:
0x146: {  	s9 =	sadd.s32 s8, s11;
	[sflag:s22] =	ssyncadd.s32 $0xFFFFFFB0;
	(pc) =	sbr.rel @p0 .LBB2_2-.Ltmp0, $4  }
0x147: {  	[hbm4b:s9+s7] =	stream.linear.scatter [tilespmem:s5], [sflag:$0x1], $0x50, $0x38;
	[tilespmem:$0xCA00] =	vst v63  }
0x148: {  	_ =	swait.ge [sflag:s22], $0x50  }
0x149: {  	[sflag:s22] =	ssyncset.done $0x0  }
0x14a: {  	s8 =	sadd.s32 $0xA, s8;
	[sflag:s22] =	ssyncadd.s32 $0xFFFFFFB0  }
.LBB2_3:
0x14b: {  	s8 =	sadd.s32 s7, s21  }
0x14c: {  	[tilespmem:s30], [sflag:$0x1] =	stream.linear.gather [hbm4b:s8+s2], $0x50, $0x38;
	[tilespmem:$0xCA00] =	vst v63  }
0x14d: {  	_ =	swait.ge [sflag:s22], $0x50  }
0x14e: {  	[sflag:s22] =	ssyncset.done $0x0  }
0x14f: {  	s9 =	sadd.s32 s7, s20;
	[sflag:s22] =	ssyncadd.s32 $0xFFFFFFB0  }
0x150: {  	[tilespmem:s31], [sflag:$0x1] =	stream.linear.gather [hbm4b:s9+s2], $0x50, $0x38;
	[tilespmem:$0xCA00] =	vst v63  }
0x151: {  	_ =	swait.ge [sflag:s22], $0x50  }
0x152: {  	[sflag:s22] =	ssyncset.done $0x0  }
0x153: {  	[sflag:s22] =	ssyncadd.s32 $0xFFFFFFB0  }
0x154: {  	v0 =	vld [tilespmem:$0xC680]  }
0x155: {  	v1 =	vld [tilespmem:$0xC700];
	_ =	sdelay $0x6  }
0x156: {  	v2 =	vld.idx.msk [tilespmem:v0+s2+$0x0], $0xffff  }
0x157: {  	v3 =	vld.idx.msk [tilespmem:v1+s25+$0x0], $0xffff  }
0x158: {  	v4 =	vld.idx.msk [tilespmem:v0+s23+$0x0], $0xffff  }
0x159: {  	v5 =	vld.idx.msk [tilespmem:v1+s26+$0x0], $0xffff  }
0x15a: {  	v0 =	vld.idx.msk [tilespmem:v0+s24+$0x0], $0xffff  }
0x15b: {  	v1 =	vld.idx.msk [tilespmem:v1+s28+$0x0], $0xffff;
	_ =	sdelay $0x2  }
0x15c: {  	v2 =	vsub.f32 v2, v3;
	v12 =	vsub.f32 v4, v5;
	_ =	sdelay $0x1  }
0x15d: {  	v0 =	vsub.f32 v0, v1;
	v13 =	vmul.f32 v2, v2;
	v14 =	vmul.f32 v12, v12;
	_ =	sdelay $0x1  }
0x15e: {  	v0 =	vmul.f32 v0, v0;
	v1 =	vadd.f32 v14, v13;
	_ =	sdelay $0x1  }
0x15f: {  	v0 =	vadd.f32 v0, v1;
	_ =	sdelay $0x1  }
0x160: {  	v0 =	vadd.f32 $9.999999970e-07, v0;
	_ =	sdelay $0x1  }
0x161: {  	v15 =	vshrl.u32 v0, $0x1;
	v16 =	vmul.f32 $5.000000000e-01, v0  }
0x162: {  	v1 =	vsub.s32 $0x5F3759DF, v15  }
0x163: {  	v17 =	vmul.f32 v1, v16;
	_ =	sdelay $0x1  }
0x164: {  	v3 =	vmul.f32 v1, v17;
	_ =	sdelay $0x1  }
0x165: {  	v3 =	vsub.f32 $1.500000000e+00, v3;
	_ =	sdelay $0x1  }
0x166: {  	v1 =	vmul.f32 v1, v3;
	_ =	sdelay $0x1  }
0x167: {  	v3 =	vmul.f32 v1, v16;
	_ =	sdelay $0x1  }
0x168: {  	v3 =	vmul.f32 v3, v1;
	_ =	sdelay $0x1  }
0x169: {  	v3 =	vsub.f32 $1.500000000e+00, v3;
	_ =	sdelay $0x1  }
0x16a: {  	v1 =	vmul.f32 v3, v1;
	_ =	sdelay $0x1  }
0x16b: {  	v2 =	vmul.f32 v1, v16;
	_ =	sdelay $0x1  }
0x16c: {  	v2 =	vmul.f32 v2, v1;
	_ =	sdelay $0x1  }
0x16d: {  	v2 =	vsub.f32 $1.500000000e+00, v2;
	_ =	sdelay $0x1  }
0x16e: {  	v1 =	vmul.f32 v2, v1;
	_ =	sdelay $0x1  }
0x16f: {  	v0 =	vmul.f32 v1, v0;
	_ =	sdelay $0x1  }
0x170: {  	v0 =	vmul.f32 $4.096000000e+03, v0;
	_ =	sdelay $0x1  }
0x171: {  	v0 =	vmin.f32 v0, $3.276699800e+04  }
0x172: {  	v19 =	vld [tilespmem:$0xC690];
	v18 =	vtrunc.f32 v0  }
0x173: {  	v20 =	vld [tilespmem:$0xC710];
	v1 =	vcvt.f32.s32 v18;
	_ =	sdelay $0x1  }
0x174: {  	v21 =	vcvt.s32.f32 v1;
	_ =	sdelay $0x1  }
0x175: {  	v0 =	vsub.f32 v0, v21  }
0x176: {  	[tilespmem:$0xC780] =	vst v1  }
0x177: {  	[tilespmem:$0xC800] =	vst v0  }
0x178: {  	v0 =	vld.idx.msk [tilespmem:v19+s2+$0x0], $0xffff  }
0x179: {  	v1 =	vld.idx.msk [tilespmem:v20+s25+$0x0], $0xffff  }
0x17a: {  	v22 =	vld.idx.msk [tilespmem:v19+s23+$0x0], $0xffff  }
0x17b: {  	v23 =	vld.idx.msk [tilespmem:v20+s26+$0x0], $0xffff  }
0x17c: {  	v2 =	vld.idx.msk [tilespmem:v19+s24+$0x0], $0xffff  }
0x17d: {  	v3 =	vld.idx.msk [tilespmem:v20+s28+$0x0], $0xffff;
	_ =	sdelay $0x2  }
0x17e: {  	v0 =	vsub.f32 v0, v1;
	v24 =	vsub.f32 v22, v23;
	_ =	sdelay $0x1  }
0x17f: {  	v2 =	vsub.f32 v2, v3;
	v0 =	vmul.f32 v0, v0;
	v1 =	vmul.f32 v24, v24;
	_ =	sdelay $0x1  }
0x180: {  	v25 =	vmul.f32 v2, v2;
	v0 =	vadd.f32 v1, v0;
	_ =	sdelay $0x1  }
0x181: {  	v0 =	vadd.f32 v25, v0;
	_ =	sdelay $0x1  }
0x182: {  	v0 =	vadd.f32 $9.999999970e-07, v0;
	_ =	sdelay $0x1  }
0x183: {  	v26 =	vshrl.u32 v0, $0x1;
	v27 =	vmul.f32 $5.000000000e-01, v0  }
0x184: {  	v1 =	vsub.s32 $0x5F3759DF, v26  }
0x185: {  	v28 =	vmul.f32 v1, v27;
	_ =	sdelay $0x1  }
0x186: {  	v3 =	vmul.f32 v1, v28;
	_ =	sdelay $0x1  }
0x187: {  	v3 =	vsub.f32 $1.500000000e+00, v3;
	_ =	sdelay $0x1  }
0x188: {  	v1 =	vmul.f32 v1, v3;
	_ =	sdelay $0x1  }
0x189: {  	v3 =	vmul.f32 v1, v27;
	_ =	sdelay $0x1  }
0x18a: {  	v3 =	vmul.f32 v3, v1;
	_ =	sdelay $0x1  }
0x18b: {  	v3 =	vsub.f32 $1.500000000e+00, v3;
	_ =	sdelay $0x1  }
0x18c: {  	v1 =	vmul.f32 v3, v1;
	_ =	sdelay $0x1  }
0x18d: {  	v2 =	vmul.f32 v1, v27;
	_ =	sdelay $0x1  }
0x18e: {  	v2 =	vmul.f32 v2, v1;
	_ =	sdelay $0x1  }
0x18f: {  	v2 =	vsub.f32 $1.500000000e+00, v2;
	_ =	sdelay $0x1  }
0x190: {  	v1 =	vmul.f32 v2, v1;
	_ =	sdelay $0x1  }
0x191: {  	v0 =	vmul.f32 v1, v0;
	_ =	sdelay $0x1  }
0x192: {  	v0 =	vmul.f32 $4.096000000e+03, v0;
	_ =	sdelay $0x1  }
0x193: {  	v0 =	vmin.f32 v0, $3.276699800e+04  }
0x194: {  	v30 =	vld [tilespmem:$0xC6A0];
	v29 =	vtrunc.f32 v0  }
0x195: {  	v31 =	vld [tilespmem:$0xC720];
	v1 =	vcvt.f32.s32 v29;
	_ =	sdelay $0x1  }
0x196: {  	v32 =	vcvt.s32.f32 v1;
	_ =	sdelay $0x1  }
0x197: {  	v0 =	vsub.f32 v0, v32  }
0x198: {  	[tilespmem:$0xC790] =	vst v1  }
0x199: {  	[tilespmem:$0xC810] =	vst v0  }
0x19a: {  	v0 =	vld.idx.msk [tilespmem:v30+s2+$0x0], $0xffff  }
0x19b: {  	v1 =	vld.idx.msk [tilespmem:v31+s25+$0x0], $0xffff  }
0x19c: {  	v33 =	vld.idx.msk [tilespmem:v30+s23+$0x0], $0xffff  }
0x19d: {  	v34 =	vld.idx.msk [tilespmem:v31+s26+$0x0], $0xffff  }
0x19e: {  	v2 =	vld.idx.msk [tilespmem:v30+s24+$0x0], $0xffff  }
0x19f: {  	v3 =	vld.idx.msk [tilespmem:v31+s28+$0x0], $0xffff;
	_ =	sdelay $0x2  }
0x1a0: {  	v0 =	vsub.f32 v0, v1;
	v35 =	vsub.f32 v33, v34;
	_ =	sdelay $0x1  }
0x1a1: {  	v2 =	vsub.f32 v2, v3;
	v0 =	vmul.f32 v0, v0;
	v1 =	vmul.f32 v35, v35;
	_ =	sdelay $0x1  }
0x1a2: {  	v36 =	vmul.f32 v2, v2;
	v0 =	vadd.f32 v1, v0;
	_ =	sdelay $0x1  }
0x1a3: {  	v0 =	vadd.f32 v36, v0;
	_ =	sdelay $0x1  }
0x1a4: {  	v0 =	vadd.f32 $9.999999970e-07, v0;
	_ =	sdelay $0x1  }
0x1a5: {  	v37 =	vshrl.u32 v0, $0x1;
	v38 =	vmul.f32 $5.000000000e-01, v0  }
0x1a6: {  	v1 =	vsub.s32 $0x5F3759DF, v37  }
0x1a7: {  	v39 =	vmul.f32 v1, v38;
	_ =	sdelay $0x1  }
0x1a8: {  	v3 =	vmul.f32 v1, v39;
	_ =	sdelay $0x1  }
0x1a9: {  	v3 =	vsub.f32 $1.500000000e+00, v3;
	_ =	sdelay $0x1  }
0x1aa: {  	v1 =	vmul.f32 v1, v3;
	_ =	sdelay $0x1  }
0x1ab: {  	v3 =	vmul.f32 v1, v38;
	_ =	sdelay $0x1  }
0x1ac: {  	v3 =	vmul.f32 v3, v1;
	_ =	sdelay $0x1  }
0x1ad: {  	v3 =	vsub.f32 $1.500000000e+00, v3;
	_ =	sdelay $0x1  }
0x1ae: {  	v1 =	vmul.f32 v3, v1;
	_ =	sdelay $0x1  }
0x1af: {  	v2 =	vmul.f32 v1, v38;
	_ =	sdelay $0x1  }
0x1b0: {  	v2 =	vmul.f32 v2, v1;
	_ =	sdelay $0x1  }
0x1b1: {  	v2 =	vsub.f32 $1.500000000e+00, v2;
	_ =	sdelay $0x1  }
0x1b2: {  	v1 =	vmul.f32 v2, v1;
	_ =	sdelay $0x1  }
0x1b3: {  	v0 =	vmul.f32 v1, v0;
	_ =	sdelay $0x1  }
0x1b4: {  	v0 =	vmul.f32 $4.096000000e+03, v0;
	_ =	sdelay $0x1  }
0x1b5: {  	v0 =	vmin.f32 v0, $3.276699800e+04  }
0x1b6: {  	v41 =	vld [tilespmem:$0xC6B0];
	v40 =	vtrunc.f32 v0  }
0x1b7: {  	v42 =	vld [tilespmem:$0xC730];
	v1 =	vcvt.f32.s32 v40;
	_ =	sdelay $0x1  }
0x1b8: {  	v43 =	vcvt.s32.f32 v1;
	_ =	sdelay $0x1  }
0x1b9: {  	v0 =	vsub.f32 v0, v43  }
0x1ba: {  	[tilespmem:$0xC7A0] =	vst v1  }
0x1bb: {  	[tilespmem:$0xC820] =	vst v0  }
0x1bc: {  	v0 =	vld.idx.msk [tilespmem:v41+s2+$0x0], $0xffff  }
0x1bd: {  	v1 =	vld.idx.msk [tilespmem:v42+s25+$0x0], $0xffff  }
0x1be: {  	v44 =	vld.idx.msk [tilespmem:v41+s23+$0x0], $0xffff  }
0x1bf: {  	v45 =	vld.idx.msk [tilespmem:v42+s26+$0x0], $0xffff  }
0x1c0: {  	v2 =	vld.idx.msk [tilespmem:v41+s24+$0x0], $0xffff  }
0x1c1: {  	v3 =	vld.idx.msk [tilespmem:v42+s28+$0x0], $0xffff;
	_ =	sdelay $0x2  }
0x1c2: {  	v0 =	vsub.f32 v0, v1;
	v46 =	vsub.f32 v44, v45;
	_ =	sdelay $0x1  }
0x1c3: {  	v2 =	vsub.f32 v2, v3;
	v0 =	vmul.f32 v0, v0;
	v1 =	vmul.f32 v46, v46;
	_ =	sdelay $0x1  }
0x1c4: {  	v47 =	vmul.f32 v2, v2;
	v0 =	vadd.f32 v1, v0;
	_ =	sdelay $0x1  }
0x1c5: {  	v0 =	vadd.f32 v47, v0;
	_ =	sdelay $0x1  }
0x1c6: {  	v0 =	vadd.f32 $9.999999970e-07, v0;
	_ =	sdelay $0x1  }
0x1c7: {  	v48 =	vshrl.u32 v0, $0x1;
	v49 =	vmul.f32 $5.000000000e-01, v0  }
0x1c8: {  	v1 =	vsub.s32 $0x5F3759DF, v48  }
0x1c9: {  	v50 =	vmul.f32 v1, v49;
	_ =	sdelay $0x1  }
0x1ca: {  	v3 =	vmul.f32 v1, v50;
	_ =	sdelay $0x1  }
0x1cb: {  	v3 =	vsub.f32 $1.500000000e+00, v3;
	_ =	sdelay $0x1  }
0x1cc: {  	v1 =	vmul.f32 v1, v3;
	_ =	sdelay $0x1  }
0x1cd: {  	v3 =	vmul.f32 v1, v49;
	_ =	sdelay $0x1  }
0x1ce: {  	v3 =	vmul.f32 v3, v1;
	_ =	sdelay $0x1  }
0x1cf: {  	v3 =	vsub.f32 $1.500000000e+00, v3;
	_ =	sdelay $0x1  }
0x1d0: {  	v1 =	vmul.f32 v3, v1;
	_ =	sdelay $0x1  }
0x1d1: {  	v2 =	vmul.f32 v1, v49;
	_ =	sdelay $0x1  }
0x1d2: {  	v2 =	vmul.f32 v2, v1;
	_ =	sdelay $0x1  }
0x1d3: {  	v2 =	vsub.f32 $1.500000000e+00, v2;
	_ =	sdelay $0x1  }
0x1d4: {  	v1 =	vmul.f32 v2, v1;
	_ =	sdelay $0x1  }
0x1d5: {  	v0 =	vmul.f32 v1, v0;
	_ =	sdelay $0x1  }
0x1d6: {  	v0 =	vmul.f32 $4.096000000e+03, v0;
	_ =	sdelay $0x1  }
0x1d7: {  	v0 =	vmin.f32 v0, $3.276699800e+04  }
0x1d8: {  	v52 =	vld [tilespmem:$0xC6C0];
	v51 =	vtrunc.f32 v0  }
0x1d9: {  	v53 =	vld [tilespmem:$0xC740];
	v1 =	vcvt.f32.s32 v51;
	_ =	sdelay $0x1  }
0x1da: {  	v54 =	vcvt.s32.f32 v1;
	_ =	sdelay $0x1  }
0x1db: {  	v0 =	vsub.f32 v0, v54  }
0x1dc: {  	[tilespmem:$0xC7B0] =	vst v1  }
0x1dd: {  	[tilespmem:$0xC830] =	vst v0  }
0x1de: {  	v0 =	vld.idx.msk [tilespmem:v52+s2+$0x0], $0xffff  }
0x1df: {  	v1 =	vld.idx.msk [tilespmem:v53+s25+$0x0], $0xffff  }
0x1e0: {  	v55 =	vld.idx.msk [tilespmem:v52+s23+$0x0], $0xffff  }
0x1e1: {  	v56 =	vld.idx.msk [tilespmem:v53+s26+$0x0], $0xffff  }
0x1e2: {  	v2 =	vld.idx.msk [tilespmem:v52+s24+$0x0], $0xffff  }
0x1e3: {  	v3 =	vld.idx.msk [tilespmem:v53+s28+$0x0], $0xffff;
	_ =	sdelay $0x2  }
0x1e4: {  	v0 =	vsub.f32 v0, v1;
	v57 =	vsub.f32 v55, v56;
	_ =	sdelay $0x1  }
0x1e5: {  	v2 =	vsub.f32 v2, v3;
	v0 =	vmul.f32 v0, v0;
	v1 =	vmul.f32 v57, v57;
	_ =	sdelay $0x1  }
0x1e6: {  	v58 =	vmul.f32 v2, v2;
	v0 =	vadd.f32 v1, v0;
	_ =	sdelay $0x1  }
0x1e7: {  	v0 =	vadd.f32 v58, v0;
	_ =	sdelay $0x1  }
0x1e8: {  	v0 =	vadd.f32 $9.999999970e-07, v0;
	_ =	sdelay $0x1  }
0x1e9: {  	v59 =	vshrl.u32 v0, $0x1;
	v60 =	vmul.f32 $5.000000000e-01, v0  }
0x1ea: {  	v1 =	vsub.s32 $0x5F3759DF, v59  }
0x1eb: {  	v61 =	vmul.f32 v1, v60;
	_ =	sdelay $0x1  }
0x1ec: {  	v3 =	vmul.f32 v1, v61;
	_ =	sdelay $0x1  }
0x1ed: {  	v3 =	vsub.f32 $1.500000000e+00, v3;
	_ =	sdelay $0x1  }
0x1ee: {  	v1 =	vmul.f32 v1, v3;
	_ =	sdelay $0x1  }
0x1ef: {  	v3 =	vmul.f32 v1, v60;
	_ =	sdelay $0x1  }
0x1f0: {  	v3 =	vmul.f32 v3, v1;
	_ =	sdelay $0x1  }
0x1f1: {  	v3 =	vsub.f32 $1.500000000e+00, v3;
	_ =	sdelay $0x1  }
0x1f2: {  	v1 =	vmul.f32 v3, v1;
	_ =	sdelay $0x1  }
0x1f3: {  	v2 =	vmul.f32 v1, v60;
	_ =	sdelay $0x1  }
0x1f4: {  	v2 =	vmul.f32 v2, v1;
	_ =	sdelay $0x1  }
0x1f5: {  	v2 =	vsub.f32 $1.500000000e+00, v2;
	_ =	sdelay $0x1  }
0x1f6: {  	v1 =	vmul.f32 v2, v1;
	_ =	sdelay $0x1  }
0x1f7: {  	v0 =	vmul.f32 v1, v0;
	_ =	sdelay $0x1  }
0x1f8: {  	v0 =	vmul.f32 $4.096000000e+03, v0;
	_ =	sdelay $0x1  }
0x1f9: {  	v0 =	vmin.f32 v0, $3.276699800e+04  }
0x1fa: {  	v62 =	vtrunc.f32 v0  }
0x1fb: {  	v1 =	vcvt.f32.s32 v62;
	_ =	sdelay $0x1  }
0x1fc: {  	v63 =	vcvt.s32.f32 v1;
	_ =	sdelay $0x1  }
0x1fd: {  	v0 =	vsub.f32 v0, v63  }
0x1fe: {  	[tilespmem:$0xC7C0] =	vst v1  }
0x1ff: {  	s9 =	sadd.s32 s7, s19;
	[tilespmem:$0xC840] =	vst v0  }
0x200: {  	[hbm4b:s9+s2] =	stream.linear.scatter [tilespmem:s0], [sflag:$0x1], $0x50, $0x38;
	[tilespmem:$0xCA00] =	vst v63  }
0x201: {  	_ =	swait.ge [sflag:s22], $0x50  }
0x202: {  	p0 =	sne.s32 s7, $0x276;
	[sflag:s22] =	ssyncset.done $0x0  }
.Ltmp1:
0x203: {  	s9 =	sadd.s32 s7, s18;
	[sflag:s22] =	ssyncadd.s32 $0xFFFFFFB0;
	(pc) =	sbr.rel @p0 .LBB2_3-.Ltmp1, $4  }
0x204: {  	[hbm4b:s9+s2] =	stream.linear.scatter [tilespmem:s1], [sflag:$0x1], $0x50, $0x38;
	[tilespmem:$0xCA00] =	vst v63  }
0x205: {  	_ =	swait.ge [sflag:s22], $0x50  }
0x206: {  	[sflag:s22] =	ssyncset.done $0x0  }
0x207: {  	s7 =	sadd.s32 $0xA, s7;
	[sflag:s22] =	ssyncadd.s32 $0xFFFFFFB0  }
0x208: {  	s6 =	sadd.s32 $0x1, s6  }
0x209: {  	p0 =	sne.s32 s6, s10  }
.Ltmp2:
0x20a: {  	_ = 	snop;
	(pc) =	sbr.rel @p0 .LBB2_1-.Ltmp2, $1  }
0x20b: {  	_ =	sdelay $0x3  }
0x20c: {  	_ =	sfence.sel $0x180000  }
0x20d: {  	[bflag:$0x0] =	sbarrier.arrive $0xFFFF  }
0x20e: {  	_ =	strace $0x90000047  }
0x20f: {  	s0 =	stileid.u32;
	[bflag:$0x2] =	sbarrier.arrive $0xFFFF  }
0x210: {  	p0 =	sne.s32 s0, $0x0;
	s0 =	rddreg [dreg:$0x1]  }
0x211: {  	s0 =	sadd.s32 @!p0 $0x100000, s0  }
0x212: {  	[sflag:s0] =	ssyncadd.tile.s32 @!p0 $0x1;
	_ =	shalt  }
.Lfunc_end2:
_tile_overlayer_lowered:
.L_overlay_start_2:
0x213: {  	(tag) =	ssettag $0x2  }
0x214: {  	s0 =	rddreg [dreg:$0x0];
	s2 =	stileid.u32  }
0x215: {  	s1 =	rddreg [dreg:$0x1];
	p0 =	sne.s32 s2, $0x0  }
0x216: {  	s3 =	rddreg [dreg:$0x2];
	[bflag:$0x3] =	sbarrier.arrive $0xFFFF;
	s2 =	simm.s32 @!p0 $0x1C01  }
0x217: {  	[timem:s3], [sflag:s2] =	dma.local @!p0 [hbm:s0], s1  }
0x218: {  	s0 =	simm.s32 @!p0 $0x1  }
0x219: {  	_ =	swait.ge @!p0 [sflag:s0], s1  }
0x21a: {  	s1 =	ssub.s32 @!p0 $0x0, s1;
	[sflag:s0] =	ssyncset.done @!p0 $0x0  }
0x21b: {  	[sflag:s0] =	ssyncadd.s32 @!p0 s1  }
0x21c: {  	[bflag:$0x3] =	sbarrier.arrive $0xFFFF  }
0x21d: {  	_ =	shalt  }

// kernel: kernel.18.cloned.1.call-start
scs
__scs_entry_jumppad:
0x0: {  	(pc) =	sbr.rel $0x88, $3  }
0x1: {  	(tag) =	ssettag $0x0;
	lr =	simm.s32 $0x1  }
0x2: {  	[smem:$0x3F84] =	sst lr;
	_ =	strace $0xD0000000  }
0x3: {  	_ = 	snop  }
0x4: {  	_ = 	snop  }
0x5: {  	_ = 	snop  }
0x6: {  	_ = 	snop  }
0x7: {  	_ = 	snop  }
__scs_overlays_trampoline_lowered:
0x8: {  	[smem:$0x3F93] =	sst s0  }
0x9: {  	[smem:$0x3F94] =	sst s1  }
0xa: {  	[smem:$0x3F95] =	sst s2  }
0xb: {  	[smem:$0x3F96] =	sst s3  }
0xc: {  	[smem:$0x3F97] =	sst s4  }
0xd: {  	[smem:$0x3F98] =	sst s5  }
0xe: {  	[smem:$0x3F99] =	sst s6  }
0xf: {  	[smem:$0x3F9A] =	sst s7  }
0x10: {  	[smem:$0x3F9B] =	sst s8  }
0x11: {  	[smem:$0x3F9C] =	sst s9;
	s0 =	simm.s32 @!p0 $0x0  }
0x12: {  	s1 =	sld [smem:$0x3F82];
	s0 =	simm.s32 @p0 $0x1  }
0x13: {  	[smem:$0x3F9D] =	sst s0;
	s0 =	simm.s32 @!p1 $0x0  }
0x14: {  	s2 =	sld [smem:$0x3F81];
	s0 =	simm.s32 @p1 $0x1  }
0x15: {  	[smem:$0x3F9E] =	sst s0;
	s0 =	simm.s32 @!p2 $0x0  }
0x16: {  	s3 =	sld [smem:$0x3FDB];
	s0 =	simm.s32 @p2 $0x1  }
0x17: {  	s4 =	simm.s32 $0x1BF5;
	[smem:$0x3FA0] =	sst s0  }
0x18: {  	s0 =	sld [smem:$0x3F83];
	_ =	swait.ge [sflag:s4], $0x0  }
0x19: {  	s7 =	sld [smem:$0x3F84]  }
0x1a: {  	s8 =	sadd.s32 $0xFFFFE003, lr  }
0x1b: {  	s9 =	sadd.s32 $0xFFFFFEF7, lr;
	s5 =	simm.s32 $0xFFFFFFFF;
	p2 =	slt.u32 s8, $0xFFFFF086  }
0x1c: {  	p1 =	slt.u32 s9, $0xF7A;
	s5 =	simm.s32 @!p2 $0x0  }
0x1d: {  	s5 =	simm.s32 @p1 $0x1;
	p0 =	seq.s32 s7, s2  }
0x1e: {  	s7 =	smul.u32 @!p0 $0xF7A, s2;
	p2 =	seq.s32 @!p0 s5, $0x0  }
0x1f: {  	s9 =	smul.u32 $0xF7A, s1;
	s8 =	simm.s32 @!p0 $0x1BF5;
	p2 =	por !p2, p0  }
0x20: {  	[sflag:s8] =	ssyncset.s32 @!p0 $0xFFFFF086;
	s6 =	sadd.s32 @!p0 s3, s7;
	s7 =	simm.s32 @!p0 $0x108  }
0x21: {  	s3 =	sadd.s32 s3, s9;
	s6 =	sadd.s32 @!p0 $0x88, s6;
	s7 =	simm.s32 @p2 $0x1082  }
0x22: {  	[simem:s7], [sflag:s8] =	dma.local @!p0 [hbm:s6], $0xF7A  }
0x23: {  	s9 =	sor.u32 $0xD0000000, s2;
	s6 =	simm.s32 $0x108;
	_ =	swait.ge @!p0 [sflag:s8], $0x0  }
0x24: {  	s3 =	sadd.s32 $0x88, s3;
	s6 =	simm.s32 @!p1 $0x1082;
	[sflag:s4] =	ssyncset.s32 $0xFFFFF086  }
0x25: {  	[simem:s6], [sflag:s4] =	dma.local [hbm:s3], $0xF7A  }
0x26: {  	[smem:$0x3F84] =	sst s1;
	(tag) =	ssettag s2;
	_ =	strace s9  }
0x27: {  	s1 =	sld [smem:$0x3F94]  }
0x28: {  	s2 =	sld [smem:$0x3F95]  }
0x29: {  	s4 =	sld [smem:$0x3F97]  }
0x2a: {  	p0 =	seq.s32 s5, $0x0;
	s5 =	sld [smem:$0x3F98]  }
0x2b: {  	s6 =	sld [smem:$0x3F99]  }
0x2c: {  	s7 =	sld [smem:$0x3F9A]  }
0x2d: {  	s3 =	simm.s32 $0x108;
	s8 =	sld [smem:$0x3F9B]  }
0x2e: {  	s3 =	simm.s32 @!p0 $0x1082;
	s9 =	sld [smem:$0x3F9C]  }
0x2f: {  	lr =	sadd.s32 s0, s3;
	s0 =	sld [smem:$0x3F93]  }
0x30: {  	s3 =	sld [smem:$0x3F96]  }
0x31: {  	[smem:$0x3F9F] =	sst s10  }
0x32: {  	s10 =	sld [smem:$0x3F9D];
	_ =	sdelay $0x3  }
0x33: {  	p0 =	seq.s32 s10, $0x1;
	s10 =	sld [smem:$0x3F9F];
	_ =	sdelay $0x3  }
0x34: {  	[smem:$0x3F9F] =	sst s10  }
0x35: {  	s10 =	sld [smem:$0x3F9E];
	_ =	sdelay $0x3  }
0x36: {  	p1 =	seq.s32 s10, $0x1;
	s10 =	sld [smem:$0x3F9F];
	_ =	sdelay $0x3  }
0x37: {  	[smem:$0x3F9F] =	sst s10  }
0x38: {  	s10 =	sld [smem:$0x3FA0]  }
0x39: {  	_ = 	snop;
	(pc) =	sbr.ind lr, $3  }
0x3a: {  	_ = 	snop  }
0x3b: {  	_ = 	snop  }
0x3c: {  	p2 =	seq.s32 s10, $0x1;
	s10 =	sld [smem:$0x3F9F]  }
0x3d: {  	_ =	shalt  }
0x3e: {  	_ =	shalt  }
0x3f: {  	_ =	shalt  }
0x40: {  	_ =	shalt  }
0x41: {  	_ =	shalt  }
0x42: {  	_ =	shalt  }
0x43: {  	_ =	shalt  }
0x44: {  	_ =	shalt  }
0x45: {  	_ =	shalt  }
0x46: {  	_ =	shalt  }
0x47: {  	_ =	shalt  }
0x48: {  	_ =	shalt  }
0x49: {  	_ =	shalt  }
0x4a: {  	_ =	shalt  }
0x4b: {  	_ =	shalt  }
0x4c: {  	_ =	shalt  }
0x4d: {  	_ =	shalt  }
0x4e: {  	_ =	shalt  }
0x4f: {  	_ =	shalt  }
0x50: {  	_ =	shalt  }
0x51: {  	_ =	shalt  }
0x52: {  	_ =	shalt  }
0x53: {  	_ =	shalt  }
0x54: {  	_ =	shalt  }
0x55: {  	_ =	shalt  }
0x56: {  	_ =	shalt  }
0x57: {  	_ =	shalt  }
0x58: {  	_ =	shalt  }
0x59: {  	_ =	shalt  }
0x5a: {  	_ =	shalt  }
0x5b: {  	_ =	shalt  }
0x5c: {  	_ =	shalt  }
0x5d: {  	_ =	shalt  }
0x5e: {  	_ =	shalt  }
0x5f: {  	_ =	shalt  }
0x60: {  	_ =	shalt  }
0x61: {  	_ =	shalt  }
0x62: {  	_ =	shalt  }
0x63: {  	_ =	shalt  }
0x64: {  	_ =	shalt  }
0x65: {  	_ =	shalt  }
0x66: {  	_ =	shalt  }
0x67: {  	_ =	shalt  }
0x68: {  	_ =	shalt  }
0x69: {  	_ =	shalt  }
0x6a: {  	_ =	shalt  }
0x6b: {  	_ =	shalt  }
0x6c: {  	_ =	shalt  }
0x6d: {  	_ =	shalt  }
0x6e: {  	_ =	shalt  }
0x6f: {  	_ =	shalt  }
0x70: {  	_ =	shalt  }
0x71: {  	_ =	shalt  }
0x72: {  	_ =	shalt  }
0x73: {  	_ =	shalt  }
0x74: {  	_ =	shalt  }
0x75: {  	_ =	shalt  }
0x76: {  	_ =	shalt  }
0x77: {  	_ =	shalt  }
0x78: {  	_ =	shalt  }
0x79: {  	_ =	shalt  }
0x7a: {  	_ =	shalt  }
0x7b: {  	_ =	shalt  }
0x7c: {  	_ =	shalt  }
0x7d: {  	_ =	shalt  }
0x7e: {  	_ =	shalt  }
0x7f: {  	_ =	shalt  }
0x80: {  	_ =	shalt  }
0x81: {  	_ =	shalt  }
0x82: {  	_ =	shalt  }
0x83: {  	_ =	shalt  }
0x84: {  	_ =	shalt  }
0x85: {  	_ =	shalt  }
0x86: {  	_ =	shalt  }
0x87: {  	_ =	shalt  }
.Lfunc_end0:
.L_simem_size_0:
called_computation.2_lowered:
.L_overlay_start_0:
0x88: {  	s2 =	sld [smem:$0x3FD9]  }
0x89: {  	s3 =	sld [smem:$0x3FFE];
	_ =	sdelay $0x1  }
0x8a: {  	s1 =	srdreg.scid  }
0x8b: {  	s0 =	sand.u32 $0x1, s1  }
0x8c: {  	s16 =	sshll.u32 s0, $0xA;
	s2 =	sadd.s32 s3, s2  }
0x8d: {  	s2 =	sadd.s32 s2, s16  }
0x8e: {  	[smem:$0x3FAB] =	sst s2  }
0x8f: {  	_ = 	snop  }
0x90: {  	(tm) =	ssettm $0x1  }
0x91: {  	s17 =	sld [smem:$0x3FFB];
	_ =	sdelay $0x3  }
0x92: {  	_ =	strace s17  }
0x93: {  	s2 =	sld [smem:$0x3FFC];
	_ =	sdelay $0x3  }
0x94: {  	_ =	strace s2  }
0x95: {  	s2 =	sld [smem:$0x3FFD];
	_ =	sdelay $0x3  }
0x96: {  	_ =	strace s2  }
0x97: {  	_ =	strace $0x8FFFFFFF  }
0x98: {  	s18 =	sld [smem:$0x3FDB];
	_ =	sdelay $0x1  }
0x99: {  	s19 =	simm.s32 $_scs_section_size  }
0x9a: {  	s4 =	simm.s32 $_size__tile_overlayer_lowered;
	s5 =	simm.s32 $_tile_overlayer_lowered  }
0x9b: {  	s22 =	simm.s32 $0x1BFF;
	s21 =	sshll.u32 s5, $0x1;
	s2 =	sadd.s32 s19, s18  }
0x9c: {  	s6 =	simm.s32 $0x0;
	s20 =	sshll.u32 s4, $0x1;
	s4 =	sadd.s32 s21, s2  }
0x9d: {  	[timem:s6], [sflag:s22] =	dma.local [hbm:s4], s20  }
0x9e: {  	_ =	swait.ge [sflag:s22], s20  }
0x9f: {  	s3 =	ssub.s32 $0x0, s20;
	[sflag:s22] =	ssyncset.done $0x0  }
0xa0: {  	[sflag:s22] =	ssyncadd.s32 s3;
	_ =	sdelay $0x1  }
0xa1: {  	s23 =	simm.s32 $0x1B8B  }
0xa2: {  	_ =	swait.ge [sflag:s23], $0x1  }
0xa3: {  	[sflag:s23] =	ssyncset.done $0x0  }
0xa4: {  	s25 =	simm.s32 $0x1B8E;
	s24 =	sld [smem:$0x3FFE];
	[sflag:s23] =	ssyncadd.s32 $0xFFFFFFFF  }
0xa5: {  	s26 =	simm.s32 $execute0_lowered;
	[smem:$0x3FD2] =	sst s25  }
0xa6: {  	s4 =	sshll.u32 s26, $0x1;
	_ =	strace $0x80000049;
	[dreg:$0x1] =	wrdreg $0xFFFFFFFF  }
0xa7: {  	s28 =	simm.s32 $_size_execute0_lowered;
	s2 =	sadd.s32 s2, s4;
	[dreg:$0x0] =	wrdreg $0x0  }
0xa8: {  	s4 =	sshll.u32 s28, $0x1;
	[dreg:$0x2] =	wrdreg s2  }
0xa9: {  	[dreg:$0x3] =	wrdreg s4  }
0xaa: {  	[dreg:$0x4] =	wrdreg $0xC0  }
0xab: {  	_ =	task [dreg:s6], $0x5FFFF  }
0xac: {  	[dreg:$0x1] =	wrdreg $0xFFFFFFFF  }
0xad: {  	[dreg:$0x0] =	wrdreg $0x60  }
0xae: {  	[dreg:$0x2] =	wrdreg s24  }
0xaf: {  	[dreg:$0x3] =	wrdreg $0x0  }
0xb0: {  	[dreg:$0x4] =	wrdreg $0xB  }
0xb1: {  	_ =	task.clear_ibuf [dreg:s6], $0x5FFFF;
	_ =	strace $0x90000049  }
0xb2: {  	s29 =	simm.s32 $0xB;
	_ =	strace $0x8000004B  }
0xb3: {  	_ =	swait.ge [sflag:s29], $0x1  }
0xb4: {  	[sflag:s29] =	ssyncadd.s32 $0xFFFFFFFF  }
0xb5: {  	_ =	strace $0x9000004B  }
0xb6: {  	_ =	sfence  }
0xb7: {  	s30 =	sld [smem:$0x0];
	_ =	sdelay $0x2  }
0xb8: {  	s31 =	sshll.u32 s1, $0xD;
	s1 =	sshrl.u32 s1, $0x2  }
0xb9: {  	s3 =	sand.u32 $0x4000, s31;
	s1 =	sadd.s32 s1, s30  }
0xba: {  	s0 =	sor.u32 s3, s0;
	s1 =	sshll.u32 s1, $0x11  }
0xbb: {  	s0 =	sor.u32 s1, s0  }
0xbc: {  	s0 =	sadd.s32 $0x8F2B, s0  }
0xbd: {  	[sflag:s0] =	ssyncadd.remote.s32 $0x1  }
0xbe: {  	_ =	sfence.sel $0xFFFF  }
0xbf: {  	[dreg:$0x0] =	wrdreg $0xFFFFFFFF;
	(pc) =	sbr.abs _section_cstart, $3  }
0xc0: {  	[dreg:$0x1] =	wrdreg $0xFFFFFFFF  }
0xc1: {  	_ =	task.clear_ibuf [dreg:s6], $0x2FFFF;
	_ =	strace $0x9FFFFFFF  }
0xc2: {  	(tm) =	ssettm $0x7FFFFFFF  }
0xc3: {  	_ =	shalt  }
tec
execute0_lowered:
.L_overlay_start_1:
0x0: {  	(tag) =	ssettag $0x1  }
0x1: {  	s0 =	rddreg [dreg:$0x0]  }
0x2: {  	s1 =	rddreg [dreg:$0x1];
	s2 =	simm.s32 $0x0;
	s3 =	srdreg.scid  }
0x3: {  	s15 =	stileid.u32;
	s17 =	simm.s32 $0x13880;
	s18 =	simm.s32 $0x2  }
0x4: {  	s19 =	simm.s32 $0x13900;
	s20 =	simm.s32 $0x13980;
	s21 =	simm.s32 $0x13A00  }
0x5: {  	s22 =	simm.s32 $0x50;
	s23 =	simm.s32 $0x13A80;
	s24 =	simm.s32 $0x16280  }
0x6: {  	s25 =	simm.s32 $0x18A80;
	s26 =	simm.s32 $0x1;
	[smem:$0x7FF] =	sst s2  }
0x7: {  	s3 =	sand.u32 $0x1, s3;
	s4 =	sadd.s32 $0x1E1200, s0;
	s5 =	sadd.s32 $0xE1200, s0  }
0x8: {  	s11 =	smul.u32 $0x1F400, s15;
	s6 =	sadd.s32 $0x208400, s0;
	s7 =	sadd.s32 $0x10200, s0  }
0x9: {  	s8 =	sadd.s32 $0x6400, s0;
	s9 =	sadd.s32 $0x4D600, s0;
	s12 =	smul.u32 $0x3E80, s15  }
0xa: {  	s13 =	smul.u32 $0x7D000, s15;
	p0 =	sgt.u32 s15, $0x9;
	_ =	strace $0x8000004A  }
0xb: {  	s10 =	smul.u32 $0x138800, s3;
	s30 =	ssub.s32 $0x2, s3;
	s3 =	sshll.u32 s3, $0x4  }
0xc: {  	s12 =	sadd.s32 s12, s0;
	s14 =	sshrl.u32 s30, $0x1;
	s13 =	sshrl.u32 s13, $0x2  }
0xd: {  	s3 =	sor.u32 s15, s3;
	s11 =	sadd.s32 s11, s10;
	s10 =	sadd.s32 $0x57400, s0  }
0xe: {  	s14 =	ssub.s32 s30, s14;
	s16 =	sadd.s32 s13, s1;
	s11 =	sshrl.u32 s11, $0x3  }
0xf: {  	s31 =	sadd.s32 $0x161200, s12;
	s12 =	smul.u32 $0x2710, s3;
	s0 =	sadd.s32 s11, s0  }
0x10: {  	[dreg:$0x3] =	wrdreg s31;
	s13 =	sadd.s32 $0x188400, s0;
	s0 =	sshll.u32 @!p0 s15, $0x6  }
0x11: {  	s14 =	smax.u32 s14, $0x1;
	s16 =	sshrl.u32 @!p0 s16, $0x3;
	s15 =	sor.u32 @!p0 $0x1C02, s0  }
.LBB2_1:
0x12: {  	s0 =	rddreg [dreg:$0x3]  }
0x13: {  	[spmem:s16], [sflag:s15] =	dma.local @!p0 [hbm:s0], $0x3E80  }
0x14: {  	s0 =	simm.s32 @!p0 $0x2  }
0x15: {  	_ =	swait.ge @!p0 [sflag:s0], $0x3E80  }
0x16: {  	[sflag:s0] =	ssyncset.done @!p0 $0x0  }
0x17: {  	[sflag:s0] =	ssyncadd.s32 @!p0 $0xFFFFC180  }
0x18: {  	s28 =	simm.s32 $0x0;
	[bflag:$0x0] =	sbarrier.arrive $0xFFFF  }
.LBB2_2:
0x19: {  	s0 =	smul.u32 $0x50, s28;
	_ =	sdelay $0x1  }
0x1a: {  	s0 =	sadd.s32 s12, s0  }
0x1b: {  	s0 =	sshrl.u32 s0, $0x3  }
0x1c: {  	s29 =	simm.s32 $0x0;
	s3 =	sadd.s32 s7, s0  }
0x1d: {  	[tilespmem:s17], [sflag:$0x2] =	stream.linear.gather [hbm4b:s3+s29], $0x50, $0x38;
	[tilespmem:$0x1B280] =	vst v63  }
0x1e: {  	_ =	swait.ge [sflag:s18], $0x50  }
0x1f: {  	[sflag:s18] =	ssyncset.done $0x0  }
0x20: {  	s11 =	sadd.s32 s8, s0;
	[sflag:s18] =	ssyncadd.s32 $0xFFFFFFB0  }
0x21: {  	[tilespmem:s19], [sflag:$0x2] =	stream.linear.gather [hbm4b:s11+s29], $0x50, $0x38;
	[tilespmem:$0x1B280] =	vst v63  }
0x22: {  	_ =	swait.ge [sflag:s18], $0x50  }
0x23: {  	[sflag:s18] =	ssyncset.done $0x0  }
0x24: {  	s11 =	sadd.s32 s9, s0;
	[sflag:s18] =	ssyncadd.s32 $0xFFFFFFB0  }
0x25: {  	[tilespmem:s20], [sflag:$0x2] =	stream.linear.gather [hbm4b:s11+s29], $0x50, $0x38;
	[tilespmem:$0x1B280] =	vst v63  }
0x26: {  	_ =	swait.ge [sflag:s18], $0x50  }
0x27: {  	[sflag:s18] =	ssyncset.done $0x0  }
0x28: {  	s0 =	sadd.s32 s10, s0;
	[sflag:s18] =	ssyncadd.s32 $0xFFFFFFB0  }
0x29: {  	[tilespmem:s21], [sflag:$0x2] =	stream.linear.gather [hbm4b:s0+s29], $0x50, $0x38;
	[tilespmem:$0x1B280] =	vst v63  }
0x2a: {  	_ =	swait.ge [sflag:s18], $0x50  }
0x2b: {  	[sflag:s18] =	ssyncset.done $0x0  }
0x2c: {  	[sflag:s18] =	ssyncadd.s32 $0xFFFFFFB0  }
0x2d: {  	[tilespmem:s23], [sflag:$0x1] =	stream.indirect.gather [hbm4b:s4+s22], $0x80, s17, s22, $0xb8;
	[tilespmem:$0x1B280] =	vst v63  }
0x2e: {  	_ = 	snop  }
0x2f: {  	[tilespmem:s24], [sflag:$0x1] =	stream.indirect.gather [hbm4b:s5+s22], $0x80, s20, s22, $0xb8;
	[tilespmem:$0x1B280] =	vst v63  }
0x30: {  	_ = 	snop  }
0x31: {  	[tilespmem:s25], [sflag:$0x1] =	stream.indirect.gather [hbm4b:s6+s22], $0x80, s20, s22, $0xb8;
	[tilespmem:$0x1B280] =	vst v63  }
0x32: {  	_ =	swait.ge [sflag:s26], $0x2800  }
0x33: {  	[sflag:s26] =	ssyncset.done $0x0  }
0x34: {  	[sflag:s26] =	ssyncadd.s32 $0xFFFFD800  }
0x35: {  	_ =	swait.ge [sflag:s26], $0x2800  }
0x36: {  	[sflag:s26] =	ssyncset.done $0x0  }
0x37: {  	[sflag:s26] =	ssyncadd.s32 $0xFFFFD800  }
0x38: {  	_ =	swait.ge [sflag:s26], $0x2800  }
0x39: {  	v0 =	vmov s29;
	[sflag:s26] =	ssyncset.done $0x0  }
0x3a: {  	s29 =	simm.s32 $0x18AC0;
	[sflag:s26] =	ssyncadd.s32 $0xFFFFD800  }
0x3b: {  	s30 =	simm.s32 $0x162C0;
	v1 =	vld [tilespmem:s29+$0xFFFFFFC0]  }
0x3c: {  	v2 =	vld [tilespmem:s30+$0xFFFFFFC0];
	_ =	sdelay $0x1  }
0x3d: {  	v0 =	vld.idx.msk [tilespmem:v0+s21+$0x0], $0xffff;
	_ =	sdelay $0x2  }
0x3e: {  	s31 =	simm.s32 $0x13AC0;
	v1 =	vsub.f32 v1, v2  }
0x3f: {  	v3 =	vld [tilespmem:s31+$0xFFFFFFC0]  }
0x40: {  	v1 =	vmul.f32 v1, v0;
	_ =	sdelay $0x1  }
0x41: {  	v1 =	vadd.f32 v1, v2;
	_ =	sdelay $0x1  }
0x42: {  	v1 =	vmul.f32 v1, v3;
	_ =	sdelay $0x1  }
0x43: {  	[tilespmem:s31+$0xFFFFFFC0] =	vst v1  }
0x44: {  	v1 =	vld [tilespmem:s30+$0xFFFFFFD0]  }
0x45: {  	v2 =	vld [tilespmem:s29+$0xFFFFFFD0];
	_ =	sdelay $0x4  }
0x46: {  	v2 =	vsub.f32 v2, v1  }
0x47: {  	v3 =	vld [tilespmem:s31+$0xFFFFFFD0]  }
0x48: {  	v2 =	vmul.f32 v2, v0;
	_ =	sdelay $0x1  }
0x49: {  	v1 =	vadd.f32 v2, v1;
	_ =	sdelay $0x1  }
0x4a: {  	v1 =	vmul.f32 v1, v3;
	_ =	sdelay $0x1  }
0x4b: {  	[tilespmem:s31+$0xFFFFFFD0] =	vst v1  }
0x4c: {  	v1 =	vld [tilespmem:s30+$0xFFFFFFE0]  }
0x4d: {  	v2 =	vld [tilespmem:s29+$0xFFFFFFE0];
	_ =	sdelay $0x4  }
0x4e: {  	v2 =	vsub.f32 v2, v1  }
0x4f: {  	v3 =	vld [tilespmem:s31+$0xFFFFFFE0]  }
0x50: {  	v2 =	vmul.f32 v2, v0;
	_ =	sdelay $0x1  }
0x51: {  	v1 =	vadd.f32 v2, v1;
	_ =	sdelay $0x1  }
0x52: {  	v1 =	vmul.f32 v1, v3;
	_ =	sdelay $0x1  }
0x53: {  	[tilespmem:s31+$0xFFFFFFE0] =	vst v1  }
0x54: {  	v1 =	vld [tilespmem:s30+$0xFFFFFFF0]  }
0x55: {  	v2 =	vld [tilespmem:s29+$0xFFFFFFF0];
	_ =	sdelay $0x4  }
0x56: {  	v2 =	vsub.f32 v2, v1  }
0x57: {  	v3 =	vld [tilespmem:s31+$0xFFFFFFF0]  }
0x58: {  	v2 =	vmul.f32 v2, v0;
	_ =	sdelay $0x1  }
0x59: {  	v1 =	vadd.f32 v2, v1;
	_ =	sdelay $0x1  }
0x5a: {  	v1 =	vmul.f32 v1, v3;
	_ =	sdelay $0x1  }
0x5b: {  	[tilespmem:s31+$0xFFFFFFF0] =	vst v1  }
0x5c: {  	v1 =	vld [tilespmem:s30+$0x0]  }
0x5d: {  	v2 =	vld [tilespmem:s29+$0x0];
	_ =	sdelay $0x4  }
0x5e: {  	v2 =	vsub.f32 v2, v1  }
0x5f: {  	v3 =	vld [tilespmem:s31+$0x0]  }
0x60: {  	v2 =	vmul.f32 v2, v0;
	_ =	sdelay $0x1  }
0x61: {  	v1 =	vadd.f32 v2, v1;
	_ =	sdelay $0x1  }
0x62: {  	v1 =	vmul.f32 v1, v3;
	_ =	sdelay $0x1  }
0x63: {  	[tilespmem:s31+$0x0] =	vst v1  }
0x64: {  	v1 =	vld [tilespmem:s30+$0x10]  }
0x65: {  	v2 =	vld [tilespmem:s29+$0x10];
	_ =	sdelay $0x4  }
0x66: {  	v2 =	vsub.f32 v2, v1  }
0x67: {  	v3 =	vld [tilespmem:s31+$0x10]  }
0x68: {  	v2 =	vmul.f32 v2, v0;
	_ =	sdelay $0x1  }
0x69: {  	v1 =	vadd.f32 v2, v1;
	_ =	sdelay $0x1  }
0x6a: {  	v1 =	vmul.f32 v1, v3;
	_ =	sdelay $0x1  }
0x6b: {  	[tilespmem:s31+$0x10] =	vst v1  }
0x6c: {  	v1 =	vld [tilespmem:s30+$0x20]  }
0x6d: {  	v2 =	vld [tilespmem:s29+$0x20];
	_ =	sdelay $0x4  }
0x6e: {  	v2 =	vsub.f32 v2, v1  }
0x6f: {  	v3 =	vld [tilespmem:s31+$0x20]  }
0x70: {  	v2 =	vmul.f32 v2, v0;
	_ =	sdelay $0x1  }
0x71: {  	v1 =	vadd.f32 v2, v1;
	_ =	sdelay $0x1  }
0x72: {  	v1 =	vmul.f32 v1, v3;
	_ =	sdelay $0x1  }
0x73: {  	[tilespmem:s31+$0x20] =	vst v1  }
0x74: {  	v2 =	vld [tilespmem:s30+$0x30]  }
0x75: {  	v3 =	vld [tilespmem:s29+$0x30];
	_ =	sdelay $0x4  }
0x76: {  	s3 =	simm.s32 $0x1;
	s0 =	simm.s32 $0x13AC0;
	v1 =	vld [tilespmem:s31+$0x30];
	v3 =	vsub.f32 v3, v2  }
.LBB2_3:
0x77: {  	s29 =	sadd.s32 $0x80, s29;
	s31 =	sadd.s32 $0x80, s31;
	s30 =	sadd.s32 $0x80, s30  }
0x78: {  	p1 =	sne.s32 s3, $0x4F;
	s11 =	smov.u32 s3;
	s3 =	sadd.s32 $0x1, s3;
	v0 =	vmul.f32 v3, v0  }
0x79: {  	_ = 	snop  }
0x7a: {  	v0 =	vadd.f32 v0, v2;
	_ =	sdelay $0x1  }
0x7b: {  	v2 =	vmov s11;
	v0 =	vmul.f32 v0, v1;
	_ =	sdelay $0x1  }
0x7c: {  	[tilespmem:s0+$0x30] =	vst v0;
	s0 =	smov.u32 s31  }
0x7d: {  	v1 =	vld [tilespmem:s29+$0xFFFFFFC0]  }
0x7e: {  	v3 =	vld [tilespmem:s30+$0xFFFFFFC0]  }
0x7f: {  	v0 =	vld.idx.msk [tilespmem:v2+s21+$0x0], $0xffff;
	_ =	sdelay $0x3  }
0x80: {  	v1 =	vsub.f32 v1, v3  }
0x81: {  	v2 =	vld [tilespmem:s31+$0xFFFFFFC0]  }
0x82: {  	v1 =	vmul.f32 v1, v0;
	_ =	sdelay $0x1  }
0x83: {  	v1 =	vadd.f32 v1, v3;
	_ =	sdelay $0x1  }
0x84: {  	v1 =	vmul.f32 v1, v2;
	_ =	sdelay $0x1  }
0x85: {  	[tilespmem:s31+$0xFFFFFFC0] =	vst v1  }
0x86: {  	v1 =	vld [tilespmem:s30+$0xFFFFFFD0]  }
0x87: {  	v2 =	vld [tilespmem:s29+$0xFFFFFFD0];
	_ =	sdelay $0x4  }
0x88: {  	v3 =	vld [tilespmem:s31+$0xFFFFFFD0];
	v2 =	vsub.f32 v2, v1;
	_ =	sdelay $0x1  }
0x89: {  	v2 =	vmul.f32 v2, v0;
	_ =	sdelay $0x1  }
0x8a: {  	v1 =	vadd.f32 v2, v1;
	_ =	sdelay $0x1  }
0x8b: {  	v1 =	vmul.f32 v1, v3;
	_ =	sdelay $0x1  }
0x8c: {  	[tilespmem:s31+$0xFFFFFFD0] =	vst v1  }
0x8d: {  	v1 =	vld [tilespmem:s30+$0xFFFFFFE0]  }
0x8e: {  	v2 =	vld [tilespmem:s29+$0xFFFFFFE0];
	_ =	sdelay $0x3  }
0x8f: {  	v3 =	vld [tilespmem:s31+$0xFFFFFFE0]  }
0x90: {  	v2 =	vsub.f32 v2, v1;
	_ =	sdelay $0x1  }
0x91: {  	v2 =	vmul.f32 v2, v0;
	_ =	sdelay $0x1  }
0x92: {  	v1 =	vadd.f32 v2, v1;
	_ =	sdelay $0x1  }
0x93: {  	v1 =	vmul.f32 v1, v3;
	_ =	sdelay $0x1  }
0x94: {  	[tilespmem:s31+$0xFFFFFFE0] =	vst v1  }
0x95: {  	v1 =	vld [tilespmem:s30+$0xFFFFFFF0]  }
0x96: {  	v2 =	vld [tilespmem:s29+$0xFFFFFFF0];
	_ =	sdelay $0x2  }
0x97: {  	v3 =	vld [tilespmem:s31+$0xFFFFFFF0];
	_ =	sdelay $0x1  }
0x98: {  	v2 =	vsub.f32 v2, v1;
	_ =	sdelay $0x1  }
0x99: {  	v2 =	vmul.f32 v2, v0;
	_ =	sdelay $0x1  }
0x9a: {  	v1 =	vadd.f32 v2, v1;
	_ =	sdelay $0x1  }
0x9b: {  	v1 =	vmul.f32 v1, v3;
	_ =	sdelay $0x1  }
0x9c: {  	[tilespmem:s31+$0xFFFFFFF0] =	vst v1  }
0x9d: {  	v1 =	vld [tilespmem:s30+$0x0]  }
0x9e: {  	v2 =	vld [tilespmem:s29+$0x0];
	_ =	sdelay $0x1  }
0x9f: {  	v3 =	vld [tilespmem:s31+$0x0];
	_ =	sdelay $0x2  }
0xa0: {  	v2 =	vsub.f32 v2, v1;
	_ =	sdelay $0x1  }
0xa1: {  	v2 =	vmul.f32 v2, v0;
	_ =	sdelay $0x1  }
0xa2: {  	v1 =	vadd.f32 v2, v1;
	_ =	sdelay $0x1  }
0xa3: {  	v1 =	vmul.f32 v1, v3;
	_ =	sdelay $0x1  }
0xa4: {  	[tilespmem:s31+$0x0] =	vst v1  }
0xa5: {  	v1 =	vld [tilespmem:s30+$0x10]  }
0xa6: {  	v2 =	vld [tilespmem:s29+$0x10]  }
0xa7: {  	v3 =	vld [tilespmem:s31+$0x10];
	_ =	sdelay $0x3  }
0xa8: {  	v2 =	vsub.f32 v2, v1;
	_ =	sdelay $0x1  }
0xa9: {  	v2 =	vmul.f32 v2, v0;
	_ =	sdelay $0x1  }
0xaa: {  	v1 =	vadd.f32 v2, v1;
	_ =	sdelay $0x1  }
0xab: {  	v1 =	vmul.f32 v1, v3;
	_ =	sdelay $0x1  }
0xac: {  	[tilespmem:s31+$0x10] =	vst v1;
	v1 =	vld [tilespmem:s31+$0x20]  }
0xad: {  	v2 =	vld [tilespmem:s30+$0x20]  }
0xae: {  	v3 =	vld [tilespmem:s29+$0x20];
	_ =	sdelay $0x4  }
0xaf: {  	v3 =	vsub.f32 v3, v2;
	_ =	sdelay $0x1  }
0xb0: {  	v3 =	vmul.f32 v3, v0;
	_ =	sdelay $0x1  }
0xb1: {  	v2 =	vadd.f32 v3, v2;
	_ =	sdelay $0x1  }
0xb2: {  	v1 =	vmul.f32 v2, v1;
	_ =	sdelay $0x1  }
0xb3: {  	[tilespmem:s31+$0x20] =	vst v1;
	v1 =	vld [tilespmem:s31+$0x30]  }
0xb4: {  	v2 =	vld [tilespmem:s30+$0x30]  }
0xb5: {  	v3 =	vld [tilespmem:s29+$0x30]  }
.Ltmp0:
0xb6: {  	(pc) =	sbr.rel @p1 .LBB2_3-.Ltmp0, $2  }
0xb7: {  	_ =	sdelay $0x2  }
0xb8: {  	v3 =	vsub.f32 v3, v2  }
0xb9: {  	_ = 	snop  }
0xba: {  	v0 =	vmul.f32 v3, v0;
	_ =	sdelay $0x1  }
0xbb: {  	v0 =	vadd.f32 v0, v2;
	_ =	sdelay $0x1  }
0xbc: {  	s28 =	sadd.s32 $0x1, s28;
	v0 =	vmul.f32 v0, v1  }
0xbd: {  	p1 =	sne.s32 s28, $0x7D  }
.Ltmp1:
0xbe: {  	[tilespmem:s0+$0x30] =	vst v0;
	(pc) =	sbr.rel @p1 .LBB2_2-.Ltmp1, $4  }
0xbf: {  	[spmem:s1] =	stream.indirect.scatter.add.f32 [tilespmem:s23], [sflag:$0x2], $0x80, s19, s22, $0xb8;
	[tilespmem:$0x1B280] =	vst v63  }
0xc0: {  	_ =	swait.ge [sflag:s18], $0x2800  }
0xc1: {  	[sflag:s18] =	ssyncset.done $0x0  }
0xc2: {  	[sflag:s18] =	ssyncadd.s32 $0xFFFFD800  }
0xc3: {  	s2 =	sadd.s32 $0x1, s2  }
0xc4: {  	p1 =	sne.s32 s2, s14  }
.Ltmp2:
0xc5: {  	[bflag:$0x0] =	sbarrier.arrive $0xFFFF;
	s0 =	simm.s32 @!p0 $0x2;
	(pc) =	sbr.rel @p1 .LBB2_1-.Ltmp2, $4  }
0xc6: {  	[hbm:s13], [sflag:s15] =	dma.local @!p0 [spmem:s16], $0x3E80  }
0xc7: {  	_ =	swait.ge @!p0 [sflag:s0], $0x3E80  }
0xc8: {  	[sflag:s0] =	ssyncset.done @!p0 $0x0  }
0xc9: {  	[sflag:s0] =	ssyncadd.s32 @!p0 $0xFFFFC180  }
0xca: {  	_ =	sfence.sel $0x180000  }
0xcb: {  	[bflag:$0x0] =	sbarrier.arrive $0xFFFF  }
0xcc: {  	_ =	strace $0x9000004A  }
0xcd: {  	s0 =	stileid.u32;
	[bflag:$0x2] =	sbarrier.arrive $0xFFFF  }
0xce: {  	p0 =	sne.s32 s0, $0x0;
	s0 =	rddreg [dreg:$0x2]  }
0xcf: {  	s0 =	sadd.s32 @!p0 $0x100000, s0  }
0xd0: {  	[sflag:s0] =	ssyncadd.tile.s32 @!p0 $0x1;
	_ =	shalt  }
.Lfunc_end2:
_tile_overlayer_lowered:
.L_overlay_start_2:
0xd1: {  	(tag) =	ssettag $0x2  }
0xd2: {  	s0 =	rddreg [dreg:$0x0];
	s2 =	stileid.u32  }
0xd3: {  	s1 =	rddreg [dreg:$0x1];
	p0 =	sne.s32 s2, $0x0  }
0xd4: {  	s3 =	rddreg [dreg:$0x2];
	[bflag:$0x3] =	sbarrier.arrive $0xFFFF;
	s2 =	simm.s32 @!p0 $0x1C02  }
0xd5: {  	[timem:s3], [sflag:s2] =	dma.local @!p0 [hbm:s0], s1  }
0xd6: {  	s0 =	simm.s32 @!p0 $0x2  }
0xd7: {  	_ =	swait.ge @!p0 [sflag:s0], s1  }
0xd8: {  	s1 =	ssub.s32 @!p0 $0x0, s1;
	[sflag:s0] =	ssyncset.done @!p0 $0x0  }
0xd9: {  	[sflag:s0] =	ssyncadd.s32 @!p0 s1  }
0xda: {  	[bflag:$0x3] =	sbarrier.arrive $0xFFFF  }
0xdb: {  	_ =	shalt  }

// kernel: kernel.21.cloned.1.call-start
scs
__scs_entry_jumppad:
0x0: {  	(pc) =	sbr.rel $0x88, $3  }
0x1: {  	(tag) =	ssettag $0x0;
	lr =	simm.s32 $0x1  }
0x2: {  	[smem:$0x3F84] =	sst lr;
	_ =	strace $0xD0000000  }
0x3: {  	_ = 	snop  }
0x4: {  	_ = 	snop  }
0x5: {  	_ = 	snop  }
0x6: {  	_ = 	snop  }
0x7: {  	_ = 	snop  }
__scs_overlays_trampoline_lowered:
0x8: {  	[smem:$0x3F93] =	sst s0  }
0x9: {  	[smem:$0x3F94] =	sst s1  }
0xa: {  	[smem:$0x3F95] =	sst s2  }
0xb: {  	[smem:$0x3F96] =	sst s3  }
0xc: {  	[smem:$0x3F97] =	sst s4  }
0xd: {  	[smem:$0x3F98] =	sst s5  }
0xe: {  	[smem:$0x3F99] =	sst s6  }
0xf: {  	[smem:$0x3F9A] =	sst s7  }
0x10: {  	[smem:$0x3F9B] =	sst s8  }
0x11: {  	[smem:$0x3F9C] =	sst s9;
	s0 =	simm.s32 @!p0 $0x0  }
0x12: {  	s1 =	sld [smem:$0x3F82];
	s0 =	simm.s32 @p0 $0x1  }
0x13: {  	[smem:$0x3F9D] =	sst s0;
	s0 =	simm.s32 @!p1 $0x0  }
0x14: {  	s2 =	sld [smem:$0x3F81];
	s0 =	simm.s32 @p1 $0x1  }
0x15: {  	[smem:$0x3F9E] =	sst s0;
	s0 =	simm.s32 @!p2 $0x0  }
0x16: {  	s3 =	sld [smem:$0x3FDB];
	s0 =	simm.s32 @p2 $0x1  }
0x17: {  	s4 =	simm.s32 $0x1BF5;
	[smem:$0x3FA0] =	sst s0  }
0x18: {  	s0 =	sld [smem:$0x3F83];
	_ =	swait.ge [sflag:s4], $0x0  }
0x19: {  	s7 =	sld [smem:$0x3F84]  }
0x1a: {  	s8 =	sadd.s32 $0xFFFFE003, lr  }
0x1b: {  	s9 =	sadd.s32 $0xFFFFFEF7, lr;
	s5 =	simm.s32 $0xFFFFFFFF;
	p2 =	slt.u32 s8, $0xFFFFF086  }
0x1c: {  	p1 =	slt.u32 s9, $0xF7A;
	s5 =	simm.s32 @!p2 $0x0  }
0x1d: {  	s5 =	simm.s32 @p1 $0x1;
	p0 =	seq.s32 s7, s2  }
0x1e: {  	s7 =	smul.u32 @!p0 $0xF7A, s2;
	p2 =	seq.s32 @!p0 s5, $0x0  }
0x1f: {  	s9 =	smul.u32 $0xF7A, s1;
	s8 =	simm.s32 @!p0 $0x1BF5;
	p2 =	por !p2, p0  }
0x20: {  	[sflag:s8] =	ssyncset.s32 @!p0 $0xFFFFF086;
	s6 =	sadd.s32 @!p0 s3, s7;
	s7 =	simm.s32 @!p0 $0x108  }
0x21: {  	s3 =	sadd.s32 s3, s9;
	s6 =	sadd.s32 @!p0 $0x88, s6;
	s7 =	simm.s32 @p2 $0x1082  }
0x22: {  	[simem:s7], [sflag:s8] =	dma.local @!p0 [hbm:s6], $0xF7A  }
0x23: {  	s9 =	sor.u32 $0xD0000000, s2;
	s6 =	simm.s32 $0x108;
	_ =	swait.ge @!p0 [sflag:s8], $0x0  }
0x24: {  	s3 =	sadd.s32 $0x88, s3;
	s6 =	simm.s32 @!p1 $0x1082;
	[sflag:s4] =	ssyncset.s32 $0xFFFFF086  }
0x25: {  	[simem:s6], [sflag:s4] =	dma.local [hbm:s3], $0xF7A  }
0x26: {  	[smem:$0x3F84] =	sst s1;
	(tag) =	ssettag s2;
	_ =	strace s9  }
0x27: {  	s1 =	sld [smem:$0x3F94]  }
0x28: {  	s2 =	sld [smem:$0x3F95]  }
0x29: {  	s4 =	sld [smem:$0x3F97]  }
0x2a: {  	p0 =	seq.s32 s5, $0x0;
	s5 =	sld [smem:$0x3F98]  }
0x2b: {  	s6 =	sld [smem:$0x3F99]  }
0x2c: {  	s7 =	sld [smem:$0x3F9A]  }
0x2d: {  	s3 =	simm.s32 $0x108;
	s8 =	sld [smem:$0x3F9B]  }
0x2e: {  	s3 =	simm.s32 @!p0 $0x1082;
	s9 =	sld [smem:$0x3F9C]  }
0x2f: {  	lr =	sadd.s32 s0, s3;
	s0 =	sld [smem:$0x3F93]  }
0x30: {  	s3 =	sld [smem:$0x3F96]  }
0x31: {  	[smem:$0x3F9F] =	sst s10  }
0x32: {  	s10 =	sld [smem:$0x3F9D];
	_ =	sdelay $0x3  }
0x33: {  	p0 =	seq.s32 s10, $0x1;
	s10 =	sld [smem:$0x3F9F];
	_ =	sdelay $0x3  }
0x34: {  	[smem:$0x3F9F] =	sst s10  }
0x35: {  	s10 =	sld [smem:$0x3F9E];
	_ =	sdelay $0x3  }
0x36: {  	p1 =	seq.s32 s10, $0x1;
	s10 =	sld [smem:$0x3F9F];
	_ =	sdelay $0x3  }
0x37: {  	[smem:$0x3F9F] =	sst s10  }
0x38: {  	s10 =	sld [smem:$0x3FA0]  }
0x39: {  	_ = 	snop;
	(pc) =	sbr.ind lr, $3  }
0x3a: {  	_ = 	snop  }
0x3b: {  	_ = 	snop  }
0x3c: {  	p2 =	seq.s32 s10, $0x1;
	s10 =	sld [smem:$0x3F9F]  }
0x3d: {  	_ =	shalt  }
0x3e: {  	_ =	shalt  }
0x3f: {  	_ =	shalt  }
0x40: {  	_ =	shalt  }
0x41: {  	_ =	shalt  }
0x42: {  	_ =	shalt  }
0x43: {  	_ =	shalt  }
0x44: {  	_ =	shalt  }
0x45: {  	_ =	shalt  }
0x46: {  	_ =	shalt  }
0x47: {  	_ =	shalt  }
0x48: {  	_ =	shalt  }
0x49: {  	_ =	shalt  }
0x4a: {  	_ =	shalt  }
0x4b: {  	_ =	shalt  }
0x4c: {  	_ =	shalt  }
0x4d: {  	_ =	shalt  }
0x4e: {  	_ =	shalt  }
0x4f: {  	_ =	shalt  }
0x50: {  	_ =	shalt  }
0x51: {  	_ =	shalt  }
0x52: {  	_ =	shalt  }
0x53: {  	_ =	shalt  }
0x54: {  	_ =	shalt  }
0x55: {  	_ =	shalt  }
0x56: {  	_ =	shalt  }
0x57: {  	_ =	shalt  }
0x58: {  	_ =	shalt  }
0x59: {  	_ =	shalt  }
0x5a: {  	_ =	shalt  }
0x5b: {  	_ =	shalt  }
0x5c: {  	_ =	shalt  }
0x5d: {  	_ =	shalt  }
0x5e: {  	_ =	shalt  }
0x5f: {  	_ =	shalt  }
0x60: {  	_ =	shalt  }
0x61: {  	_ =	shalt  }
0x62: {  	_ =	shalt  }
0x63: {  	_ =	shalt  }
0x64: {  	_ =	shalt  }
0x65: {  	_ =	shalt  }
0x66: {  	_ =	shalt  }
0x67: {  	_ =	shalt  }
0x68: {  	_ =	shalt  }
0x69: {  	_ =	shalt  }
0x6a: {  	_ =	shalt  }
0x6b: {  	_ =	shalt  }
0x6c: {  	_ =	shalt  }
0x6d: {  	_ =	shalt  }
0x6e: {  	_ =	shalt  }
0x6f: {  	_ =	shalt  }
0x70: {  	_ =	shalt  }
0x71: {  	_ =	shalt  }
0x72: {  	_ =	shalt  }
0x73: {  	_ =	shalt  }
0x74: {  	_ =	shalt  }
0x75: {  	_ =	shalt  }
0x76: {  	_ =	shalt  }
0x77: {  	_ =	shalt  }
0x78: {  	_ =	shalt  }
0x79: {  	_ =	shalt  }
0x7a: {  	_ =	shalt  }
0x7b: {  	_ =	shalt  }
0x7c: {  	_ =	shalt  }
0x7d: {  	_ =	shalt  }
0x7e: {  	_ =	shalt  }
0x7f: {  	_ =	shalt  }
0x80: {  	_ =	shalt  }
0x81: {  	_ =	shalt  }
0x82: {  	_ =	shalt  }
0x83: {  	_ =	shalt  }
0x84: {  	_ =	shalt  }
0x85: {  	_ =	shalt  }
0x86: {  	_ =	shalt  }
0x87: {  	_ =	shalt  }
.Lfunc_end0:
.L_simem_size_0:
called_computation.3_lowered:
.L_overlay_start_0:
0x88: {  	s2 =	sld [smem:$0x3FD9]  }
0x89: {  	s3 =	sld [smem:$0x3FFE];
	_ =	sdelay $0x1  }
0x8a: {  	s1 =	srdreg.scid  }
0x8b: {  	s0 =	sand.u32 $0x1, s1  }
0x8c: {  	s17 =	sshll.u32 s0, $0xA;
	s2 =	sadd.s32 s3, s2  }
0x8d: {  	s2 =	sadd.s32 s2, s17  }
0x8e: {  	[smem:$0x3FAB] =	sst s2  }
0x8f: {  	_ = 	snop  }
0x90: {  	(tm) =	ssettm $0x1  }
0x91: {  	s18 =	sld [smem:$0x3FFB];
	_ =	sdelay $0x3  }
0x92: {  	_ =	strace s18  }
0x93: {  	s2 =	sld [smem:$0x3FFC];
	_ =	sdelay $0x3  }
0x94: {  	_ =	strace s2  }
0x95: {  	s2 =	sld [smem:$0x3FFD];
	_ =	sdelay $0x3  }
0x96: {  	_ =	strace s2  }
0x97: {  	_ =	strace $0x8FFFFFFF  }
0x98: {  	s19 =	sld [smem:$0x3FDB];
	_ =	sdelay $0x1  }
0x99: {  	s20 =	simm.s32 $_scs_section_size  }
0x9a: {  	s4 =	simm.s32 $_size__tile_overlayer_lowered;
	s5 =	simm.s32 $_tile_overlayer_lowered  }
0x9b: {  	s6 =	simm.s32 $0x1BFF;
	s21 =	sshll.u32 s5, $0x1;
	s3 =	sadd.s32 s20, s19  }
0x9c: {  	s22 =	simm.s32 $0x0;
	s4 =	sshll.u32 s4, $0x1;
	s5 =	sadd.s32 s21, s3  }
0x9d: {  	[timem:s22], [sflag:s6] =	dma.local [hbm:s5], s4  }
0x9e: {  	_ =	swait.ge [sflag:s6], s4  }
0x9f: {  	s4 =	ssub.s32 $0x0, s4;
	[sflag:s6] =	ssyncset.done $0x0  }
0xa0: {  	[sflag:s6] =	ssyncadd.s32 s4;
	_ =	sdelay $0x1  }
0xa1: {  	s23 =	simm.s32 $0x1B8B  }
0xa2: {  	_ =	swait.ge [sflag:s23], $0x1  }
0xa3: {  	[sflag:s23] =	ssyncset.done $0x0  }
0xa4: {  	[sflag:s23] =	ssyncadd.s32 $0xFFFFFFFF  }
0xa5: {  	s4 =	sld [smem:$0x0]  }
0xa6: {  	s5 =	sand.u32 $0xFFFFFFFE, s1  }
0xa7: {  	p0 =	sne.s32 s1, s5  }
0xa8: {  	s5 =	sshll.u32 @p0 s5, $0xE  }
0xa9: {  	s5 =	sadd.s32 @p0 $0x11B8D, s5;
	s6 =	sshll.u32 @p0 s4, $0x11  }
0xaa: {  	s5 =	sor.u32 @p0 s6, s5  }
0xab: {  	[sflag:s5] =	ssyncadd.remote.s32 @p0 $0x1;
	_ =	sdelay $0x1  }
0xac: {  	s5 =	simm.s32 @p0 $0x1B8D  }
0xad: {  	_ =	swait.eq @p0 [sflag:s5], $0x1  }
0xae: {  	[sflag:s5] =	ssyncadd.s32 @p0 $0xFFFFFFFF  }
0xaf: {  	s6 =	sshll.u32 @!p0 s1, $0xE  }
0xb0: {  	s6 =	sor.u32 @!p0 $0x4000, s6;
	s5 =	simm.s32 @!p0 $0x1B8D  }
0xb1: {  	s4 =	sshll.u32 @!p0 s4, $0x11;
	s6 =	sadd.s32 @!p0 $0x11B8D, s6;
	_ =	swait.eq @!p0 [sflag:s5], $0x1  }
0xb2: {  	s4 =	sor.u32 @!p0 s4, s6;
	[sflag:s5] =	ssyncadd.s32 @!p0 $0xFFFFFFFF  }
0xb3: {  	s25 =	simm.s32 $0x1B8E;
	s24 =	sld [smem:$0x3FFE];
	[sflag:s4] =	ssyncadd.remote.s32 @!p0 $0x1  }
0xb4: {  	s26 =	simm.s32 $execute0_lowered;
	[smem:$0x3FD2] =	sst s25  }
0xb5: {  	s5 =	sshll.u32 s26, $0x1;
	_ =	strace $0x80000052;
	[dreg:$0x1] =	wrdreg $0xFFFFFFFF  }
0xb6: {  	s28 =	simm.s32 $_size_execute0_lowered;
	s3 =	sadd.s32 s3, s5;
	[dreg:$0x0] =	wrdreg $0x0  }
0xb7: {  	s5 =	sshll.u32 s28, $0x1;
	[dreg:$0x2] =	wrdreg s3  }
0xb8: {  	[dreg:$0x3] =	wrdreg s5  }
0xb9: {  	[dreg:$0x4] =	wrdreg $0xC0  }
0xba: {  	_ =	task [dreg:s22], $0x5FFFF  }
0xbb: {  	[dreg:$0x1] =	wrdreg $0xFFFFFFFF  }
0xbc: {  	[dreg:$0x0] =	wrdreg $0x60  }
0xbd: {  	[dreg:$0x2] =	wrdreg s24  }
0xbe: {  	[dreg:$0x3] =	wrdreg $0x0  }
0xbf: {  	[dreg:$0x4] =	wrdreg $0xB  }
0xc0: {  	_ =	task.clear_ibuf [dreg:s22], $0x5FFFF;
	_ =	strace $0x90000052  }
0xc1: {  	s29 =	simm.s32 $0xB;
	_ =	strace $0x80000054  }
0xc2: {  	_ =	swait.ge [sflag:s29], $0x1  }
0xc3: {  	[sflag:s29] =	ssyncadd.s32 $0xFFFFFFFF  }
0xc4: {  	_ =	strace $0x90000054  }
0xc5: {  	_ =	sfence  }
0xc6: {  	s30 =	sld [smem:$0x0];
	_ =	sdelay $0x2  }
0xc7: {  	s31 =	sshll.u32 s1, $0xD;
	s1 =	sshrl.u32 s1, $0x2  }
0xc8: {  	s4 =	sand.u32 $0x4000, s31;
	s1 =	sadd.s32 s1, s30  }
0xc9: {  	s0 =	sor.u32 s4, s0;
	s1 =	sshll.u32 s1, $0x11  }
0xca: {  	s0 =	sor.u32 s1, s0  }
0xcb: {  	s0 =	sadd.s32 $0x8F2B, s0  }
0xcc: {  	[sflag:s0] =	ssyncadd.remote.s32 $0x1  }
0xcd: {  	_ =	sfence.sel $0xFFFF  }
0xce: {  	[dreg:$0x0] =	wrdreg $0xFFFFFFFF;
	(pc) =	sbr.abs _section_cstart, $3  }
0xcf: {  	[dreg:$0x1] =	wrdreg $0xFFFFFFFF  }
0xd0: {  	_ =	task.clear_ibuf [dreg:s22], $0x2FFFF;
	_ =	strace $0x9FFFFFFF  }
0xd1: {  	(tm) =	ssettm $0x7FFFFFFF  }
tec
execute0_lowered:
.L_overlay_start_1:
0x0: {  	(tag) =	ssettag $0x1  }
0x1: {  	s0 =	rddreg [dreg:$0x0]  }
0x2: {  	s1 =	rddreg [dreg:$0x1];
	s2 =	simm.s32 $0x0;
	s3 =	srdreg.scid  }
0x3: {  	s15 =	stileid.u32;
	s17 =	simm.s32 $0x13880;
	s18 =	simm.s32 $0x2  }
0x4: {  	s19 =	simm.s32 $0x13900;
	s20 =	simm.s32 $0x13980;
	s21 =	simm.s32 $0x13A00  }
0x5: {  	s22 =	simm.s32 $0x50;
	s23 =	simm.s32 $0x13A80;
	s24 =	simm.s32 $0x16280  }
0x6: {  	s25 =	simm.s32 $0x18A80;
	s26 =	simm.s32 $0x1;
	[smem:$0x7FF] =	sst s2  }
0x7: {  	s3 =	sand.u32 $0x1, s3;
	s4 =	sadd.s32 $0x434200, s0;
	s5 =	sadd.s32 $0x61200, s0  }
0x8: {  	s11 =	smul.u32 $0x1F400, s15;
	s6 =	sadd.s32 $0x608400, s0;
	s7 =	sadd.s32 $0x10200, s0  }
0x9: {  	s8 =	sadd.s32 $0x6400, s0;
	s9 =	sadd.s32 $0x4D600, s0;
	s12 =	smul.u32 $0x3E80, s15  }
0xa: {  	s13 =	smul.u32 $0x7D000, s15;
	p0 =	sgt.u32 s15, $0x9;
	_ =	strace $0x80000053  }
0xb: {  	s10 =	smul.u32 $0x138800, s3;
	s30 =	ssub.s32 $0x2, s3;
	s3 =	sshll.u32 s3, $0x4  }
0xc: {  	s12 =	sadd.s32 s12, s0;
	s14 =	sshrl.u32 s30, $0x1;
	s13 =	sshrl.u32 s13, $0x2  }
0xd: {  	s3 =	sor.u32 s15, s3;
	s11 =	sadd.s32 s11, s10;
	s10 =	sadd.s32 $0x57400, s0  }
0xe: {  	s14 =	ssub.s32 s30, s14;
	s16 =	sadd.s32 s13, s1;
	s11 =	sshrl.u32 s11, $0x3  }
0xf: {  	s31 =	sadd.s32 $0x161200, s12;
	s12 =	smul.u32 $0x2710, s3;
	s0 =	sadd.s32 s11, s0  }
0x10: {  	[dreg:$0x3] =	wrdreg s31;
	s13 =	sadd.s32 $0xE1200, s0;
	s0 =	sshll.u32 @!p0 s15, $0x6  }
0x11: {  	s14 =	smax.u32 s14, $0x1;
	s16 =	sshrl.u32 @!p0 s16, $0x3;
	s15 =	sor.u32 @!p0 $0x1C02, s0  }
.LBB2_1:
0x12: {  	s0 =	rddreg [dreg:$0x3]  }
0x13: {  	[spmem:s16], [sflag:s15] =	dma.local @!p0 [hbm:s0], $0x3E80  }
0x14: {  	s0 =	simm.s32 @!p0 $0x2  }
0x15: {  	_ =	swait.ge @!p0 [sflag:s0], $0x3E80  }
0x16: {  	[sflag:s0] =	ssyncset.done @!p0 $0x0  }
0x17: {  	[sflag:s0] =	ssyncadd.s32 @!p0 $0xFFFFC180  }
0x18: {  	s28 =	simm.s32 $0x0;
	[bflag:$0x0] =	sbarrier.arrive $0xFFFF  }
.LBB2_2:
0x19: {  	s0 =	smul.u32 $0x50, s28;
	_ =	sdelay $0x1  }
0x1a: {  	s0 =	sadd.s32 s12, s0  }
0x1b: {  	s0 =	sshrl.u32 s0, $0x3  }
0x1c: {  	s29 =	simm.s32 $0x0;
	s3 =	sadd.s32 s7, s0  }
0x1d: {  	[tilespmem:s17], [sflag:$0x2] =	stream.linear.gather [hbm4b:s3+s29], $0x50, $0x38;
	[tilespmem:$0x1B280] =	vst v63  }
0x1e: {  	_ =	swait.ge [sflag:s18], $0x50  }
0x1f: {  	[sflag:s18] =	ssyncset.done $0x0  }
0x20: {  	s11 =	sadd.s32 s8, s0;
	[sflag:s18] =	ssyncadd.s32 $0xFFFFFFB0  }
0x21: {  	[tilespmem:s19], [sflag:$0x2] =	stream.linear.gather [hbm4b:s11+s29], $0x50, $0x38;
	[tilespmem:$0x1B280] =	vst v63  }
0x22: {  	_ =	swait.ge [sflag:s18], $0x50  }
0x23: {  	[sflag:s18] =	ssyncset.done $0x0  }
0x24: {  	s11 =	sadd.s32 s9, s0;
	[sflag:s18] =	ssyncadd.s32 $0xFFFFFFB0  }
0x25: {  	[tilespmem:s20], [sflag:$0x2] =	stream.linear.gather [hbm4b:s11+s29], $0x50, $0x38;
	[tilespmem:$0x1B280] =	vst v63  }
0x26: {  	_ =	swait.ge [sflag:s18], $0x50  }
0x27: {  	[sflag:s18] =	ssyncset.done $0x0  }
0x28: {  	s0 =	sadd.s32 s10, s0;
	[sflag:s18] =	ssyncadd.s32 $0xFFFFFFB0  }
0x29: {  	[tilespmem:s21], [sflag:$0x2] =	stream.linear.gather [hbm4b:s0+s29], $0x50, $0x38;
	[tilespmem:$0x1B280] =	vst v63  }
0x2a: {  	_ =	swait.ge [sflag:s18], $0x50  }
0x2b: {  	[sflag:s18] =	ssyncset.done $0x0  }
0x2c: {  	[sflag:s18] =	ssyncadd.s32 $0xFFFFFFB0  }
0x2d: {  	[tilespmem:s23], [sflag:$0x1] =	stream.indirect.gather [hbm4b:s4+s22], $0x80, s17, s22, $0xb8;
	[tilespmem:$0x1B280] =	vst v63  }
0x2e: {  	_ = 	snop  }
0x2f: {  	[tilespmem:s24], [sflag:$0x1] =	stream.indirect.gather [hbm4b:s5+s22], $0x80, s20, s22, $0xb8;
	[tilespmem:$0x1B280] =	vst v63  }
0x30: {  	_ = 	snop  }
0x31: {  	[tilespmem:s25], [sflag:$0x1] =	stream.indirect.gather [hbm4b:s6+s22], $0x80, s20, s22, $0xb8;
	[tilespmem:$0x1B280] =	vst v63  }
0x32: {  	_ =	swait.ge [sflag:s26], $0x2800  }
0x33: {  	[sflag:s26] =	ssyncset.done $0x0  }
0x34: {  	[sflag:s26] =	ssyncadd.s32 $0xFFFFD800  }
0x35: {  	_ =	swait.ge [sflag:s26], $0x2800  }
0x36: {  	[sflag:s26] =	ssyncset.done $0x0  }
0x37: {  	[sflag:s26] =	ssyncadd.s32 $0xFFFFD800  }
0x38: {  	_ =	swait.ge [sflag:s26], $0x2800  }
0x39: {  	v0 =	vmov s29;
	[sflag:s26] =	ssyncset.done $0x0  }
0x3a: {  	s29 =	simm.s32 $0x18AC0;
	[sflag:s26] =	ssyncadd.s32 $0xFFFFD800  }
0x3b: {  	s30 =	simm.s32 $0x162C0;
	v1 =	vld [tilespmem:s29+$0xFFFFFFC0]  }
0x3c: {  	v2 =	vld [tilespmem:s30+$0xFFFFFFC0];
	_ =	sdelay $0x1  }
0x3d: {  	v0 =	vld.idx.msk [tilespmem:v0+s21+$0x0], $0xffff;
	_ =	sdelay $0x2  }
0x3e: {  	s31 =	simm.s32 $0x13AC0;
	v1 =	vsub.f32 v1, v2  }
0x3f: {  	v3 =	vld [tilespmem:s31+$0xFFFFFFC0]  }
0x40: {  	v1 =	vmul.f32 v1, v0;
	_ =	sdelay $0x1  }
0x41: {  	v1 =	vadd.f32 v1, v2;
	_ =	sdelay $0x1  }
0x42: {  	v1 =	vmul.f32 v1, v3;
	_ =	sdelay $0x1  }
0x43: {  	[tilespmem:s31+$0xFFFFFFC0] =	vst v1  }
0x44: {  	v1 =	vld [tilespmem:s30+$0xFFFFFFD0]  }
0x45: {  	v2 =	vld [tilespmem:s29+$0xFFFFFFD0];
	_ =	sdelay $0x4  }
0x46: {  	v2 =	vsub.f32 v2, v1  }
0x47: {  	v3 =	vld [tilespmem:s31+$0xFFFFFFD0]  }
0x48: {  	v2 =	vmul.f32 v2, v0;
	_ =	sdelay $0x1  }
0x49: {  	v1 =	vadd.f32 v2, v1;
	_ =	sdelay $0x1  }
0x4a: {  	v1 =	vmul.f32 v1, v3;
	_ =	sdelay $0x1  }
0x4b: {  	[tilespmem:s31+$0xFFFFFFD0] =	vst v1  }
0x4c: {  	v1 =	vld [tilespmem:s30+$0xFFFFFFE0]  }
0x4d: {  	v2 =	vld [tilespmem:s29+$0xFFFFFFE0];
	_ =	sdelay $0x4  }
0x4e: {  	v2 =	vsub.f32 v2, v1  }
0x4f: {  	v3 =	vld [tilespmem:s31+$0xFFFFFFE0]  }
0x50: {  	v2 =	vmul.f32 v2, v0;
	_ =	sdelay $0x1  }
0x51: {  	v1 =	vadd.f32 v2, v1;
	_ =	sdelay $0x1  }
0x52: {  	v1 =	vmul.f32 v1, v3;
	_ =	sdelay $0x1  }
0x53: {  	[tilespmem:s31+$0xFFFFFFE0] =	vst v1  }
0x54: {  	v1 =	vld [tilespmem:s30+$0xFFFFFFF0]  }
0x55: {  	v2 =	vld [tilespmem:s29+$0xFFFFFFF0];
	_ =	sdelay $0x4  }
0x56: {  	v2 =	vsub.f32 v2, v1  }
0x57: {  	v3 =	vld [tilespmem:s31+$0xFFFFFFF0]  }
0x58: {  	v2 =	vmul.f32 v2, v0;
	_ =	sdelay $0x1  }
0x59: {  	v1 =	vadd.f32 v2, v1;
	_ =	sdelay $0x1  }
0x5a: {  	v1 =	vmul.f32 v1, v3;
	_ =	sdelay $0x1  }
0x5b: {  	[tilespmem:s31+$0xFFFFFFF0] =	vst v1  }
0x5c: {  	v1 =	vld [tilespmem:s30+$0x0]  }
0x5d: {  	v2 =	vld [tilespmem:s29+$0x0];
	_ =	sdelay $0x4  }
0x5e: {  	v2 =	vsub.f32 v2, v1  }
0x5f: {  	v3 =	vld [tilespmem:s31+$0x0]  }
0x60: {  	v2 =	vmul.f32 v2, v0;
	_ =	sdelay $0x1  }
0x61: {  	v1 =	vadd.f32 v2, v1;
	_ =	sdelay $0x1  }
0x62: {  	v1 =	vmul.f32 v1, v3;
	_ =	sdelay $0x1  }
0x63: {  	[tilespmem:s31+$0x0] =	vst v1  }
0x64: {  	v1 =	vld [tilespmem:s30+$0x10]  }
0x65: {  	v2 =	vld [tilespmem:s29+$0x10];
	_ =	sdelay $0x4  }
0x66: {  	v2 =	vsub.f32 v2, v1  }
0x67: {  	v3 =	vld [tilespmem:s31+$0x10]  }
0x68: {  	v2 =	vmul.f32 v2, v0;
	_ =	sdelay $0x1  }
0x69: {  	v1 =	vadd.f32 v2, v1;
	_ =	sdelay $0x1  }
0x6a: {  	v1 =	vmul.f32 v1, v3;
	_ =	sdelay $0x1  }
0x6b: {  	[tilespmem:s31+$0x10] =	vst v1  }
0x6c: {  	v1 =	vld [tilespmem:s30+$0x20]  }
0x6d: {  	v2 =	vld [tilespmem:s29+$0x20];
	_ =	sdelay $0x4  }
0x6e: {  	v2 =	vsub.f32 v2, v1  }
0x6f: {  	v3 =	vld [tilespmem:s31+$0x20]  }
0x70: {  	v2 =	vmul.f32 v2, v0;
	_ =	sdelay $0x1  }
0x71: {  	v1 =	vadd.f32 v2, v1;
	_ =	sdelay $0x1  }
0x72: {  	v1 =	vmul.f32 v1, v3;
	_ =	sdelay $0x1  }
0x73: {  	[tilespmem:s31+$0x20] =	vst v1  }
0x74: {  	v2 =	vld [tilespmem:s30+$0x30]  }
0x75: {  	v3 =	vld [tilespmem:s29+$0x30];
	_ =	sdelay $0x4  }
0x76: {  	s3 =	simm.s32 $0x1;
	s0 =	simm.s32 $0x13AC0;
	v1 =	vld [tilespmem:s31+$0x30];
	v3 =	vsub.f32 v3, v2  }
.LBB2_3:
0x77: {  	s29 =	sadd.s32 $0x80, s29;
	s31 =	sadd.s32 $0x80, s31;
	s30 =	sadd.s32 $0x80, s30  }
0x78: {  	p1 =	sne.s32 s3, $0x4F;
	s11 =	smov.u32 s3;
	s3 =	sadd.s32 $0x1, s3;
	v0 =	vmul.f32 v3, v0  }
0x79: {  	_ = 	snop  }
0x7a: {  	v0 =	vadd.f32 v0, v2;
	_ =	sdelay $0x1  }
0x7b: {  	v2 =	vmov s11;
	v0 =	vmul.f32 v0, v1;
	_ =	sdelay $0x1  }
0x7c: {  	[tilespmem:s0+$0x30] =	vst v0;
	s0 =	smov.u32 s31  }
0x7d: {  	v1 =	vld [tilespmem:s29+$0xFFFFFFC0]  }
0x7e: {  	v3 =	vld [tilespmem:s30+$0xFFFFFFC0]  }
0x7f: {  	v0 =	vld.idx.msk [tilespmem:v2+s21+$0x0], $0xffff;
	_ =	sdelay $0x3  }
0x80: {  	v1 =	vsub.f32 v1, v3  }
0x81: {  	v2 =	vld [tilespmem:s31+$0xFFFFFFC0]  }
0x82: {  	v1 =	vmul.f32 v1, v0;
	_ =	sdelay $0x1  }
0x83: {  	v1 =	vadd.f32 v1, v3;
	_ =	sdelay $0x1  }
0x84: {  	v1 =	vmul.f32 v1, v2;
	_ =	sdelay $0x1  }
0x85: {  	[tilespmem:s31+$0xFFFFFFC0] =	vst v1  }
0x86: {  	v1 =	vld [tilespmem:s30+$0xFFFFFFD0]  }
0x87: {  	v2 =	vld [tilespmem:s29+$0xFFFFFFD0];
	_ =	sdelay $0x4  }
0x88: {  	v3 =	vld [tilespmem:s31+$0xFFFFFFD0];
	v2 =	vsub.f32 v2, v1;
	_ =	sdelay $0x1  }
0x89: {  	v2 =	vmul.f32 v2, v0;
	_ =	sdelay $0x1  }
0x8a: {  	v1 =	vadd.f32 v2, v1;
	_ =	sdelay $0x1  }
0x8b: {  	v1 =	vmul.f32 v1, v3;
	_ =	sdelay $0x1  }
0x8c: {  	[tilespmem:s31+$0xFFFFFFD0] =	vst v1  }
0x8d: {  	v1 =	vld [tilespmem:s30+$0xFFFFFFE0]  }
0x8e: {  	v2 =	vld [tilespmem:s29+$0xFFFFFFE0];
	_ =	sdelay $0x3  }
0x8f: {  	v3 =	vld [tilespmem:s31+$0xFFFFFFE0]  }
0x90: {  	v2 =	vsub.f32 v2, v1;
	_ =	sdelay $0x1  }
0x91: {  	v2 =	vmul.f32 v2, v0;
	_ =	sdelay $0x1  }
0x92: {  	v1 =	vadd.f32 v2, v1;
	_ =	sdelay $0x1  }
0x93: {  	v1 =	vmul.f32 v1, v3;
	_ =	sdelay $0x1  }
0x94: {  	[tilespmem:s31+$0xFFFFFFE0] =	vst v1  }
0x95: {  	v1 =	vld [tilespmem:s30+$0xFFFFFFF0]  }
0x96: {  	v2 =	vld [tilespmem:s29+$0xFFFFFFF0];
	_ =	sdelay $0x2  }
0x97: {  	v3 =	vld [tilespmem:s31+$0xFFFFFFF0];
	_ =	sdelay $0x1  }
0x98: {  	v2 =	vsub.f32 v2, v1;
	_ =	sdelay $0x1  }
0x99: {  	v2 =	vmul.f32 v2, v0;
	_ =	sdelay $0x1  }
0x9a: {  	v1 =	vadd.f32 v2, v1;
	_ =	sdelay $0x1  }
0x9b: {  	v1 =	vmul.f32 v1, v3;
	_ =	sdelay $0x1  }
0x9c: {  	[tilespmem:s31+$0xFFFFFFF0] =	vst v1  }
0x9d: {  	v1 =	vld [tilespmem:s30+$0x0]  }
0x9e: {  	v2 =	vld [tilespmem:s29+$0x0];
	_ =	sdelay $0x1  }
0x9f: {  	v3 =	vld [tilespmem:s31+$0x0];
	_ =	sdelay $0x2  }
0xa0: {  	v2 =	vsub.f32 v2, v1;
	_ =	sdelay $0x1  }
0xa1: {  	v2 =	vmul.f32 v2, v0;
	_ =	sdelay $0x1  }
0xa2: {  	v1 =	vadd.f32 v2, v1;
	_ =	sdelay $0x1  }
0xa3: {  	v1 =	vmul.f32 v1, v3;
	_ =	sdelay $0x1  }
0xa4: {  	[tilespmem:s31+$0x0] =	vst v1  }
0xa5: {  	v1 =	vld [tilespmem:s30+$0x10]  }
0xa6: {  	v2 =	vld [tilespmem:s29+$0x10]  }
0xa7: {  	v3 =	vld [tilespmem:s31+$0x10];
	_ =	sdelay $0x3  }
0xa8: {  	v2 =	vsub.f32 v2, v1;
	_ =	sdelay $0x1  }
0xa9: {  	v2 =	vmul.f32 v2, v0;
	_ =	sdelay $0x1  }
0xaa: {  	v1 =	vadd.f32 v2, v1;
	_ =	sdelay $0x1  }
0xab: {  	v1 =	vmul.f32 v1, v3;
	_ =	sdelay $0x1  }
0xac: {  	[tilespmem:s31+$0x10] =	vst v1;
	v1 =	vld [tilespmem:s31+$0x20]  }
0xad: {  	v2 =	vld [tilespmem:s30+$0x20]  }
0xae: {  	v3 =	vld [tilespmem:s29+$0x20];
	_ =	sdelay $0x4  }
0xaf: {  	v3 =	vsub.f32 v3, v2;
	_ =	sdelay $0x1  }
0xb0: {  	v3 =	vmul.f32 v3, v0;
	_ =	sdelay $0x1  }
0xb1: {  	v2 =	vadd.f32 v3, v2;
	_ =	sdelay $0x1  }
0xb2: {  	v1 =	vmul.f32 v2, v1;
	_ =	sdelay $0x1  }
0xb3: {  	[tilespmem:s31+$0x20] =	vst v1;
	v1 =	vld [tilespmem:s31+$0x30]  }
0xb4: {  	v2 =	vld [tilespmem:s30+$0x30]  }
0xb5: {  	v3 =	vld [tilespmem:s29+$0x30]  }
.Ltmp0:
0xb6: {  	(pc) =	sbr.rel @p1 .LBB2_3-.Ltmp0, $2  }
0xb7: {  	_ =	sdelay $0x2  }
0xb8: {  	v3 =	vsub.f32 v3, v2  }
0xb9: {  	_ = 	snop  }
0xba: {  	v0 =	vmul.f32 v3, v0;
	_ =	sdelay $0x1  }
0xbb: {  	v0 =	vadd.f32 v0, v2;
	_ =	sdelay $0x1  }
0xbc: {  	s28 =	sadd.s32 $0x1, s28;
	v0 =	vmul.f32 v0, v1  }
0xbd: {  	p1 =	sne.s32 s28, $0x7D  }
.Ltmp1:
0xbe: {  	[tilespmem:s0+$0x30] =	vst v0;
	(pc) =	sbr.rel @p1 .LBB2_2-.Ltmp1, $4  }
0xbf: {  	[spmem:s1] =	stream.indirect.scatter.add.f32 [tilespmem:s23], [sflag:$0x2], $0x80, s19, s22, $0xb8;
	[tilespmem:$0x1B280] =	vst v63  }
0xc0: {  	_ =	swait.ge [sflag:s18], $0x2800  }
0xc1: {  	[sflag:s18] =	ssyncset.done $0x0  }
0xc2: {  	[sflag:s18] =	ssyncadd.s32 $0xFFFFD800  }
0xc3: {  	s2 =	sadd.s32 $0x1, s2  }
0xc4: {  	p1 =	sne.s32 s2, s14  }
.Ltmp2:
0xc5: {  	[bflag:$0x0] =	sbarrier.arrive $0xFFFF;
	s0 =	simm.s32 @!p0 $0x2;
	(pc) =	sbr.rel @p1 .LBB2_1-.Ltmp2, $4  }
0xc6: {  	[hbm:s13], [sflag:s15] =	dma.local @!p0 [spmem:s16], $0x3E80  }
0xc7: {  	_ =	swait.ge @!p0 [sflag:s0], $0x3E80  }
0xc8: {  	[sflag:s0] =	ssyncset.done @!p0 $0x0  }
0xc9: {  	[sflag:s0] =	ssyncadd.s32 @!p0 $0xFFFFC180  }
0xca: {  	_ =	sfence.sel $0x180000  }
0xcb: {  	[bflag:$0x0] =	sbarrier.arrive $0xFFFF  }
0xcc: {  	_ =	strace $0x90000053  }
0xcd: {  	s0 =	stileid.u32;
	[bflag:$0x2] =	sbarrier.arrive $0xFFFF  }
0xce: {  	p0 =	sne.s32 s0, $0x0;
	s0 =	rddreg [dreg:$0x2]  }
0xcf: {  	s0 =	sadd.s32 @!p0 $0x100000, s0  }
0xd0: {  	[sflag:s0] =	ssyncadd.tile.s32 @!p0 $0x1;
	_ =	shalt  }
.Lfunc_end2:
_tile_overlayer_lowered:
.L_overlay_start_2:
0xd1: {  	(tag) =	ssettag $0x2  }
0xd2: {  	s0 =	rddreg [dreg:$0x0];
	s2 =	stileid.u32  }
0xd3: {  	s1 =	rddreg [dreg:$0x1];
	p0 =	sne.s32 s2, $0x0  }
0xd4: {  	s3 =	rddreg [dreg:$0x2];
	[bflag:$0x3] =	sbarrier.arrive $0xFFFF;
	s2 =	simm.s32 @!p0 $0x1C02  }
0xd5: {  	[timem:s3], [sflag:s2] =	dma.local @!p0 [hbm:s0], s1  }
0xd6: {  	s0 =	simm.s32 @!p0 $0x2  }
0xd7: {  	_ =	swait.ge @!p0 [sflag:s0], s1  }
0xd8: {  	s1 =	ssub.s32 @!p0 $0x0, s1;
	[sflag:s0] =	ssyncset.done @!p0 $0x0  }
0xd9: {  	[sflag:s0] =	ssyncadd.s32 @!p0 s1  }
0xda: {  	[bflag:$0x3] =	sbarrier.arrive $0xFFFF  }
0xdb: {  	_ =	shalt  }

// kernel: kernel.24.cloned.1.call-start
scs
__scs_entry_jumppad:
0x0: {  	(pc) =	sbr.rel $0x88, $3  }
0x1: {  	(tag) =	ssettag $0x0;
	lr =	simm.s32 $0x1  }
0x2: {  	[smem:$0x3F84] =	sst lr;
	_ =	strace $0xD0000000  }
0x3: {  	_ = 	snop  }
0x4: {  	_ = 	snop  }
0x5: {  	_ = 	snop  }
0x6: {  	_ = 	snop  }
0x7: {  	_ = 	snop  }
__scs_overlays_trampoline_lowered:
0x8: {  	[smem:$0x3F93] =	sst s0  }
0x9: {  	[smem:$0x3F94] =	sst s1  }
0xa: {  	[smem:$0x3F95] =	sst s2  }
0xb: {  	[smem:$0x3F96] =	sst s3  }
0xc: {  	[smem:$0x3F97] =	sst s4  }
0xd: {  	[smem:$0x3F98] =	sst s5  }
0xe: {  	[smem:$0x3F99] =	sst s6  }
0xf: {  	[smem:$0x3F9A] =	sst s7  }
0x10: {  	[smem:$0x3F9B] =	sst s8  }
0x11: {  	[smem:$0x3F9C] =	sst s9;
	s0 =	simm.s32 @!p0 $0x0  }
0x12: {  	s1 =	sld [smem:$0x3F82];
	s0 =	simm.s32 @p0 $0x1  }
0x13: {  	[smem:$0x3F9D] =	sst s0;
	s0 =	simm.s32 @!p1 $0x0  }
0x14: {  	s2 =	sld [smem:$0x3F81];
	s0 =	simm.s32 @p1 $0x1  }
0x15: {  	[smem:$0x3F9E] =	sst s0;
	s0 =	simm.s32 @!p2 $0x0  }
0x16: {  	s3 =	sld [smem:$0x3FDB];
	s0 =	simm.s32 @p2 $0x1  }
0x17: {  	s4 =	simm.s32 $0x1BF5;
	[smem:$0x3FA0] =	sst s0  }
0x18: {  	s0 =	sld [smem:$0x3F83];
	_ =	swait.ge [sflag:s4], $0x0  }
0x19: {  	s7 =	sld [smem:$0x3F84]  }
0x1a: {  	s8 =	sadd.s32 $0xFFFFE003, lr  }
0x1b: {  	s9 =	sadd.s32 $0xFFFFFEF7, lr;
	s5 =	simm.s32 $0xFFFFFFFF;
	p2 =	slt.u32 s8, $0xFFFFF086  }
0x1c: {  	p1 =	slt.u32 s9, $0xF7A;
	s5 =	simm.s32 @!p2 $0x0  }
0x1d: {  	s5 =	simm.s32 @p1 $0x1;
	p0 =	seq.s32 s7, s2  }
0x1e: {  	s7 =	smul.u32 @!p0 $0xF7A, s2;
	p2 =	seq.s32 @!p0 s5, $0x0  }
0x1f: {  	s9 =	smul.u32 $0xF7A, s1;
	s8 =	simm.s32 @!p0 $0x1BF5;
	p2 =	por !p2, p0  }
0x20: {  	[sflag:s8] =	ssyncset.s32 @!p0 $0xFFFFF086;
	s6 =	sadd.s32 @!p0 s3, s7;
	s7 =	simm.s32 @!p0 $0x108  }
0x21: {  	s3 =	sadd.s32 s3, s9;
	s6 =	sadd.s32 @!p0 $0x88, s6;
	s7 =	simm.s32 @p2 $0x1082  }
0x22: {  	[simem:s7], [sflag:s8] =	dma.local @!p0 [hbm:s6], $0xF7A  }
0x23: {  	s9 =	sor.u32 $0xD0000000, s2;
	s6 =	simm.s32 $0x108;
	_ =	swait.ge @!p0 [sflag:s8], $0x0  }
0x24: {  	s3 =	sadd.s32 $0x88, s3;
	s6 =	simm.s32 @!p1 $0x1082;
	[sflag:s4] =	ssyncset.s32 $0xFFFFF086  }
0x25: {  	[simem:s6], [sflag:s4] =	dma.local [hbm:s3], $0xF7A  }
0x26: {  	[smem:$0x3F84] =	sst s1;
	(tag) =	ssettag s2;
	_ =	strace s9  }
0x27: {  	s1 =	sld [smem:$0x3F94]  }
0x28: {  	s2 =	sld [smem:$0x3F95]  }
0x29: {  	s4 =	sld [smem:$0x3F97]  }
0x2a: {  	p0 =	seq.s32 s5, $0x0;
	s5 =	sld [smem:$0x3F98]  }
0x2b: {  	s6 =	sld [smem:$0x3F99]  }
0x2c: {  	s7 =	sld [smem:$0x3F9A]  }
0x2d: {  	s3 =	simm.s32 $0x108;
	s8 =	sld [smem:$0x3F9B]  }
0x2e: {  	s3 =	simm.s32 @!p0 $0x1082;
	s9 =	sld [smem:$0x3F9C]  }
0x2f: {  	lr =	sadd.s32 s0, s3;
	s0 =	sld [smem:$0x3F93]  }
0x30: {  	s3 =	sld [smem:$0x3F96]  }
0x31: {  	[smem:$0x3F9F] =	sst s10  }
0x32: {  	s10 =	sld [smem:$0x3F9D];
	_ =	sdelay $0x3  }
0x33: {  	p0 =	seq.s32 s10, $0x1;
	s10 =	sld [smem:$0x3F9F];
	_ =	sdelay $0x3  }
0x34: {  	[smem:$0x3F9F] =	sst s10  }
0x35: {  	s10 =	sld [smem:$0x3F9E];
	_ =	sdelay $0x3  }
0x36: {  	p1 =	seq.s32 s10, $0x1;
	s10 =	sld [smem:$0x3F9F];
	_ =	sdelay $0x3  }
0x37: {  	[smem:$0x3F9F] =	sst s10  }
0x38: {  	s10 =	sld [smem:$0x3FA0]  }
0x39: {  	_ = 	snop;
	(pc) =	sbr.ind lr, $3  }
0x3a: {  	_ = 	snop  }
0x3b: {  	_ = 	snop  }
0x3c: {  	p2 =	seq.s32 s10, $0x1;
	s10 =	sld [smem:$0x3F9F]  }
0x3d: {  	_ =	shalt  }
0x3e: {  	_ =	shalt  }
0x3f: {  	_ =	shalt  }
0x40: {  	_ =	shalt  }
0x41: {  	_ =	shalt  }
0x42: {  	_ =	shalt  }
0x43: {  	_ =	shalt  }
0x44: {  	_ =	shalt  }
0x45: {  	_ =	shalt  }
0x46: {  	_ =	shalt  }
0x47: {  	_ =	shalt  }
0x48: {  	_ =	shalt  }
0x49: {  	_ =	shalt  }
0x4a: {  	_ =	shalt  }
0x4b: {  	_ =	shalt  }
0x4c: {  	_ =	shalt  }
0x4d: {  	_ =	shalt  }
0x4e: {  	_ =	shalt  }
0x4f: {  	_ =	shalt  }
0x50: {  	_ =	shalt  }
0x51: {  	_ =	shalt  }
0x52: {  	_ =	shalt  }
0x53: {  	_ =	shalt  }
0x54: {  	_ =	shalt  }
0x55: {  	_ =	shalt  }
0x56: {  	_ =	shalt  }
0x57: {  	_ =	shalt  }
0x58: {  	_ =	shalt  }
0x59: {  	_ =	shalt  }
0x5a: {  	_ =	shalt  }
0x5b: {  	_ =	shalt  }
0x5c: {  	_ =	shalt  }
0x5d: {  	_ =	shalt  }
0x5e: {  	_ =	shalt  }
0x5f: {  	_ =	shalt  }
0x60: {  	_ =	shalt  }
0x61: {  	_ =	shalt  }
0x62: {  	_ =	shalt  }
0x63: {  	_ =	shalt  }
0x64: {  	_ =	shalt  }
0x65: {  	_ =	shalt  }
0x66: {  	_ =	shalt  }
0x67: {  	_ =	shalt  }
0x68: {  	_ =	shalt  }
0x69: {  	_ =	shalt  }
0x6a: {  	_ =	shalt  }
0x6b: {  	_ =	shalt  }
0x6c: {  	_ =	shalt  }
0x6d: {  	_ =	shalt  }
0x6e: {  	_ =	shalt  }
0x6f: {  	_ =	shalt  }
0x70: {  	_ =	shalt  }
0x71: {  	_ =	shalt  }
0x72: {  	_ =	shalt  }
0x73: {  	_ =	shalt  }
0x74: {  	_ =	shalt  }
0x75: {  	_ =	shalt  }
0x76: {  	_ =	shalt  }
0x77: {  	_ =	shalt  }
0x78: {  	_ =	shalt  }
0x79: {  	_ =	shalt  }
0x7a: {  	_ =	shalt  }
0x7b: {  	_ =	shalt  }
0x7c: {  	_ =	shalt  }
0x7d: {  	_ =	shalt  }
0x7e: {  	_ =	shalt  }
0x7f: {  	_ =	shalt  }
0x80: {  	_ =	shalt  }
0x81: {  	_ =	shalt  }
0x82: {  	_ =	shalt  }
0x83: {  	_ =	shalt  }
0x84: {  	_ =	shalt  }
0x85: {  	_ =	shalt  }
0x86: {  	_ =	shalt  }
0x87: {  	_ =	shalt  }
.Lfunc_end0:
.L_simem_size_0:
called_computation.4_lowered:
.L_overlay_start_0:
0x88: {  	s2 =	sld [smem:$0x3FD9]  }
0x89: {  	s3 =	sld [smem:$0x3FFE];
	_ =	sdelay $0x1  }
0x8a: {  	s1 =	srdreg.scid  }
0x8b: {  	s0 =	sand.u32 $0x1, s1  }
0x8c: {  	s17 =	sshll.u32 s0, $0xA;
	s2 =	sadd.s32 s3, s2  }
0x8d: {  	s2 =	sadd.s32 s2, s17  }
0x8e: {  	[smem:$0x3FAB] =	sst s2  }
0x8f: {  	_ = 	snop  }
0x90: {  	s18 =	sld [smem:$0x3FC1]  }
0x91: {  	s4 =	sld [smem:$0x3FC0];
	(tm) =	ssettm $0x1  }
0x92: {  	s19 =	sld [smem:$0x3FFB];
	_ =	sdelay $0x3  }
0x93: {  	_ =	strace s19  }
0x94: {  	s2 =	sld [smem:$0x3FFC];
	_ =	sdelay $0x3  }
0x95: {  	_ =	strace s2  }
0x96: {  	s2 =	sld [smem:$0x3FFD];
	_ =	sdelay $0x3  }
0x97: {  	_ =	strace s2  }
0x98: {  	_ =	strace $0x8FFFFFFF  }
0x99: {  	s20 =	sld [smem:$0x3FDB];
	_ =	sdelay $0x1  }
0x9a: {  	s5 =	simm.s32 $_scs_section_size  }
0x9b: {  	s6 =	simm.s32 $_size__tile_overlayer_lowered;
	s7 =	simm.s32 $_tile_overlayer_lowered  }
0x9c: {  	s8 =	simm.s32 $0x1BFF;
	s21 =	sshll.u32 s7, $0x1;
	s5 =	sadd.s32 s5, s20  }
0x9d: {  	s22 =	simm.s32 $0x0;
	s6 =	sshll.u32 s6, $0x1;
	s7 =	sadd.s32 s21, s5  }
0x9e: {  	[timem:s22], [sflag:s8] =	dma.local [hbm:s7], s6  }
0x9f: {  	_ =	swait.ge [sflag:s8], s6  }
0xa0: {  	s6 =	ssub.s32 $0x0, s6;
	[sflag:s8] =	ssyncset.done $0x0  }
0xa1: {  	[sflag:s8] =	ssyncadd.s32 s6;
	_ =	sdelay $0x1  }
0xa2: {  	s23 =	simm.s32 $0x1B8B  }
0xa3: {  	_ =	swait.ge [sflag:s23], $0x1  }
0xa4: {  	[sflag:s23] =	ssyncset.done $0x0  }
0xa5: {  	[sflag:s23] =	ssyncadd.s32 $0xFFFFFFFF  }
0xa6: {  	s6 =	sld [smem:$0x0]  }
0xa7: {  	s7 =	sand.u32 $0xFFFFFFFE, s1  }
0xa8: {  	p0 =	sne.s32 s1, s7  }
0xa9: {  	s7 =	sshll.u32 @p0 s7, $0xE  }
0xaa: {  	s7 =	sadd.s32 @p0 $0x11B8D, s7;
	s8 =	sshll.u32 @p0 s6, $0x11  }
0xab: {  	s7 =	sor.u32 @p0 s8, s7  }
0xac: {  	[sflag:s7] =	ssyncadd.remote.s32 @p0 $0x1;
	_ =	sdelay $0x1  }
0xad: {  	s7 =	simm.s32 @p0 $0x1B8D  }
0xae: {  	_ =	swait.eq @p0 [sflag:s7], $0x1  }
0xaf: {  	[sflag:s7] =	ssyncadd.s32 @p0 $0xFFFFFFFF  }
0xb0: {  	s8 =	sshll.u32 @!p0 s1, $0xE  }
0xb1: {  	s8 =	sor.u32 @!p0 $0x4000, s8;
	s7 =	simm.s32 @!p0 $0x1B8D  }
0xb2: {  	s6 =	sshll.u32 @!p0 s6, $0x11;
	s8 =	sadd.s32 @!p0 $0x11B8D, s8;
	_ =	swait.eq @!p0 [sflag:s7], $0x1  }
0xb3: {  	s6 =	sor.u32 @!p0 s6, s8;
	[sflag:s7] =	ssyncadd.s32 @!p0 $0xFFFFFFFF  }
0xb4: {  	s25 =	simm.s32 $0x1B8E;
	s24 =	sld [smem:$0x3FFE];
	[sflag:s6] =	ssyncadd.remote.s32 @!p0 $0x1  }
0xb5: {  	s26 =	simm.s32 $execute0_lowered;
	[smem:$0x3FD2] =	sst s25  }
0xb6: {  	s7 =	sshll.u32 s26, $0x1;
	_ =	strace $0x8000004C;
	[dreg:$0x1] =	wrdreg $0xFFFFFFFF  }
0xb7: {  	s28 =	simm.s32 $_size_execute0_lowered;
	s5 =	sadd.s32 s5, s7;
	[dreg:$0x0] =	wrdreg $0x0  }
0xb8: {  	s7 =	sshll.u32 s28, $0x1;
	[dreg:$0x2] =	wrdreg s5  }
0xb9: {  	[dreg:$0x3] =	wrdreg s7  }
0xba: {  	[dreg:$0x4] =	wrdreg $0xC0  }
0xbb: {  	_ =	task [dreg:s22], $0x5FFFF  }
0xbc: {  	[dreg:$0x1] =	wrdreg $0xFFFFFFFF  }
0xbd: {  	[dreg:$0x0] =	wrdreg $0x60  }
0xbe: {  	[dreg:$0x2] =	wrdreg s24  }
0xbf: {  	[dreg:$0x3] =	wrdreg s4  }
0xc0: {  	[dreg:$0x4] =	wrdreg s18  }
0xc1: {  	[dreg:$0x5] =	wrdreg $0x0  }
0xc2: {  	[dreg:$0x6] =	wrdreg $0x9  }
0xc3: {  	_ =	task.clear_ibuf [dreg:s22], $0x7FFFF;
	_ =	strace $0x9000004C  }
0xc4: {  	s29 =	simm.s32 $0x9;
	_ =	strace $0x8000004E  }
0xc5: {  	_ =	swait.ge [sflag:s29], $0x1  }
0xc6: {  	[sflag:s29] =	ssyncadd.s32 $0xFFFFFFFF  }
0xc7: {  	_ =	strace $0x9000004E  }
0xc8: {  	_ =	sfence  }
0xc9: {  	s30 =	sld [smem:$0x0];
	_ =	sdelay $0x2  }
0xca: {  	s31 =	sshll.u32 s1, $0xD;
	s1 =	sshrl.u32 s1, $0x2  }
0xcb: {  	s4 =	sand.u32 $0x4000, s31;
	s1 =	sadd.s32 s1, s30  }
0xcc: {  	s0 =	sor.u32 s4, s0;
	s1 =	sshll.u32 s1, $0x11  }
0xcd: {  	s0 =	sor.u32 s1, s0  }
0xce: {  	s0 =	sadd.s32 $0x8F2B, s0  }
0xcf: {  	[sflag:s0] =	ssyncadd.remote.s32 $0x1  }
0xd0: {  	_ =	sfence.sel $0xFFFF  }
0xd1: {  	[dreg:$0x0] =	wrdreg $0xFFFFFFFF;
	(pc) =	sbr.abs _section_cstart, $3  }
0xd2: {  	[dreg:$0x1] =	wrdreg $0xFFFFFFFF  }
0xd3: {  	_ =	task.clear_ibuf [dreg:s22], $0x2FFFF;
	_ =	strace $0x9FFFFFFF  }
0xd4: {  	(tm) =	ssettm $0x7FFFFFFF  }
0xd5: {  	_ =	shalt  }
tec
execute0_lowered:
.L_overlay_start_1:
0x0: {  	(tag) =	ssettag $0x1  }
0x1: {  	s0 =	rddreg [dreg:$0x0]  }
0x2: {  	s1 =	rddreg [dreg:$0x1]  }
0x3: {  	s2 =	rddreg [dreg:$0x2]  }
0x4: {  	s3 =	rddreg [dreg:$0x3]  }
0x5: {  	s4 =	simm.s32 $0x0;
	s18 =	stileid.u32;
	s5 =	srdreg.scid  }
0x6: {  	s19 =	simm.s32 $0x13900;
	s20 =	simm.s32 $0x13980;
	s21 =	simm.s32 $0x13A00  }
0x7: {  	s22 =	simm.s32 $0x50;
	s23 =	simm.s32 $0x13A80;
	s24 =	simm.s32 $0x16280  }
0x8: {  	s25 =	simm.s32 $0x18A80;
	[smem:$0x7FF] =	sst s4;
	s6 =	sadd.s32 $0x388400, s0  }
0x9: {  	s26 =	simm.s32 $0x1;
	s7 =	sadd.s32 $0x308400, s0;
	s8 =	sadd.s32 $0x488400, s0  }
0xa: {  	s11 =	smul.u32 $0x3E80, s18;
	s5 =	sand.u32 $0x1, s5;
	s13 =	sadd.s32 $0x288400, s0  }
0xb: {  	s14 =	sadd.s32 $0x508400, s0;
	s15 =	smul.u32 $0x1F400, s18;
	s9 =	sadd.s32 $0x25C00, s0  }
0xc: {  	s10 =	sadd.s32 $0x2AC00, s0;
	s16 =	smul.u32 $0x7D000, s18;
	_ =	strace $0x8000004D  }
0xd: {  	s12 =	smul.u32 $0x138800, s5;
	s31 =	ssub.s32 $0x2, s5;
	p0 =	seq.s32 s5, $0x1  }
0xe: {  	s11 =	sadd.s32 s11, s0;
	s17 =	sshrl.u32 s31, $0x1;
	s16 =	sshrl.u32 s16, $0x2  }
0xf: {  	s7 =	smov.u32 @p0 s13;
	s8 =	smov.u32 @p0 s14;
	p0 =	sgt.u32 s18, $0x9  }
0x10: {  	s12 =	sadd.s32 s15, s12;
	s15 =	ssub.s32 s31, s17;
	s16 =	sadd.s32 s16, s3  }
0x11: {  	s11 =	sadd.s32 $0x161200, s11;
	s17 =	simm.s32 $0x13880;
	s12 =	sshrl.u32 s12, $0x3  }
0x12: {  	[dreg:$0x5] =	wrdreg s11;
	s14 =	smax.u32 s15, $0x1;
	s0 =	sadd.s32 s12, s0  }
0x13: {  	s16 =	sshrl.u32 @!p0 s16, $0x3;
	s13 =	sadd.s32 $0x397E00, s0;
	s0 =	sshll.u32 @!p0 s18, $0x6  }
0x14: {  	s12 =	smul.u32 $0x2710, s18;
	s18 =	simm.s32 $0x2;
	s15 =	sor.u32 @!p0 $0x1C02, s0  }
.LBB2_1:
0x15: {  	s0 =	rddreg [dreg:$0x5]  }
0x16: {  	[spmem:s16], [sflag:s15] =	dma.local @!p0 [hbm:s0], $0x3E80  }
0x17: {  	s0 =	simm.s32 @!p0 $0x2  }
0x18: {  	_ =	swait.ge @!p0 [sflag:s0], $0x3E80  }
0x19: {  	[sflag:s0] =	ssyncset.done @!p0 $0x0  }
0x1a: {  	[sflag:s0] =	ssyncadd.s32 @!p0 $0xFFFFC180  }
0x1b: {  	s28 =	simm.s32 $0x0;
	[bflag:$0x0] =	sbarrier.arrive $0xFFFF  }
.LBB2_2:
0x1c: {  	s0 =	smul.u32 $0x50, s28;
	_ =	sdelay $0x1  }
0x1d: {  	s0 =	sadd.s32 s12, s0  }
0x1e: {  	s0 =	sshrl.u32 s0, $0x3  }
0x1f: {  	s29 =	simm.s32 $0x0;
	s5 =	sadd.s32 s1, s0  }
0x20: {  	[tilespmem:s17], [sflag:$0x2] =	stream.linear.gather [hbm4b:s5+s29], $0x50, $0x38;
	[tilespmem:$0x1B280] =	vst v63  }
0x21: {  	_ =	swait.ge [sflag:s18], $0x50  }
0x22: {  	[sflag:s18] =	ssyncset.done $0x0  }
0x23: {  	s11 =	sadd.s32 s2, s0;
	[sflag:s18] =	ssyncadd.s32 $0xFFFFFFB0  }
0x24: {  	[tilespmem:s19], [sflag:$0x2] =	stream.linear.gather [hbm4b:s11+s29], $0x50, $0x38;
	[tilespmem:$0x1B280] =	vst v63  }
0x25: {  	_ =	swait.ge [sflag:s18], $0x50  }
0x26: {  	[sflag:s18] =	ssyncset.done $0x0  }
0x27: {  	s11 =	sadd.s32 s9, s0;
	[sflag:s18] =	ssyncadd.s32 $0xFFFFFFB0  }
0x28: {  	[tilespmem:s20], [sflag:$0x2] =	stream.linear.gather [hbm4b:s11+s29], $0x50, $0x38;
	[tilespmem:$0x1B280] =	vst v63  }
0x29: {  	_ =	swait.ge [sflag:s18], $0x50  }
0x2a: {  	[sflag:s18] =	ssyncset.done $0x0  }
0x2b: {  	s0 =	sadd.s32 s10, s0;
	[sflag:s18] =	ssyncadd.s32 $0xFFFFFFB0  }
0x2c: {  	[tilespmem:s21], [sflag:$0x2] =	stream.linear.gather [hbm4b:s0+s29], $0x50, $0x38;
	[tilespmem:$0x1B280] =	vst v63  }
0x2d: {  	_ =	swait.ge [sflag:s18], $0x50  }
0x2e: {  	[sflag:s18] =	ssyncset.done $0x0  }
0x2f: {  	[sflag:s18] =	ssyncadd.s32 $0xFFFFFFB0  }
0x30: {  	[tilespmem:s23], [sflag:$0x1] =	stream.indirect.gather [hbm4b:s6+s22], $0x80, s17, s22, $0xb8;
	[tilespmem:$0x1B280] =	vst v63  }
0x31: {  	_ = 	snop  }
0x32: {  	[tilespmem:s24], [sflag:$0x1] =	stream.indirect.gather [hbm4b:s7+s22], $0x80, s20, s22, $0xb8;
	[tilespmem:$0x1B280] =	vst v63  }
0x33: {  	_ = 	snop  }
0x34: {  	[tilespmem:s25], [sflag:$0x1] =	stream.indirect.gather [hbm4b:s8+s22], $0x80, s20, s22, $0xb8;
	[tilespmem:$0x1B280] =	vst v63  }
0x35: {  	_ =	swait.ge [sflag:s26], $0x2800  }
0x36: {  	[sflag:s26] =	ssyncset.done $0x0  }
0x37: {  	[sflag:s26] =	ssyncadd.s32 $0xFFFFD800  }
0x38: {  	_ =	swait.ge [sflag:s26], $0x2800  }
0x39: {  	[sflag:s26] =	ssyncset.done $0x0  }
0x3a: {  	[sflag:s26] =	ssyncadd.s32 $0xFFFFD800  }
0x3b: {  	_ =	swait.ge [sflag:s26], $0x2800  }
0x3c: {  	v0 =	vmov s29;
	[sflag:s26] =	ssyncset.done $0x0  }
0x3d: {  	s29 =	simm.s32 $0x18AC0;
	[sflag:s26] =	ssyncadd.s32 $0xFFFFD800  }
0x3e: {  	s30 =	simm.s32 $0x162C0;
	v1 =	vld [tilespmem:s29+$0xFFFFFFC0]  }
0x3f: {  	v2 =	vld [tilespmem:s30+$0xFFFFFFC0];
	_ =	sdelay $0x1  }
0x40: {  	v0 =	vld.idx.msk [tilespmem:v0+s21+$0x0], $0xffff;
	_ =	sdelay $0x2  }
0x41: {  	s31 =	simm.s32 $0x13AC0;
	v1 =	vsub.f32 v1, v2  }
0x42: {  	v3 =	vld [tilespmem:s31+$0xFFFFFFC0]  }
0x43: {  	v1 =	vmul.f32 v1, v0;
	_ =	sdelay $0x1  }
0x44: {  	v1 =	vadd.f32 v1, v2;
	_ =	sdelay $0x1  }
0x45: {  	v1 =	vmul.f32 v1, v3;
	_ =	sdelay $0x1  }
0x46: {  	[tilespmem:s31+$0xFFFFFFC0] =	vst v1  }
0x47: {  	v1 =	vld [tilespmem:s30+$0xFFFFFFD0]  }
0x48: {  	v2 =	vld [tilespmem:s29+$0xFFFFFFD0];
	_ =	sdelay $0x4  }
0x49: {  	v2 =	vsub.f32 v2, v1  }
0x4a: {  	v3 =	vld [tilespmem:s31+$0xFFFFFFD0]  }
0x4b: {  	v2 =	vmul.f32 v2, v0;
	_ =	sdelay $0x1  }
0x4c: {  	v1 =	vadd.f32 v2, v1;
	_ =	sdelay $0x1  }
0x4d: {  	v1 =	vmul.f32 v1, v3;
	_ =	sdelay $0x1  }
0x4e: {  	[tilespmem:s31+$0xFFFFFFD0] =	vst v1  }
0x4f: {  	v1 =	vld [tilespmem:s30+$0xFFFFFFE0]  }
0x50: {  	v2 =	vld [tilespmem:s29+$0xFFFFFFE0];
	_ =	sdelay $0x4  }
0x51: {  	v2 =	vsub.f32 v2, v1  }
0x52: {  	v3 =	vld [tilespmem:s31+$0xFFFFFFE0]  }
0x53: {  	v2 =	vmul.f32 v2, v0;
	_ =	sdelay $0x1  }
0x54: {  	v1 =	vadd.f32 v2, v1;
	_ =	sdelay $0x1  }
0x55: {  	v1 =	vmul.f32 v1, v3;
	_ =	sdelay $0x1  }
0x56: {  	[tilespmem:s31+$0xFFFFFFE0] =	vst v1  }
0x57: {  	v1 =	vld [tilespmem:s30+$0xFFFFFFF0]  }
0x58: {  	v2 =	vld [tilespmem:s29+$0xFFFFFFF0];
	_ =	sdelay $0x4  }
0x59: {  	v2 =	vsub.f32 v2, v1  }
0x5a: {  	v3 =	vld [tilespmem:s31+$0xFFFFFFF0]  }
0x5b: {  	v2 =	vmul.f32 v2, v0;
	_ =	sdelay $0x1  }
0x5c: {  	v1 =	vadd.f32 v2, v1;
	_ =	sdelay $0x1  }
0x5d: {  	v1 =	vmul.f32 v1, v3;
	_ =	sdelay $0x1  }
0x5e: {  	[tilespmem:s31+$0xFFFFFFF0] =	vst v1  }
0x5f: {  	v1 =	vld [tilespmem:s30+$0x0]  }
0x60: {  	v2 =	vld [tilespmem:s29+$0x0];
	_ =	sdelay $0x4  }
0x61: {  	v2 =	vsub.f32 v2, v1  }
0x62: {  	v3 =	vld [tilespmem:s31+$0x0]  }
0x63: {  	v2 =	vmul.f32 v2, v0;
	_ =	sdelay $0x1  }
0x64: {  	v1 =	vadd.f32 v2, v1;
	_ =	sdelay $0x1  }
0x65: {  	v1 =	vmul.f32 v1, v3;
	_ =	sdelay $0x1  }
0x66: {  	[tilespmem:s31+$0x0] =	vst v1  }
0x67: {  	v1 =	vld [tilespmem:s30+$0x10]  }
0x68: {  	v2 =	vld [tilespmem:s29+$0x10];
	_ =	sdelay $0x4  }
0x69: {  	v2 =	vsub.f32 v2, v1  }
0x6a: {  	v3 =	vld [tilespmem:s31+$0x10]  }
0x6b: {  	v2 =	vmul.f32 v2, v0;
	_ =	sdelay $0x1  }
0x6c: {  	v1 =	vadd.f32 v2, v1;
	_ =	sdelay $0x1  }
0x6d: {  	v1 =	vmul.f32 v1, v3;
	_ =	sdelay $0x1  }
0x6e: {  	[tilespmem:s31+$0x10] =	vst v1  }
0x6f: {  	v1 =	vld [tilespmem:s30+$0x20]  }
0x70: {  	v2 =	vld [tilespmem:s29+$0x20];
	_ =	sdelay $0x4  }
0x71: {  	v2 =	vsub.f32 v2, v1  }
0x72: {  	v3 =	vld [tilespmem:s31+$0x20]  }
0x73: {  	v2 =	vmul.f32 v2, v0;
	_ =	sdelay $0x1  }
0x74: {  	v1 =	vadd.f32 v2, v1;
	_ =	sdelay $0x1  }
0x75: {  	v1 =	vmul.f32 v1, v3;
	_ =	sdelay $0x1  }
0x76: {  	[tilespmem:s31+$0x20] =	vst v1  }
0x77: {  	v2 =	vld [tilespmem:s30+$0x30]  }
0x78: {  	v3 =	vld [tilespmem:s29+$0x30];
	_ =	sdelay $0x4  }
0x79: {  	s5 =	simm.s32 $0x1;
	s0 =	simm.s32 $0x13AC0;
	v1 =	vld [tilespmem:s31+$0x30];
	v3 =	vsub.f32 v3, v2  }
.LBB2_3:
0x7a: {  	s29 =	sadd.s32 $0x80, s29;
	s31 =	sadd.s32 $0x80, s31;
	s30 =	sadd.s32 $0x80, s30  }
0x7b: {  	p1 =	sne.s32 s5, $0x4F;
	s11 =	smov.u32 s5;
	s5 =	sadd.s32 $0x1, s5;
	v0 =	vmul.f32 v3, v0  }
0x7c: {  	_ = 	snop  }
0x7d: {  	v0 =	vadd.f32 v0, v2;
	_ =	sdelay $0x1  }
0x7e: {  	v2 =	vmov s11;
	v0 =	vmul.f32 v0, v1;
	_ =	sdelay $0x1  }
0x7f: {  	[tilespmem:s0+$0x30] =	vst v0;
	s0 =	smov.u32 s31  }
0x80: {  	v1 =	vld [tilespmem:s29+$0xFFFFFFC0]  }
0x81: {  	v3 =	vld [tilespmem:s30+$0xFFFFFFC0]  }
0x82: {  	v0 =	vld.idx.msk [tilespmem:v2+s21+$0x0], $0xffff;
	_ =	sdelay $0x3  }
0x83: {  	v1 =	vsub.f32 v1, v3  }
0x84: {  	v2 =	vld [tilespmem:s31+$0xFFFFFFC0]  }
0x85: {  	v1 =	vmul.f32 v1, v0;
	_ =	sdelay $0x1  }
0x86: {  	v1 =	vadd.f32 v1, v3;
	_ =	sdelay $0x1  }
0x87: {  	v1 =	vmul.f32 v1, v2;
	_ =	sdelay $0x1  }
0x88: {  	[tilespmem:s31+$0xFFFFFFC0] =	vst v1  }
0x89: {  	v1 =	vld [tilespmem:s30+$0xFFFFFFD0]  }
0x8a: {  	v2 =	vld [tilespmem:s29+$0xFFFFFFD0];
	_ =	sdelay $0x4  }
0x8b: {  	v3 =	vld [tilespmem:s31+$0xFFFFFFD0];
	v2 =	vsub.f32 v2, v1;
	_ =	sdelay $0x1  }
0x8c: {  	v2 =	vmul.f32 v2, v0;
	_ =	sdelay $0x1  }
0x8d: {  	v1 =	vadd.f32 v2, v1;
	_ =	sdelay $0x1  }
0x8e: {  	v1 =	vmul.f32 v1, v3;
	_ =	sdelay $0x1  }
0x8f: {  	[tilespmem:s31+$0xFFFFFFD0] =	vst v1  }
0x90: {  	v1 =	vld [tilespmem:s30+$0xFFFFFFE0]  }
0x91: {  	v2 =	vld [tilespmem:s29+$0xFFFFFFE0];
	_ =	sdelay $0x3  }
0x92: {  	v3 =	vld [tilespmem:s31+$0xFFFFFFE0]  }
0x93: {  	v2 =	vsub.f32 v2, v1;
	_ =	sdelay $0x1  }
0x94: {  	v2 =	vmul.f32 v2, v0;
	_ =	sdelay $0x1  }
0x95: {  	v1 =	vadd.f32 v2, v1;
	_ =	sdelay $0x1  }
0x96: {  	v1 =	vmul.f32 v1, v3;
	_ =	sdelay $0x1  }
0x97: {  	[tilespmem:s31+$0xFFFFFFE0] =	vst v1  }
0x98: {  	v1 =	vld [tilespmem:s30+$0xFFFFFFF0]  }
0x99: {  	v2 =	vld [tilespmem:s29+$0xFFFFFFF0];
	_ =	sdelay $0x2  }
0x9a: {  	v3 =	vld [tilespmem:s31+$0xFFFFFFF0];
	_ =	sdelay $0x1  }
0x9b: {  	v2 =	vsub.f32 v2, v1;
	_ =	sdelay $0x1  }
0x9c: {  	v2 =	vmul.f32 v2, v0;
	_ =	sdelay $0x1  }
0x9d: {  	v1 =	vadd.f32 v2, v1;
	_ =	sdelay $0x1  }
0x9e: {  	v1 =	vmul.f32 v1, v3;
	_ =	sdelay $0x1  }
0x9f: {  	[tilespmem:s31+$0xFFFFFFF0] =	vst v1  }
0xa0: {  	v1 =	vld [tilespmem:s30+$0x0]  }
0xa1: {  	v2 =	vld [tilespmem:s29+$0x0];
	_ =	sdelay $0x1  }
0xa2: {  	v3 =	vld [tilespmem:s31+$0x0];
	_ =	sdelay $0x2  }
0xa3: {  	v2 =	vsub.f32 v2, v1;
	_ =	sdelay $0x1  }
0xa4: {  	v2 =	vmul.f32 v2, v0;
	_ =	sdelay $0x1  }
0xa5: {  	v1 =	vadd.f32 v2, v1;
	_ =	sdelay $0x1  }
0xa6: {  	v1 =	vmul.f32 v1, v3;
	_ =	sdelay $0x1  }
0xa7: {  	[tilespmem:s31+$0x0] =	vst v1  }
0xa8: {  	v1 =	vld [tilespmem:s30+$0x10]  }
0xa9: {  	v2 =	vld [tilespmem:s29+$0x10]  }
0xaa: {  	v3 =	vld [tilespmem:s31+$0x10];
	_ =	sdelay $0x3  }
0xab: {  	v2 =	vsub.f32 v2, v1;
	_ =	sdelay $0x1  }
0xac: {  	v2 =	vmul.f32 v2, v0;
	_ =	sdelay $0x1  }
0xad: {  	v1 =	vadd.f32 v2, v1;
	_ =	sdelay $0x1  }
0xae: {  	v1 =	vmul.f32 v1, v3;
	_ =	sdelay $0x1  }
0xaf: {  	[tilespmem:s31+$0x10] =	vst v1;
	v1 =	vld [tilespmem:s31+$0x20]  }
0xb0: {  	v2 =	vld [tilespmem:s30+$0x20]  }
0xb1: {  	v3 =	vld [tilespmem:s29+$0x20];
	_ =	sdelay $0x4  }
0xb2: {  	v3 =	vsub.f32 v3, v2;
	_ =	sdelay $0x1  }
0xb3: {  	v3 =	vmul.f32 v3, v0;
	_ =	sdelay $0x1  }
0xb4: {  	v2 =	vadd.f32 v3, v2;
	_ =	sdelay $0x1  }
0xb5: {  	v1 =	vmul.f32 v2, v1;
	_ =	sdelay $0x1  }
0xb6: {  	[tilespmem:s31+$0x20] =	vst v1;
	v1 =	vld [tilespmem:s31+$0x30]  }
0xb7: {  	v2 =	vld [tilespmem:s30+$0x30]  }
0xb8: {  	v3 =	vld [tilespmem:s29+$0x30]  }
.Ltmp0:
0xb9: {  	(pc) =	sbr.rel @p1 .LBB2_3-.Ltmp0, $2  }
0xba: {  	_ =	sdelay $0x2  }
0xbb: {  	v3 =	vsub.f32 v3, v2  }
0xbc: {  	_ = 	snop  }
0xbd: {  	v0 =	vmul.f32 v3, v0;
	_ =	sdelay $0x1  }
0xbe: {  	v0 =	vadd.f32 v0, v2;
	_ =	sdelay $0x1  }
0xbf: {  	s28 =	sadd.s32 $0x1, s28;
	v0 =	vmul.f32 v0, v1  }
0xc0: {  	p1 =	sne.s32 s28, $0x7D  }
.Ltmp1:
0xc1: {  	[tilespmem:s0+$0x30] =	vst v0;
	(pc) =	sbr.rel @p1 .LBB2_2-.Ltmp1, $4  }
0xc2: {  	[spmem:s3] =	stream.indirect.scatter.add.f32 [tilespmem:s23], [sflag:$0x2], $0x80, s19, s22, $0xb8;
	[tilespmem:$0x1B280] =	vst v63  }
0xc3: {  	_ =	swait.ge [sflag:s18], $0x2800  }
0xc4: {  	[sflag:s18] =	ssyncset.done $0x0  }
0xc5: {  	[sflag:s18] =	ssyncadd.s32 $0xFFFFD800  }
0xc6: {  	s4 =	sadd.s32 $0x1, s4  }
0xc7: {  	p1 =	sne.s32 s4, s14  }
.Ltmp2:
0xc8: {  	[bflag:$0x0] =	sbarrier.arrive $0xFFFF;
	s0 =	simm.s32 @!p0 $0x2;
	(pc) =	sbr.rel @p1 .LBB2_1-.Ltmp2, $4  }
0xc9: {  	[hbm:s13], [sflag:s15] =	dma.local @!p0 [spmem:s16], $0x3E80  }
0xca: {  	_ =	swait.ge @!p0 [sflag:s0], $0x3E80  }
0xcb: {  	[sflag:s0] =	ssyncset.done @!p0 $0x0  }
0xcc: {  	[sflag:s0] =	ssyncadd.s32 @!p0 $0xFFFFC180  }
0xcd: {  	_ =	sfence.sel $0x180000  }
0xce: {  	[bflag:$0x0] =	sbarrier.arrive $0xFFFF  }
0xcf: {  	_ =	strace $0x9000004D  }
0xd0: {  	s0 =	stileid.u32;
	[bflag:$0x2] =	sbarrier.arrive $0xFFFF  }
0xd1: {  	p0 =	sne.s32 s0, $0x0;
	s0 =	rddreg [dreg:$0x4]  }
0xd2: {  	s0 =	sadd.s32 @!p0 $0x100000, s0  }
0xd3: {  	[sflag:s0] =	ssyncadd.tile.s32 @!p0 $0x1;
	_ =	shalt  }
.Lfunc_end2:
_tile_overlayer_lowered:
.L_overlay_start_2:
0xd4: {  	(tag) =	ssettag $0x2  }
0xd5: {  	s0 =	rddreg [dreg:$0x0];
	s2 =	stileid.u32  }
0xd6: {  	s1 =	rddreg [dreg:$0x1];
	p0 =	sne.s32 s2, $0x0  }
0xd7: {  	s3 =	rddreg [dreg:$0x2];
	[bflag:$0x3] =	sbarrier.arrive $0xFFFF;
	s2 =	simm.s32 @!p0 $0x1C02  }
0xd8: {  	[timem:s3], [sflag:s2] =	dma.local @!p0 [hbm:s0], s1  }
0xd9: {  	s0 =	simm.s32 @!p0 $0x2  }
0xda: {  	_ =	swait.ge @!p0 [sflag:s0], s1  }
0xdb: {  	s1 =	ssub.s32 @!p0 $0x0, s1;
	[sflag:s0] =	ssyncset.done @!p0 $0x0  }
0xdc: {  	[sflag:s0] =	ssyncadd.s32 @!p0 s1  }
0xdd: {  	[bflag:$0x3] =	sbarrier.arrive $0xFFFF  }
0xde: {  	_ =	shalt  }

// kernel: kernel.27.cloned.1.call-start
scs
__scs_entry_jumppad:
0x0: {  	(pc) =	sbr.rel $0x88, $3  }
0x1: {  	(tag) =	ssettag $0x0;
	lr =	simm.s32 $0x1  }
0x2: {  	[smem:$0x3F84] =	sst lr;
	_ =	strace $0xD0000000  }
0x3: {  	_ = 	snop  }
0x4: {  	_ = 	snop  }
0x5: {  	_ = 	snop  }
0x6: {  	_ = 	snop  }
0x7: {  	_ = 	snop  }
__scs_overlays_trampoline_lowered:
0x8: {  	[smem:$0x3F93] =	sst s0  }
0x9: {  	[smem:$0x3F94] =	sst s1  }
0xa: {  	[smem:$0x3F95] =	sst s2  }
0xb: {  	[smem:$0x3F96] =	sst s3  }
0xc: {  	[smem:$0x3F97] =	sst s4  }
0xd: {  	[smem:$0x3F98] =	sst s5  }
0xe: {  	[smem:$0x3F99] =	sst s6  }
0xf: {  	[smem:$0x3F9A] =	sst s7  }
0x10: {  	[smem:$0x3F9B] =	sst s8  }
0x11: {  	[smem:$0x3F9C] =	sst s9;
	s0 =	simm.s32 @!p0 $0x0  }
0x12: {  	s1 =	sld [smem:$0x3F82];
	s0 =	simm.s32 @p0 $0x1  }
0x13: {  	[smem:$0x3F9D] =	sst s0;
	s0 =	simm.s32 @!p1 $0x0  }
0x14: {  	s2 =	sld [smem:$0x3F81];
	s0 =	simm.s32 @p1 $0x1  }
0x15: {  	[smem:$0x3F9E] =	sst s0;
	s0 =	simm.s32 @!p2 $0x0  }
0x16: {  	s3 =	sld [smem:$0x3FDB];
	s0 =	simm.s32 @p2 $0x1  }
0x17: {  	s4 =	simm.s32 $0x1BF5;
	[smem:$0x3FA0] =	sst s0  }
0x18: {  	s0 =	sld [smem:$0x3F83];
	_ =	swait.ge [sflag:s4], $0x0  }
0x19: {  	s7 =	sld [smem:$0x3F84]  }
0x1a: {  	s8 =	sadd.s32 $0xFFFFE003, lr  }
0x1b: {  	s9 =	sadd.s32 $0xFFFFFEF7, lr;
	s5 =	simm.s32 $0xFFFFFFFF;
	p2 =	slt.u32 s8, $0xFFFFF086  }
0x1c: {  	p1 =	slt.u32 s9, $0xF7A;
	s5 =	simm.s32 @!p2 $0x0  }
0x1d: {  	s5 =	simm.s32 @p1 $0x1;
	p0 =	seq.s32 s7, s2  }
0x1e: {  	s7 =	smul.u32 @!p0 $0xF7A, s2;
	p2 =	seq.s32 @!p0 s5, $0x0  }
0x1f: {  	s9 =	smul.u32 $0xF7A, s1;
	s8 =	simm.s32 @!p0 $0x1BF5;
	p2 =	por !p2, p0  }
0x20: {  	[sflag:s8] =	ssyncset.s32 @!p0 $0xFFFFF086;
	s6 =	sadd.s32 @!p0 s3, s7;
	s7 =	simm.s32 @!p0 $0x108  }
0x21: {  	s3 =	sadd.s32 s3, s9;
	s6 =	sadd.s32 @!p0 $0x88, s6;
	s7 =	simm.s32 @p2 $0x1082  }
0x22: {  	[simem:s7], [sflag:s8] =	dma.local @!p0 [hbm:s6], $0xF7A  }
0x23: {  	s9 =	sor.u32 $0xD0000000, s2;
	s6 =	simm.s32 $0x108;
	_ =	swait.ge @!p0 [sflag:s8], $0x0  }
0x24: {  	s3 =	sadd.s32 $0x88, s3;
	s6 =	simm.s32 @!p1 $0x1082;
	[sflag:s4] =	ssyncset.s32 $0xFFFFF086  }
0x25: {  	[simem:s6], [sflag:s4] =	dma.local [hbm:s3], $0xF7A  }
0x26: {  	[smem:$0x3F84] =	sst s1;
	(tag) =	ssettag s2;
	_ =	strace s9  }
0x27: {  	s1 =	sld [smem:$0x3F94]  }
0x28: {  	s2 =	sld [smem:$0x3F95]  }
0x29: {  	s4 =	sld [smem:$0x3F97]  }
0x2a: {  	p0 =	seq.s32 s5, $0x0;
	s5 =	sld [smem:$0x3F98]  }
0x2b: {  	s6 =	sld [smem:$0x3F99]  }
0x2c: {  	s7 =	sld [smem:$0x3F9A]  }
0x2d: {  	s3 =	simm.s32 $0x108;
	s8 =	sld [smem:$0x3F9B]  }
0x2e: {  	s3 =	simm.s32 @!p0 $0x1082;
	s9 =	sld [smem:$0x3F9C]  }
0x2f: {  	lr =	sadd.s32 s0, s3;
	s0 =	sld [smem:$0x3F93]  }
0x30: {  	s3 =	sld [smem:$0x3F96]  }
0x31: {  	[smem:$0x3F9F] =	sst s10  }
0x32: {  	s10 =	sld [smem:$0x3F9D];
	_ =	sdelay $0x3  }
0x33: {  	p0 =	seq.s32 s10, $0x1;
	s10 =	sld [smem:$0x3F9F];
	_ =	sdelay $0x3  }
0x34: {  	[smem:$0x3F9F] =	sst s10  }
0x35: {  	s10 =	sld [smem:$0x3F9E];
	_ =	sdelay $0x3  }
0x36: {  	p1 =	seq.s32 s10, $0x1;
	s10 =	sld [smem:$0x3F9F];
	_ =	sdelay $0x3  }
0x37: {  	[smem:$0x3F9F] =	sst s10  }
0x38: {  	s10 =	sld [smem:$0x3FA0]  }
0x39: {  	_ = 	snop;
	(pc) =	sbr.ind lr, $3  }
0x3a: {  	_ = 	snop  }
0x3b: {  	_ = 	snop  }
0x3c: {  	p2 =	seq.s32 s10, $0x1;
	s10 =	sld [smem:$0x3F9F]  }
0x3d: {  	_ =	shalt  }
0x3e: {  	_ =	shalt  }
0x3f: {  	_ =	shalt  }
0x40: {  	_ =	shalt  }
0x41: {  	_ =	shalt  }
0x42: {  	_ =	shalt  }
0x43: {  	_ =	shalt  }
0x44: {  	_ =	shalt  }
0x45: {  	_ =	shalt  }
0x46: {  	_ =	shalt  }
0x47: {  	_ =	shalt  }
0x48: {  	_ =	shalt  }
0x49: {  	_ =	shalt  }
0x4a: {  	_ =	shalt  }
0x4b: {  	_ =	shalt  }
0x4c: {  	_ =	shalt  }
0x4d: {  	_ =	shalt  }
0x4e: {  	_ =	shalt  }
0x4f: {  	_ =	shalt  }
0x50: {  	_ =	shalt  }
0x51: {  	_ =	shalt  }
0x52: {  	_ =	shalt  }
0x53: {  	_ =	shalt  }
0x54: {  	_ =	shalt  }
0x55: {  	_ =	shalt  }
0x56: {  	_ =	shalt  }
0x57: {  	_ =	shalt  }
0x58: {  	_ =	shalt  }
0x59: {  	_ =	shalt  }
0x5a: {  	_ =	shalt  }
0x5b: {  	_ =	shalt  }
0x5c: {  	_ =	shalt  }
0x5d: {  	_ =	shalt  }
0x5e: {  	_ =	shalt  }
0x5f: {  	_ =	shalt  }
0x60: {  	_ =	shalt  }
0x61: {  	_ =	shalt  }
0x62: {  	_ =	shalt  }
0x63: {  	_ =	shalt  }
0x64: {  	_ =	shalt  }
0x65: {  	_ =	shalt  }
0x66: {  	_ =	shalt  }
0x67: {  	_ =	shalt  }
0x68: {  	_ =	shalt  }
0x69: {  	_ =	shalt  }
0x6a: {  	_ =	shalt  }
0x6b: {  	_ =	shalt  }
0x6c: {  	_ =	shalt  }
0x6d: {  	_ =	shalt  }
0x6e: {  	_ =	shalt  }
0x6f: {  	_ =	shalt  }
0x70: {  	_ =	shalt  }
0x71: {  	_ =	shalt  }
0x72: {  	_ =	shalt  }
0x73: {  	_ =	shalt  }
0x74: {  	_ =	shalt  }
0x75: {  	_ =	shalt  }
0x76: {  	_ =	shalt  }
0x77: {  	_ =	shalt  }
0x78: {  	_ =	shalt  }
0x79: {  	_ =	shalt  }
0x7a: {  	_ =	shalt  }
0x7b: {  	_ =	shalt  }
0x7c: {  	_ =	shalt  }
0x7d: {  	_ =	shalt  }
0x7e: {  	_ =	shalt  }
0x7f: {  	_ =	shalt  }
0x80: {  	_ =	shalt  }
0x81: {  	_ =	shalt  }
0x82: {  	_ =	shalt  }
0x83: {  	_ =	shalt  }
0x84: {  	_ =	shalt  }
0x85: {  	_ =	shalt  }
0x86: {  	_ =	shalt  }
0x87: {  	_ =	shalt  }
.Lfunc_end0:
.L_simem_size_0:
called_computation.5_lowered:
.L_overlay_start_0:
0x88: {  	s2 =	sld [smem:$0x3FD9]  }
0x89: {  	s3 =	sld [smem:$0x3FFE];
	_ =	sdelay $0x1  }
0x8a: {  	s1 =	srdreg.scid  }
0x8b: {  	s0 =	sand.u32 $0x1, s1  }
0x8c: {  	s17 =	sshll.u32 s0, $0xA;
	s2 =	sadd.s32 s3, s2  }
0x8d: {  	s2 =	sadd.s32 s2, s17  }
0x8e: {  	[smem:$0x3FAB] =	sst s2  }
0x8f: {  	_ = 	snop  }
0x90: {  	(tm) =	ssettm $0x1  }
0x91: {  	s18 =	sld [smem:$0x3FFB];
	_ =	sdelay $0x3  }
0x92: {  	_ =	strace s18  }
0x93: {  	s2 =	sld [smem:$0x3FFC];
	_ =	sdelay $0x3  }
0x94: {  	_ =	strace s2  }
0x95: {  	s2 =	sld [smem:$0x3FFD];
	_ =	sdelay $0x3  }
0x96: {  	_ =	strace s2  }
0x97: {  	_ =	strace $0x8FFFFFFF  }
0x98: {  	s19 =	sld [smem:$0x3FDB];
	_ =	sdelay $0x1  }
0x99: {  	s20 =	simm.s32 $_scs_section_size  }
0x9a: {  	s4 =	simm.s32 $_size__tile_overlayer_lowered;
	s5 =	simm.s32 $_tile_overlayer_lowered  }
0x9b: {  	s6 =	simm.s32 $0x1BFF;
	s21 =	sshll.u32 s5, $0x1;
	s3 =	sadd.s32 s20, s19  }
0x9c: {  	s22 =	simm.s32 $0x0;
	s4 =	sshll.u32 s4, $0x1;
	s5 =	sadd.s32 s21, s3  }
0x9d: {  	[timem:s22], [sflag:s6] =	dma.local [hbm:s5], s4  }
0x9e: {  	_ =	swait.ge [sflag:s6], s4  }
0x9f: {  	s4 =	ssub.s32 $0x0, s4;
	[sflag:s6] =	ssyncset.done $0x0  }
0xa0: {  	[sflag:s6] =	ssyncadd.s32 s4;
	_ =	sdelay $0x1  }
0xa1: {  	s23 =	simm.s32 $0x1B8B  }
0xa2: {  	_ =	swait.ge [sflag:s23], $0x1  }
0xa3: {  	[sflag:s23] =	ssyncset.done $0x0  }
0xa4: {  	[sflag:s23] =	ssyncadd.s32 $0xFFFFFFFF  }
0xa5: {  	s4 =	sld [smem:$0x0]  }
0xa6: {  	s5 =	sand.u32 $0xFFFFFFFE, s1  }
0xa7: {  	p0 =	sne.s32 s1, s5  }
0xa8: {  	s5 =	sshll.u32 @p0 s5, $0xE  }
0xa9: {  	s5 =	sadd.s32 @p0 $0x11B8D, s5;
	s6 =	sshll.u32 @p0 s4, $0x11  }
0xaa: {  	s5 =	sor.u32 @p0 s6, s5  }
0xab: {  	[sflag:s5] =	ssyncadd.remote.s32 @p0 $0x1;
	_ =	sdelay $0x1  }
0xac: {  	s5 =	simm.s32 @p0 $0x1B8D  }
0xad: {  	_ =	swait.eq @p0 [sflag:s5], $0x1  }
0xae: {  	[sflag:s5] =	ssyncadd.s32 @p0 $0xFFFFFFFF  }
0xaf: {  	s6 =	sshll.u32 @!p0 s1, $0xE  }
0xb0: {  	s6 =	sor.u32 @!p0 $0x4000, s6;
	s5 =	simm.s32 @!p0 $0x1B8D  }
0xb1: {  	s4 =	sshll.u32 @!p0 s4, $0x11;
	s6 =	sadd.s32 @!p0 $0x11B8D, s6;
	_ =	swait.eq @!p0 [sflag:s5], $0x1  }
0xb2: {  	s4 =	sor.u32 @!p0 s4, s6;
	[sflag:s5] =	ssyncadd.s32 @!p0 $0xFFFFFFFF  }
0xb3: {  	s25 =	simm.s32 $0x1B8E;
	s24 =	sld [smem:$0x3FFE];
	[sflag:s4] =	ssyncadd.remote.s32 @!p0 $0x1  }
0xb4: {  	s26 =	simm.s32 $execute0_lowered;
	[smem:$0x3FD2] =	sst s25  }
0xb5: {  	s5 =	sshll.u32 s26, $0x1;
	_ =	strace $0x8000004F;
	[dreg:$0x1] =	wrdreg $0xFFFFFFFF  }
0xb6: {  	s28 =	simm.s32 $_size_execute0_lowered;
	s3 =	sadd.s32 s3, s5;
	[dreg:$0x0] =	wrdreg $0x0  }
0xb7: {  	s5 =	sshll.u32 s28, $0x1;
	[dreg:$0x2] =	wrdreg s3  }
0xb8: {  	[dreg:$0x3] =	wrdreg s5  }
0xb9: {  	[dreg:$0x4] =	wrdreg $0xC0  }
0xba: {  	_ =	task [dreg:s22], $0x5FFFF  }
0xbb: {  	[dreg:$0x1] =	wrdreg $0xFFFFFFFF  }
0xbc: {  	[dreg:$0x0] =	wrdreg $0x60  }
0xbd: {  	[dreg:$0x2] =	wrdreg s24  }
0xbe: {  	[dreg:$0x3] =	wrdreg $0x0  }
0xbf: {  	[dreg:$0x4] =	wrdreg $0xA  }
0xc0: {  	_ =	task.clear_ibuf [dreg:s22], $0x5FFFF;
	_ =	strace $0x9000004F  }
0xc1: {  	s29 =	simm.s32 $0xA;
	_ =	strace $0x80000051  }
0xc2: {  	_ =	swait.ge [sflag:s29], $0x1  }
0xc3: {  	[sflag:s29] =	ssyncadd.s32 $0xFFFFFFFF  }
0xc4: {  	_ =	strace $0x90000051  }
0xc5: {  	_ =	sfence  }
0xc6: {  	s30 =	sld [smem:$0x0];
	_ =	sdelay $0x2  }
0xc7: {  	s31 =	sshll.u32 s1, $0xD;
	s1 =	sshrl.u32 s1, $0x2  }
0xc8: {  	s4 =	sand.u32 $0x4000, s31;
	s1 =	sadd.s32 s1, s30  }
0xc9: {  	s0 =	sor.u32 s4, s0;
	s1 =	sshll.u32 s1, $0x11  }
0xca: {  	s0 =	sor.u32 s1, s0  }
0xcb: {  	s0 =	sadd.s32 $0x8F2B, s0  }
0xcc: {  	[sflag:s0] =	ssyncadd.remote.s32 $0x1  }
0xcd: {  	_ =	sfence.sel $0xFFFF  }
0xce: {  	[dreg:$0x0] =	wrdreg $0xFFFFFFFF;
	(pc) =	sbr.abs _section_cstart, $3  }
0xcf: {  	[dreg:$0x1] =	wrdreg $0xFFFFFFFF  }
0xd0: {  	_ =	task.clear_ibuf [dreg:s22], $0x2FFFF;
	_ =	strace $0x9FFFFFFF  }
0xd1: {  	(tm) =	ssettm $0x7FFFFFFF  }
tec
execute0_lowered:
.L_overlay_start_1:
0x0: {  	(tag) =	ssettag $0x1  }
0x1: {  	s4 =	rddreg [dreg:$0x0]  }
0x2: {  	s2 =	rddreg [dreg:$0x1]  }
0x3: {  	s0 =	srdreg.scid;
	s1 =	rddreg [dreg:$0x2]  }
0x4: {  	s3 =	simm.s32 $0x0;
	s13 =	simm.s32 $0x13880;
	s5 =	sand.u32 $0x1, s0  }
0x5: {  	s14 =	simm.s32 $0x1;
	s0 =	stileid.u32;
	s6 =	smul.u32 $0x27100, s5  }
0x6: {  	s15 =	simm.s32 $0x13900;
	s16 =	simm.s32 $0x13980;
	s7 =	smul.u32 $0x2710, s0  }
0x7: {  	s17 =	simm.s32 $0x13A00;
	s18 =	simm.s32 $0x13A80;
	s8 =	smul.u32 $0x138800, s5  }
0x8: {  	s19 =	simm.s32 $0x50;
	[smem:$0x7FF] =	sst s3;
	s25 =	smul.u32 $0x1F400, s0  }
0x9: {  	s20 =	simm.s32 $0x0;
	_ =	strace $0x80000050;
	s9 =	smul.u32 $0x3E80, s0  }
0xa: {  	v0 =	vlaneseq.u32;
	s28 =	smul.u32 $0x7D000, s0;
	s5 =	ssub.s32 $0x2, s5;
	p0 =	sgt.u32 s0, $0x9  }
0xb: {  	v0 =	vmul.u32 $0x80, v0;
	s30 =	sshrl.u32 s5, $0x1;
	s11 =	sshll.u32 @!p0 s0, $0x6;
	s6 =	sadd.s32 s7, s6  }
0xc: {  	s26 =	sadd.s32 s25, s8;
	s29 =	sadd.s32 s9, s4;
	s7 =	sshrl.u32 s28, $0x2  }
0xd: {  	v1 =	vimm.f32 $0.0e+00;
	v2 =	vor.u32 $0x1, v0;
	v3 =	vor.u32 $0x2, v0;
	s31 =	ssub.s32 s5, s30;
	s11 =	sor.u32 @!p0 $0x1C01, s11;
	s6 =	sshrl.u32 s6, $0x3  }
0xe: {  	v4 =	vor.u32 $0x800, v0;
	v5 =	vor.u32 $0x801, v0;
	v6 =	vor.u32 $0x802, v0;
	s12 =	sadd.s32 s7, s2;
	s10 =	sadd.s32 s6, s4;
	s6 =	sshrl.u32 s26, $0x3  }
0xf: {  	v7 =	vor.u32 $0x1000, v0;
	v8 =	vor.u32 $0x1001, v0;
	v9 =	vor.u32 $0x1002, v0;
	s12 =	sshrl.u32 @!p0 s12, $0x3;
	s6 =	sadd.s32 s6, s4;
	s4 =	sadd.s32 $0x161200, s29  }
0x10: {  	v10 =	vor.u32 $0x1800, v0;
	v11 =	vor.u32 $0x1801, v0;
	v12 =	vor.u32 $0x1802, v0;
	s7 =	sadd.s32 $0x43800, s10;
	s8 =	sadd.s32 $0x39A00, s10;
	s9 =	sadd.s32 $0x2FC00, s10  }
0x11: {  	v13 =	vor.u32 $0x2000, v0;
	v14 =	vor.u32 $0x2001, v0;
	v15 =	vor.u32 $0x2002, v0;
	s10 =	sadd.s32 $0x6400, s10;
	s5 =	sadd.s32 $0x3E6000, s6;
	s6 =	smax.u32 s31, $0x1  }
.LBB2_1:
0x12: {  	[spmem:s12], [sflag:s11] =	dma.local @!p0 [hbm:s4], $0x3E80  }
0x13: {  	s21 =	simm.s32 @!p0 $0x1  }
0x14: {  	_ =	swait.ge @!p0 [sflag:s21], $0x3E80  }
0x15: {  	[sflag:s21] =	ssyncset.done @!p0 $0x0  }
0x16: {  	s22 =	simm.s32 $0x200;
	[sflag:s21] =	ssyncadd.s32 @!p0 $0xFFFFC180;
	s21 =	simm.s32 $0x0  }
.LBB2_2:
0x17: {  	p1 =	sne.s32 s22, $0x9E00;
	[tilespmem:s21+$0x13AF0] =	vst v1  }
0x18: {  	[tilespmem:s21+$0x13A80] =	vst v1  }
0x19: {  	[tilespmem:s21+$0x13A90] =	vst v1  }
.Ltmp0:
0x1a: {  	[tilespmem:s21+$0x13AA0] =	vst v1;
	(pc) =	sbr.rel @p1 .LBB2_2-.Ltmp0, $4  }
0x1b: {  	[tilespmem:s21+$0x13AB0] =	vst v1  }
0x1c: {  	[tilespmem:s21+$0x13AC0] =	vst v1  }
0x1d: {  	[tilespmem:s21+$0x13AD0] =	vst v1  }
0x1e: {  	[tilespmem:s21+$0x13AE0] =	vst v1;
	s21 =	sshra.s32 s22, $0x2;
	s22 =	sadd.s32 $0x200, s22  }
0x1f: {  	[tilespmem:s21+$0x13AF0] =	vst v1  }
0x20: {  	[tilespmem:s21+$0x13A80] =	vst v1  }
0x21: {  	[tilespmem:s21+$0x13A90] =	vst v1  }
0x22: {  	[tilespmem:s21+$0x13AA0] =	vst v1  }
0x23: {  	[tilespmem:s21+$0x13AB0] =	vst v1  }
0x24: {  	[tilespmem:s21+$0x13AC0] =	vst v1  }
0x25: {  	[tilespmem:s21+$0x13AD0] =	vst v1  }
0x26: {  	[tilespmem:s21+$0x13AE0] =	vst v1  }
0x27: {  	s28 =	sadd.s32 $0x0, s10;
	[bflag:$0x0] =	sbarrier.arrive $0xFFFF  }
0x28: {  	[tilespmem:s13], [sflag:$0x1] =	stream.linear.gather [hbm4b:s28+s3], $0x50, $0x38;
	[tilespmem:$0x16280] =	vst v63  }
0x29: {  	_ =	swait.ge [sflag:s14], $0x50  }
0x2a: {  	[sflag:s14] =	ssyncset.done $0x0  }
0x2b: {  	s29 =	sadd.s32 $0x0, s9;
	[sflag:s14] =	ssyncadd.s32 $0xFFFFFFB0  }
0x2c: {  	[tilespmem:s15], [sflag:$0x1] =	stream.linear.gather [hbm4b:s29+s3], $0x50, $0x38;
	[tilespmem:$0x16280] =	vst v63  }
0x2d: {  	_ =	swait.ge [sflag:s14], $0x50  }
0x2e: {  	[sflag:s14] =	ssyncset.done $0x0  }
0x2f: {  	s30 =	sadd.s32 $0x0, s8;
	[sflag:s14] =	ssyncadd.s32 $0xFFFFFFB0  }
0x30: {  	[tilespmem:s16], [sflag:$0x1] =	stream.linear.gather [hbm4b:s30+s3], $0x50, $0x38;
	[tilespmem:$0x16280] =	vst v63  }
0x31: {  	_ =	swait.ge [sflag:s14], $0x50  }
0x32: {  	[sflag:s14] =	ssyncset.done $0x0  }
0x33: {  	s31 =	sadd.s32 $0x0, s7;
	[sflag:s14] =	ssyncadd.s32 $0xFFFFFFB0  }
0x34: {  	[tilespmem:s17], [sflag:$0x1] =	stream.linear.gather [hbm4b:s31+s3], $0x50, $0x38;
	[tilespmem:$0x16280] =	vst v63  }
0x35: {  	_ =	swait.ge [sflag:s14], $0x50  }
0x36: {  	[sflag:s14] =	ssyncset.done $0x0  }
0x37: {  	[sflag:s14] =	ssyncadd.s32 $0xFFFFFFB0  }
0x38: {  	v16 =	vld [tilespmem:$0x13900];
	_ =	sdelay $0x4  }
0x39: {  	[tilespmem:v0+s18+$0x0] =	vst.idx.msk $0xffff, v16  }
0x3a: {  	v16 =	vld [tilespmem:$0x13980];
	_ =	sdelay $0x4  }
0x3b: {  	[tilespmem:v2+s18+$0x0] =	vst.idx.msk $0xffff, v16  }
0x3c: {  	v16 =	vld [tilespmem:$0x13A00];
	_ =	sdelay $0x4  }
0x3d: {  	[tilespmem:v3+s18+$0x0] =	vst.idx.msk $0xffff, v16  }
0x3e: {  	v16 =	vld [tilespmem:$0x13910];
	_ =	sdelay $0x4  }
0x3f: {  	[tilespmem:v4+s18+$0x0] =	vst.idx.msk $0xffff, v16  }
0x40: {  	v16 =	vld [tilespmem:$0x13990];
	_ =	sdelay $0x4  }
0x41: {  	[tilespmem:v5+s18+$0x0] =	vst.idx.msk $0xffff, v16  }
0x42: {  	v16 =	vld [tilespmem:$0x13A10];
	_ =	sdelay $0x4  }
0x43: {  	[tilespmem:v6+s18+$0x0] =	vst.idx.msk $0xffff, v16  }
0x44: {  	v16 =	vld [tilespmem:$0x13920];
	_ =	sdelay $0x4  }
0x45: {  	[tilespmem:v7+s18+$0x0] =	vst.idx.msk $0xffff, v16  }
0x46: {  	v16 =	vld [tilespmem:$0x139A0];
	_ =	sdelay $0x4  }
0x47: {  	[tilespmem:v8+s18+$0x0] =	vst.idx.msk $0xffff, v16  }
0x48: {  	v16 =	vld [tilespmem:$0x13A20];
	_ =	sdelay $0x4  }
0x49: {  	[tilespmem:v9+s18+$0x0] =	vst.idx.msk $0xffff, v16  }
0x4a: {  	v16 =	vld [tilespmem:$0x13930];
	_ =	sdelay $0x4  }
0x4b: {  	[tilespmem:v10+s18+$0x0] =	vst.idx.msk $0xffff, v16  }
0x4c: {  	v16 =	vld [tilespmem:$0x139B0];
	_ =	sdelay $0x4  }
0x4d: {  	[tilespmem:v11+s18+$0x0] =	vst.idx.msk $0xffff, v16  }
0x4e: {  	v16 =	vld [tilespmem:$0x13A30];
	_ =	sdelay $0x4  }
0x4f: {  	[tilespmem:v12+s18+$0x0] =	vst.idx.msk $0xffff, v16  }
0x50: {  	v16 =	vld [tilespmem:$0x13940];
	_ =	sdelay $0x4  }
0x51: {  	[tilespmem:v13+s18+$0x0] =	vst.idx.msk $0xffff, v16  }
0x52: {  	v16 =	vld [tilespmem:$0x139C0];
	_ =	sdelay $0x4  }
0x53: {  	[tilespmem:v14+s18+$0x0] =	vst.idx.msk $0xffff, v16  }
0x54: {  	v16 =	vld [tilespmem:$0x13A40];
	_ =	sdelay $0x4  }
0x55: {  	[tilespmem:v15+s18+$0x0] =	vst.idx.msk $0xffff, v16  }
0x56: {  	[spmem:s2] =	stream.indirect.scatter.add.f32 [tilespmem:s18], [sflag:$0x1], $0x80, s13, s19, $0xb8;
	[tilespmem:$0x16280] =	vst v63  }
0x57: {  	_ =	swait.ge [sflag:s14], $0x2800  }
0x58: {  	s21 =	simm.s32 $0xA;
	s23 =	simm.s32 $0x14;
	[sflag:s14] =	ssyncset.done $0x0  }
.LBB2_4:
0x59: {  	s24 =	sadd.s32 s21, s10  }
0x5a: {  	[sflag:s14] =	ssyncadd.s32 $0xFFFFD800;
	s25 =	smov.u32 s23;
	s22 =	sadd.s32 $0xA, s23  }
0x5b: {  	[tilespmem:s13], [sflag:$0x1] =	stream.linear.gather [hbm4b:s24+s3], $0x50, $0x38;
	[tilespmem:$0x16280] =	vst v63  }
0x5c: {  	p1 =	sne.s32 s23, $0x4D8;
	_ =	swait.ge [sflag:s14], $0x50  }
0x5d: {  	[sflag:s14] =	ssyncset.done $0x0  }
0x5e: {  	s23 =	sadd.s32 s21, s9;
	[sflag:s14] =	ssyncadd.s32 $0xFFFFFFB0  }
0x5f: {  	[tilespmem:s15], [sflag:$0x1] =	stream.linear.gather [hbm4b:s23+s3], $0x50, $0x38;
	[tilespmem:$0x16280] =	vst v63  }
0x60: {  	_ =	swait.ge [sflag:s14], $0x50  }
0x61: {  	[sflag:s14] =	ssyncset.done $0x0  }
0x62: {  	s23 =	sadd.s32 s21, s8;
	[sflag:s14] =	ssyncadd.s32 $0xFFFFFFB0  }
0x63: {  	[tilespmem:s16], [sflag:$0x1] =	stream.linear.gather [hbm4b:s23+s3], $0x50, $0x38;
	[tilespmem:$0x16280] =	vst v63  }
0x64: {  	_ =	swait.ge [sflag:s14], $0x50  }
0x65: {  	[sflag:s14] =	ssyncset.done $0x0  }
0x66: {  	s23 =	sadd.s32 s21, s7;
	s21 =	smov.u32 s25;
	[sflag:s14] =	ssyncadd.s32 $0xFFFFFFB0  }
0x67: {  	[tilespmem:s17], [sflag:$0x1] =	stream.linear.gather [hbm4b:s23+s3], $0x50, $0x38;
	[tilespmem:$0x16280] =	vst v63  }
0x68: {  	_ =	swait.ge [sflag:s14], $0x50  }
0x69: {  	[sflag:s14] =	ssyncset.done $0x0  }
0x6a: {  	[sflag:s14] =	ssyncadd.s32 $0xFFFFFFB0  }
0x6b: {  	v16 =	vld [tilespmem:$0x13900];
	_ =	sdelay $0x4  }
0x6c: {  	[tilespmem:v0+s18+$0x0] =	vst.idx.msk $0xffff, v16  }
0x6d: {  	v16 =	vld [tilespmem:$0x13980];
	_ =	sdelay $0x4  }
0x6e: {  	[tilespmem:v2+s18+$0x0] =	vst.idx.msk $0xffff, v16  }
0x6f: {  	v16 =	vld [tilespmem:$0x13A00];
	_ =	sdelay $0x4  }
0x70: {  	[tilespmem:v3+s18+$0x0] =	vst.idx.msk $0xffff, v16  }
0x71: {  	v16 =	vld [tilespmem:$0x13910];
	_ =	sdelay $0x4  }
0x72: {  	[tilespmem:v4+s18+$0x0] =	vst.idx.msk $0xffff, v16  }
0x73: {  	v16 =	vld [tilespmem:$0x13990];
	_ =	sdelay $0x4  }
0x74: {  	[tilespmem:v5+s18+$0x0] =	vst.idx.msk $0xffff, v16  }
0x75: {  	v16 =	vld [tilespmem:$0x13A10];
	_ =	sdelay $0x4  }
0x76: {  	[tilespmem:v6+s18+$0x0] =	vst.idx.msk $0xffff, v16  }
0x77: {  	v16 =	vld [tilespmem:$0x13920];
	_ =	sdelay $0x4  }
0x78: {  	[tilespmem:v7+s18+$0x0] =	vst.idx.msk $0xffff, v16  }
0x79: {  	v16 =	vld [tilespmem:$0x139A0];
	_ =	sdelay $0x4  }
0x7a: {  	[tilespmem:v8+s18+$0x0] =	vst.idx.msk $0xffff, v16  }
0x7b: {  	v16 =	vld [tilespmem:$0x13A20];
	_ =	sdelay $0x4  }
0x7c: {  	[tilespmem:v9+s18+$0x0] =	vst.idx.msk $0xffff, v16  }
0x7d: {  	v16 =	vld [tilespmem:$0x13930];
	_ =	sdelay $0x4  }
0x7e: {  	[tilespmem:v10+s18+$0x0] =	vst.idx.msk $0xffff, v16  }
0x7f: {  	v16 =	vld [tilespmem:$0x139B0];
	_ =	sdelay $0x4  }
0x80: {  	[tilespmem:v11+s18+$0x0] =	vst.idx.msk $0xffff, v16  }
0x81: {  	v16 =	vld [tilespmem:$0x13A30];
	_ =	sdelay $0x4  }
0x82: {  	[tilespmem:v12+s18+$0x0] =	vst.idx.msk $0xffff, v16  }
0x83: {  	v16 =	vld [tilespmem:$0x13940];
	_ =	sdelay $0x4  }
0x84: {  	[tilespmem:v13+s18+$0x0] =	vst.idx.msk $0xffff, v16  }
0x85: {  	v16 =	vld [tilespmem:$0x139C0];
	_ =	sdelay $0x4  }
0x86: {  	[tilespmem:v14+s18+$0x0] =	vst.idx.msk $0xffff, v16  }
0x87: {  	v16 =	vld [tilespmem:$0x13A40];
	_ =	sdelay $0x3  }
.Ltmp1:
0x88: {  	(pc) =	sbr.rel @p1 .LBB2_4-.Ltmp1, $4  }
0x89: {  	[tilespmem:v15+s18+$0x0] =	vst.idx.msk $0xffff, v16  }
0x8a: {  	[spmem:s2] =	stream.indirect.scatter.add.f32 [tilespmem:s18], [sflag:$0x1], $0x80, s13, s19, $0xb8;
	[tilespmem:$0x16280] =	vst v63  }
0x8b: {  	_ =	swait.ge [sflag:s14], $0x2800  }
0x8c: {  	s23 =	smov.u32 s22;
	[sflag:s14] =	ssyncset.done $0x0  }
0x8d: {  	s22 =	sadd.s32 s21, s10;
	[sflag:s14] =	ssyncadd.s32 $0xFFFFD800  }
0x8e: {  	[tilespmem:s13], [sflag:$0x1] =	stream.linear.gather [hbm4b:s22+s3], $0x50, $0x38;
	[tilespmem:$0x16280] =	vst v63  }
0x8f: {  	_ =	swait.ge [sflag:s14], $0x50  }
0x90: {  	[sflag:s14] =	ssyncset.done $0x0  }
0x91: {  	s29 =	sadd.s32 s21, s9;
	[sflag:s14] =	ssyncadd.s32 $0xFFFFFFB0  }
0x92: {  	[tilespmem:s15], [sflag:$0x1] =	stream.linear.gather [hbm4b:s29+s3], $0x50, $0x38;
	[tilespmem:$0x16280] =	vst v63  }
0x93: {  	_ =	swait.ge [sflag:s14], $0x50  }
0x94: {  	[sflag:s14] =	ssyncset.done $0x0  }
0x95: {  	s30 =	sadd.s32 s21, s8;
	[sflag:s14] =	ssyncadd.s32 $0xFFFFFFB0  }
0x96: {  	[tilespmem:s16], [sflag:$0x1] =	stream.linear.gather [hbm4b:s30+s3], $0x50, $0x38;
	[tilespmem:$0x16280] =	vst v63  }
0x97: {  	_ =	swait.ge [sflag:s14], $0x50  }
0x98: {  	[sflag:s14] =	ssyncset.done $0x0  }
0x99: {  	s31 =	sadd.s32 s21, s7;
	[sflag:s14] =	ssyncadd.s32 $0xFFFFFFB0  }
0x9a: {  	[tilespmem:s17], [sflag:$0x1] =	stream.linear.gather [hbm4b:s31+s3], $0x50, $0x38;
	[tilespmem:$0x16280] =	vst v63  }
0x9b: {  	_ =	swait.ge [sflag:s14], $0x50  }
0x9c: {  	[sflag:s14] =	ssyncset.done $0x0  }
0x9d: {  	[sflag:s14] =	ssyncadd.s32 $0xFFFFFFB0  }
0x9e: {  	v16 =	vld [tilespmem:$0x13900];
	_ =	sdelay $0x4  }
0x9f: {  	[tilespmem:v0+s18+$0x0] =	vst.idx.msk $0xffff, v16  }
0xa0: {  	v16 =	vld [tilespmem:$0x13980];
	_ =	sdelay $0x4  }
0xa1: {  	[tilespmem:v2+s18+$0x0] =	vst.idx.msk $0xffff, v16  }
0xa2: {  	v16 =	vld [tilespmem:$0x13A00];
	_ =	sdelay $0x4  }
0xa3: {  	[tilespmem:v3+s18+$0x0] =	vst.idx.msk $0xffff, v16  }
0xa4: {  	v16 =	vld [tilespmem:$0x13910];
	_ =	sdelay $0x4  }
0xa5: {  	[tilespmem:v4+s18+$0x0] =	vst.idx.msk $0xffff, v16  }
0xa6: {  	v16 =	vld [tilespmem:$0x13990];
	_ =	sdelay $0x4  }
0xa7: {  	[tilespmem:v5+s18+$0x0] =	vst.idx.msk $0xffff, v16  }
0xa8: {  	v16 =	vld [tilespmem:$0x13A10];
	_ =	sdelay $0x4  }
0xa9: {  	[tilespmem:v6+s18+$0x0] =	vst.idx.msk $0xffff, v16  }
0xaa: {  	v16 =	vld [tilespmem:$0x13920];
	_ =	sdelay $0x4  }
0xab: {  	[tilespmem:v7+s18+$0x0] =	vst.idx.msk $0xffff, v16  }
0xac: {  	v16 =	vld [tilespmem:$0x139A0];
	_ =	sdelay $0x4  }
0xad: {  	[tilespmem:v8+s18+$0x0] =	vst.idx.msk $0xffff, v16  }
0xae: {  	v16 =	vld [tilespmem:$0x13A20];
	_ =	sdelay $0x4  }
0xaf: {  	[tilespmem:v9+s18+$0x0] =	vst.idx.msk $0xffff, v16  }
0xb0: {  	v16 =	vld [tilespmem:$0x13930];
	_ =	sdelay $0x4  }
0xb1: {  	[tilespmem:v10+s18+$0x0] =	vst.idx.msk $0xffff, v16  }
0xb2: {  	v16 =	vld [tilespmem:$0x139B0];
	_ =	sdelay $0x4  }
0xb3: {  	[tilespmem:v11+s18+$0x0] =	vst.idx.msk $0xffff, v16  }
0xb4: {  	v16 =	vld [tilespmem:$0x13A30];
	_ =	sdelay $0x4  }
0xb5: {  	[tilespmem:v12+s18+$0x0] =	vst.idx.msk $0xffff, v16  }
0xb6: {  	v16 =	vld [tilespmem:$0x13940];
	_ =	sdelay $0x4  }
0xb7: {  	[tilespmem:v13+s18+$0x0] =	vst.idx.msk $0xffff, v16  }
0xb8: {  	v16 =	vld [tilespmem:$0x139C0];
	_ =	sdelay $0x4  }
0xb9: {  	[tilespmem:v14+s18+$0x0] =	vst.idx.msk $0xffff, v16  }
0xba: {  	v16 =	vld [tilespmem:$0x13A40];
	_ =	sdelay $0x4  }
0xbb: {  	[tilespmem:v15+s18+$0x0] =	vst.idx.msk $0xffff, v16  }
0xbc: {  	[spmem:s2] =	stream.indirect.scatter.add.f32 [tilespmem:s18], [sflag:$0x1], $0x80, s13, s19, $0xb8;
	[tilespmem:$0x16280] =	vst v63  }
0xbd: {  	_ =	swait.ge [sflag:s14], $0x2800  }
0xbe: {  	s20 =	sadd.s32 $0x1, s20;
	[sflag:s14] =	ssyncset.done $0x0  }
0xbf: {  	p1 =	sne.s32 s20, s6;
	[sflag:s14] =	ssyncadd.s32 $0xFFFFD800  }
.Ltmp2:
0xc0: {  	s21 =	simm.s32 @!p0 $0x1;
	[bflag:$0x0] =	sbarrier.arrive $0xFFFF;
	(pc) =	sbr.rel @p1 .LBB2_1-.Ltmp2, $4  }
0xc1: {  	[hbm:s5], [sflag:s11] =	dma.local @!p0 [spmem:s12], $0x3E80  }
0xc2: {  	_ =	swait.ge @!p0 [sflag:s21], $0x3E80  }
0xc3: {  	[sflag:s21] =	ssyncset.done @!p0 $0x0  }
0xc4: {  	[sflag:s21] =	ssyncadd.s32 @!p0 $0xFFFFC180  }
0xc5: {  	_ =	sfence.sel $0x180000  }
0xc6: {  	[bflag:$0x0] =	sbarrier.arrive $0xFFFF  }
0xc7: {  	p0 =	sne.s32 s0, $0x0;
	_ =	strace $0x90000050  }
0xc8: {  	s0 =	sadd.s32 @!p0 $0x100000, s1;
	[bflag:$0x2] =	sbarrier.arrive $0xFFFF  }
0xc9: {  	[sflag:s0] =	ssyncadd.tile.s32 @!p0 $0x1;
	_ =	shalt  }
.Lfunc_end2:
_tile_overlayer_lowered:
.L_overlay_start_2:
0xca: {  	(tag) =	ssettag $0x2  }
0xcb: {  	s0 =	rddreg [dreg:$0x0];
	s2 =	stileid.u32  }
0xcc: {  	s1 =	rddreg [dreg:$0x1];
	p0 =	sne.s32 s2, $0x0  }
0xcd: {  	s3 =	rddreg [dreg:$0x2];
	[bflag:$0x3] =	sbarrier.arrive $0xFFFF;
	s2 =	simm.s32 @!p0 $0x1C01  }
0xce: {  	[timem:s3], [sflag:s2] =	dma.local @!p0 [hbm:s0], s1  }
0xcf: {  	s0 =	simm.s32 @!p0 $0x1  }
0xd0: {  	_ =	swait.ge @!p0 [sflag:s0], s1  }
0xd1: {  	s1 =	ssub.s32 @!p0 $0x0, s1;
	[sflag:s0] =	ssyncset.done @!p0 $0x0  }
0xd2: {  	[sflag:s0] =	ssyncadd.s32 @!p0 s1  }
0xd3: {  	[bflag:$0x3] =	sbarrier.arrive $0xFFFF  }
0xd4: {  	_ =	shalt  }

// kernel: scatter_offload_async_start
scs
__scs_entry_jumppad:
0x0: {  	(pc) =	sbr.rel $0x88, $3  }
0x1: {  	(tag) =	ssettag $0x0;
	lr =	simm.s32 $0x1  }
0x2: {  	[smem:$0x3F84] =	sst lr;
	_ =	strace $0xD0000000  }
0x3: {  	_ = 	snop  }
0x4: {  	_ = 	snop  }
0x5: {  	_ = 	snop  }
0x6: {  	_ = 	snop  }
0x7: {  	_ = 	snop  }
__scs_overlays_trampoline_lowered:
0x8: {  	[smem:$0x3F93] =	sst s0  }
0x9: {  	[smem:$0x3F94] =	sst s1  }
0xa: {  	[smem:$0x3F95] =	sst s2  }
0xb: {  	[smem:$0x3F96] =	sst s3  }
0xc: {  	[smem:$0x3F97] =	sst s4  }
0xd: {  	[smem:$0x3F98] =	sst s5  }
0xe: {  	[smem:$0x3F99] =	sst s6  }
0xf: {  	[smem:$0x3F9A] =	sst s7  }
0x10: {  	[smem:$0x3F9B] =	sst s8  }
0x11: {  	[smem:$0x3F9C] =	sst s9;
	s0 =	simm.s32 @!p0 $0x0  }
0x12: {  	s1 =	sld [smem:$0x3F82];
	s0 =	simm.s32 @p0 $0x1  }
0x13: {  	[smem:$0x3F9D] =	sst s0;
	s0 =	simm.s32 @!p1 $0x0  }
0x14: {  	s2 =	sld [smem:$0x3F81];
	s0 =	simm.s32 @p1 $0x1  }
0x15: {  	[smem:$0x3F9E] =	sst s0;
	s0 =	simm.s32 @!p2 $0x0  }
0x16: {  	s3 =	sld [smem:$0x3FDB];
	s0 =	simm.s32 @p2 $0x1  }
0x17: {  	s4 =	simm.s32 $0x1BF5;
	[smem:$0x3FA0] =	sst s0  }
0x18: {  	s0 =	sld [smem:$0x3F83];
	_ =	swait.ge [sflag:s4], $0x0  }
0x19: {  	s7 =	sld [smem:$0x3F84]  }
0x1a: {  	s8 =	sadd.s32 $0xFFFFE003, lr  }
0x1b: {  	s9 =	sadd.s32 $0xFFFFFEF7, lr;
	s5 =	simm.s32 $0xFFFFFFFF;
	p2 =	slt.u32 s8, $0xFFFFF086  }
0x1c: {  	p1 =	slt.u32 s9, $0xF7A;
	s5 =	simm.s32 @!p2 $0x0  }
0x1d: {  	s5 =	simm.s32 @p1 $0x1;
	p0 =	seq.s32 s7, s2  }
0x1e: {  	s7 =	smul.u32 @!p0 $0xF7A, s2;
	p2 =	seq.s32 @!p0 s5, $0x0  }
0x1f: {  	s9 =	smul.u32 $0xF7A, s1;
	s8 =	simm.s32 @!p0 $0x1BF5;
	p2 =	por !p2, p0  }
0x20: {  	[sflag:s8] =	ssyncset.s32 @!p0 $0xFFFFF086;
	s6 =	sadd.s32 @!p0 s3, s7;
	s7 =	simm.s32 @!p0 $0x108  }
0x21: {  	s3 =	sadd.s32 s3, s9;
	s6 =	sadd.s32 @!p0 $0x88, s6;
	s7 =	simm.s32 @p2 $0x1082  }
0x22: {  	[simem:s7], [sflag:s8] =	dma.local @!p0 [hbm:s6], $0xF7A  }
0x23: {  	s9 =	sor.u32 $0xD0000000, s2;
	s6 =	simm.s32 $0x108;
	_ =	swait.ge @!p0 [sflag:s8], $0x0  }
0x24: {  	s3 =	sadd.s32 $0x88, s3;
	s6 =	simm.s32 @!p1 $0x1082;
	[sflag:s4] =	ssyncset.s32 $0xFFFFF086  }
0x25: {  	[simem:s6], [sflag:s4] =	dma.local [hbm:s3], $0xF7A  }
0x26: {  	[smem:$0x3F84] =	sst s1;
	(tag) =	ssettag s2;
	_ =	strace s9  }
0x27: {  	s1 =	sld [smem:$0x3F94]  }
0x28: {  	s2 =	sld [smem:$0x3F95]  }
0x29: {  	s4 =	sld [smem:$0x3F97]  }
0x2a: {  	p0 =	seq.s32 s5, $0x0;
	s5 =	sld [smem:$0x3F98]  }
0x2b: {  	s6 =	sld [smem:$0x3F99]  }
0x2c: {  	s7 =	sld [smem:$0x3F9A]  }
0x2d: {  	s3 =	simm.s32 $0x108;
	s8 =	sld [smem:$0x3F9B]  }
0x2e: {  	s3 =	simm.s32 @!p0 $0x1082;
	s9 =	sld [smem:$0x3F9C]  }
0x2f: {  	lr =	sadd.s32 s0, s3;
	s0 =	sld [smem:$0x3F93]  }
0x30: {  	s3 =	sld [smem:$0x3F96]  }
0x31: {  	[smem:$0x3F9F] =	sst s10  }
0x32: {  	s10 =	sld [smem:$0x3F9D];
	_ =	sdelay $0x3  }
0x33: {  	p0 =	seq.s32 s10, $0x1;
	s10 =	sld [smem:$0x3F9F];
	_ =	sdelay $0x3  }
0x34: {  	[smem:$0x3F9F] =	sst s10  }
0x35: {  	s10 =	sld [smem:$0x3F9E];
	_ =	sdelay $0x3  }
0x36: {  	p1 =	seq.s32 s10, $0x1;
	s10 =	sld [smem:$0x3F9F];
	_ =	sdelay $0x3  }
0x37: {  	[smem:$0x3F9F] =	sst s10  }
0x38: {  	s10 =	sld [smem:$0x3FA0]  }
0x39: {  	_ = 	snop;
	(pc) =	sbr.ind lr, $3  }
0x3a: {  	_ = 	snop  }
0x3b: {  	_ = 	snop  }
0x3c: {  	p2 =	seq.s32 s10, $0x1;
	s10 =	sld [smem:$0x3F9F]  }
0x3d: {  	_ =	shalt  }
0x3e: {  	_ =	shalt  }
0x3f: {  	_ =	shalt  }
0x40: {  	_ =	shalt  }
0x41: {  	_ =	shalt  }
0x42: {  	_ =	shalt  }
0x43: {  	_ =	shalt  }
0x44: {  	_ =	shalt  }
0x45: {  	_ =	shalt  }
0x46: {  	_ =	shalt  }
0x47: {  	_ =	shalt  }
0x48: {  	_ =	shalt  }
0x49: {  	_ =	shalt  }
0x4a: {  	_ =	shalt  }
0x4b: {  	_ =	shalt  }
0x4c: {  	_ =	shalt  }
0x4d: {  	_ =	shalt  }
0x4e: {  	_ =	shalt  }
0x4f: {  	_ =	shalt  }
0x50: {  	_ =	shalt  }
0x51: {  	_ =	shalt  }
0x52: {  	_ =	shalt  }
0x53: {  	_ =	shalt  }
0x54: {  	_ =	shalt  }
0x55: {  	_ =	shalt  }
0x56: {  	_ =	shalt  }
0x57: {  	_ =	shalt  }
0x58: {  	_ =	shalt  }
0x59: {  	_ =	shalt  }
0x5a: {  	_ =	shalt  }
0x5b: {  	_ =	shalt  }
0x5c: {  	_ =	shalt  }
0x5d: {  	_ =	shalt  }
0x5e: {  	_ =	shalt  }
0x5f: {  	_ =	shalt  }
0x60: {  	_ =	shalt  }
0x61: {  	_ =	shalt  }
0x62: {  	_ =	shalt  }
0x63: {  	_ =	shalt  }
0x64: {  	_ =	shalt  }
0x65: {  	_ =	shalt  }
0x66: {  	_ =	shalt  }
0x67: {  	_ =	shalt  }
0x68: {  	_ =	shalt  }
0x69: {  	_ =	shalt  }
0x6a: {  	_ =	shalt  }
0x6b: {  	_ =	shalt  }
0x6c: {  	_ =	shalt  }
0x6d: {  	_ =	shalt  }
0x6e: {  	_ =	shalt  }
0x6f: {  	_ =	shalt  }
0x70: {  	_ =	shalt  }
0x71: {  	_ =	shalt  }
0x72: {  	_ =	shalt  }
0x73: {  	_ =	shalt  }
0x74: {  	_ =	shalt  }
0x75: {  	_ =	shalt  }
0x76: {  	_ =	shalt  }
0x77: {  	_ =	shalt  }
0x78: {  	_ =	shalt  }
0x79: {  	_ =	shalt  }
0x7a: {  	_ =	shalt  }
0x7b: {  	_ =	shalt  }
0x7c: {  	_ =	shalt  }
0x7d: {  	_ =	shalt  }
0x7e: {  	_ =	shalt  }
0x7f: {  	_ =	shalt  }
0x80: {  	_ =	shalt  }
0x81: {  	_ =	shalt  }
0x82: {  	_ =	shalt  }
0x83: {  	_ =	shalt  }
0x84: {  	_ =	shalt  }
0x85: {  	_ =	shalt  }
0x86: {  	_ =	shalt  }
0x87: {  	_ =	shalt  }
.Lfunc_end0:
.L_simem_size_0:
called_computation_lowered:
.L_overlay_start_0:
0x88: {  	s0 =	sld [smem:$0x3FD9]  }
0x89: {  	s1 =	sld [smem:$0x3FFE];
	_ =	sdelay $0x3  }
0x8a: {  	s0 =	sadd.s32 s1, s0  }
0x8b: {  	[smem:$0x3FAB] =	sst s0  }
0x8c: {  	_ = 	snop  }
0x8d: {  	(tm) =	ssettm $0x1  }
0x8e: {  	s15 =	sld [smem:$0x3FFB];
	_ =	sdelay $0x3  }
0x8f: {  	_ =	strace s15  }
0x90: {  	s0 =	sld [smem:$0x3FFC];
	_ =	sdelay $0x3  }
0x91: {  	_ =	strace s0  }
0x92: {  	s0 =	sld [smem:$0x3FFD];
	_ =	sdelay $0x3  }
0x93: {  	_ =	strace s0  }
0x94: {  	_ =	strace $0x8FFFFFFF  }
0x95: {  	s16 =	sld [smem:$0x3FDB];
	_ =	sdelay $0x1  }
0x96: {  	s17 =	simm.s32 $_scs_section_size  }
0x97: {  	s2 =	simm.s32 $_size__tile_overlayer_lowered;
	s3 =	simm.s32 $_tile_overlayer_lowered  }
0x98: {  	s20 =	simm.s32 $0x1BFF;
	s19 =	sshll.u32 s3, $0x1;
	s0 =	sadd.s32 s17, s16  }
0x99: {  	s4 =	simm.s32 $0x0;
	s18 =	sshll.u32 s2, $0x1;
	s2 =	sadd.s32 s19, s0  }
0x9a: {  	[timem:s4], [sflag:s20] =	dma.local [hbm:s2], s18  }
0x9b: {  	_ =	swait.ge [sflag:s20], s18  }
0x9c: {  	s1 =	ssub.s32 $0x0, s18;
	[sflag:s20] =	ssyncset.done $0x0  }
0x9d: {  	[sflag:s20] =	ssyncadd.s32 s1;
	_ =	sdelay $0x1  }
0x9e: {  	s21 =	simm.s32 $0x1B8B  }
0x9f: {  	_ =	swait.ge [sflag:s21], $0x1  }
0xa0: {  	[sflag:s21] =	ssyncset.done $0x0  }
0xa1: {  	s23 =	simm.s32 $0x1B8E;
	s22 =	sld [smem:$0x3FFE];
	[sflag:s21] =	ssyncadd.s32 $0xFFFFFFFF  }
0xa2: {  	s24 =	simm.s32 $execute0_lowered;
	[smem:$0x3FD2] =	sst s23  }
0xa3: {  	s2 =	sshll.u32 s24, $0x1;
	_ =	strace $0x80000055;
	[dreg:$0x1] =	wrdreg $0xFFFFFFFF  }
0xa4: {  	s25 =	simm.s32 $_size_execute0_lowered;
	s0 =	sadd.s32 s0, s2;
	[dreg:$0x0] =	wrdreg $0x0  }
0xa5: {  	s2 =	sshll.u32 s25, $0x1;
	[dreg:$0x2] =	wrdreg s0  }
0xa6: {  	[dreg:$0x3] =	wrdreg s2  }
0xa7: {  	[dreg:$0x4] =	wrdreg $0xC0  }
0xa8: {  	_ =	task [dreg:s4], $0x5FFFF  }
0xa9: {  	[dreg:$0x1] =	wrdreg $0xFFFFFFFF  }
0xaa: {  	[dreg:$0x0] =	wrdreg $0x60  }
0xab: {  	[dreg:$0x2] =	wrdreg s22  }
0xac: {  	[dreg:$0x3] =	wrdreg $0x9  }
0xad: {  	_ =	task.clear_ibuf [dreg:s4], $0x4FFFF;
	_ =	strace $0x90000055  }
0xae: {  	s26 =	simm.s32 $0x9;
	_ =	strace $0x80000057  }
0xaf: {  	_ =	swait.ge [sflag:s26], $0x1  }
0xb0: {  	[sflag:s26] =	ssyncadd.s32 $0xFFFFFFFF  }
0xb1: {  	_ =	strace $0x90000057  }
0xb2: {  	_ =	sfence  }
0xb3: {  	s28 =	sld [smem:$0x0];
	_ =	sdelay $0x1  }
0xb4: {  	s29 =	srdreg.scid  }
0xb5: {  	s30 =	sshll.u32 s29, $0xD;
	s31 =	sshrl.u32 s29, $0x2  }
0xb6: {  	s1 =	sand.u32 $0x1, s29;
	s2 =	sand.u32 $0x4000, s30;
	s0 =	sadd.s32 s31, s28  }
0xb7: {  	s1 =	sor.u32 s2, s1;
	s0 =	sshll.u32 s0, $0x11  }
0xb8: {  	s0 =	sor.u32 s0, s1  }
0xb9: {  	s0 =	sadd.s32 $0x8F2B, s0  }
0xba: {  	[sflag:s0] =	ssyncadd.remote.s32 $0x1  }
0xbb: {  	_ =	sfence.sel $0xFFFF  }
0xbc: {  	[dreg:$0x0] =	wrdreg $0xFFFFFFFF;
	(pc) =	sbr.abs _section_cstart, $3  }
0xbd: {  	[dreg:$0x1] =	wrdreg $0xFFFFFFFF  }
0xbe: {  	_ =	task.clear_ibuf [dreg:s4], $0x2FFFF;
	_ =	strace $0x9FFFFFFF  }
0xbf: {  	(tm) =	ssettm $0x7FFFFFFF  }
tec
execute0_lowered:
.L_overlay_start_1:
0x0: {  	(tag) =	ssettag $0x1  }
0x1: {  	s0 =	rddreg [dreg:$0x0];
	_ =	strace $0x80000056;
	s1 =	simm.s32 $0x1  }
0x2: {  	s9 =	simm.s32 $0x108;
	v0 =	vimm.s32 $0x0;
	[sflag:s1] =	ssyncpa.u1 $0x0  }
0x3: {  	[tilespmem:s9+$0x70] =	vst v0  }
0x4: {  	[tilespmem:s9+$0x60] =	vst v0  }
0x5: {  	[tilespmem:s9+$0x50] =	vst v0  }
0x6: {  	[tilespmem:s9+$0x40] =	vst v0  }
0x7: {  	[tilespmem:s9+$0x30] =	vst v0  }
0x8: {  	s1 =	sadd.s32 $0x6400, s0;
	s4 =	sadd.s32 $0x1A000, s0;
	[tilespmem:s9+$0x20] =	vst v0  }
0x9: {  	s5 =	sadd.s32 $0x1AC00, s0;
	s6 =	sadd.s32 $0x1A600, s0;
	s0 =	simm.s32 $0x40;
	[tilespmem:s9+$0x10] =	vst v0  }
.LBB2_1:
0xa: {  	s0 =	sadd.s32 $0x40, s0;
	[tilespmem:s9+$0x0] =	vst v0;
	s9 =	sadd.s32 $0x80, s9  }
0xb: {  	p0 =	slt.u32 s0, $0x3C40;
	[tilespmem:s9+$0x70] =	vst v0  }
0xc: {  	[tilespmem:s9+$0x60] =	vst v0  }
.Ltmp0:
0xd: {  	[tilespmem:s9+$0x50] =	vst v0;
	(pc) =	sbr.rel @p0 .LBB2_1-.Ltmp0, $4  }
0xe: {  	[tilespmem:s9+$0x40] =	vst v0  }
0xf: {  	[tilespmem:s9+$0x30] =	vst v0  }
0x10: {  	[tilespmem:s9+$0x20] =	vst v0  }
0x11: {  	[tilespmem:s9+$0x10] =	vst v0  }
0x12: {  	s14 =	stileid.u32  }
0x13: {  	s2 =	sshll.u32 s14, $0x1;
	s0 =	smin.u32 s14, $0xA  }
0x14: {  	s0 =	sadd.s32 s0, s2  }
0x15: {  	p0 =	slt.u32 s14, $0xA;
	s7 =	smul.u32 $0xF0, s0;
	s0 =	simm.s32 $0x2D0  }
0x16: {  	s0 =	simm.s32 @!p0 $0x1E0  }
0x17: {  	s0 =	sadd.s32 s0, s7  }
0x18: {  	s8 =	smin.u32 s0, $0x2710  }
0x19: {  	s0 =	ssub.s32 s8, s7  }
0x1a: {  	p0 =	sgt.s32 s0, $0x0  }
0x1b: {  	s0 =	simm.s32 @!p0 $0x0  }
0x1c: {  	s3 =	simm.s32 $0x2;
	s30 =	smul.u32 $0x8889, s0  }
0x1d: {  	s10 =	simm.s32 $0x7;
	s31 =	simm.s32 $0x8;
	s11 =	simm.s32 $0x9  }
0x1e: {  	s20 =	simm.s32 $0x0;
	[dreg:$0x2] =	wrdreg s2;
	s2 =	sshrl.u32 s30, $0x17  }
0x1f: {  	s16 =	simm.s32 $0xA;
	s18 =	simm.s32 $0x0;
	s12 =	smul.u32 $0xF0, s2  }
.Ltmp1:
0x20: {  	[tilespmem:s9+$0x0] =	vst v0;
	v0 =	vimm.s32 $0xFFFFFFFF;
	s19 =	simm.s32 $0x0;
	[sflag:s3] =	ssyncpa.u1 $0x0;
	(pc) =	sbr.rel .LBB2_3-.Ltmp1, $4  }
0x21: {  	[tilespmem:$0xF208] =	vst v0;
	[sflag:s10] =	ssyncpa.u1 $0x0;
	p0 =	sne.s32 s0, s12;
	s0 =	simm.s32 $0x1  }
0x22: {  	s14 =	sshll.u32 s14, $0x8;
	[sflag:s31] =	ssyncpa.u1 $0x0;
	s0 =	simm.s32 @!p0 $0x0  }
0x23: {  	[sflag:s11] =	ssyncpa.u1 $0x0;
	s17 =	smov.u32 s7;
	s13 =	sadd.s32 s2, s0  }
0x24: {  	v0 =	vlaneseq.u32;
	s12 =	simm.s32 $0x1;
	p0 =	por $0x0, $0x0;
	s15 =	sadd.s32 $0x1, s13  }
.LBB2_18:
0x25: {  	s0 =	sshrl.u32 s29, $0x2  }
.LBB2_20:
0x26: {  	_ =	swait.ge [sflag:s16], s0  }
0x27: {  	s31 =	ssub.s32 $0x0, s0;
	v1 =	vmov s22;
	vm0 =	veq.s32 v0, $0x0;
	[sflag:s16] =	ssyncset.done $0x0  }
0x28: {  	vm15 =	veq.s32 v0, $0x2;
	v1 =	vsel vm0, s28, v1;
	[sflag:s16] =	ssyncadd.s32 s31  }
0x29: {  	v1 =	vsel vm15, s20, v1;
	[sflag:s16] =	ssyncpa.u1 $0x1  }
0x2a: {  	[tilespmem:$0xF208] =	vst v1  }
.LBB2_21:
0x2b: {  	s0 =	sadd.s32 $0xF0, s17  }
0x2c: {  	s2 =	smov.u32 s7;
	p1 =	slt.s32 s0, s8  }
0x2d: {  	s2 =	smov.u32 @p1 s0;
	p1 =	sne.s32 s19, s15  }
.Ltmp2:
0x2e: {  	_ = 	snop;
	(pc) =	sbr.rel @!p1 .LBB2_22-.Ltmp2, $3  }
0x2f: {  	_ =	sdelay $0x1  }
0x30: {  	s20 =	smov.u32 s18;
	s31 =	sadd.s32 $0x1, s19;
	s18 =	smov.u32 s17  }
0x31: {  	p0 =	por !p0, !p0;
	s19 =	smov.u32 s31;
	s17 =	smov.u32 s2  }
.LBB2_3:
0x32: {  	p1 =	sge.u32 s19, s13  }
0x33: {  	s0 =	smulhi.u32 @!p1 $0xAAAAAAAB, s19  }
0x34: {  	s2 =	smov.u32 s17;
	p2 =	sgt.s32 @!p1 s17, $0x2620  }
0x35: {  	s3 =	sshra.s32 @!p1 s17, $0x1F;
	p2 =	por !p2, p1;
	s0 =	sshrl.u32 @!p1 s0, $0x1  }
0x36: {  	s3 =	sand.u32 @!p1 s3, s17;
	s2 =	simm.s32 @p2 $0x2620;
	s0 =	smul.u32 @!p1 $0x3, s0  }
0x37: {  	s2 =	ssub.s32 @!p1 s2, s3  }
0x38: {  	s2 =	sadd.s32 @!p1 $0xFFFFD9E0, s2;
	s0 =	ssub.s32 @!p1 s19, s0  }
0x39: {  	s3 =	sshll.u32 @!p1 s2, $0x2;
	p2 =	sgt.s32 @!p1 s2, $0xEF;
	s0 =	smul.u32 @!p1 $0x3C0, s0  }
0x3a: {  	s21 =	sand.u32 @!p1 $0x7, s17;
	s2 =	ssub.s32 @!p1 $0x3C0, s3;
	p2 =	por !p2, p1  }
0x3b: {  	s3 =	sshrl.u32 @!p1 s17, $0x3;
	s2 =	sshrl.u32 @!p1 s2, $0x2;
	s0 =	sshrl.u32 @!p1 s0, $0x2  }
0x3c: {  	s3 =	sadd.s32 @!p1 s6, s3;
	s2 =	simm.s32 @!p2 $0x0;
	s0 =	sadd.s32 @!p1 $0x10238, s0  }
0x3d: {  	[tilespmem:s0], [sflag:$0x8] =	stream.linear.gather @!p1 [hbm4b:s3+s21], s2, $0x38;
	[tilespmem:$0x1F6E8] =	vst v63  }
0x3e: {  	s0 =	sadd.s32 $0xFFFFFFFF, s19  }
0x3f: {  	p1 =	sge.u32 s0, s13  }
0x40: {  	p2 =	sgt.s32 @!p1 s18, $0x2620  }
0x41: {  	s2 =	smov.u32 s18;
	s3 =	sshra.s32 @!p1 s18, $0x1F;
	p2 =	por !p2, p1  }
0x42: {  	s3 =	sand.u32 @!p1 s3, s18;
	s2 =	simm.s32 @p2 $0x2620  }
0x43: {  	s2 =	ssub.s32 @!p1 s2, s3  }
0x44: {  	s2 =	sadd.s32 @!p1 $0xFFFFD9E0, s2  }
0x45: {  	s21 =	sand.u32 @!p1 $0x1, s0;
	s3 =	sshll.u32 @!p1 s2, $0x2  }
0x46: {  	p2 =	sgt.s32 @!p1 s2, $0xEF;
	s2 =	ssub.s32 @!p1 $0x3C0, s3;
	s3 =	smulhi.u32 @!p1 $0xAAAAAAAB, s0  }
0x47: {  	s23 =	smul.u32 @!p1 $0x3C0, s21;
	p2 =	por !p2, p1;
	s2 =	sshrl.u32 @!p1 s2, $0x2  }
0x48: {  	s22 =	simm.s32 @!p1 $0x8;
	s2 =	simm.s32 @!p2 $0x0;
	s3 =	sshrl.u32 @!p1 s3, $0x1  }
0x49: {  	s23 =	sshrl.u32 @!p1 s23, $0x2;
	_ =	swait.ge @!p1 [sflag:s22], s2;
	s3 =	smul.u32 @!p1 $0x3, s3  }
0x4a: {  	s23 =	sor.u32 @!p1 $0x10508, s23;
	s24 =	ssub.s32 @!p1 $0x0, s2;
	[sflag:s22] =	ssyncset.done @!p1 $0x0  }
0x4b: {  	[sflag:s22] =	ssyncadd.s32 @!p1 s24;
	s22 =	sshrl.u32 @!p1 s18, $0x3;
	s0 =	ssub.s32 @!p1 s0, s3  }
0x4c: {  	s24 =	sand.u32 @!p1 $0x7, s18;
	s22 =	sadd.s32 @!p1 s4, s22;
	s0 =	smul.u32 @!p1 $0x3C0, s0  }
0x4d: {  	[tilespmem:s23], [sflag:$0x9] =	stream.linear.gather @!p1 [hbm4b:s22+s24], s2, $0x38;
	[tilespmem:$0x1F6E8] =	vst v63  }
0x4e: {  	s3 =	ssub.s32 @!p1 $0x2710, s18;
	s2 =	smul.u32 @!p1 $0x1E000, s21  }
0x4f: {  	p2 =	slt.s32 @!p1 s3, $0xF0  }
0x50: {  	p2 =	por !p2, p1;
	s0 =	sshrl.u32 @!p1 s0, $0x2;
	s2 =	sshrl.u32 @!p1 s2, $0x2  }
0x51: {  	s3 =	simm.s32 @p2 $0xF0;
	s0 =	sadd.s32 @!p1 $0x10238, s0;
	s2 =	sor.u32 @!p1 $0x106E8, s2  }
0x52: {  	[tilespmem:s2], [sflag:$0x7] =	stream.indirect.gather @!p1 [hbm4b:s5+s3], $0x80, s0, s3, $0xb8;
	[tilespmem:$0x1F6E8] =	vst v63  }
0x53: {  	p1 =	slt.u32 s19, $0x2  }
.Ltmp3:
0x54: {  	_ = 	snop;
	(pc) =	sbr.rel @p1 .LBB2_21-.Ltmp3, $1  }
0x55: {  	_ =	sdelay $0x3  }
0x56: {  	p1 =	sgt.s32 s20, $0x2620;
	s0 =	smov.u32 s20  }
0x57: {  	s2 =	sshra.s32 s20, $0x1F;
	s3 =	ssub.s32 $0x2710, s20;
	s0 =	simm.s32 @!p1 $0x2620  }
0x58: {  	s2 =	sand.u32 s2, s20;
	p1 =	slt.s32 s3, $0xF0;
	s21 =	smov.u32 s3  }
0x59: {  	s0 =	ssub.s32 s0, s2;
	s21 =	simm.s32 @!p1 $0xF0  }
0x5a: {  	s0 =	sadd.s32 $0xFFFFD9E0, s0;
	s26 =	sshll.u32 s21, $0x7  }
0x5b: {  	s29 =	sshll.u32 s0, $0x2;
	s2 =	sand.u32 $0x3FFFFF80, s26  }
0x5c: {  	p1 =	sgt.s32 s0, $0xEF;
	s30 =	ssub.s32 $0x3C0, s29;
	_ =	swait.ge [sflag:s10], s2  }
0x5d: {  	s2 =	ssub.s32 $0x0, s2;
	[sflag:s10] =	ssyncset.done $0x0;
	s0 =	sshrl.u32 s30, $0x2  }
0x5e: {  	[sflag:s10] =	ssyncadd.s32 s2;
	s0 =	simm.s32 @p1 $0x0  }
0x5f: {  	_ =	swait.ge [sflag:s11], s0  }
0x60: {  	s0 =	ssub.s32 $0x0, s0;
	[sflag:s11] =	ssyncset.done $0x0  }
0x61: {  	[sflag:s11] =	ssyncadd.s32 s0  }
0x62: {  	v1 =	vld [tilespmem:$0xF208];
	_ =	sdelay $0x4  }
0x63: {  	(v2sf) =	vpush v1, $0x0  }
0x64: {  	(v2sf) =	vpush v1, $0x1  }
0x65: {  	(v2sf) =	vpush v1, $0x2;
	_ =	sdelay $0x3  }
0x66: {  	s0 =	sadd.s32 $0xF0, s20  }
0x67: {  	p1 =	slt.s32 s8, s0  }
0x68: {  	s0 =	smov.u32 @p1 s8;
	p1 =	sgt.s32 s3, $0x0  }
0x69: {  	s24 =	ssub.s32 s0, s20;
	s3 =	simm.s32 @!p1 $0x0  }
0x6a: {  	p1 =	slt.s32 s3, s24  }
0x6b: {  	s24 =	smov.u32 @p1 s3  }
0x6c: {  	s23 =	simm.s32 $0x1;
	p1 =	slt.s32 s24, $0x1  }
.Ltmp4:
0x6d: {  	s23 =	simm.s32 @!p0 $0x0;
	(pc) =	sbr.rel @p1 .LBB2_8-.Ltmp4, $4  }
0x6e: {  	s31 =	smul.u32 $0x3C0, s23  }
0x6f: {  	s25 =	spop (v2sf)  }
0x70: {  	s0 =	sshrl.u32 s31, $0x2;
	s28 =	spop (v2sf)  }
0x71: {  	s21 =	sor.u32 $0x10508, s0;
	s20 =	spop (v2sf)  }
0x72: {  	s0 =	smin.u32 s24, $0x10  }
0x73: {  	v1 =	vmov s0  }
0x74: {  	p2 =	sgt.s32 s24, $0x10;
	vm1 =	vgt.u32 v1, v0  }
.Ltmp5:
0x75: {  	_ = 	snop;
	(pc) =	sbr.rel @!p2 .LBB2_7-.Ltmp5, $2  }
0x76: {  	_ =	sdelay $0x2  }
0x77: {  	s26 =	simm.s32 $0x10;
	s29 =	sadd.s32 $0xFFFFFFF0, s24;
	s22 =	smov.u32 s21;
	vm0 =	vmmov vm1  }
.LBB2_6:
0x78: {  	s0 =	smin.u32 s29, $0x10;
	s26 =	sadd.s32 $0x10, s26;
	v1 =	vld.msk [tilespmem:s22+$0x0 ss:$0x1], vm1  }
0x79: {  	v2 =	vmov s0;
	p2 =	slt.s32 s26, s24  }
0x7a: {  	vm1 =	vgt.u32 v2, v0  }
.Ltmp6:
0x7b: {  	(pc) =	sbr.rel @p2 .LBB2_6-.Ltmp6, $3  }
0x7c: {  	_ =	sdelay $0x1  }
0x7d: {  	v1 =	vshll.u32 v1, $0x4  }
0x7e: {  	s29 =	sadd.s32 $0xFFFFFFF0, s29;
	[tilespmem:s22+$0x0] =	vst.msk vm0, v1;
	s22 =	sadd.s32 $0x10, s22;
	vm0 =	vmmov vm1  }
.LBB2_7:
0x7f: {  	_ =	sdelay $0x4  }
0x80: {  	v1 =	vld.msk [tilespmem:s22+$0x0 ss:$0x1], vm1;
	_ =	sdelay $0x4  }
0x81: {  	v1 =	vshll.u32 v1, $0x4  }
0x82: {  	[tilespmem:s22+$0x0] =	vst.msk vm0, v1  }
.LBB2_8:
0x83: {  	s0 =	sand.u32 $0x1, s19  }
0x84: {  	s0 =	smul.u32 $0xF0, s0  }
0x85: {  	p2 =	sne.s32 s28, $0xFFFFFFFF  }
0x86: {  	v1 =	vld.msk @!p2 [tilespmem:s0+$0x10508], $0x1;
	_ =	sdelay $0x4  }
0x87: {  	(v2sf) =	vpush @!p2 v1, $0x0;
	_ =	sdelay $0xc  }
.Ltmp7:
0x88: {  	_ = 	snop;
	(pc) =	sbr.rel @p1 .LBB2_19-.Ltmp7, $4  }
0x89: {  	_ = 	snop  }
0x8a: {  	s26 =	spop @!p2 (v2sf)  }
0x8b: {  	s20 =	simm.s32 @!p2 $0x0;
	s22 =	smov.u32 s26  }
0x8c: {  	[sflag:s16] =	ssyncpa.u1 $0x0;
	s26 =	smov.u32 @p2 s25;
	s22 =	smov.u32 @p2 s28  }
0x8d: {  	v1 =	vld.msk [tilespmem:s21+$0x0], $0x1;
	_ =	sdelay $0x4  }
0x8e: {  	(v2sf) =	vpush v1, $0x0;
	_ =	sdelay $0xe  }
0x8f: {  	s0 =	smul.u32 $0x1E000, s23;
	s30 =	spop (v2sf)  }
0x90: {  	s24 =	ssub.s32 $0x0, s24;
	p1 =	seq.s32 s26, s30  }
0x91: {  	s28 =	sadd.s32 $0x1, s24;
	s0 =	sshrl.u32 s0, $0x2;
	p2 =	sgt.s32 @!p1 s26, $0x0  }
0x92: {  	s23 =	sor.u32 $0x10728, s0;
	s0 =	smov.u32 s26;
	p2 =	por !p2, p1  }
0x93: {  	s0 =	simm.s32 @p2 $0x0;
	p2 =	seq.s32 s28, $0x0  }
.Ltmp8:
0x94: {  	_ = 	snop;
	(pc) =	sbr.rel @p2 .LBB2_11-.Ltmp8, $4  }
0x95: {  	_ = 	snop  }
0x96: {  	s25 =	simm.s32 $0x0;
	s31 =	simm.s32 @!p1 $0x1;
	s2 =	smin.u32 @!p1 s0, $0x3F0  }
0x97: {  	s29 =	sadd.s32 $0x1, s21;
	s31 =	smov.u32 @p1 s25;
	s3 =	sand.u32 @!p1 $0x3F8, s2  }
0x98: {  	s0 =	simm.s32 @!p1 $0x7988;
	s2 =	sand.u32 @!p1 $0x7, s2;
	s3 =	sadd.s32 @!p1 s1, s3  }
.LBB2_10:
0x99: {  	s9 =	smov.u32 s31  }
0x9a: {  	[tilespmem:s0], [sflag:$0x2] =	stream.linear.gather @!p1 [hbm4b:s3+s2], $0x80, $0x38;
	[tilespmem:$0x1F6E8] =	vst v63  }
0x9b: {  	s28 =	sadd.s32 $0x1, s28;
	s2 =	smov.u32 s30;
	v1 =	vld.msk [tilespmem:s29+$0x0], $0x1  }
0x9c: {  	p2 =	seq.s32 s28, $0x0;
	_ =	sdelay $0x3  }
0x9d: {  	(v2sf) =	vpush v1, $0x0;
	_ =	sdelay $0xe  }
0x9e: {  	s30 =	spop (v2sf)  }
0x9f: {  	p1 =	seq.s32 s2, s30  }
0xa0: {  	p3 =	sgt.s32 @!p1 s2, $0x0;
	s0 =	sshll.u32 @!p1 s31, $0x9;
	s31 =	sadd.s32 @!p1 $0x1, s31  }
.Ltmp9:
0xa1: {  	p3 =	por !p3, p1;
	s0 =	sshra.s32 @!p1 s0, $0x2;
	(pc) =	sbr.rel @!p2 .LBB2_10-.Ltmp9, $4  }
0xa2: {  	s31 =	smov.u32 @p1 s9;
	s2 =	simm.s32 @p3 $0x0;
	s0 =	sadd.s32 @!p1 $0x7988, s0  }
0xa3: {  	s2 =	smin.u32 @!p1 s2, $0x3F0  }
0xa4: {  	s3 =	sand.u32 @!p1 $0x3F8, s2;
	s2 =	sand.u32 @!p1 $0x7, s2  }
0xa5: {  	s29 =	sadd.s32 $0x1, s29;
	s3 =	sadd.s32 @!p1 s1, s3  }
.LBB2_11:
0xa6: {  	[tilespmem:s0], [sflag:$0x2] =	stream.linear.gather @!p1 [hbm4b:s3+s2], $0x80, $0x38;
	[tilespmem:$0x1F6E8] =	vst v63  }
.Ltmp10:
0xa7: {  	s30 =	sshll.u32 s31, $0x7;
	(pc) =	sbr.rel .LBB2_12-.Ltmp10, $4  }
0xa8: {  	s31 =	simm.s32 $0x2;
	s0 =	sand.u32 $0x3FFFFF80, s30  }
0xa9: {  	_ =	swait.ge [sflag:s31], s0  }
0xaa: {  	s0 =	ssub.s32 $0x0, s0;
	[sflag:s31] =	ssyncset.done $0x0  }
0xab: {  	s29 =	simm.s32 $0x0;
	[sflag:s31] =	ssyncadd.s32 s0  }
.LBB2_13:
0xac: {  	v1 =	vld [tilespmem:s23+$0xFFFFFFC0];
	_ =	sdelay $0x3  }
0xad: {  	s0 =	sshra.s32 s0, $0x2  }
0xae: {  	[tilespmem:s0+$0x108] =	vst.add.f32.msk $0xffff, v1  }
0xaf: {  	v1 =	vld [tilespmem:s23+$0xFFFFFFD0];
	_ =	sdelay $0x4  }
0xb0: {  	[tilespmem:s0+$0x118] =	vst.add.f32.msk $0xffff, v1  }
0xb1: {  	v1 =	vld [tilespmem:s23+$0xFFFFFFE0];
	_ =	sdelay $0x4  }
0xb2: {  	[tilespmem:s0+$0x128] =	vst.add.f32.msk $0xffff, v1  }
0xb3: {  	v1 =	vld [tilespmem:s23+$0xFFFFFFF0];
	_ =	sdelay $0x4  }
0xb4: {  	[tilespmem:s0+$0x138] =	vst.add.f32.msk $0xffff, v1  }
0xb5: {  	v1 =	vld [tilespmem:s23+$0x0];
	_ =	sdelay $0x4  }
0xb6: {  	[tilespmem:s0+$0x148] =	vst.add.f32.msk $0xffff, v1  }
0xb7: {  	v1 =	vld [tilespmem:s23+$0x10];
	_ =	sdelay $0x4  }
0xb8: {  	[tilespmem:s0+$0x158] =	vst.add.f32.msk $0xffff, v1  }
0xb9: {  	v1 =	vld [tilespmem:s23+$0x20];
	_ =	sdelay $0x4  }
0xba: {  	[tilespmem:s0+$0x168] =	vst.add.f32.msk $0xffff, v1  }
0xbb: {  	v1 =	vld [tilespmem:s23+$0x30];
	_ =	sdelay $0x4  }
0xbc: {  	[tilespmem:s0+$0x178] =	vst.add.f32.msk $0xffff, v1  }
.LBB2_17:
0xbd: {  	s24 =	sadd.s32 $0x1, s24  }
0xbe: {  	p1 =	seq.s32 s24, $0x0  }
.Ltmp11:
0xbf: {  	_ = 	snop;
	(pc) =	sbr.rel @p1 .LBB2_18-.Ltmp11, $2  }
0xc0: {  	_ =	sdelay $0x2  }
0xc1: {  	s21 =	sadd.s32 $0x1, s21;
	s23 =	sadd.s32 $0x80, s23;
	s26 =	smov.u32 s28  }
.LBB2_12:
0xc2: {  	v1 =	vld.msk [tilespmem:s21+$0x0], $0x1;
	_ =	sdelay $0x4  }
0xc3: {  	(v2sf) =	vpush v1, $0x0;
	_ =	sdelay $0xe  }
0xc4: {  	s28 =	spop (v2sf)  }
0xc5: {  	p1 =	sne.s32 s26, s28  }
.Ltmp12:
0xc6: {  	_ = 	snop;
	(pc) =	sbr.rel @!p1 .LBB2_13-.Ltmp12, $2  }
0xc7: {  	_ =	sdelay $0x2  }
0xc8: {  	s0 =	sshll.u32 s20, $0x9  }
0xc9: {  	p1 =	seq.s32 s26, s22  }
.Ltmp13:
0xca: {  	_ = 	snop;
	(pc) =	sbr.rel @!p1 .LBB2_15-.Ltmp13, $1  }
0xcb: {  	_ =	sdelay $0x3  }
0xcc: {  	s0 =	sshra.s32 s0, $0x2  }
.Ltmp14:
0xcd: {  	s0 =	sadd.s32 $0x108, s0;
	(pc) =	sbr.rel .LBB2_16-.Ltmp14, $4  }
0xce: {  	[spmem:s14] =	stream.linear.scatter [tilespmem:s0], [sflag:$0x1], $0x80, $0x38;
	[tilespmem:$0x1F6E8] =	vst v63  }
0xcf: {  	_ =	swait.ge [sflag:s12], $0x80  }
0xd0: {  	[sflag:s12] =	ssyncset.done $0x0  }
0xd1: {  	[sflag:s12] =	ssyncadd.s32 $0xFFFFFF80  }
.LBB2_15:
0xd2: {  	s2 =	sshll.u32 s25, $0x9  }
0xd3: {  	s2 =	sshra.s32 s2, $0x2  }
0xd4: {  	v1 =	vld [tilespmem:s2+$0x7988];
	_ =	sdelay $0x3  }
0xd5: {  	s0 =	sshra.s32 s0, $0x2  }
0xd6: {  	[tilespmem:s0+$0x108] =	vst.add.f32.msk $0xffff, v1  }
0xd7: {  	v1 =	vld [tilespmem:s2+$0x7998];
	_ =	sdelay $0x4  }
0xd8: {  	[tilespmem:s0+$0x118] =	vst.add.f32.msk $0xffff, v1  }
0xd9: {  	v1 =	vld [tilespmem:s2+$0x79A8];
	_ =	sdelay $0x4  }
0xda: {  	[tilespmem:s0+$0x128] =	vst.add.f32.msk $0xffff, v1  }
0xdb: {  	v1 =	vld [tilespmem:s2+$0x79B8];
	_ =	sdelay $0x4  }
0xdc: {  	[tilespmem:s0+$0x138] =	vst.add.f32.msk $0xffff, v1  }
0xdd: {  	v1 =	vld [tilespmem:s2+$0x79C8];
	_ =	sdelay $0x4  }
0xde: {  	[tilespmem:s0+$0x148] =	vst.add.f32.msk $0xffff, v1  }
0xdf: {  	v1 =	vld [tilespmem:s2+$0x79D8];
	_ =	sdelay $0x4  }
0xe0: {  	[tilespmem:s0+$0x158] =	vst.add.f32.msk $0xffff, v1  }
0xe1: {  	v1 =	vld [tilespmem:s2+$0x79E8];
	_ =	sdelay $0x4  }
0xe2: {  	[tilespmem:s0+$0x168] =	vst.add.f32.msk $0xffff, v1  }
0xe3: {  	v1 =	vld [tilespmem:s2+$0x79F8];
	_ =	sdelay $0x2  }
0xe4: {  	p1 =	sgt.u32 s26, $0x3F0  }
0xe5: {  	s2 =	sand.u32 @!p1 $0x3F8, s26  }
0xe6: {  	s3 =	sadd.s32 $0x108, s0;
	[tilespmem:s0+$0x178] =	vst.add.f32.msk $0xffff, v1;
	s0 =	sadd.s32 @!p1 s1, s2;
	s2 =	sand.u32 @!p1 $0x7, s26  }
0xe7: {  	[hbm4b:s0+s2] =	stream.linear.scatter @!p1 [tilespmem:s3], [sflag:$0xA], $0x80, $0x38;
	[tilespmem:$0x1F6E8] =	vst v63  }
0xe8: {  	s0 =	simm.s32 $0x0  }
0xe9: {  	s0 =	simm.s32 @!p1 $0x200  }
0xea: {  	s29 =	sadd.s32 s0, s29  }
.LBB2_16:
0xeb: {  	s0 =	sadd.s32 $0x1, s20  }
0xec: {  	s2 =	smulhi.u32 $0x88888889, s0;
	_ =	sdelay $0x1  }
0xed: {  	v1 =	vld [tilespmem:s23+$0xFFFFFFC0];
	s2 =	sshrl.u32 s2, $0x7  }
0xee: {  	s2 =	smul.u32 $0xF0, s2;
	_ =	sdelay $0x1  }
0xef: {  	s20 =	ssub.s32 s0, s2  }
0xf0: {  	s0 =	sshll.u32 s20, $0x7  }
0xf1: {  	[tilespmem:s0+$0x108] =	vst v1  }
0xf2: {  	v1 =	vld [tilespmem:s23+$0xFFFFFFD0];
	_ =	sdelay $0x4  }
0xf3: {  	[tilespmem:s0+$0x118] =	vst v1  }
0xf4: {  	v1 =	vld [tilespmem:s23+$0xFFFFFFE0];
	_ =	sdelay $0x4  }
0xf5: {  	[tilespmem:s0+$0x128] =	vst v1  }
0xf6: {  	v1 =	vld [tilespmem:s23+$0xFFFFFFF0];
	_ =	sdelay $0x4  }
0xf7: {  	[tilespmem:s0+$0x138] =	vst v1  }
0xf8: {  	v1 =	vld [tilespmem:s23+$0x0];
	_ =	sdelay $0x4  }
0xf9: {  	[tilespmem:s0+$0x148] =	vst v1  }
0xfa: {  	v1 =	vld [tilespmem:s23+$0x10];
	_ =	sdelay $0x4  }
0xfb: {  	[tilespmem:s0+$0x158] =	vst v1  }
0xfc: {  	v1 =	vld [tilespmem:s23+$0x20];
	_ =	sdelay $0x4  }
0xfd: {  	[tilespmem:s0+$0x168] =	vst v1  }
0xfe: {  	v1 =	vld [tilespmem:s23+$0x30]  }
.Ltmp15:
0xff: {  	_ = 	snop;
	(pc) =	sbr.rel .LBB2_17-.Ltmp15, $2  }
0x100: {  	_ =	sdelay $0x2  }
0x101: {  	s25 =	sadd.s32 $0x1, s25;
	[tilespmem:s0+$0x178] =	vst v1  }
.LBB2_19:
.Ltmp16:
0x102: {  	(pc) =	sbr.rel .LBB2_20-.Ltmp16, $4  }
0x103: {  	_ = 	snop  }
0x104: {  	s0 =	simm.s32 $0x2  }
0x105: {  	_ =	swait.ge [sflag:s0], $0x0  }
0x106: {  	s28 =	smov.u32 s26;
	[sflag:s0] =	ssyncset.done $0x0;
	s0 =	simm.s32 $0x0  }
.LBB2_22:
0x107: {  	_ =	sfence.sel $0x180000  }
0x108: {  	s0 =	simm.s32 $0x7;
	[bflag:$0x0] =	sbarrier.arrive $0xFFFF  }
0x109: {  	s24 =	simm.s32 $0x8;
	[sflag:s0] =	ssyncpa.u1 $0x1  }
0x10a: {  	s25 =	simm.s32 $0x9;
	[sflag:s24] =	ssyncpa.u1 $0x1  }
0x10b: {  	s26 =	simm.s32 $0x2;
	[sflag:s25] =	ssyncpa.u1 $0x1  }
0x10c: {  	[sflag:s26] =	ssyncpa.u1 $0x1  }
0x10d: {  	v0 =	vld [tilespmem:$0xF208];
	_ =	sdelay $0x4  }
0x10e: {  	(v2sf) =	vpush v0, $0x0  }
0x10f: {  	(v2sf) =	vpush v0, $0x1;
	_ =	sdelay $0x2  }
0x110: {  	(v2sf) =	vpush v0, $0x2;
	_ =	sdelay $0xa  }
0x111: {  	s0 =	spop (v2sf)  }
0x112: {  	s2 =	spop (v2sf)  }
0x113: {  	s3 =	smov.u32 s0;
	p0 =	sne.s32 s0, s2  }
0x114: {  	s3 =	simm.s32 @!p0 $0xFFFFFFFF  }
0x115: {  	v2 =	vimm.s32 $0x1;
	v3 =	vlaneseq.u32;
	v1 =	vmov s3;
	s3 =	spop (v2sf)  }
0x116: {  	v0 =	vperm.xlane v0, v2;
	v1 =	vperm.xlane v1, v3;
	p0 =	seq.s32 s3, $0xFFFFFFFF  }
0x117: {  	vm0 =	vcmask $0x3F04;
	s5 =	simm.s32 $0xF208;
	p1 =	sne.s32 @!p0 s0, s2  }
0x118: {  	s6 =	rddreg [dreg:$0x2];
	s0 =	simm.s32 @!p0 $0x1;
	v0 =	vsel vm0, v1, v0;
	p1 =	por !p1, p0  }
0x119: {  	s4 =	sor.u32 $0x1000, s6;
	s2 =	sshll.u32 @!p0 s3, $0x9;
	[tilespmem:$0xF208] =	vst v0;
	s0 =	simm.s32 @p1 $0x0  }
0x11a: {  	[spmem:s4] =	stream.linear.scatter [tilespmem:s5], [sflag:$0x1], $0x2, $0x38;
	[tilespmem:$0x1F6E8] =	vst v63  }
0x11b: {  	s2 =	sshra.s32 @!p0 s2, $0x2;
	s0 =	sor.u32 @!p0 s0, s6  }
0x11c: {  	s2 =	sadd.s32 @!p0 $0x108, s2;
	s0 =	sshll.u32 @!p0 s0, $0x7  }
0x11d: {  	[spmem:s0] =	stream.linear.scatter @!p0 [tilespmem:s2], [sflag:$0x1], $0x80, $0x38;
	[tilespmem:$0x1F6E8] =	vst v63  }
0x11e: {  	s2 =	simm.s32 @!p0 $0x82  }
0x11f: {  	s0 =	simm.s32 $0x1;
	s2 =	simm.s32 @p0 $0x2  }
0x120: {  	_ =	swait.ge [sflag:s0], s2  }
0x121: {  	s2 =	ssub.s32 $0x0, s2;
	[sflag:s0] =	ssyncset.done $0x0  }
0x122: {  	[sflag:s0] =	ssyncadd.s32 s2  }
0x123: {  	_ =	sfence.stream.spmem  }
0x124: {  	s28 =	simm.s32 $0x3;
	[bflag:$0x0] =	sbarrier.arrive $0xFFFF  }
0x125: {  	s29 =	simm.s32 $0x4;
	[sflag:s28] =	ssyncpa.u1 $0x1  }
0x126: {  	s30 =	simm.s32 $0x3C;
	s31 =	stileid.u32;
	[sflag:s29] =	ssyncpa.u1 $0x1  }
0x127: {  	p0 =	sne.s32 s31, $0x0;
	[sflag:s30] =	ssyncpa.u1 $0x1  }
0x128: {  	_ =	sfence @p0  }
0x129: {  	[sflag:s0] =	ssyncpa.u1 @p0 $0x1  }
0x12a: {  	_ =	strace @p0 $0x90000056  }
0x12b: {  	[bflag:$0x2] =	sbarrier.arrive @p0 $0xFFFF  }
0x12c: {  	_ =	shalt @p0  }
.LBB2_23:
0x12d: {  	_ =	sfence.stream.spmem;
	s0 =	simm.s32 $0x5  }
0x12e: {  	s2 =	simm.s32 $0x1000;
	s3 =	simm.s32 $0xF218;
	[sflag:s0] =	ssyncpa.u1 $0x0  }
0x12f: {  	[tilespmem:s3], [sflag:$0x5] =	stream.linear.gather [spmem:s2], $0x20, $0x38;
	[tilespmem:$0x1F6E8] =	vst v63  }
0x130: {  	s30 =	simm.s32 $0xF238;
	s2 =	simm.s32 $0x0  }
0x131: {  	[tilespmem:s30], [sflag:$0x5] =	stream.linear.gather [spmem:s2], $0x1000, $0x38;
	[tilespmem:$0x1F6E8] =	vst v63  }
.Ltmp17:
0x132: {  	_ = 	snop;
	(pc) =	sbr.rel .LBB2_24-.Ltmp17, $4  }
0x133: {  	_ =	swait.ge [sflag:s0], $0x1020  }
0x134: {  	[sflag:s0] =	ssyncset.done $0x0  }
0x135: {  	s31 =	simm.s32 $0x6;
	[sflag:s0] =	ssyncadd.s32 $0xFFFFEFE0  }
0x136: {  	s3 =	simm.s32 $0x0;
	[sflag:s31] =	ssyncpa.u1 $0x0  }
.LBB2_30:
0x137: {  	p0 =	slt.u32 s4, $0x3F1  }
0x138: {  	s0 =	sand.u32 @p0 $0x3F8, s4  }
0x139: {  	s4 =	sand.u32 @p0 $0x7, s4;
	s5 =	simm.s32 @p0 $0xF188;
	s0 =	sadd.s32 @p0 s1, s0  }
0x13a: {  	[tilespmem:s5], [sflag:$0x6] =	stream.linear.gather @p0 [hbm4b:s0+s4], $0x80, $0x38;
	[tilespmem:$0x1F6E8] =	vst v63  }
0x13b: {  	s0 =	simm.s32 @p0 $0x6  }
0x13c: {  	_ =	swait.ge @p0 [sflag:s0], $0x80  }
0x13d: {  	[sflag:s0] =	ssyncset.done @p0 $0x0  }
0x13e: {  	[sflag:s0] =	ssyncadd.s32 @p0 $0xFFFFFF80  }
0x13f: {  	v1 =	vld @p0 [tilespmem:$0xF188];
	_ =	sdelay $0x2  }
0x140: {  	s0 =	sshll.u32 @p0 s3, $0x9  }
0x141: {  	s4 =	sshrl.u32 @p0 s0, $0x2  }
0x142: {  	[tilespmem:s4+$0xF238] =	vst.add.f32.msk @p0 $0xffff, v1  }
0x143: {  	v1 =	vld @p0 [tilespmem:$0xF198];
	_ =	sdelay $0x4  }
0x144: {  	[tilespmem:s4+$0xF248] =	vst.add.f32.msk @p0 $0xffff, v1  }
0x145: {  	v1 =	vld @p0 [tilespmem:$0xF1A8];
	_ =	sdelay $0x4  }
0x146: {  	[tilespmem:s4+$0xF258] =	vst.add.f32.msk @p0 $0xffff, v1  }
0x147: {  	v1 =	vld @p0 [tilespmem:$0xF1B8];
	_ =	sdelay $0x4  }
0x148: {  	[tilespmem:s4+$0xF268] =	vst.add.f32.msk @p0 $0xffff, v1  }
0x149: {  	v1 =	vld @p0 [tilespmem:$0xF1C8];
	_ =	sdelay $0x4  }
0x14a: {  	[tilespmem:s4+$0xF278] =	vst.add.f32.msk @p0 $0xffff, v1  }
0x14b: {  	v1 =	vld @p0 [tilespmem:$0xF1D8];
	_ =	sdelay $0x4  }
0x14c: {  	[tilespmem:s4+$0xF288] =	vst.add.f32.msk @p0 $0xffff, v1  }
0x14d: {  	v1 =	vld @p0 [tilespmem:$0xF1E8];
	_ =	sdelay $0x4  }
0x14e: {  	[tilespmem:s4+$0xF298] =	vst.add.f32.msk @p0 $0xffff, v1  }
0x14f: {  	v1 =	vld @p0 [tilespmem:$0xF1F8];
	_ =	sdelay $0x3  }
0x150: {  	s5 =	sshll.u32 @!p0 s3, $0x9  }
0x151: {  	s5 =	smov.u32 @p0 s0;
	[tilespmem:s4+$0xF2A8] =	vst.add.f32.msk @p0 $0xffff, v1  }
0x152: {  	s0 =	sshrl.u32 s5, $0x2;
	[tilespmem:s2+$0xF218] =	vst.msk $0x1, v0  }
0x153: {  	v0 =	vld [tilespmem:s0+$0xF238];
	_ =	sdelay $0x2  }
0x154: {  	s31 =	sshll.u32 s2, $0x9  }
0x155: {  	s4 =	sshra.s32 s31, $0x2  }
0x156: {  	[tilespmem:s4+$0xF238] =	vst v0  }
0x157: {  	v0 =	vld [tilespmem:s0+$0xF248];
	_ =	sdelay $0x4  }
0x158: {  	[tilespmem:s4+$0xF248] =	vst v0  }
0x159: {  	v0 =	vld [tilespmem:s0+$0xF258];
	_ =	sdelay $0x4  }
0x15a: {  	[tilespmem:s4+$0xF258] =	vst v0  }
0x15b: {  	v0 =	vld [tilespmem:s0+$0xF268];
	_ =	sdelay $0x4  }
0x15c: {  	[tilespmem:s4+$0xF268] =	vst v0  }
0x15d: {  	v0 =	vld [tilespmem:s0+$0xF278];
	_ =	sdelay $0x4  }
0x15e: {  	[tilespmem:s4+$0xF278] =	vst v0  }
0x15f: {  	v0 =	vld [tilespmem:s0+$0xF288];
	_ =	sdelay $0x4  }
0x160: {  	[tilespmem:s4+$0xF288] =	vst v0  }
0x161: {  	v0 =	vld [tilespmem:s0+$0xF298];
	_ =	sdelay $0x4  }
0x162: {  	[tilespmem:s4+$0xF298] =	vst v0  }
0x163: {  	v0 =	vld [tilespmem:s0+$0xF2A8];
	_ =	sdelay $0x4  }
0x164: {  	s2 =	sadd.s32 $0x1, s2;
	[tilespmem:s4+$0xF2A8] =	vst v0  }
.LBB2_31:
0x165: {  	s3 =	sadd.s32 $0x1, s3  }
0x166: {  	p0 =	sne.s32 s3, $0x20  }
.Ltmp18:
0x167: {  	_ = 	snop;
	(pc) =	sbr.rel @!p0 .LBB2_32-.Ltmp18, $1  }
0x168: {  	_ =	sdelay $0x3  }
.LBB2_24:
0x169: {  	v0 =	vld.msk [tilespmem:s3+$0xF218], $0x1;
	_ =	sdelay $0x4  }
0x16a: {  	(v2sf) =	vpush v0, $0x0;
	_ =	sdelay $0xe  }
0x16b: {  	s4 =	spop (v2sf)  }
0x16c: {  	p0 =	seq.s32 s4, $0xFFFFFFFF  }
.Ltmp19:
0x16d: {  	_ = 	snop;
	(pc) =	sbr.rel @p0 .LBB2_31-.Ltmp19, $1  }
0x16e: {  	_ =	sdelay $0x3  }
0x16f: {  	p0 =	slt.s32 s2, $0x1  }
.Ltmp20:
0x170: {  	_ = 	snop;
	(pc) =	sbr.rel @p0 .LBB2_30-.Ltmp20, $1  }
0x171: {  	_ =	sdelay $0x3  }
0x172: {  	s5 =	simm.s32 $0xF218;
	p0 =	por $0x0, $0x0  }
0x173: {  	v1 =	vld.msk @!p0 [tilespmem:s5+$0x0], $0x1;
	_ =	sdelay $0x4  }
0x174: {  	(v2sf) =	vpush @!p0 v1, $0x0;
	_ =	sdelay $0xd  }
0x175: {  	p2 =	sne.s32 s2, $0x1  }
.Ltmp21:
0x176: {  	s0 =	spop @!p0 (v2sf);
	(pc) =	sbr.rel @!p2 .LBB2_28-.Ltmp21, $4  }
0x177: {  	p1 =	seq.s32 @!p0 s4, s0  }
0x178: {  	s6 =	simm.s32 $0x0;
	p1 =	por !p1, p0  }
0x179: {  	s0 =	simm.s32 $0xFFFFFFFF;
	s6 =	simm.s32 @p1 $0xFFFFFFFF  }
0x17a: {  	s7 =	simm.s32 $0x1;
	s6 =	smov.u32 @p0 s0  }
.LBB2_27:
0x17b: {  	s0 =	smov.u32 s6;
	p0 =	sne.s32 s6, $0xFFFFFFFF  }
0x17c: {  	s5 =	sadd.s32 $0x1, s5;
	s6 =	smov.u32 s7;
	s7 =	sadd.s32 $0x1, s7  }
0x17d: {  	p1 =	sne.s32 s2, s7;
	v1 =	vld.msk @!p0 [tilespmem:s5+$0x0], $0x1;
	_ =	sdelay $0x4  }
0x17e: {  	(v2sf) =	vpush @!p0 v1, $0x0;
	_ =	sdelay $0xe  }
.Ltmp22:
0x17f: {  	s8 =	spop @!p0 (v2sf);
	(pc) =	sbr.rel @p1 .LBB2_27-.Ltmp22, $4  }
0x180: {  	p2 =	seq.s32 @!p0 s4, s8  }
0x181: {  	p2 =	por !p2, p0  }
0x182: {  	s6 =	simm.s32 @p2 $0xFFFFFFFF  }
0x183: {  	s6 =	smov.u32 @p0 s0  }
.LBB2_28:
0x184: {  	p0 =	seq.s32 s6, $0xFFFFFFFF  }
.Ltmp23:
0x185: {  	_ = 	snop;
	(pc) =	sbr.rel @p0 .LBB2_30-.Ltmp23, $1  }
0x186: {  	_ =	sdelay $0x3  }
0x187: {  	s0 =	sshll.u32 s3, $0x7  }
0x188: {  	s0 =	sand.u32 $0x3FFFFF80, s0  }
0x189: {  	v0 =	vld [tilespmem:s0+$0xF238];
	_ =	sdelay $0x2  }
0x18a: {  	s4 =	sshll.u32 s6, $0x9  }
0x18b: {  	s4 =	sshra.s32 s4, $0x2  }
0x18c: {  	[tilespmem:s4+$0xF238] =	vst.add.f32.msk $0xffff, v0  }
0x18d: {  	v0 =	vld [tilespmem:s0+$0xF248];
	_ =	sdelay $0x4  }
0x18e: {  	[tilespmem:s4+$0xF248] =	vst.add.f32.msk $0xffff, v0  }
0x18f: {  	v0 =	vld [tilespmem:s0+$0xF258];
	_ =	sdelay $0x4  }
0x190: {  	[tilespmem:s4+$0xF258] =	vst.add.f32.msk $0xffff, v0  }
0x191: {  	v0 =	vld [tilespmem:s0+$0xF268];
	_ =	sdelay $0x4  }
0x192: {  	[tilespmem:s4+$0xF268] =	vst.add.f32.msk $0xffff, v0  }
0x193: {  	v0 =	vld [tilespmem:s0+$0xF278];
	_ =	sdelay $0x4  }
0x194: {  	[tilespmem:s4+$0xF278] =	vst.add.f32.msk $0xffff, v0  }
0x195: {  	v0 =	vld [tilespmem:s0+$0xF288];
	_ =	sdelay $0x4  }
0x196: {  	[tilespmem:s4+$0xF288] =	vst.add.f32.msk $0xffff, v0  }
0x197: {  	v0 =	vld [tilespmem:s0+$0xF298];
	_ =	sdelay $0x4  }
0x198: {  	[tilespmem:s4+$0xF298] =	vst.add.f32.msk $0xffff, v0  }
0x199: {  	v0 =	vld [tilespmem:s0+$0xF2A8]  }
.Ltmp24:
0x19a: {  	_ = 	snop;
	(pc) =	sbr.rel .LBB2_31-.Ltmp24, $2  }
0x19b: {  	_ =	sdelay $0x2  }
0x19c: {  	[tilespmem:s4+$0xF2A8] =	vst.add.f32.msk $0xffff, v0  }
.LBB2_32:
0x19d: {  	p0 =	slt.s32 s2, $0x1  }
.Ltmp25:
0x19e: {  	_ = 	snop;
	(pc) =	sbr.rel @p0 .LBB2_36-.Ltmp25, $3  }
0x19f: {  	_ =	sdelay $0x1  }
0x1a0: {  	s0 =	simm.s32 $0x6  }
0x1a1: {  	s3 =	simm.s32 $0x0;
	[sflag:s0] =	ssyncpa.u1 $0x1  }
0x1a2: {  	s0 =	simm.s32 $0xF218  }
0x1a3: {  	v0 =	vld.msk [tilespmem:s0+$0x0], $0x1;
	_ =	sdelay $0x4  }
0x1a4: {  	(v2sf) =	vpush v0, $0x0;
	_ =	sdelay $0xe  }
0x1a5: {  	s2 =	sadd.s32 $0xFFFFFFFF, s2;
	s0 =	spop (v2sf)  }
0x1a6: {  	p1 =	sne.s32 s2, $0x0;
	p0 =	sgt.u32 s0, $0x3F0  }
.Ltmp26:
0x1a7: {  	s5 =	sand.u32 @!p0 $0x3F8, s0;
	(pc) =	sbr.rel @!p1 .LBB2_35-.Ltmp26, $4  }
0x1a8: {  	s4 =	simm.s32 $0xF238;
	s0 =	sand.u32 @!p0 $0x7, s0;
	s5 =	sadd.s32 @!p0 s1, s5  }
0x1a9: {  	[hbm4b:s5+s0] =	stream.linear.scatter @!p0 [tilespmem:s4], [sflag:$0x5], $0x80, $0x38;
	[tilespmem:$0x1F6E8] =	vst v63  }
0x1aa: {  	s0 =	simm.s32 $0x0  }
0x1ab: {  	s5 =	simm.s32 $0xF219;
	s0 =	simm.s32 @!p0 $0x200  }
.LBB2_34:
0x1ac: {  	v0 =	vld.msk [tilespmem:s5+$0x0], $0x1;
	s2 =	sadd.s32 $0xFFFFFFFF, s2;
	s3 =	sadd.s32 s3, s0  }
0x1ad: {  	p0 =	sne.s32 s2, $0x0;
	_ =	sdelay $0x3  }
0x1ae: {  	(v2sf) =	vpush v0, $0x0;
	_ =	sdelay $0xe  }
.Ltmp27:
0x1af: {  	s6 =	spop (v2sf);
	(pc) =	sbr.rel @p0 .LBB2_34-.Ltmp27, $4  }
0x1b0: {  	s0 =	simm.s32 $0x0;
	p1 =	sgt.u32 s6, $0x3F0  }
0x1b1: {  	s4 =	sadd.s32 $0x80, s4;
	s0 =	simm.s32 @!p1 $0x200;
	s7 =	sand.u32 @!p1 $0x3F8, s6  }
0x1b2: {  	s5 =	sadd.s32 $0x1, s5;
	s6 =	sand.u32 @!p1 $0x7, s6;
	s7 =	sadd.s32 @!p1 s1, s7  }
0x1b3: {  	[hbm4b:s7+s6] =	stream.linear.scatter @!p1 [tilespmem:s4], [sflag:$0x5], $0x80, $0x38;
	[tilespmem:$0x1F6E8] =	vst v63  }
.LBB2_35:
0x1b4: {  	s0 =	sadd.s32 s3, s0  }
0x1b5: {  	s3 =	sshrl.u32 s0, $0x2  }
.LBB2_36:
0x1b6: {  	s0 =	simm.s32 $0x5  }
0x1b7: {  	_ =	swait.ge [sflag:s0], s3  }
0x1b8: {  	s1 =	ssub.s32 $0x0, s3;
	[sflag:s0] =	ssyncset.done $0x0  }
0x1b9: {  	[sflag:s0] =	ssyncadd.s32 s1  }
0x1ba: {  	[sflag:s0] =	ssyncpa.u1 $0x1  }
0x1bb: {  	s30 =	simm.s32 $0x1;
	_ =	sfence  }
0x1bc: {  	[sflag:s30] =	ssyncpa.u1 $0x1  }
0x1bd: {  	_ =	strace $0x90000056  }
0x1be: {  	[bflag:$0x2] =	sbarrier.arrive $0xFFFF  }
0x1bf: {  	s31 =	rddreg [dreg:$0x1]  }
0x1c0: {  	s0 =	sadd.s32 $0x100000, s31  }
0x1c1: {  	[sflag:s0] =	ssyncadd.tile.s32 $0x1;
	_ =	shalt  }
.Lfunc_end2:
_tile_overlayer_lowered:
.L_overlay_start_2:
0x1c2: {  	(tag) =	ssettag $0x2  }
0x1c3: {  	s0 =	rddreg [dreg:$0x0];
	s2 =	stileid.u32  }
0x1c4: {  	s1 =	rddreg [dreg:$0x1];
	p0 =	sne.s32 s2, $0x0  }
0x1c5: {  	s3 =	rddreg [dreg:$0x2];
	[bflag:$0x3] =	sbarrier.arrive $0xFFFF;
	s2 =	simm.s32 @!p0 $0x1C01  }
0x1c6: {  	[timem:s3], [sflag:s2] =	dma.local @!p0 [hbm:s0], s1  }
0x1c7: {  	s0 =	simm.s32 @!p0 $0x1  }
0x1c8: {  	_ =	swait.ge @!p0 [sflag:s0], s1  }
0x1c9: {  	s1 =	ssub.s32 @!p0 $0x0, s1;
	[sflag:s0] =	ssyncset.done @!p0 $0x0  }
0x1ca: {  	[sflag:s0] =	ssyncadd.s32 @!p0 s1  }
0x1cb: {  	[bflag:$0x3] =	sbarrier.arrive $0xFFFF  }
0x1cc: {  	_ =	shalt  }

</sc_bundles>
